<compile_context>
chip_gen: v7x
topology: tpu7x:2x2x1
jax: 0.10.2.dev20260603
libtpu: 0.0.44.dev20260713+nightly
codegen_flags: <defaults>
</compile_context>

<pallas_src>
import functools

import jax
import jax.numpy as jnp
from jax import lax
from jax.experimental import pallas as pl
from jax.experimental.pallas import tpu as pltpu
from jax.experimental.pallas import tpu_sc as plsc

N = 10000
A = 2048
E = 320000
B = 4096
EMB = 10
H = 128

CH = 128
NCHUNK = E // CH
NTILE = 16
ROWS_I = 640
ROWS_I_LAST = N - 15 * ROWS_I
ROWS_A = A // NTILE
NPAD = 8
NCHUNK_P = 2560
E_P = NCHUNK_P * CH
KTILE = NCHUNK_P // NTILE
NRING = 4
NROUND = KTILE // NRING
AP = A + NPAD
NP_ = N + NPAD

_f32 = jnp.float32


def _feat_node_body(xt_ref, xf_ref, idt_ref, tabs_ref, fw_ref, out_ref):
    ids = xt_ref[...]
    rows = ids.shape[0]
    cols = [idt_ref[...]]
    for f in range(4):
        oh = (ids[:, f : f + 1]
              == lax.broadcasted_iota(jnp.int32, (rows, 100), 1)).astype(_f32)
        cols.append(jnp.dot(oh, tabs_ref[f], preferred_element_type=_f32))
    cols.append(jnp.dot(xf_ref[...], fw_ref[...], preferred_element_type=_f32))
    cols.append(jnp.zeros((rows, 4), _f32))
    out_ref[...] = jnp.concatenate(cols, axis=1)


def _feat_adm_body(xt_ref, xf_ref, tabs_ref, fw_ref, out_ref):
    ids = xt_ref[...]
    rows = ids.shape[0]
    cols = []
    for f in range(4):
        oh = (ids[:, f : f + 1]
              == lax.broadcasted_iota(jnp.int32, (rows, 100), 1)).astype(_f32)
        cols.append(jnp.dot(oh, tabs_ref[f], preferred_element_type=_f32))
    cols.append(jnp.dot(xf_ref[...], fw_ref[...], preferred_element_type=_f32))
    cols.append(jnp.zeros((rows, 14), _f32))
    out_ref[...] = jnp.concatenate(cols, axis=1)


def _pairtab_body(tabs_ref, out_ref):
    a = jnp.broadcast_to(tabs_ref[0][:, None, :], (100, 100, EMB))
    b = jnp.broadcast_to(tabs_ref[1][None, :, :], (100, 100, EMB))
    one = jnp.ones((100, 100, 1), _f32)
    z = jnp.zeros((100, 100, 11), _f32)
    out_ref[...] = jnp.concatenate([a, b, one, z], axis=2)


EP_BLK = E_P // 32
EP_CHK = NCHUNK_P // 32


def _edgeprep_body(tok_ref, flt_ref, pair_ref, fltr_ref):
    pid = pl.program_id(0)
    t = tok_ref[...]
    eid = pid * EP_BLK + lax.broadcasted_iota(jnp.int32, (EP_BLK, 1), 0)
    valid = eid < E
    pairv = jnp.where(valid, t[:, 0:1] * 100 + t[:, 1:2], 10000)
    pair_ref[...] = pairv.reshape(EP_CHK, CH)
    f = jnp.where(valid, flt_ref[...], 0.0)
    fltr_ref[...] = jnp.transpose(f.reshape(EP_CHK, CH, 4), (0, 2, 1))


def _sc_edge_body(src_hbm, dst_hbm, pair_hbm, flt_hbm, feat_a_hbm, feat_n_hbm,
                  ptab_hbm, z64_hbm, z32_hbm,
                  segA_hbm, segP_hbm, segN_hbm, segPa_hbm,
                  srcb, dstb, pairb, pay64, pay32, fltb, accA, accP,
                  si0, si1, si2, si3, sg0, sg1, sg2, sg3, ss0, ss1, ss2, ss3):
    cid = lax.axis_index("c")
    sid = lax.axis_index("s")
    si = [si0, si1, si2, si3]
    sg = [sg0, sg1, sg2, sg3]
    ss = [ss0, ss1, ss2, ss3]

    @pl.when(jnp.logical_and(cid == 0, sid < 15))
    def _():
        @pl.loop(0, 5)
        def _(r):
            off = sid * ROWS_I + r * CH
            pltpu.sync_copy(z64_hbm, accA.at[pl.ds(off, CH)])
            pltpu.sync_copy(z32_hbm, accP.at[pl.ds(off, CH)])

    @pl.when(jnp.logical_and(cid == 0, sid == 15))
    def _():
        @pl.loop(0, 3)
        def _(r):
            off = 15 * ROWS_I + r * CH
            pltpu.sync_copy(z64_hbm, accA.at[pl.ds(off, CH)])
            pltpu.sync_copy(z32_hbm, accP.at[pl.ds(off, CH)])

        pltpu.sync_copy(z64_hbm.at[pl.ds(0, 16)], accA.at[pl.ds(9984, 16)])
        pltpu.sync_copy(z32_hbm.at[pl.ds(0, 16)], accP.at[pl.ds(9984, 16)])

    @pl.when(cid == 1)
    def _():
        off = sid * ROWS_A
        pltpu.sync_copy(z64_hbm, accA.at[pl.ds(off, CH)])
        pltpu.sync_copy(z32_hbm, accP.at[pl.ds(off, CH)])

    plsc.subcore_barrier()

    def load_descs(k, b):
        base = (sid + NTILE * k) * CH
        return [
            (src_hbm.at[pl.ds(base, CH)], srcb.at[b], si[b]),
            (dst_hbm.at[pl.ds(base, CH)], dstb.at[b], si[b]),
            (pair_hbm.at[pl.ds(base, CH)], pairb.at[b], si[b]),
            (flt_hbm.at[pl.ds(4 * base, 4 * CH)], fltb.at[b], si[b]),
        ]

    def issue_loads(k, b):
        for sr, dr, sem in load_descs(k, b):
            pltpu.async_copy(sr, dr, sem)

    def wait_loads(k, b):
        for sr, dr, sem in load_descs(k, b):
            pltpu.make_async_copy(sr, dr, sem).wait()

    def inject_flt(b):
        l = lax.iota(jnp.int32, 16)
        for v in range(32):
            fv = fltb[b, pl.ds(16 * v, 16)]
            rowv = l + 16 * (v % 8)
            colv = jnp.full((16,), 24 + v // 8, jnp.int32)
            plsc.store_scatter(pay32.at[b], [rowv, colv], fv)

    def issue_gathers(k, b):
        @pl.when(cid == 0)
        def _():
            pltpu.async_copy(feat_a_hbm.at[srcb.at[b]], pay64.at[b], sg[b])

        @pl.when(cid == 1)
        def _():
            pltpu.async_copy(feat_n_hbm.at[dstb.at[b]], pay64.at[b], sg[b])

        pltpu.async_copy(ptab_hbm.at[pairb.at[b]], pay32.at[b], sg[b])

    def wait_gathers(k, b):
        @pl.when(cid == 0)
        def _():
            pltpu.make_async_copy(feat_a_hbm.at[srcb.at[b]], pay64.at[b],
                                  sg[b]).wait()

        @pl.when(cid == 1)
        def _():
            pltpu.make_async_copy(feat_n_hbm.at[dstb.at[b]], pay64.at[b],
                                  sg[b]).wait()

        pltpu.make_async_copy(ptab_hbm.at[pairb.at[b]], pay32.at[b],
                              sg[b]).wait()

    def issue_scats(k, b):
        @pl.when(cid == 0)
        def _():
            pltpu.async_copy(pay64.at[b], accA.at[dstb.at[b]], ss[b], add=True)
            pltpu.async_copy(pay32.at[b], accP.at[dstb.at[b]], ss[b], add=True)

        @pl.when(cid == 1)
        def _():
            pltpu.async_copy(pay64.at[b], accA.at[srcb.at[b]], ss[b], add=True)
            pltpu.async_copy(pay32.at[b], accP.at[srcb.at[b]], ss[b], add=True)

    def wait_scats(k, b):
        @pl.when(cid == 0)
        def _():
            pltpu.make_async_copy(pay64.at[b], accA.at[dstb.at[b]], ss[b]).wait()
            pltpu.make_async_copy(pay32.at[b], accP.at[dstb.at[b]], ss[b]).wait()

        @pl.when(cid == 1)
        def _():
            pltpu.make_async_copy(pay64.at[b], accA.at[srcb.at[b]], ss[b]).wait()
            pltpu.make_async_copy(pay32.at[b], accP.at[srcb.at[b]], ss[b]).wait()

    issue_loads(0, 0)
    issue_loads(1, 1)
    wait_loads(0, 0)
    issue_gathers(0, 0)

    @pl.loop(0, NROUND)
    def _(j):
        for b in range(NRING):
            k = NRING * j + b
            b1 = (b + 1) % NRING
            b2 = (b + 2) % NRING

            @pl.when(k + 2 < KTILE)
            def _(k=k, b2=b2):
                @pl.when(k >= 2)
                def _():
                    wait_scats(k - 2, b2)

                issue_loads(k + 2, b2)

            @pl.when(k + 1 < KTILE)
            def _(k=k, b1=b1):
                wait_loads(k + 1, b1)
                issue_gathers(k + 1, b1)

            wait_gathers(k, b)
            inject_flt(b)
            issue_scats(k, b)

    for ktail in range(KTILE - NRING, KTILE):
        wait_scats(ktail, ktail % NRING)

    plsc.subcore_barrier()

    @pl.when(jnp.logical_and(cid == 0, sid < 15))
    def _():
        sl = pl.ds(sid * ROWS_I, ROWS_I)
        pltpu.sync_copy(accA.at[sl], segA_hbm.at[sl])
        pltpu.sync_copy(accP.at[sl], segP_hbm.at[sl])

    @pl.when(jnp.logical_and(cid == 0, sid == 15))
    def _():
        sl = pl.ds(15 * ROWS_I, ROWS_I_LAST)
        pltpu.sync_copy(accA.at[sl], segA_hbm.at[sl])
        pltpu.sync_copy(accP.at[sl], segP_hbm.at[sl])

    @pl.when(cid == 1)
    def _():
        sl = pl.ds(sid * ROWS_A, ROWS_A)
        pltpu.sync_copy(accA.at[sl], segN_hbm.at[sl])
        pltpu.sync_copy(accP.at[sl], segPa_hbm.at[sl])


def _combine_body(segA_ref, segP_ref, segN_ref, segPa_ref,
                  featn_ref, feata_ref, nW_ref, nb_ref, aW_ref, ab_ref,
                  eW_ref, eb_ref, efW_ref, wsi_ref, wni_ref, wsa_ref, wna_ref,
                  item_out_ref, adm_out_ref):
    nW = nW_ref[...]
    aW = aW_ref[...]
    eW = eW_ref[...]
    nb = nb_ref[...]
    ab = ab_ref[...]
    eb = eb_ref[...]
    We20 = eW[0:20, :]
    Wf_fold = jnp.dot(efW_ref[...], eW[20:30, :], preferred_element_type=_f32)

    item_h = jnp.dot(featn_ref[...][:, :60], nW, preferred_element_type=_f32) + nb
    adm_h = jnp.dot(feata_ref[...][:, :50], aW, preferred_element_type=_f32) + ab

    segP = segP_ref[...]
    cnt_i = segP[:, 20:21]
    seg_i = (jnp.dot(segA_ref[...][:, :50], aW, preferred_element_type=_f32)
             + jnp.dot(segP[:, :20], We20, preferred_element_type=_f32)
             + jnp.dot(segP[:, 24:28], Wf_fold, preferred_element_type=_f32)
             + cnt_i * (ab + eb))
    agg_i = seg_i / jnp.maximum(cnt_i, 1.0)
    item_out_ref[...] = jax.nn.relu(
        jnp.dot(item_h, wsi_ref[...], preferred_element_type=_f32)
        + jnp.dot(agg_i, wni_ref[...], preferred_element_type=_f32))

    segPa = segPa_ref[...]
    cnt_a = segPa[:, 20:21]
    seg_a = (jnp.dot(segN_ref[...][:, :60], nW, preferred_element_type=_f32)
             + jnp.dot(segPa[:, :20], We20, preferred_element_type=_f32)
             + jnp.dot(segPa[:, 24:28], Wf_fold, preferred_element_type=_f32)
             + cnt_a * (nb + eb))
    agg_a = seg_a / jnp.maximum(cnt_a, 1.0)
    adm_out_ref[...] = jax.nn.relu(
        jnp.dot(adm_h, wsa_ref[...], preferred_element_type=_f32)
        + jnp.dot(agg_a, wna_ref[...], preferred_element_type=_f32))


def _sc_gather_body(qa_hbm, qi_hbm, adm_hbm, item_hbm, ga_hbm, gi_hbm,
                    qb, gbuf):
    cid = lax.axis_index("c")
    sid = lax.axis_index("s")
    wid = sid * 2 + cid
    sl = pl.ds(wid * CH, CH)
    pltpu.sync_copy(qa_hbm.at[sl], qb)
    pltpu.sync_copy(adm_hbm.at[qb], gbuf)
    pltpu.sync_copy(gbuf, ga_hbm.at[sl])
    pltpu.sync_copy(qi_hbm.at[sl], qb)
    pltpu.sync_copy(item_hbm.at[qb], gbuf)
    pltpu.sync_copy(gbuf, gi_hbm.at[sl])


def _dot_body(ga_ref, gi_ref, out_ref):
    out_ref[...] = jnp.sum(ga_ref[...] * gi_ref[...], axis=1, keepdims=True)


def kernel(node_id, x_tok, x_flt, adm_x_tok, adm_x_flt, edge_src, edge_dst,
           edge_tok, edge_flt, q_adm, q_item, item_id_table, node_tok_tables,
           node_flt_W, adm_tok_tables, adm_flt_W, edge_tok_tables, edge_flt_W,
           node_align_W, node_align_b, adm_align_W, adm_align_b, edge_align_W,
           edge_align_b, W_self_item, W_nbr_item, W_self_adm, W_nbr_adm):
    feat_n = pl.pallas_call(
        _feat_node_body,
        grid=(5,),
        in_specs=[
            pl.BlockSpec((N // 5, 4), lambda i: (i, 0)),
            pl.BlockSpec((N // 5, 8), lambda i: (i, 0)),
            pl.BlockSpec((N // 5, EMB), lambda i: (i, 0)),
            pl.BlockSpec((4, 100, EMB), lambda i: (0, 0, 0)),
            pl.BlockSpec((8, EMB), lambda i: (0, 0)),
        ],
        out_specs=pl.BlockSpec((N // 5, 64), lambda i: (i, 0)),
        out_shape=jax.ShapeDtypeStruct((N, 64), _f32),
    )(x_tok, x_flt, item_id_table, node_tok_tables, node_flt_W)

    feat_a = pl.pallas_call(
        _feat_adm_body,
        in_specs=[
            pl.BlockSpec((A, 4), lambda: (0, 0)),
            pl.BlockSpec((A, 8), lambda: (0, 0)),
            pl.BlockSpec((4, 100, EMB), lambda: (0, 0, 0)),
            pl.BlockSpec((8, EMB), lambda: (0, 0)),
        ],
        out_specs=pl.BlockSpec((A, 64), lambda: (0, 0)),
        out_shape=jax.ShapeDtypeStruct((A, 64), _f32),
    )(adm_x_tok, adm_x_flt, adm_tok_tables, adm_flt_W)

    pair_tab = pl.pallas_call(
        _pairtab_body,
        in_specs=[pl.BlockSpec((2, 100, EMB), lambda: (0, 0, 0))],
        out_specs=pl.BlockSpec((100, 100, 32), lambda: (0, 0, 0)),
        out_shape=jax.ShapeDtypeStruct((100, 100, 32), _f32),
    )(edge_tok_tables).reshape(10000, 32)

    padlen = E_P - E
    padmod = jnp.arange(padlen, dtype=jnp.int32) % NPAD
    edge_src_p = jnp.concatenate([edge_src, A + padmod])
    edge_dst_p = jnp.concatenate([edge_dst, N + padmod])
    pair2d, flt2d = pl.pallas_call(
        _edgeprep_body,
        grid=(32,),
        in_specs=[
            pl.BlockSpec((EP_BLK, 2), lambda i: (i, 0)),
            pl.BlockSpec((EP_BLK, 4), lambda i: (i, 0)),
        ],
        out_specs=[
            pl.BlockSpec((EP_CHK, CH), lambda i: (i, 0)),
            pl.BlockSpec((EP_CHK, 4, CH), lambda i: (i, 0, 0)),
        ],
        out_shape=[
            jax.ShapeDtypeStruct((NCHUNK_P, CH), jnp.int32),
            jax.ShapeDtypeStruct((NCHUNK_P, 4, CH), _f32),
        ],
    )(edge_tok, edge_flt)
    pair_flat_p = pair2d.reshape(E_P)
    flt_flat_p = flt2d.reshape(E_P * 4)
    feat_a_p = jnp.pad(feat_a, ((0, NPAD), (0, 0)))
    feat_n_p = jnp.pad(feat_n, ((0, NPAD), (0, 0)))
    ptab_p = jnp.pad(pair_tab, ((0, NPAD), (0, 0)))
    z64s = jnp.zeros((CH, 64), _f32)
    z32s = jnp.zeros((CH, 32), _f32)

    sc_edge = functools.partial(
        pl.kernel,
        out_type=[
            jax.ShapeDtypeStruct((N, 64), _f32),
            jax.ShapeDtypeStruct((N, 32), _f32),
            jax.ShapeDtypeStruct((A, 64), _f32),
            jax.ShapeDtypeStruct((A, 32), _f32),
        ],
        mesh=plsc.VectorSubcoreMesh(core_axis_name="c", subcore_axis_name="s"),
        compiler_params=pltpu.CompilerParams(use_tc_tiling_on_sc=False,
                                             needs_layout_passes=False),
        scratch_types=[
            pltpu.VMEM((NRING, CH), jnp.int32),
            pltpu.VMEM((NRING, CH), jnp.int32),
            pltpu.VMEM((NRING, CH), jnp.int32),
            pltpu.VMEM((NRING, CH, 64), _f32),
            pltpu.VMEM((NRING, CH, 32), _f32),
            pltpu.VMEM((NRING, 4 * CH), _f32),
            pltpu.VMEM_SHARED((NP_, 64), _f32),
            pltpu.VMEM_SHARED((NP_, 32), _f32),
        ] + [pltpu.SemaphoreType.DMA] * 12,
    )(_sc_edge_body)
    segA, segP, segN, segPa = sc_edge(
        edge_src_p, edge_dst_p, pair_flat_p, flt_flat_p, feat_a_p, feat_n_p,
        ptab_p, z64s, z32s)

    item_out, adm_out = pl.pallas_call(
        _combine_body,
        in_specs=[
            pl.BlockSpec((N, 64), lambda: (0, 0)),
            pl.BlockSpec((N, 32), lambda: (0, 0)),
            pl.BlockSpec((A, 64), lambda: (0, 0)),
            pl.BlockSpec((A, 32), lambda: (0, 0)),
            pl.BlockSpec((N, 64), lambda: (0, 0)),
            pl.BlockSpec((A, 64), lambda: (0, 0)),
            pl.BlockSpec((60, H), lambda: (0, 0)),
            pl.BlockSpec((1, H), lambda: (0, 0)),
            pl.BlockSpec((50, H), lambda: (0, 0)),
            pl.BlockSpec((1, H), lambda: (0, 0)),
            pl.BlockSpec((30, H), lambda: (0, 0)),
            pl.BlockSpec((1, H), lambda: (0, 0)),
            pl.BlockSpec((4, EMB), lambda: (0, 0)),
            pl.BlockSpec((H, H), lambda: (0, 0)),
            pl.BlockSpec((H, H), lambda: (0, 0)),
            pl.BlockSpec((H, H), lambda: (0, 0)),
            pl.BlockSpec((H, H), lambda: (0, 0)),
        ],
        out_specs=[
            pl.BlockSpec((N, H), lambda: (0, 0)),
            pl.BlockSpec((A, H), lambda: (0, 0)),
        ],
        out_shape=[
            jax.ShapeDtypeStruct((N, H), _f32),
            jax.ShapeDtypeStruct((A, H), _f32),
        ],
    )(segA, segP, segN, segPa, feat_n, feat_a,
      node_align_W, node_align_b.reshape(1, H), adm_align_W,
      adm_align_b.reshape(1, H), edge_align_W, edge_align_b.reshape(1, H),
      edge_flt_W, W_self_item, W_nbr_item, W_self_adm, W_nbr_adm)

    sc_gather = functools.partial(
        pl.kernel,
        out_type=[
            jax.ShapeDtypeStruct((B, H), _f32),
            jax.ShapeDtypeStruct((B, H), _f32),
        ],
        mesh=plsc.VectorSubcoreMesh(core_axis_name="c", subcore_axis_name="s"),
        compiler_params=pltpu.CompilerParams(use_tc_tiling_on_sc=False),
        scratch_types=[
            pltpu.VMEM((CH,), jnp.int32),
            pltpu.VMEM((CH, H), _f32),
        ],
    )(_sc_gather_body)
    ga, gi = sc_gather(q_adm, q_item, adm_out, item_out)

    logits = pl.pallas_call(
        _dot_body,
        in_specs=[
            pl.BlockSpec((B, H), lambda: (0, 0)),
            pl.BlockSpec((B, H), lambda: (0, 0)),
        ],
        out_specs=pl.BlockSpec((B, 1), lambda: (0, 0)),
        out_shape=jax.ShapeDtypeStruct((B, 1), _f32),
    )(ga, gi)
    return logits.reshape(B)

# --- scband reference (transcript-rebuilt; emitter-appended) ---
"""Pipeline reference for scband-back-bone-v2-67843303407743 (READ-ONLY COPY).

The authoritative reference and input builder live on the scoring server;
editing this copy changes nothing except your own understanding.
"""

import jax, jax.numpy as jnp
import numpy as np

N = 10000
A = 2048
E = 320000
B = 4096
EMB = 10
H = 128

def setup_inputs(seed: int = 0):
    key = jax.random.key(seed)
    ks = jax.random.split(key, 30)
    s = 0.1
    inp = {}
    inp["node_id"] = jnp.arange(N, dtype=jnp.int32)
    inp["x_tok"] = jax.random.randint(ks[0], (N, 4), 0, 100)
    inp["x_flt"] = jax.random.normal(ks[1], (N, 8), dtype=jnp.float32)
    inp["adm_x_tok"] = jax.random.randint(ks[2], (A, 4), 0, 100)
    inp["adm_x_flt"] = jax.random.normal(ks[3], (A, 8), dtype=jnp.float32)
    inp["edge_src"] = jax.random.randint(ks[4], (E,), 0, A)
    inp["edge_dst"] = jax.random.randint(ks[5], (E,), 0, N)
    inp["edge_tok"] = jax.random.randint(ks[6], (E, 2), 0, 100)
    inp["edge_flt"] = jax.random.normal(ks[7], (E, 4), dtype=jnp.float32)
    inp["q_adm"] = jax.random.randint(ks[8], (B,), 0, A)
    inp["q_item"] = jax.random.randint(ks[9], (B,), 0, N)
    inp["item_id_table"] = jax.random.normal(ks[10], (N, EMB)) * s
    inp["node_tok_tables"] = jax.random.normal(ks[11], (4, 100, EMB)) * s
    inp["node_flt_W"] = jax.random.normal(ks[12], (8, EMB)) * s
    inp["adm_tok_tables"] = jax.random.normal(ks[13], (4, 100, EMB)) * s
    inp["adm_flt_W"] = jax.random.normal(ks[14], (8, EMB)) * s
    inp["edge_tok_tables"] = jax.random.normal(ks[15], (2, 100, EMB)) * s
    inp["edge_flt_W"] = jax.random.normal(ks[16], (4, EMB)) * s
    inp["node_align_W"] = jax.random.normal(ks[17], (6 * EMB, H)) * s
    inp["node_align_b"] = jnp.zeros((H,), dtype=jnp.float32)
    inp["adm_align_W"] = jax.random.normal(ks[18], (5 * EMB, H)) * s
    inp["adm_align_b"] = jnp.zeros((H,), dtype=jnp.float32)
    inp["edge_align_W"] = jax.random.normal(ks[19], (3 * EMB, H)) * s
    inp["edge_align_b"] = jnp.zeros((H,), dtype=jnp.float32)
    inp["W_self_item"] = jax.random.normal(ks[20], (H, H)) * s
    inp["W_nbr_item"] = jax.random.normal(ks[21], (H, H)) * s
    inp["W_self_adm"] = jax.random.normal(ks[22], (H, H)) * s
    inp["W_nbr_adm"] = jax.random.normal(ks[23], (H, H)) * s
    return inp

def reference(node_id, x_tok, x_flt, adm_x_tok, adm_x_flt, edge_src, edge_dst, edge_tok, edge_flt, q_adm, q_item, item_id_table, node_tok_tables, node_flt_W, adm_tok_tables, adm_flt_W, edge_tok_tables, edge_flt_W, node_align_W, node_align_b, adm_align_W, adm_align_b, edge_align_W, edge_align_b, W_self_item, W_nbr_item, W_self_adm, W_nbr_adm):
    # item node feature embedding: id embedding + token field embeddings + float field embedding
    emb_id = jnp.take(item_id_table, node_id, axis=0)[:, None, :]
    tok = jnp.stack([node_tok_tables[f][x_tok[:, f]] for f in range(4)], axis=1)
    flt = (x_flt @ node_flt_W)[:, None, :]
    item_h = jnp.concatenate([emb_id, tok, flt], axis=1).reshape(x_tok.shape[0], -1) @ node_align_W + node_align_b
    # admission node feature embedding (no id embedding, matching original)
    atok = jnp.stack([adm_tok_tables[f][adm_x_tok[:, f]] for f in range(4)], axis=1)
    aflt = (adm_x_flt @ adm_flt_W)[:, None, :]
    adm_h = jnp.concatenate([atok, aflt], axis=1).reshape(adm_x_tok.shape[0], -1) @ adm_align_W + adm_align_b
    # edge feature embedding + aligner
    etok = jnp.stack([edge_tok_tables[f][edge_tok[:, f]] for f in range(2)], axis=1)
    eflt = (edge_flt @ edge_flt_W)[:, None, :]
    edge_h = jnp.concatenate([etok, eflt], axis=1).reshape(edge_tok.shape[0], -1) @ edge_align_W + edge_align_b
    Nn = item_h.shape[0]
    Aa = adm_h.shape[0]
    ones = jnp.ones((edge_src.shape[0], 1), dtype=jnp.float32)
    # hetero message passing: admission -> item (edge-conditioned SAGE-mean)
    msg_i = jnp.take(adm_h, edge_src, axis=0) + edge_h
    deg_i = jnp.maximum(jax.ops.segment_sum(ones, edge_dst, num_segments=Nn), 1.0)
    agg_i = jax.ops.segment_sum(msg_i, edge_dst, num_segments=Nn) / deg_i
    item_out = jax.nn.relu(item_h @ W_self_item + agg_i @ W_nbr_item)
    # reverse direction: item -> admission
    msg_a = jnp.take(item_h, edge_dst, axis=0) + edge_h
    deg_a = jnp.maximum(jax.ops.segment_sum(ones, edge_src, num_segments=Aa), 1.0)
    agg_a = jax.ops.segment_sum(msg_a, edge_src, num_segments=Aa) / deg_a
    adm_out = jax.nn.relu(adm_h @ W_self_adm + agg_a @ W_nbr_adm)
    # LinksPredictor('mul'): elementwise product + sum -> logits
    logits = jnp.sum(jnp.take(adm_out, q_adm, axis=0) * jnp.take(item_out, q_item, axis=0), axis=-1)
    return logits

if __name__ == "__main__":
    import jax
    _d = setup_inputs()
    print(jax.jit(kernel)(*tuple(_d.values())))

</pallas_src>

<mosaic_0001>
#map = affine_map<(d0, d1) -> (0)>
#map1 = affine_map<(d0, d1) -> (0, 0)>
module attributes {stable_mosaic.version = 14 : i64} {
  func.func @_sc_edge_body(%arg0: i32, %arg1: i32, %arg2: memref<327680xi32, #tpu.memory_space<hbm>>, %arg3: memref<327680xi32, #tpu.memory_space<hbm>>, %arg4: memref<327680xi32, #tpu.memory_space<hbm>>, %arg5: memref<1310720xf32, #tpu.memory_space<hbm>>, %arg6: memref<2056x64xf32, #tpu.memory_space<hbm>>, %arg7: memref<10008x64xf32, #tpu.memory_space<hbm>>, %arg8: memref<10008x32xf32, #tpu.memory_space<hbm>>, %arg9: memref<128x64xf32, #tpu.memory_space<hbm>>, %arg10: memref<128x32xf32, #tpu.memory_space<hbm>>, %arg11: memref<10000x64xf32, #tpu.memory_space<hbm>>, %arg12: memref<10000x32xf32, #tpu.memory_space<hbm>>, %arg13: memref<2048x64xf32, #tpu.memory_space<hbm>>, %arg14: memref<2048x32xf32, #tpu.memory_space<hbm>>, %arg15: memref<4x128xi32, #tpu.memory_space<vmem>>, %arg16: memref<4x128xi32, #tpu.memory_space<vmem>>, %arg17: memref<4x128xi32, #tpu.memory_space<vmem>>, %arg18: memref<4x128x64xf32, #tpu.memory_space<vmem>>, %arg19: memref<4x128x32xf32, #tpu.memory_space<vmem>>, %arg20: memref<4x512xf32, #tpu.memory_space<vmem>>, %arg21: memref<10008x64xf32, #tpu.memory_space<vmem_shared>>, %arg22: memref<10008x32xf32, #tpu.memory_space<vmem_shared>>, %arg23: memref<!tpu.dma_semaphore, #tpu.memory_space<semaphore_mem>>, %arg24: memref<!tpu.dma_semaphore, #tpu.memory_space<semaphore_mem>>, %arg25: memref<!tpu.dma_semaphore, #tpu.memory_space<semaphore_mem>>, %arg26: memref<!tpu.dma_semaphore, #tpu.memory_space<semaphore_mem>>, %arg27: memref<!tpu.dma_semaphore, #tpu.memory_space<semaphore_mem>>, %arg28: memref<!tpu.dma_semaphore, #tpu.memory_space<semaphore_mem>>, %arg29: memref<!tpu.dma_semaphore, #tpu.memory_space<semaphore_mem>>, %arg30: memref<!tpu.dma_semaphore, #tpu.memory_space<semaphore_mem>>, %arg31: memref<!tpu.dma_semaphore, #tpu.memory_space<semaphore_mem>>, %arg32: memref<!tpu.dma_semaphore, #tpu.memory_space<semaphore_mem>>, %arg33: memref<!tpu.dma_semaphore, #tpu.memory_space<semaphore_mem>>, %arg34: memref<!tpu.dma_semaphore, #tpu.memory_space<semaphore_mem>>) attributes {dimension_semantics = [#tpu.dimension_semantics<core_parallel>, #tpu.dimension_semantics<subcore_parallel>], iteration_bounds = array<i64: 2, 16>, scalar_prefetch = 0 : i64, scratch_operands = 20 : i64, tpu.core_type = #tpu.core_type<sc_vector_subcore>, window_params = [{transform_indices = #map}, {transform_indices = #map}, {transform_indices = #map}, {transform_indices = #map}, {transform_indices = #map1}, {transform_indices = #map1}, {transform_indices = #map1}, {transform_indices = #map1}, {transform_indices = #map1}, {transform_indices = #map1}, {transform_indices = #map1}, {transform_indices = #map1}, {transform_indices = #map1}]} {
    %eq3A = arith.constant 0 : i32
    %eq3A_0 = arith.cmpi eq, %arg0, %eq3A : i32
    %lt3A = arith.constant 15 : i32
    %lt3A_1 = arith.cmpi slt, %arg1, %lt3A : i32
    %and3A = arith.andi %eq3A_0, %lt3A_1 : i1
    %convert_element_type3A = arith.extui %and3A : i1 to i32
    %cond3A = arith.constant 0 : i32
    %cond3A_2 = arith.cmpi ne, %convert_element_type3A, %cond3A : i32
    scf.if %cond3A_2 {
      %scan3A_226 = arith.constant 0 : i32
      %scan3A_227 = arith.constant 5 : i32
      %scan3A_228 = arith.addi %scan3A_226, %scan3A_227 : i32
      %scan3A_229 = arith.constant 1 : i32
      scf.for %scan3A_231 = %scan3A_226 to %scan3A_228 step %scan3A_229  : i32 {
        %mul3A_232 = arith.constant 1 : i32
        %mul3A_233 = arith.muli %scan3A_231, %mul3A_232 : i32
        %add3A_234 = arith.constant 0 : i32
        %add3A_235 = arith.addi %add3A_234, %mul3A_233 : i32
        %mul3A_236 = arith.constant 640 : i32
        %mul3A_237 = arith.muli %arg1, %mul3A_236 : i32
        %mul3A_238 = arith.constant 128 : i32
        %mul3A_239 = arith.muli %add3A_235, %mul3A_238 : i32
        %add3A_240 = arith.addi %mul3A_237, %mul3A_239 : i32
        "tpu.region"() ({
          %run_scoped3A = tpu.sem_alloc : memref<!tpu.dma_semaphore, #tpu.memory_space<semaphore_mem>>
          %dma_start3A_241 = arith.constant 0 : i32
          %dma_start3A_242 = tpu.memref_slice %arg21[%add3A_240, %dma_start3A_241] : memref<10008x64xf32, #tpu.memory_space<vmem_shared>> -> memref<128x64xf32, #tpu.memory_space<vmem_shared>>
          tpu.enqueue_dma source(%arg9 : memref<128x64xf32, #tpu.memory_space<hbm>>) target(%dma_start3A_242 : memref<128x64xf32, #tpu.memory_space<vmem_shared>>) target_semaphore(%run_scoped3A : memref<!tpu.dma_semaphore, #tpu.memory_space<semaphore_mem>>)
          %dma_wait3A_243 = arith.constant 0 : i32
          %dma_wait3A_244 = tpu.memref_slice %arg21[%add3A_240, %dma_wait3A_243] : memref<10008x64xf32, #tpu.memory_space<vmem_shared>> -> memref<128x64xf32, #tpu.memory_space<vmem_shared>>
          tpu.wait_dma2 semaphore(%run_scoped3A : memref<!tpu.dma_semaphore, #tpu.memory_space<semaphore_mem>>) src(%arg9 : memref<128x64xf32, #tpu.memory_space<hbm>>) dst(%dma_wait3A_244 : memref<128x64xf32, #tpu.memory_space<vmem_shared>>)
          tpu.yield
        }) : () -> ()
        "tpu.region"() ({
          %run_scoped3A = tpu.sem_alloc : memref<!tpu.dma_semaphore, #tpu.memory_space<semaphore_mem>>
          %dma_start3A_241 = arith.constant 0 : i32
          %dma_start3A_242 = tpu.memref_slice %arg22[%add3A_240, %dma_start3A_241] : memref<10008x32xf32, #tpu.memory_space<vmem_shared>> -> memref<128x32xf32, #tpu.memory_space<vmem_shared>>
          tpu.enqueue_dma source(%arg10 : memref<128x32xf32, #tpu.memory_space<hbm>>) target(%dma_start3A_242 : memref<128x32xf32, #tpu.memory_space<vmem_shared>>) target_semaphore(%run_scoped3A : memref<!tpu.dma_semaphore, #tpu.memory_space<semaphore_mem>>)
          %dma_wait3A_243 = arith.constant 0 : i32
          %dma_wait3A_244 = tpu.memref_slice %arg22[%add3A_240, %dma_wait3A_243] : memref<10008x32xf32, #tpu.memory_space<vmem_shared>> -> memref<128x32xf32, #tpu.memory_space<vmem_shared>>
          tpu.wait_dma2 semaphore(%run_scoped3A : memref<!tpu.dma_semaphore, #tpu.memory_space<semaphore_mem>>) src(%arg10 : memref<128x32xf32, #tpu.memory_space<hbm>>) dst(%dma_wait3A_244 : memref<128x32xf32, #tpu.memory_space<vmem_shared>>)
          tpu.yield
        }) : () -> ()
      }
      %scan3A_230 = arith.constant 5 : i32
    } else {
    }
    %eq3A_3 = arith.constant 0 : i32
    %eq3A_4 = arith.cmpi eq, %arg0, %eq3A_3 : i32
    %eq3A_5 = arith.constant 15 : i32
    %eq3A_6 = arith.cmpi eq, %arg1, %eq3A_5 : i32
    %and3A_7 = arith.andi %eq3A_4, %eq3A_6 : i1
    %convert_element_type3A_8 = arith.extui %and3A_7 : i1 to i32
    %cond3A_9 = arith.constant 0 : i32
    %cond3A_10 = arith.cmpi ne, %convert_element_type3A_8, %cond3A_9 : i32
    scf.if %cond3A_10 {
      %scan3A_226 = arith.constant 0 : i32
      %scan3A_227 = arith.constant 3 : i32
      %scan3A_228 = arith.addi %scan3A_226, %scan3A_227 : i32
      %scan3A_229 = arith.constant 1 : i32
      scf.for %scan3A_231 = %scan3A_226 to %scan3A_228 step %scan3A_229  : i32 {
        %mul3A_232 = arith.constant 1 : i32
        %mul3A_233 = arith.muli %scan3A_231, %mul3A_232 : i32
        %add3A_234 = arith.constant 0 : i32
        %add3A_235 = arith.addi %add3A_234, %mul3A_233 : i32
        %mul3A_236 = arith.constant 128 : i32
        %mul3A_237 = arith.muli %add3A_235, %mul3A_236 : i32
        %add3A_238 = arith.constant 9600 : i32
        %add3A_239 = arith.addi %add3A_238, %mul3A_237 : i32
        "tpu.region"() ({
          %run_scoped3A = tpu.sem_alloc : memref<!tpu.dma_semaphore, #tpu.memory_space<semaphore_mem>>
          %dma_start3A_240 = arith.constant 0 : i32
          %dma_start3A_241 = tpu.memref_slice %arg21[%add3A_239, %dma_start3A_240] : memref<10008x64xf32, #tpu.memory_space<vmem_shared>> -> memref<128x64xf32, #tpu.memory_space<vmem_shared>>
          tpu.enqueue_dma source(%arg9 : memref<128x64xf32, #tpu.memory_space<hbm>>) target(%dma_start3A_241 : memref<128x64xf32, #tpu.memory_space<vmem_shared>>) target_semaphore(%run_scoped3A : memref<!tpu.dma_semaphore, #tpu.memory_space<semaphore_mem>>)
          %dma_wait3A_242 = arith.constant 0 : i32
          %dma_wait3A_243 = tpu.memref_slice %arg21[%add3A_239, %dma_wait3A_242] : memref<10008x64xf32, #tpu.memory_space<vmem_shared>> -> memref<128x64xf32, #tpu.memory_space<vmem_shared>>
          tpu.wait_dma2 semaphore(%run_scoped3A : memref<!tpu.dma_semaphore, #tpu.memory_space<semaphore_mem>>) src(%arg9 : memref<128x64xf32, #tpu.memory_space<hbm>>) dst(%dma_wait3A_243 : memref<128x64xf32, #tpu.memory_space<vmem_shared>>)
          tpu.yield
        }) : () -> ()
        "tpu.region"() ({
          %run_scoped3A = tpu.sem_alloc : memref<!tpu.dma_semaphore, #tpu.memory_space<semaphore_mem>>
          %dma_start3A_240 = arith.constant 0 : i32
          %dma_start3A_241 = tpu.memref_slice %arg22[%add3A_239, %dma_start3A_240] : memref<10008x32xf32, #tpu.memory_space<vmem_shared>> -> memref<128x32xf32, #tpu.memory_space<vmem_shared>>
          tpu.enqueue_dma source(%arg10 : memref<128x32xf32, #tpu.memory_space<hbm>>) target(%dma_start3A_241 : memref<128x32xf32, #tpu.memory_space<vmem_shared>>) target_semaphore(%run_scoped3A : memref<!tpu.dma_semaphore, #tpu.memory_space<semaphore_mem>>)
          %dma_wait3A_242 = arith.constant 0 : i32
          %dma_wait3A_243 = tpu.memref_slice %arg22[%add3A_239, %dma_wait3A_242] : memref<10008x32xf32, #tpu.memory_space<vmem_shared>> -> memref<128x32xf32, #tpu.memory_space<vmem_shared>>
          tpu.wait_dma2 semaphore(%run_scoped3A : memref<!tpu.dma_semaphore, #tpu.memory_space<semaphore_mem>>) src(%arg10 : memref<128x32xf32, #tpu.memory_space<hbm>>) dst(%dma_wait3A_243 : memref<128x32xf32, #tpu.memory_space<vmem_shared>>)
          tpu.yield
        }) : () -> ()
      }
      %scan3A_230 = arith.constant 3 : i32
      "tpu.region"() ({
        %run_scoped3A = tpu.sem_alloc : memref<!tpu.dma_semaphore, #tpu.memory_space<semaphore_mem>>
        %dma_start3A_231 = arith.constant 9984 : i32
        %dma_start3A_232 = arith.constant 0 : i32
        %dma_start3A_233 = tpu.memref_slice %arg21[%dma_start3A_231, %dma_start3A_232] : memref<10008x64xf32, #tpu.memory_space<vmem_shared>> -> memref<16x64xf32, #tpu.memory_space<vmem_shared>>
        %dma_start3A_234 = arith.constant 0 : i32
        %dma_start3A_235 = arith.constant 0 : i32
        %dma_start3A_236 = tpu.memref_slice %arg9[%dma_start3A_234, %dma_start3A_235] : memref<128x64xf32, #tpu.memory_space<hbm>> -> memref<16x64xf32, #tpu.memory_space<hbm>>
        tpu.enqueue_dma source(%dma_start3A_236 : memref<16x64xf32, #tpu.memory_space<hbm>>) target(%dma_start3A_233 : memref<16x64xf32, #tpu.memory_space<vmem_shared>>) target_semaphore(%run_scoped3A : memref<!tpu.dma_semaphore, #tpu.memory_space<semaphore_mem>>)
        %dma_wait3A_237 = arith.constant 9984 : i32
        %dma_wait3A_238 = arith.constant 0 : i32
        %dma_wait3A_239 = tpu.memref_slice %arg21[%dma_wait3A_237, %dma_wait3A_238] : memref<10008x64xf32, #tpu.memory_space<vmem_shared>> -> memref<16x64xf32, #tpu.memory_space<vmem_shared>>
        %dma_wait3A_240 = arith.constant 0 : i32
        %dma_wait3A_241 = arith.constant 0 : i32
        %dma_wait3A_242 = tpu.memref_slice %arg9[%dma_wait3A_240, %dma_wait3A_241] : memref<128x64xf32, #tpu.memory_space<hbm>> -> memref<16x64xf32, #tpu.memory_space<hbm>>
        tpu.wait_dma2 semaphore(%run_scoped3A : memref<!tpu.dma_semaphore, #tpu.memory_space<semaphore_mem>>) src(%dma_wait3A_242 : memref<16x64xf32, #tpu.memory_space<hbm>>) dst(%dma_wait3A_239 : memref<16x64xf32, #tpu.memory_space<vmem_shared>>)
        tpu.yield
      }) : () -> ()
      "tpu.region"() ({
        %run_scoped3A = tpu.sem_alloc : memref<!tpu.dma_semaphore, #tpu.memory_space<semaphore_mem>>
        %dma_start3A_231 = arith.constant 9984 : i32
        %dma_start3A_232 = arith.constant 0 : i32
        %dma_start3A_233 = tpu.memref_slice %arg22[%dma_start3A_231, %dma_start3A_232] : memref<10008x32xf32, #tpu.memory_space<vmem_shared>> -> memref<16x32xf32, #tpu.memory_space<vmem_shared>>
        %dma_start3A_234 = arith.constant 0 : i32
        %dma_start3A_235 = arith.constant 0 : i32
        %dma_start3A_236 = tpu.memref_slice %arg10[%dma_start3A_234, %dma_start3A_235] : memref<128x32xf32, #tpu.memory_space<hbm>> -> memref<16x32xf32, #tpu.memory_space<hbm>>
        tpu.enqueue_dma source(%dma_start3A_236 : memref<16x32xf32, #tpu.memory_space<hbm>>) target(%dma_start3A_233 : memref<16x32xf32, #tpu.memory_space<vmem_shared>>) target_semaphore(%run_scoped3A : memref<!tpu.dma_semaphore, #tpu.memory_space<semaphore_mem>>)
        %dma_wait3A_237 = arith.constant 9984 : i32
        %dma_wait3A_238 = arith.constant 0 : i32
        %dma_wait3A_239 = tpu.memref_slice %arg22[%dma_wait3A_237, %dma_wait3A_238] : memref<10008x32xf32, #tpu.memory_space<vmem_shared>> -> memref<16x32xf32, #tpu.memory_space<vmem_shared>>
        %dma_wait3A_240 = arith.constant 0 : i32
        %dma_wait3A_241 = arith.constant 0 : i32
        %dma_wait3A_242 = tpu.memref_slice %arg10[%dma_wait3A_240, %dma_wait3A_241] : memref<128x32xf32, #tpu.memory_space<hbm>> -> memref<16x32xf32, #tpu.memory_space<hbm>>
        tpu.wait_dma2 semaphore(%run_scoped3A : memref<!tpu.dma_semaphore, #tpu.memory_space<semaphore_mem>>) src(%dma_wait3A_242 : memref<16x32xf32, #tpu.memory_space<hbm>>) dst(%dma_wait3A_239 : memref<16x32xf32, #tpu.memory_space<vmem_shared>>)
        tpu.yield
      }) : () -> ()
    } else {
    }
    %eq3A_11 = arith.constant 1 : i32
    %eq3A_12 = arith.cmpi eq, %arg0, %eq3A_11 : i32
    %convert_element_type3A_13 = arith.extui %eq3A_12 : i1 to i32
    %cond3A_14 = arith.constant 0 : i32
    %cond3A_15 = arith.cmpi ne, %convert_element_type3A_13, %cond3A_14 : i32
    scf.if %cond3A_15 {
      %mul3A_226 = arith.constant 128 : i32
      %mul3A_227 = arith.muli %arg1, %mul3A_226 : i32
      "tpu.region"() ({
        %run_scoped3A = tpu.sem_alloc : memref<!tpu.dma_semaphore, #tpu.memory_space<semaphore_mem>>
        %dma_start3A_228 = arith.constant 0 : i32
        %dma_start3A_229 = tpu.memref_slice %arg21[%mul3A_227, %dma_start3A_228] : memref<10008x64xf32, #tpu.memory_space<vmem_shared>> -> memref<128x64xf32, #tpu.memory_space<vmem_shared>>
        tpu.enqueue_dma source(%arg9 : memref<128x64xf32, #tpu.memory_space<hbm>>) target(%dma_start3A_229 : memref<128x64xf32, #tpu.memory_space<vmem_shared>>) target_semaphore(%run_scoped3A : memref<!tpu.dma_semaphore, #tpu.memory_space<semaphore_mem>>)
        %dma_wait3A_230 = arith.constant 0 : i32
        %dma_wait3A_231 = tpu.memref_slice %arg21[%mul3A_227, %dma_wait3A_230] : memref<10008x64xf32, #tpu.memory_space<vmem_shared>> -> memref<128x64xf32, #tpu.memory_space<vmem_shared>>
        tpu.wait_dma2 semaphore(%run_scoped3A : memref<!tpu.dma_semaphore, #tpu.memory_space<semaphore_mem>>) src(%arg9 : memref<128x64xf32, #tpu.memory_space<hbm>>) dst(%dma_wait3A_231 : memref<128x64xf32, #tpu.memory_space<vmem_shared>>)
        tpu.yield
      }) : () -> ()
      "tpu.region"() ({
        %run_scoped3A = tpu.sem_alloc : memref<!tpu.dma_semaphore, #tpu.memory_space<semaphore_mem>>
        %dma_start3A_228 = arith.constant 0 : i32
        %dma_start3A_229 = tpu.memref_slice %arg22[%mul3A_227, %dma_start3A_228] : memref<10008x32xf32, #tpu.memory_space<vmem_shared>> -> memref<128x32xf32, #tpu.memory_space<vmem_shared>>
        tpu.enqueue_dma source(%arg10 : memref<128x32xf32, #tpu.memory_space<hbm>>) target(%dma_start3A_229 : memref<128x32xf32, #tpu.memory_space<vmem_shared>>) target_semaphore(%run_scoped3A : memref<!tpu.dma_semaphore, #tpu.memory_space<semaphore_mem>>)
        %dma_wait3A_230 = arith.constant 0 : i32
        %dma_wait3A_231 = tpu.memref_slice %arg22[%mul3A_227, %dma_wait3A_230] : memref<10008x32xf32, #tpu.memory_space<vmem_shared>> -> memref<128x32xf32, #tpu.memory_space<vmem_shared>>
        tpu.wait_dma2 semaphore(%run_scoped3A : memref<!tpu.dma_semaphore, #tpu.memory_space<semaphore_mem>>) src(%arg10 : memref<128x32xf32, #tpu.memory_space<hbm>>) dst(%dma_wait3A_231 : memref<128x32xf32, #tpu.memory_space<vmem_shared>>)
        tpu.yield
      }) : () -> ()
    } else {
    }
    %barrier3A = arith.constant 0 : index
    tpu.barrier barrier_id(%barrier3A)
    %add3A = arith.constant 0 : i32
    %add3A_16 = arith.addi %arg1, %add3A : i32
    %mul3A = arith.constant 128 : i32
    %mul3A_17 = arith.muli %add3A_16, %mul3A : i32
    %mul3A_18 = arith.constant 4 : i32
    %mul3A_19 = arith.muli %mul3A_18, %mul3A_17 : i32
    %dma_start3A = arith.constant 0 : i32
    %dma_start3A_20 = arith.constant 0 : i32
    %dma_start3A_21 = tpu.memref_slice %arg15[%dma_start3A, %dma_start3A_20] : memref<4x128xi32, #tpu.memory_space<vmem>> -> memref<1x128xi32, #tpu.memory_space<vmem>>
    %dma_start3A_22 = tpu.memref_squeeze %dma_start3A_21 : memref<1x128xi32, #tpu.memory_space<vmem>> -> memref<128xi32, #tpu.memory_space<vmem>>
    %dma_start3A_23 = tpu.memref_slice %arg2[%mul3A_17] : memref<327680xi32, #tpu.memory_space<hbm>> -> memref<128xi32, #tpu.memory_space<hbm>>
    %dma_start3A_24 = arith.constant 0 : i32
    %dma_start3A_25 = tpu.memref_slice %arg15[%dma_start3A, %dma_start3A_24] : memref<4x128xi32, #tpu.memory_space<vmem>> -> memref<1x128xi32, #tpu.memory_space<vmem>>
    %dma_start3A_26 = tpu.memref_squeeze %dma_start3A_25 : memref<1x128xi32, #tpu.memory_space<vmem>> -> memref<128xi32, #tpu.memory_space<vmem>>
    %dma_start3A_27 = tpu.memref_slice %arg2[%mul3A_17] : memref<327680xi32, #tpu.memory_space<hbm>> -> memref<128xi32, #tpu.memory_space<hbm>>
    tpu.enqueue_dma source(%dma_start3A_27 : memref<128xi32, #tpu.memory_space<hbm>>) target(%dma_start3A_26 : memref<128xi32, #tpu.memory_space<vmem>>) target_semaphore(%arg23 : memref<!tpu.dma_semaphore, #tpu.memory_space<semaphore_mem>>)
    %dma_start3A_28 = arith.constant 0 : i32
    %dma_start3A_29 = arith.constant 0 : i32
    %dma_start3A_30 = tpu.memref_slice %arg16[%dma_start3A_28, %dma_start3A_29] : memref<4x128xi32, #tpu.memory_space<vmem>> -> memref<1x128xi32, #tpu.memory_space<vmem>>
    %dma_start3A_31 = tpu.memref_squeeze %dma_start3A_30 : memref<1x128xi32, #tpu.memory_space<vmem>> -> memref<128xi32, #tpu.memory_space<vmem>>
    %dma_start3A_32 = tpu.memref_slice %arg3[%mul3A_17] : memref<327680xi32, #tpu.memory_space<hbm>> -> memref<128xi32, #tpu.memory_space<hbm>>
    %dma_start3A_33 = arith.constant 0 : i32
    %dma_start3A_34 = tpu.memref_slice %arg16[%dma_start3A_28, %dma_start3A_33] : memref<4x128xi32, #tpu.memory_space<vmem>> -> memref<1x128xi32, #tpu.memory_space<vmem>>
    %dma_start3A_35 = tpu.memref_squeeze %dma_start3A_34 : memref<1x128xi32, #tpu.memory_space<vmem>> -> memref<128xi32, #tpu.memory_space<vmem>>
    %dma_start3A_36 = tpu.memref_slice %arg3[%mul3A_17] : memref<327680xi32, #tpu.memory_space<hbm>> -> memref<128xi32, #tpu.memory_space<hbm>>
    tpu.enqueue_dma source(%dma_start3A_36 : memref<128xi32, #tpu.memory_space<hbm>>) target(%dma_start3A_35 : memref<128xi32, #tpu.memory_space<vmem>>) target_semaphore(%arg23 : memref<!tpu.dma_semaphore, #tpu.memory_space<semaphore_mem>>)
    %dma_start3A_37 = arith.constant 0 : i32
    %dma_start3A_38 = arith.constant 0 : i32
    %dma_start3A_39 = tpu.memref_slice %arg17[%dma_start3A_37, %dma_start3A_38] : memref<4x128xi32, #tpu.memory_space<vmem>> -> memref<1x128xi32, #tpu.memory_space<vmem>>
    %dma_start3A_40 = tpu.memref_squeeze %dma_start3A_39 : memref<1x128xi32, #tpu.memory_space<vmem>> -> memref<128xi32, #tpu.memory_space<vmem>>
    %dma_start3A_41 = tpu.memref_slice %arg4[%mul3A_17] : memref<327680xi32, #tpu.memory_space<hbm>> -> memref<128xi32, #tpu.memory_space<hbm>>
    %dma_start3A_42 = arith.constant 0 : i32
    %dma_start3A_43 = tpu.memref_slice %arg17[%dma_start3A_37, %dma_start3A_42] : memref<4x128xi32, #tpu.memory_space<vmem>> -> memref<1x128xi32, #tpu.memory_space<vmem>>
    %dma_start3A_44 = tpu.memref_squeeze %dma_start3A_43 : memref<1x128xi32, #tpu.memory_space<vmem>> -> memref<128xi32, #tpu.memory_space<vmem>>
    %dma_start3A_45 = tpu.memref_slice %arg4[%mul3A_17] : memref<327680xi32, #tpu.memory_space<hbm>> -> memref<128xi32, #tpu.memory_space<hbm>>
    tpu.enqueue_dma source(%dma_start3A_45 : memref<128xi32, #tpu.memory_space<hbm>>) target(%dma_start3A_44 : memref<128xi32, #tpu.memory_space<vmem>>) target_semaphore(%arg23 : memref<!tpu.dma_semaphore, #tpu.memory_space<semaphore_mem>>)
    %dma_start3A_46 = arith.constant 0 : i32
    %dma_start3A_47 = arith.constant 0 : i32
    %dma_start3A_48 = tpu.memref_slice %arg20[%dma_start3A_46, %dma_start3A_47] : memref<4x512xf32, #tpu.memory_space<vmem>> -> memref<1x512xf32, #tpu.memory_space<vmem>>
    %dma_start3A_49 = tpu.memref_squeeze %dma_start3A_48 : memref<1x512xf32, #tpu.memory_space<vmem>> -> memref<512xf32, #tpu.memory_space<vmem>>
    %dma_start3A_50 = tpu.memref_slice %arg5[%mul3A_19] : memref<1310720xf32, #tpu.memory_space<hbm>> -> memref<512xf32, #tpu.memory_space<hbm>>
    %dma_start3A_51 = arith.constant 0 : i32
    %dma_start3A_52 = tpu.memref_slice %arg20[%dma_start3A_46, %dma_start3A_51] : memref<4x512xf32, #tpu.memory_space<vmem>> -> memref<1x512xf32, #tpu.memory_space<vmem>>
    %dma_start3A_53 = tpu.memref_squeeze %dma_start3A_52 : memref<1x512xf32, #tpu.memory_space<vmem>> -> memref<512xf32, #tpu.memory_space<vmem>>
    %dma_start3A_54 = tpu.memref_slice %arg5[%mul3A_19] : memref<1310720xf32, #tpu.memory_space<hbm>> -> memref<512xf32, #tpu.memory_space<hbm>>
    tpu.enqueue_dma source(%dma_start3A_54 : memref<512xf32, #tpu.memory_space<hbm>>) target(%dma_start3A_53 : memref<512xf32, #tpu.memory_space<vmem>>) target_semaphore(%arg23 : memref<!tpu.dma_semaphore, #tpu.memory_space<semaphore_mem>>)
    %add3A_55 = arith.constant 16 : i32
    %add3A_56 = arith.addi %arg1, %add3A_55 : i32
    %mul3A_57 = arith.constant 128 : i32
    %mul3A_58 = arith.muli %add3A_56, %mul3A_57 : i32
    %mul3A_59 = arith.constant 4 : i32
    %mul3A_60 = arith.muli %mul3A_59, %mul3A_58 : i32
    %dma_start3A_61 = arith.constant 1 : i32
    %dma_start3A_62 = arith.constant 0 : i32
    %dma_start3A_63 = tpu.memref_slice %arg15[%dma_start3A_61, %dma_start3A_62] : memref<4x128xi32, #tpu.memory_space<vmem>> -> memref<1x128xi32, #tpu.memory_space<vmem>>
    %dma_start3A_64 = tpu.memref_squeeze %dma_start3A_63 : memref<1x128xi32, #tpu.memory_space<vmem>> -> memref<128xi32, #tpu.memory_space<vmem>>
    %dma_start3A_65 = tpu.memref_slice %arg2[%mul3A_58] : memref<327680xi32, #tpu.memory_space<hbm>> -> memref<128xi32, #tpu.memory_space<hbm>>
    %dma_start3A_66 = arith.constant 0 : i32
    %dma_start3A_67 = tpu.memref_slice %arg15[%dma_start3A_61, %dma_start3A_66] : memref<4x128xi32, #tpu.memory_space<vmem>> -> memref<1x128xi32, #tpu.memory_space<vmem>>
    %dma_start3A_68 = tpu.memref_squeeze %dma_start3A_67 : memref<1x128xi32, #tpu.memory_space<vmem>> -> memref<128xi32, #tpu.memory_space<vmem>>
    %dma_start3A_69 = tpu.memref_slice %arg2[%mul3A_58] : memref<327680xi32, #tpu.memory_space<hbm>> -> memref<128xi32, #tpu.memory_space<hbm>>
    tpu.enqueue_dma source(%dma_start3A_69 : memref<128xi32, #tpu.memory_space<hbm>>) target(%dma_start3A_68 : memref<128xi32, #tpu.memory_space<vmem>>) target_semaphore(%arg24 : memref<!tpu.dma_semaphore, #tpu.memory_space<semaphore_mem>>)
    %dma_start3A_70 = arith.constant 1 : i32
    %dma_start3A_71 = arith.constant 0 : i32
    %dma_start3A_72 = tpu.memref_slice %arg16[%dma_start3A_70, %dma_start3A_71] : memref<4x128xi32, #tpu.memory_space<vmem>> -> memref<1x128xi32, #tpu.memory_space<vmem>>
    %dma_start3A_73 = tpu.memref_squeeze %dma_start3A_72 : memref<1x128xi32, #tpu.memory_space<vmem>> -> memref<128xi32, #tpu.memory_space<vmem>>
    %dma_start3A_74 = tpu.memref_slice %arg3[%mul3A_58] : memref<327680xi32, #tpu.memory_space<hbm>> -> memref<128xi32, #tpu.memory_space<hbm>>
    %dma_start3A_75 = arith.constant 0 : i32
    %dma_start3A_76 = tpu.memref_slice %arg16[%dma_start3A_70, %dma_start3A_75] : memref<4x128xi32, #tpu.memory_space<vmem>> -> memref<1x128xi32, #tpu.memory_space<vmem>>
    %dma_start3A_77 = tpu.memref_squeeze %dma_start3A_76 : memref<1x128xi32, #tpu.memory_space<vmem>> -> memref<128xi32, #tpu.memory_space<vmem>>
    %dma_start3A_78 = tpu.memref_slice %arg3[%mul3A_58] : memref<327680xi32, #tpu.memory_space<hbm>> -> memref<128xi32, #tpu.memory_space<hbm>>
    tpu.enqueue_dma source(%dma_start3A_78 : memref<128xi32, #tpu.memory_space<hbm>>) target(%dma_start3A_77 : memref<128xi32, #tpu.memory_space<vmem>>) target_semaphore(%arg24 : memref<!tpu.dma_semaphore, #tpu.memory_space<semaphore_mem>>)
    %dma_start3A_79 = arith.constant 1 : i32
    %dma_start3A_80 = arith.constant 0 : i32
    %dma_start3A_81 = tpu.memref_slice %arg17[%dma_start3A_79, %dma_start3A_80] : memref<4x128xi32, #tpu.memory_space<vmem>> -> memref<1x128xi32, #tpu.memory_space<vmem>>
    %dma_start3A_82 = tpu.memref_squeeze %dma_start3A_81 : memref<1x128xi32, #tpu.memory_space<vmem>> -> memref<128xi32, #tpu.memory_space<vmem>>
    %dma_start3A_83 = tpu.memref_slice %arg4[%mul3A_58] : memref<327680xi32, #tpu.memory_space<hbm>> -> memref<128xi32, #tpu.memory_space<hbm>>
    %dma_start3A_84 = arith.constant 0 : i32
    %dma_start3A_85 = tpu.memref_slice %arg17[%dma_start3A_79, %dma_start3A_84] : memref<4x128xi32, #tpu.memory_space<vmem>> -> memref<1x128xi32, #tpu.memory_space<vmem>>
    %dma_start3A_86 = tpu.memref_squeeze %dma_start3A_85 : memref<1x128xi32, #tpu.memory_space<vmem>> -> memref<128xi32, #tpu.memory_space<vmem>>
    %dma_start3A_87 = tpu.memref_slice %arg4[%mul3A_58] : memref<327680xi32, #tpu.memory_space<hbm>> -> memref<128xi32, #tpu.memory_space<hbm>>
    tpu.enqueue_dma source(%dma_start3A_87 : memref<128xi32, #tpu.memory_space<hbm>>) target(%dma_start3A_86 : memref<128xi32, #tpu.memory_space<vmem>>) target_semaphore(%arg24 : memref<!tpu.dma_semaphore, #tpu.memory_space<semaphore_mem>>)
    %dma_start3A_88 = arith.constant 1 : i32
    %dma_start3A_89 = arith.constant 0 : i32
    %dma_start3A_90 = tpu.memref_slice %arg20[%dma_start3A_88, %dma_start3A_89] : memref<4x512xf32, #tpu.memory_space<vmem>> -> memref<1x512xf32, #tpu.memory_space<vmem>>
    %dma_start3A_91 = tpu.memref_squeeze %dma_start3A_90 : memref<1x512xf32, #tpu.memory_space<vmem>> -> memref<512xf32, #tpu.memory_space<vmem>>
    %dma_start3A_92 = tpu.memref_slice %arg5[%mul3A_60] : memref<1310720xf32, #tpu.memory_space<hbm>> -> memref<512xf32, #tpu.memory_space<hbm>>
    %dma_start3A_93 = arith.constant 0 : i32
    %dma_start3A_94 = tpu.memref_slice %arg20[%dma_start3A_88, %dma_start3A_93] : memref<4x512xf32, #tpu.memory_space<vmem>> -> memref<1x512xf32, #tpu.memory_space<vmem>>
    %dma_start3A_95 = tpu.memref_squeeze %dma_start3A_94 : memref<1x512xf32, #tpu.memory_space<vmem>> -> memref<512xf32, #tpu.memory_space<vmem>>
    %dma_start3A_96 = tpu.memref_slice %arg5[%mul3A_60] : memref<1310720xf32, #tpu.memory_space<hbm>> -> memref<512xf32, #tpu.memory_space<hbm>>
    tpu.enqueue_dma source(%dma_start3A_96 : memref<512xf32, #tpu.memory_space<hbm>>) target(%dma_start3A_95 : memref<512xf32, #tpu.memory_space<vmem>>) target_semaphore(%arg24 : memref<!tpu.dma_semaphore, #tpu.memory_space<semaphore_mem>>)
    %add3A_97 = arith.constant 0 : i32
    %add3A_98 = arith.addi %arg1, %add3A_97 : i32
    %mul3A_99 = arith.constant 128 : i32
    %mul3A_100 = arith.muli %add3A_98, %mul3A_99 : i32
    %mul3A_101 = arith.constant 4 : i32
    %mul3A_102 = arith.muli %mul3A_101, %mul3A_100 : i32
    %dma_wait3A = arith.constant 0 : i32
    %dma_wait3A_103 = arith.constant 0 : i32
    %dma_wait3A_104 = tpu.memref_slice %arg15[%dma_wait3A, %dma_wait3A_103] : memref<4x128xi32, #tpu.memory_space<vmem>> -> memref<1x128xi32, #tpu.memory_space<vmem>>
    %dma_wait3A_105 = tpu.memref_squeeze %dma_wait3A_104 : memref<1x128xi32, #tpu.memory_space<vmem>> -> memref<128xi32, #tpu.memory_space<vmem>>
    %dma_wait3A_106 = tpu.memref_slice %arg2[%mul3A_100] : memref<327680xi32, #tpu.memory_space<hbm>> -> memref<128xi32, #tpu.memory_space<hbm>>
    %dma_wait3A_107 = arith.constant 0 : i32
    %dma_wait3A_108 = tpu.memref_slice %arg15[%dma_wait3A, %dma_wait3A_107] : memref<4x128xi32, #tpu.memory_space<vmem>> -> memref<1x128xi32, #tpu.memory_space<vmem>>
    %dma_wait3A_109 = tpu.memref_squeeze %dma_wait3A_108 : memref<1x128xi32, #tpu.memory_space<vmem>> -> memref<128xi32, #tpu.memory_space<vmem>>
    %dma_wait3A_110 = tpu.memref_slice %arg2[%mul3A_100] : memref<327680xi32, #tpu.memory_space<hbm>> -> memref<128xi32, #tpu.memory_space<hbm>>
    tpu.wait_dma2 semaphore(%arg23 : memref<!tpu.dma_semaphore, #tpu.memory_space<semaphore_mem>>) src(%dma_wait3A_110 : memref<128xi32, #tpu.memory_space<hbm>>) dst(%dma_wait3A_109 : memref<128xi32, #tpu.memory_space<vmem>>)
    %dma_wait3A_111 = arith.constant 0 : i32
    %dma_wait3A_112 = arith.constant 0 : i32
    %dma_wait3A_113 = tpu.memref_slice %arg16[%dma_wait3A_111, %dma_wait3A_112] : memref<4x128xi32, #tpu.memory_space<vmem>> -> memref<1x128xi32, #tpu.memory_space<vmem>>
    %dma_wait3A_114 = tpu.memref_squeeze %dma_wait3A_113 : memref<1x128xi32, #tpu.memory_space<vmem>> -> memref<128xi32, #tpu.memory_space<vmem>>
    %dma_wait3A_115 = tpu.memref_slice %arg3[%mul3A_100] : memref<327680xi32, #tpu.memory_space<hbm>> -> memref<128xi32, #tpu.memory_space<hbm>>
    %dma_wait3A_116 = arith.constant 0 : i32
    %dma_wait3A_117 = tpu.memref_slice %arg16[%dma_wait3A_111, %dma_wait3A_116] : memref<4x128xi32, #tpu.memory_space<vmem>> -> memref<1x128xi32, #tpu.memory_space<vmem>>
    %dma_wait3A_118 = tpu.memref_squeeze %dma_wait3A_117 : memref<1x128xi32, #tpu.memory_space<vmem>> -> memref<128xi32, #tpu.memory_space<vmem>>
    %dma_wait3A_119 = tpu.memref_slice %arg3[%mul3A_100] : memref<327680xi32, #tpu.memory_space<hbm>> -> memref<128xi32, #tpu.memory_space<hbm>>
    tpu.wait_dma2 semaphore(%arg23 : memref<!tpu.dma_semaphore, #tpu.memory_space<semaphore_mem>>) src(%dma_wait3A_119 : memref<128xi32, #tpu.memory_space<hbm>>) dst(%dma_wait3A_118 : memref<128xi32, #tpu.memory_space<vmem>>)
    %dma_wait3A_120 = arith.constant 0 : i32
    %dma_wait3A_121 = arith.constant 0 : i32
    %dma_wait3A_122 = tpu.memref_slice %arg17[%dma_wait3A_120, %dma_wait3A_121] : memref<4x128xi32, #tpu.memory_space<vmem>> -> memref<1x128xi32, #tpu.memory_space<vmem>>
    %dma_wait3A_123 = tpu.memref_squeeze %dma_wait3A_122 : memref<1x128xi32, #tpu.memory_space<vmem>> -> memref<128xi32, #tpu.memory_space<vmem>>
    %dma_wait3A_124 = tpu.memref_slice %arg4[%mul3A_100] : memref<327680xi32, #tpu.memory_space<hbm>> -> memref<128xi32, #tpu.memory_space<hbm>>
    %dma_wait3A_125 = arith.constant 0 : i32
    %dma_wait3A_126 = tpu.memref_slice %arg17[%dma_wait3A_120, %dma_wait3A_125] : memref<4x128xi32, #tpu.memory_space<vmem>> -> memref<1x128xi32, #tpu.memory_space<vmem>>
    %dma_wait3A_127 = tpu.memref_squeeze %dma_wait3A_126 : memref<1x128xi32, #tpu.memory_space<vmem>> -> memref<128xi32, #tpu.memory_space<vmem>>
    %dma_wait3A_128 = tpu.memref_slice %arg4[%mul3A_100] : memref<327680xi32, #tpu.memory_space<hbm>> -> memref<128xi32, #tpu.memory_space<hbm>>
    tpu.wait_dma2 semaphore(%arg23 : memref<!tpu.dma_semaphore, #tpu.memory_space<semaphore_mem>>) src(%dma_wait3A_128 : memref<128xi32, #tpu.memory_space<hbm>>) dst(%dma_wait3A_127 : memref<128xi32, #tpu.memory_space<vmem>>)
    %dma_wait3A_129 = arith.constant 0 : i32
    %dma_wait3A_130 = arith.constant 0 : i32
    %dma_wait3A_131 = tpu.memref_slice %arg20[%dma_wait3A_129, %dma_wait3A_130] : memref<4x512xf32, #tpu.memory_space<vmem>> -> memref<1x512xf32, #tpu.memory_space<vmem>>
    %dma_wait3A_132 = tpu.memref_squeeze %dma_wait3A_131 : memref<1x512xf32, #tpu.memory_space<vmem>> -> memref<512xf32, #tpu.memory_space<vmem>>
    %dma_wait3A_133 = tpu.memref_slice %arg5[%mul3A_102] : memref<1310720xf32, #tpu.memory_space<hbm>> -> memref<512xf32, #tpu.memory_space<hbm>>
    %dma_wait3A_134 = arith.constant 0 : i32
    %dma_wait3A_135 = tpu.memref_slice %arg20[%dma_wait3A_129, %dma_wait3A_134] : memref<4x512xf32, #tpu.memory_space<vmem>> -> memref<1x512xf32, #tpu.memory_space<vmem>>
    %dma_wait3A_136 = tpu.memref_squeeze %dma_wait3A_135 : memref<1x512xf32, #tpu.memory_space<vmem>> -> memref<512xf32, #tpu.memory_space<vmem>>
    %dma_wait3A_137 = tpu.memref_slice %arg5[%mul3A_102] : memref<1310720xf32, #tpu.memory_space<hbm>> -> memref<512xf32, #tpu.memory_space<hbm>>
    tpu.wait_dma2 semaphore(%arg23 : memref<!tpu.dma_semaphore, #tpu.memory_space<semaphore_mem>>) src(%dma_wait3A_137 : memref<512xf32, #tpu.memory_space<hbm>>) dst(%dma_wait3A_136 : memref<512xf32, #tpu.memory_space<vmem>>)
    %eq3A_138 = arith.constant 0 : i32
    %eq3A_139 = arith.cmpi eq, %arg0, %eq3A_138 : i32
    %convert_element_type3A_140 = arith.extui %eq3A_139 : i1 to i32
    %cond3A_141 = arith.constant 0 : i32
    %cond3A_142 = arith.cmpi ne, %convert_element_type3A_140, %cond3A_141 : i32
    scf.if %cond3A_142 {
      %dma_start3A_226 = arith.constant 0 : i32
      %dma_start3A_227 = arith.constant 0 : i32
      %dma_start3A_228 = arith.constant 0 : i32
      %dma_start3A_229 = arith.constant 0 : i32
      %dma_start3A_230 = tpu.memref_slice %arg18[%dma_start3A_227, %dma_start3A_228, %dma_start3A_229] : memref<4x128x64xf32, #tpu.memory_space<vmem>> -> memref<1x128x64xf32, #tpu.memory_space<vmem>>
      %dma_start3A_231 = tpu.memref_squeeze %dma_start3A_230 : memref<1x128x64xf32, #tpu.memory_space<vmem>> -> memref<128x64xf32, #tpu.memory_space<vmem>>
      %dma_start3A_232 = arith.constant 0 : i32
      %dma_start3A_233 = tpu.memref_slice %arg15[%dma_start3A_226, %dma_start3A_232] : memref<4x128xi32, #tpu.memory_space<vmem>> -> memref<1x128xi32, #tpu.memory_space<vmem>>
      %dma_start3A_234 = tpu.memref_squeeze %dma_start3A_233 : memref<1x128xi32, #tpu.memory_space<vmem>> -> memref<128xi32, #tpu.memory_space<vmem>>
      %dma_start3A_235 = arith.constant 0 : i32
      %dma_start3A_236 = arith.constant 0 : i32
      %dma_start3A_237 = tpu.memref_slice %arg6[%dma_start3A_235, %dma_start3A_236] : memref<2056x64xf32, #tpu.memory_space<hbm>> -> memref<2056x64xf32, #tpu.memory_space<hbm>>
      tpu.enqueue_indirect_dma source(%dma_start3A_237 : memref<2056x64xf32, #tpu.memory_space<hbm>>) target(%dma_start3A_231 : memref<128x64xf32, #tpu.memory_space<vmem>>) offsets(%dma_start3A_234 : memref<128xi32, #tpu.memory_space<vmem>>) semaphore(%arg27 : memref<!tpu.dma_semaphore, #tpu.memory_space<semaphore_mem>>)
    } else {
    }
    %eq3A_143 = arith.constant 1 : i32
    %eq3A_144 = arith.cmpi eq, %arg0, %eq3A_143 : i32
    %convert_element_type3A_145 = arith.extui %eq3A_144 : i1 to i32
    %cond3A_146 = arith.constant 0 : i32
    %cond3A_147 = arith.cmpi ne, %convert_element_type3A_145, %cond3A_146 : i32
    scf.if %cond3A_147 {
      %dma_start3A_226 = arith.constant 0 : i32
      %dma_start3A_227 = arith.constant 0 : i32
      %dma_start3A_228 = arith.constant 0 : i32
      %dma_start3A_229 = arith.constant 0 : i32
      %dma_start3A_230 = tpu.memref_slice %arg18[%dma_start3A_227, %dma_start3A_228, %dma_start3A_229] : memref<4x128x64xf32, #tpu.memory_space<vmem>> -> memref<1x128x64xf32, #tpu.memory_space<vmem>>
      %dma_start3A_231 = tpu.memref_squeeze %dma_start3A_230 : memref<1x128x64xf32, #tpu.memory_space<vmem>> -> memref<128x64xf32, #tpu.memory_space<vmem>>
      %dma_start3A_232 = arith.constant 0 : i32
      %dma_start3A_233 = tpu.memref_slice %arg16[%dma_start3A_226, %dma_start3A_232] : memref<4x128xi32, #tpu.memory_space<vmem>> -> memref<1x128xi32, #tpu.memory_space<vmem>>
      %dma_start3A_234 = tpu.memref_squeeze %dma_start3A_233 : memref<1x128xi32, #tpu.memory_space<vmem>> -> memref<128xi32, #tpu.memory_space<vmem>>
      %dma_start3A_235 = arith.constant 0 : i32
      %dma_start3A_236 = arith.constant 0 : i32
      %dma_start3A_237 = tpu.memref_slice %arg7[%dma_start3A_235, %dma_start3A_236] : memref<10008x64xf32, #tpu.memory_space<hbm>> -> memref<10008x64xf32, #tpu.memory_space<hbm>>
      tpu.enqueue_indirect_dma source(%dma_start3A_237 : memref<10008x64xf32, #tpu.memory_space<hbm>>) target(%dma_start3A_231 : memref<128x64xf32, #tpu.memory_space<vmem>>) offsets(%dma_start3A_234 : memref<128xi32, #tpu.memory_space<vmem>>) semaphore(%arg27 : memref<!tpu.dma_semaphore, #tpu.memory_space<semaphore_mem>>)
    } else {
    }
    %dma_start3A_148 = arith.constant 0 : i32
    %dma_start3A_149 = arith.constant 0 : i32
    %dma_start3A_150 = arith.constant 0 : i32
    %dma_start3A_151 = arith.constant 0 : i32
    %dma_start3A_152 = tpu.memref_slice %arg19[%dma_start3A_149, %dma_start3A_150, %dma_start3A_151] : memref<4x128x32xf32, #tpu.memory_space<vmem>> -> memref<1x128x32xf32, #tpu.memory_space<vmem>>
    %dma_start3A_153 = tpu.memref_squeeze %dma_start3A_152 : memref<1x128x32xf32, #tpu.memory_space<vmem>> -> memref<128x32xf32, #tpu.memory_space<vmem>>
    %dma_start3A_154 = arith.constant 0 : i32
    %dma_start3A_155 = tpu.memref_slice %arg17[%dma_start3A_148, %dma_start3A_154] : memref<4x128xi32, #tpu.memory_space<vmem>> -> memref<1x128xi32, #tpu.memory_space<vmem>>
    %dma_start3A_156 = tpu.memref_squeeze %dma_start3A_155 : memref<1x128xi32, #tpu.memory_space<vmem>> -> memref<128xi32, #tpu.memory_space<vmem>>
    %dma_start3A_157 = arith.constant 0 : i32
    %dma_start3A_158 = arith.constant 0 : i32
    %dma_start3A_159 = tpu.memref_slice %arg8[%dma_start3A_157, %dma_start3A_158] : memref<10008x32xf32, #tpu.memory_space<hbm>> -> memref<10008x32xf32, #tpu.memory_space<hbm>>
    tpu.enqueue_indirect_dma source(%dma_start3A_159 : memref<10008x32xf32, #tpu.memory_space<hbm>>) target(%dma_start3A_153 : memref<128x32xf32, #tpu.memory_space<vmem>>) offsets(%dma_start3A_156 : memref<128xi32, #tpu.memory_space<vmem>>) semaphore(%arg27 : memref<!tpu.dma_semaphore, #tpu.memory_space<semaphore_mem>>)
    %scan3A = arith.constant 0 : i32
    %scan3A_160 = arith.constant 40 : i32
    %scan3A_161 = arith.addi %scan3A, %scan3A_160 : i32
    %scan3A_162 = arith.constant 1 : i32
    scf.for %scan3A_226 = %scan3A to %scan3A_161 step %scan3A_162  : i32 {
      %mul3A_227 = arith.constant 1 : i32
      %mul3A_228 = arith.muli %scan3A_226, %mul3A_227 : i32
      %add3A_229 = arith.constant 0 : i32
      %add3A_230 = arith.addi %add3A_229, %mul3A_228 : i32
      %mul3A_231 = arith.constant 4 : i32
      %mul3A_232 = arith.muli %mul3A_231, %add3A_230 : i32
      %add3A_233 = arith.constant 0 : i32
      %add3A_234 = arith.addi %mul3A_232, %add3A_233 : i32
      %add3A_235 = arith.constant 2 : i32
      %add3A_236 = arith.addi %add3A_234, %add3A_235 : i32
      %lt3A_237 = arith.constant 160 : i32
      %lt3A_238 = arith.cmpi slt, %add3A_236, %lt3A_237 : i32
      %convert_element_type3A_239 = arith.extui %lt3A_238 : i1 to i32
      %cond3A_240 = arith.constant 0 : i32
      %cond3A_241 = arith.cmpi ne, %convert_element_type3A_239, %cond3A_240 : i32
      scf.if %cond3A_241 {
        %ge3A = arith.constant 2 : i32
        %ge3A_2223 = arith.cmpi sge, %add3A_234, %ge3A : i32
        %convert_element_type3A_2224 = arith.extui %ge3A_2223 : i1 to i32
        %cond3A_2225 = arith.constant 0 : i32
        %cond3A_2226 = arith.cmpi ne, %convert_element_type3A_2224, %cond3A_2225 : i32
        scf.if %cond3A_2226 {
          %sub3A = arith.constant 2 : i32
          %sub3A_2272 = arith.subi %add3A_234, %sub3A : i32
          %eq3A_2273 = arith.constant 0 : i32
          %eq3A_2274 = arith.cmpi eq, %arg0, %eq3A_2273 : i32
          %convert_element_type3A_2275 = arith.extui %eq3A_2274 : i1 to i32
          %cond3A_2276 = arith.constant 0 : i32
          %cond3A_2277 = arith.cmpi ne, %convert_element_type3A_2275, %cond3A_2276 : i32
          scf.if %cond3A_2277 {
            %dma_wait3A_2283 = arith.constant 2 : i32
            %dma_wait3A_2284 = arith.constant 2 : i32
            %dma_wait3A_2285 = arith.constant 0 : i32
            %dma_wait3A_2286 = arith.constant 0 : i32
            %dma_wait3A_2287 = tpu.memref_slice %arg18[%dma_wait3A_2283, %dma_wait3A_2285, %dma_wait3A_2286] : memref<4x128x64xf32, #tpu.memory_space<vmem>> -> memref<1x128x64xf32, #tpu.memory_space<vmem>>
            %dma_wait3A_2288 = tpu.memref_squeeze %dma_wait3A_2287 : memref<1x128x64xf32, #tpu.memory_space<vmem>> -> memref<128x64xf32, #tpu.memory_space<vmem>>
            %dma_wait3A_2289 = arith.constant 0 : i32
            %dma_wait3A_2290 = tpu.memref_slice %arg16[%dma_wait3A_2284, %dma_wait3A_2289] : memref<4x128xi32, #tpu.memory_space<vmem>> -> memref<1x128xi32, #tpu.memory_space<vmem>>
            %dma_wait3A_2291 = tpu.memref_squeeze %dma_wait3A_2290 : memref<1x128xi32, #tpu.memory_space<vmem>> -> memref<128xi32, #tpu.memory_space<vmem>>
            %dma_wait3A_2292 = arith.constant 0 : i32
            %dma_wait3A_2293 = arith.constant 0 : i32
            %dma_wait3A_2294 = tpu.memref_slice %arg21[%dma_wait3A_2292, %dma_wait3A_2293] : memref<10008x64xf32, #tpu.memory_space<vmem_shared>> -> memref<10008x64xf32, #tpu.memory_space<vmem_shared>>
            tpu.wait_indirect_dma semaphore(%arg33 : memref<!tpu.dma_semaphore, #tpu.memory_space<semaphore_mem>>) src(%dma_wait3A_2288 : memref<128x64xf32, #tpu.memory_space<vmem>>) dst(%dma_wait3A_2294 : memref<10008x64xf32, #tpu.memory_space<vmem_shared>>)
            %dma_wait3A_2295 = arith.constant 2 : i32
            %dma_wait3A_2296 = arith.constant 2 : i32
            %dma_wait3A_2297 = arith.constant 0 : i32
            %dma_wait3A_2298 = arith.constant 0 : i32
            %dma_wait3A_2299 = tpu.memref_slice %arg19[%dma_wait3A_2295, %dma_wait3A_2297, %dma_wait3A_2298] : memref<4x128x32xf32, #tpu.memory_space<vmem>> -> memref<1x128x32xf32, #tpu.memory_space<vmem>>
            %dma_wait3A_2300 = tpu.memref_squeeze %dma_wait3A_2299 : memref<1x128x32xf32, #tpu.memory_space<vmem>> -> memref<128x32xf32, #tpu.memory_space<vmem>>
            %dma_wait3A_2301 = arith.constant 0 : i32
            %dma_wait3A_2302 = tpu.memref_slice %arg16[%dma_wait3A_2296, %dma_wait3A_2301] : memref<4x128xi32, #tpu.memory_space<vmem>> -> memref<1x128xi32, #tpu.memory_space<vmem>>
            %dma_wait3A_2303 = tpu.memref_squeeze %dma_wait3A_2302 : memref<1x128xi32, #tpu.memory_space<vmem>> -> memref<128xi32, #tpu.memory_space<vmem>>
            %dma_wait3A_2304 = arith.constant 0 : i32
            %dma_wait3A_2305 = arith.constant 0 : i32
            %dma_wait3A_2306 = tpu.memref_slice %arg22[%dma_wait3A_2304, %dma_wait3A_2305] : memref<10008x32xf32, #tpu.memory_space<vmem_shared>> -> memref<10008x32xf32, #tpu.memory_space<vmem_shared>>
            tpu.wait_indirect_dma semaphore(%arg33 : memref<!tpu.dma_semaphore, #tpu.memory_space<semaphore_mem>>) src(%dma_wait3A_2300 : memref<128x32xf32, #tpu.memory_space<vmem>>) dst(%dma_wait3A_2306 : memref<10008x32xf32, #tpu.memory_space<vmem_shared>>)
          } else {
          }
          %eq3A_2278 = arith.constant 1 : i32
          %eq3A_2279 = arith.cmpi eq, %arg0, %eq3A_2278 : i32
          %convert_element_type3A_2280 = arith.extui %eq3A_2279 : i1 to i32
          %cond3A_2281 = arith.constant 0 : i32
          %cond3A_2282 = arith.cmpi ne, %convert_element_type3A_2280, %cond3A_2281 : i32
          scf.if %cond3A_2282 {
            %dma_wait3A_2283 = arith.constant 2 : i32
            %dma_wait3A_2284 = arith.constant 2 : i32
            %dma_wait3A_2285 = arith.constant 0 : i32
            %dma_wait3A_2286 = arith.constant 0 : i32
            %dma_wait3A_2287 = tpu.memref_slice %arg18[%dma_wait3A_2283, %dma_wait3A_2285, %dma_wait3A_2286] : memref<4x128x64xf32, #tpu.memory_space<vmem>> -> memref<1x128x64xf32, #tpu.memory_space<vmem>>
            %dma_wait3A_2288 = tpu.memref_squeeze %dma_wait3A_2287 : memref<1x128x64xf32, #tpu.memory_space<vmem>> -> memref<128x64xf32, #tpu.memory_space<vmem>>
            %dma_wait3A_2289 = arith.constant 0 : i32
            %dma_wait3A_2290 = tpu.memref_slice %arg15[%dma_wait3A_2284, %dma_wait3A_2289] : memref<4x128xi32, #tpu.memory_space<vmem>> -> memref<1x128xi32, #tpu.memory_space<vmem>>
            %dma_wait3A_2291 = tpu.memref_squeeze %dma_wait3A_2290 : memref<1x128xi32, #tpu.memory_space<vmem>> -> memref<128xi32, #tpu.memory_space<vmem>>
            %dma_wait3A_2292 = arith.constant 0 : i32
            %dma_wait3A_2293 = arith.constant 0 : i32
            %dma_wait3A_2294 = tpu.memref_slice %arg21[%dma_wait3A_2292, %dma_wait3A_2293] : memref<10008x64xf32, #tpu.memory_space<vmem_shared>> -> memref<10008x64xf32, #tpu.memory_space<vmem_shared>>
            tpu.wait_indirect_dma semaphore(%arg33 : memref<!tpu.dma_semaphore, #tpu.memory_space<semaphore_mem>>) src(%dma_wait3A_2288 : memref<128x64xf32, #tpu.memory_space<vmem>>) dst(%dma_wait3A_2294 : memref<10008x64xf32, #tpu.memory_space<vmem_shared>>)
            %dma_wait3A_2295 = arith.constant 2 : i32
            %dma_wait3A_2296 = arith.constant 2 : i32
            %dma_wait3A_2297 = arith.constant 0 : i32
            %dma_wait3A_2298 = arith.constant 0 : i32
            %dma_wait3A_2299 = tpu.memref_slice %arg19[%dma_wait3A_2295, %dma_wait3A_2297, %dma_wait3A_2298] : memref<4x128x32xf32, #tpu.memory_space<vmem>> -> memref<1x128x32xf32, #tpu.memory_space<vmem>>
            %dma_wait3A_2300 = tpu.memref_squeeze %dma_wait3A_2299 : memref<1x128x32xf32, #tpu.memory_space<vmem>> -> memref<128x32xf32, #tpu.memory_space<vmem>>
            %dma_wait3A_2301 = arith.constant 0 : i32
            %dma_wait3A_2302 = tpu.memref_slice %arg15[%dma_wait3A_2296, %dma_wait3A_2301] : memref<4x128xi32, #tpu.memory_space<vmem>> -> memref<1x128xi32, #tpu.memory_space<vmem>>
            %dma_wait3A_2303 = tpu.memref_squeeze %dma_wait3A_2302 : memref<1x128xi32, #tpu.memory_space<vmem>> -> memref<128xi32, #tpu.memory_space<vmem>>
            %dma_wait3A_2304 = arith.constant 0 : i32
            %dma_wait3A_2305 = arith.constant 0 : i32
            %dma_wait3A_2306 = tpu.memref_slice %arg22[%dma_wait3A_2304, %dma_wait3A_2305] : memref<10008x32xf32, #tpu.memory_space<vmem_shared>> -> memref<10008x32xf32, #tpu.memory_space<vmem_shared>>
            tpu.wait_indirect_dma semaphore(%arg33 : memref<!tpu.dma_semaphore, #tpu.memory_space<semaphore_mem>>) src(%dma_wait3A_2300 : memref<128x32xf32, #tpu.memory_space<vmem>>) dst(%dma_wait3A_2306 : memref<10008x32xf32, #tpu.memory_space<vmem_shared>>)
          } else {
          }
        } else {
        }
        %add3A_2227 = arith.constant 2 : i32
        %add3A_2228 = arith.addi %add3A_234, %add3A_2227 : i32
        %mul3A_2229 = arith.constant 16 : i32
        %mul3A_2230 = arith.muli %mul3A_2229, %add3A_2228 : i32
        %add3A_2231 = arith.addi %arg1, %mul3A_2230 : i32
        %mul3A_2232 = arith.constant 128 : i32
        %mul3A_2233 = arith.muli %add3A_2231, %mul3A_2232 : i32
        %mul3A_2234 = arith.constant 4 : i32
        %mul3A_2235 = arith.muli %mul3A_2234, %mul3A_2233 : i32
        %dma_start3A_2236 = arith.constant 2 : i32
        %dma_start3A_2237 = arith.constant 0 : i32
        %dma_start3A_2238 = tpu.memref_slice %arg15[%dma_start3A_2236, %dma_start3A_2237] : memref<4x128xi32, #tpu.memory_space<vmem>> -> memref<1x128xi32, #tpu.memory_space<vmem>>
        %dma_start3A_2239 = tpu.memref_squeeze %dma_start3A_2238 : memref<1x128xi32, #tpu.memory_space<vmem>> -> memref<128xi32, #tpu.memory_space<vmem>>
        %dma_start3A_2240 = tpu.memref_slice %arg2[%mul3A_2233] : memref<327680xi32, #tpu.memory_space<hbm>> -> memref<128xi32, #tpu.memory_space<hbm>>
        %dma_start3A_2241 = arith.constant 0 : i32
        %dma_start3A_2242 = tpu.memref_slice %arg15[%dma_start3A_2236, %dma_start3A_2241] : memref<4x128xi32, #tpu.memory_space<vmem>> -> memref<1x128xi32, #tpu.memory_space<vmem>>
        %dma_start3A_2243 = tpu.memref_squeeze %dma_start3A_2242 : memref<1x128xi32, #tpu.memory_space<vmem>> -> memref<128xi32, #tpu.memory_space<vmem>>
        %dma_start3A_2244 = tpu.memref_slice %arg2[%mul3A_2233] : memref<327680xi32, #tpu.memory_space<hbm>> -> memref<128xi32, #tpu.memory_space<hbm>>
        tpu.enqueue_dma source(%dma_start3A_2244 : memref<128xi32, #tpu.memory_space<hbm>>) target(%dma_start3A_2243 : memref<128xi32, #tpu.memory_space<vmem>>) target_semaphore(%arg25 : memref<!tpu.dma_semaphore, #tpu.memory_space<semaphore_mem>>)
        %dma_start3A_2245 = arith.constant 2 : i32
        %dma_start3A_2246 = arith.constant 0 : i32
        %dma_start3A_2247 = tpu.memref_slice %arg16[%dma_start3A_2245, %dma_start3A_2246] : memref<4x128xi32, #tpu.memory_space<vmem>> -> memref<1x128xi32, #tpu.memory_space<vmem>>
        %dma_start3A_2248 = tpu.memref_squeeze %dma_start3A_2247 : memref<1x128xi32, #tpu.memory_space<vmem>> -> memref<128xi32, #tpu.memory_space<vmem>>
        %dma_start3A_2249 = tpu.memref_slice %arg3[%mul3A_2233] : memref<327680xi32, #tpu.memory_space<hbm>> -> memref<128xi32, #tpu.memory_space<hbm>>
        %dma_start3A_2250 = arith.constant 0 : i32
        %dma_start3A_2251 = tpu.memref_slice %arg16[%dma_start3A_2245, %dma_start3A_2250] : memref<4x128xi32, #tpu.memory_space<vmem>> -> memref<1x128xi32, #tpu.memory_space<vmem>>
        %dma_start3A_2252 = tpu.memref_squeeze %dma_start3A_2251 : memref<1x128xi32, #tpu.memory_space<vmem>> -> memref<128xi32, #tpu.memory_space<vmem>>
        %dma_start3A_2253 = tpu.memref_slice %arg3[%mul3A_2233] : memref<327680xi32, #tpu.memory_space<hbm>> -> memref<128xi32, #tpu.memory_space<hbm>>
        tpu.enqueue_dma source(%dma_start3A_2253 : memref<128xi32, #tpu.memory_space<hbm>>) target(%dma_start3A_2252 : memref<128xi32, #tpu.memory_space<vmem>>) target_semaphore(%arg25 : memref<!tpu.dma_semaphore, #tpu.memory_space<semaphore_mem>>)
        %dma_start3A_2254 = arith.constant 2 : i32
        %dma_start3A_2255 = arith.constant 0 : i32
        %dma_start3A_2256 = tpu.memref_slice %arg17[%dma_start3A_2254, %dma_start3A_2255] : memref<4x128xi32, #tpu.memory_space<vmem>> -> memref<1x128xi32, #tpu.memory_space<vmem>>
        %dma_start3A_2257 = tpu.memref_squeeze %dma_start3A_2256 : memref<1x128xi32, #tpu.memory_space<vmem>> -> memref<128xi32, #tpu.memory_space<vmem>>
        %dma_start3A_2258 = tpu.memref_slice %arg4[%mul3A_2233] : memref<327680xi32, #tpu.memory_space<hbm>> -> memref<128xi32, #tpu.memory_space<hbm>>
        %dma_start3A_2259 = arith.constant 0 : i32
        %dma_start3A_2260 = tpu.memref_slice %arg17[%dma_start3A_2254, %dma_start3A_2259] : memref<4x128xi32, #tpu.memory_space<vmem>> -> memref<1x128xi32, #tpu.memory_space<vmem>>
        %dma_start3A_2261 = tpu.memref_squeeze %dma_start3A_2260 : memref<1x128xi32, #tpu.memory_space<vmem>> -> memref<128xi32, #tpu.memory_space<vmem>>
        %dma_start3A_2262 = tpu.memref_slice %arg4[%mul3A_2233] : memref<327680xi32, #tpu.memory_space<hbm>> -> memref<128xi32, #tpu.memory_space<hbm>>
        tpu.enqueue_dma source(%dma_start3A_2262 : memref<128xi32, #tpu.memory_space<hbm>>) target(%dma_start3A_2261 : memref<128xi32, #tpu.memory_space<vmem>>) target_semaphore(%arg25 : memref<!tpu.dma_semaphore, #tpu.memory_space<semaphore_mem>>)
        %dma_start3A_2263 = arith.constant 2 : i32
        %dma_start3A_2264 = arith.constant 0 : i32
        %dma_start3A_2265 = tpu.memref_slice %arg20[%dma_start3A_2263, %dma_start3A_2264] : memref<4x512xf32, #tpu.memory_space<vmem>> -> memref<1x512xf32, #tpu.memory_space<vmem>>
        %dma_start3A_2266 = tpu.memref_squeeze %dma_start3A_2265 : memref<1x512xf32, #tpu.memory_space<vmem>> -> memref<512xf32, #tpu.memory_space<vmem>>
        %dma_start3A_2267 = tpu.memref_slice %arg5[%mul3A_2235] : memref<1310720xf32, #tpu.memory_space<hbm>> -> memref<512xf32, #tpu.memory_space<hbm>>
        %dma_start3A_2268 = arith.constant 0 : i32
        %dma_start3A_2269 = tpu.memref_slice %arg20[%dma_start3A_2263, %dma_start3A_2268] : memref<4x512xf32, #tpu.memory_space<vmem>> -> memref<1x512xf32, #tpu.memory_space<vmem>>
        %dma_start3A_2270 = tpu.memref_squeeze %dma_start3A_2269 : memref<1x512xf32, #tpu.memory_space<vmem>> -> memref<512xf32, #tpu.memory_space<vmem>>
        %dma_start3A_2271 = tpu.memref_slice %arg5[%mul3A_2235] : memref<1310720xf32, #tpu.memory_space<hbm>> -> memref<512xf32, #tpu.memory_space<hbm>>
        tpu.enqueue_dma source(%dma_start3A_2271 : memref<512xf32, #tpu.memory_space<hbm>>) target(%dma_start3A_2270 : memref<512xf32, #tpu.memory_space<vmem>>) target_semaphore(%arg25 : memref<!tpu.dma_semaphore, #tpu.memory_space<semaphore_mem>>)
      } else {
      }
      %add3A_242 = arith.constant 1 : i32
      %add3A_243 = arith.addi %add3A_234, %add3A_242 : i32
      %lt3A_244 = arith.constant 160 : i32
      %lt3A_245 = arith.cmpi slt, %add3A_243, %lt3A_244 : i32
      %convert_element_type3A_246 = arith.extui %lt3A_245 : i1 to i32
      %cond3A_247 = arith.constant 0 : i32
      %cond3A_248 = arith.cmpi ne, %convert_element_type3A_246, %cond3A_247 : i32
      scf.if %cond3A_248 {
        %add3A_2223 = arith.constant 1 : i32
        %add3A_2224 = arith.addi %add3A_234, %add3A_2223 : i32
        %mul3A_2225 = arith.constant 16 : i32
        %mul3A_2226 = arith.muli %mul3A_2225, %add3A_2224 : i32
        %add3A_2227 = arith.addi %arg1, %mul3A_2226 : i32
        %mul3A_2228 = arith.constant 128 : i32
        %mul3A_2229 = arith.muli %add3A_2227, %mul3A_2228 : i32
        %mul3A_2230 = arith.constant 4 : i32
        %mul3A_2231 = arith.muli %mul3A_2230, %mul3A_2229 : i32
        %dma_wait3A_2232 = arith.constant 1 : i32
        %dma_wait3A_2233 = arith.constant 0 : i32
        %dma_wait3A_2234 = tpu.memref_slice %arg15[%dma_wait3A_2232, %dma_wait3A_2233] : memref<4x128xi32, #tpu.memory_space<vmem>> -> memref<1x128xi32, #tpu.memory_space<vmem>>
        %dma_wait3A_2235 = tpu.memref_squeeze %dma_wait3A_2234 : memref<1x128xi32, #tpu.memory_space<vmem>> -> memref<128xi32, #tpu.memory_space<vmem>>
        %dma_wait3A_2236 = tpu.memref_slice %arg2[%mul3A_2229] : memref<327680xi32, #tpu.memory_space<hbm>> -> memref<128xi32, #tpu.memory_space<hbm>>
        %dma_wait3A_2237 = arith.constant 0 : i32
        %dma_wait3A_2238 = tpu.memref_slice %arg15[%dma_wait3A_2232, %dma_wait3A_2237] : memref<4x128xi32, #tpu.memory_space<vmem>> -> memref<1x128xi32, #tpu.memory_space<vmem>>
        %dma_wait3A_2239 = tpu.memref_squeeze %dma_wait3A_2238 : memref<1x128xi32, #tpu.memory_space<vmem>> -> memref<128xi32, #tpu.memory_space<vmem>>
        %dma_wait3A_2240 = tpu.memref_slice %arg2[%mul3A_2229] : memref<327680xi32, #tpu.memory_space<hbm>> -> memref<128xi32, #tpu.memory_space<hbm>>
        tpu.wait_dma2 semaphore(%arg24 : memref<!tpu.dma_semaphore, #tpu.memory_space<semaphore_mem>>) src(%dma_wait3A_2240 : memref<128xi32, #tpu.memory_space<hbm>>) dst(%dma_wait3A_2239 : memref<128xi32, #tpu.memory_space<vmem>>)
        %dma_wait3A_2241 = arith.constant 1 : i32
        %dma_wait3A_2242 = arith.constant 0 : i32
        %dma_wait3A_2243 = tpu.memref_slice %arg16[%dma_wait3A_2241, %dma_wait3A_2242] : memref<4x128xi32, #tpu.memory_space<vmem>> -> memref<1x128xi32, #tpu.memory_space<vmem>>
        %dma_wait3A_2244 = tpu.memref_squeeze %dma_wait3A_2243 : memref<1x128xi32, #tpu.memory_space<vmem>> -> memref<128xi32, #tpu.memory_space<vmem>>
        %dma_wait3A_2245 = tpu.memref_slice %arg3[%mul3A_2229] : memref<327680xi32, #tpu.memory_space<hbm>> -> memref<128xi32, #tpu.memory_space<hbm>>
        %dma_wait3A_2246 = arith.constant 0 : i32
        %dma_wait3A_2247 = tpu.memref_slice %arg16[%dma_wait3A_2241, %dma_wait3A_2246] : memref<4x128xi32, #tpu.memory_space<vmem>> -> memref<1x128xi32, #tpu.memory_space<vmem>>
        %dma_wait3A_2248 = tpu.memref_squeeze %dma_wait3A_2247 : memref<1x128xi32, #tpu.memory_space<vmem>> -> memref<128xi32, #tpu.memory_space<vmem>>
        %dma_wait3A_2249 = tpu.memref_slice %arg3[%mul3A_2229] : memref<327680xi32, #tpu.memory_space<hbm>> -> memref<128xi32, #tpu.memory_space<hbm>>
        tpu.wait_dma2 semaphore(%arg24 : memref<!tpu.dma_semaphore, #tpu.memory_space<semaphore_mem>>) src(%dma_wait3A_2249 : memref<128xi32, #tpu.memory_space<hbm>>) dst(%dma_wait3A_2248 : memref<128xi32, #tpu.memory_space<vmem>>)
        %dma_wait3A_2250 = arith.constant 1 : i32
        %dma_wait3A_2251 = arith.constant 0 : i32
        %dma_wait3A_2252 = tpu.memref_slice %arg17[%dma_wait3A_2250, %dma_wait3A_2251] : memref<4x128xi32, #tpu.memory_space<vmem>> -> memref<1x128xi32, #tpu.memory_space<vmem>>
        %dma_wait3A_2253 = tpu.memref_squeeze %dma_wait3A_2252 : memref<1x128xi32, #tpu.memory_space<vmem>> -> memref<128xi32, #tpu.memory_space<vmem>>
        %dma_wait3A_2254 = tpu.memref_slice %arg4[%mul3A_2229] : memref<327680xi32, #tpu.memory_space<hbm>> -> memref<128xi32, #tpu.memory_space<hbm>>
        %dma_wait3A_2255 = arith.constant 0 : i32
        %dma_wait3A_2256 = tpu.memref_slice %arg17[%dma_wait3A_2250, %dma_wait3A_2255] : memref<4x128xi32, #tpu.memory_space<vmem>> -> memref<1x128xi32, #tpu.memory_space<vmem>>
        %dma_wait3A_2257 = tpu.memref_squeeze %dma_wait3A_2256 : memref<1x128xi32, #tpu.memory_space<vmem>> -> memref<128xi32, #tpu.memory_space<vmem>>
        %dma_wait3A_2258 = tpu.memref_slice %arg4[%mul3A_2229] : memref<327680xi32, #tpu.memory_space<hbm>> -> memref<128xi32, #tpu.memory_space<hbm>>
        tpu.wait_dma2 semaphore(%arg24 : memref<!tpu.dma_semaphore, #tpu.memory_space<semaphore_mem>>) src(%dma_wait3A_2258 : memref<128xi32, #tpu.memory_space<hbm>>) dst(%dma_wait3A_2257 : memref<128xi32, #tpu.memory_space<vmem>>)
        %dma_wait3A_2259 = arith.constant 1 : i32
        %dma_wait3A_2260 = arith.constant 0 : i32
        %dma_wait3A_2261 = tpu.memref_slice %arg20[%dma_wait3A_2259, %dma_wait3A_2260] : memref<4x512xf32, #tpu.memory_space<vmem>> -> memref<1x512xf32, #tpu.memory_space<vmem>>
        %dma_wait3A_2262 = tpu.memref_squeeze %dma_wait3A_2261 : memref<1x512xf32, #tpu.memory_space<vmem>> -> memref<512xf32, #tpu.memory_space<vmem>>
        %dma_wait3A_2263 = tpu.memref_slice %arg5[%mul3A_2231] : memref<1310720xf32, #tpu.memory_space<hbm>> -> memref<512xf32, #tpu.memory_space<hbm>>
        %dma_wait3A_2264 = arith.constant 0 : i32
        %dma_wait3A_2265 = tpu.memref_slice %arg20[%dma_wait3A_2259, %dma_wait3A_2264] : memref<4x512xf32, #tpu.memory_space<vmem>> -> memref<1x512xf32, #tpu.memory_space<vmem>>
        %dma_wait3A_2266 = tpu.memref_squeeze %dma_wait3A_2265 : memref<1x512xf32, #tpu.memory_space<vmem>> -> memref<512xf32, #tpu.memory_space<vmem>>
        %dma_wait3A_2267 = tpu.memref_slice %arg5[%mul3A_2231] : memref<1310720xf32, #tpu.memory_space<hbm>> -> memref<512xf32, #tpu.memory_space<hbm>>
        tpu.wait_dma2 semaphore(%arg24 : memref<!tpu.dma_semaphore, #tpu.memory_space<semaphore_mem>>) src(%dma_wait3A_2267 : memref<512xf32, #tpu.memory_space<hbm>>) dst(%dma_wait3A_2266 : memref<512xf32, #tpu.memory_space<vmem>>)
        %add3A_2268 = arith.constant 1 : i32
        %add3A_2269 = arith.addi %add3A_234, %add3A_2268 : i32
        %eq3A_2270 = arith.constant 0 : i32
        %eq3A_2271 = arith.cmpi eq, %arg0, %eq3A_2270 : i32
        %convert_element_type3A_2272 = arith.extui %eq3A_2271 : i1 to i32
        %cond3A_2273 = arith.constant 0 : i32
        %cond3A_2274 = arith.cmpi ne, %convert_element_type3A_2272, %cond3A_2273 : i32
        scf.if %cond3A_2274 {
          %dma_start3A_2292 = arith.constant 1 : i32
          %dma_start3A_2293 = arith.constant 1 : i32
          %dma_start3A_2294 = arith.constant 0 : i32
          %dma_start3A_2295 = arith.constant 0 : i32
          %dma_start3A_2296 = tpu.memref_slice %arg18[%dma_start3A_2293, %dma_start3A_2294, %dma_start3A_2295] : memref<4x128x64xf32, #tpu.memory_space<vmem>> -> memref<1x128x64xf32, #tpu.memory_space<vmem>>
          %dma_start3A_2297 = tpu.memref_squeeze %dma_start3A_2296 : memref<1x128x64xf32, #tpu.memory_space<vmem>> -> memref<128x64xf32, #tpu.memory_space<vmem>>
          %dma_start3A_2298 = arith.constant 0 : i32
          %dma_start3A_2299 = tpu.memref_slice %arg15[%dma_start3A_2292, %dma_start3A_2298] : memref<4x128xi32, #tpu.memory_space<vmem>> -> memref<1x128xi32, #tpu.memory_space<vmem>>
          %dma_start3A_2300 = tpu.memref_squeeze %dma_start3A_2299 : memref<1x128xi32, #tpu.memory_space<vmem>> -> memref<128xi32, #tpu.memory_space<vmem>>
          %dma_start3A_2301 = arith.constant 0 : i32
          %dma_start3A_2302 = arith.constant 0 : i32
          %dma_start3A_2303 = tpu.memref_slice %arg6[%dma_start3A_2301, %dma_start3A_2302] : memref<2056x64xf32, #tpu.memory_space<hbm>> -> memref<2056x64xf32, #tpu.memory_space<hbm>>
          tpu.enqueue_indirect_dma source(%dma_start3A_2303 : memref<2056x64xf32, #tpu.memory_space<hbm>>) target(%dma_start3A_2297 : memref<128x64xf32, #tpu.memory_space<vmem>>) offsets(%dma_start3A_2300 : memref<128xi32, #tpu.memory_space<vmem>>) semaphore(%arg28 : memref<!tpu.dma_semaphore, #tpu.memory_space<semaphore_mem>>)
        } else {
        }
        %eq3A_2275 = arith.constant 1 : i32
        %eq3A_2276 = arith.cmpi eq, %arg0, %eq3A_2275 : i32
        %convert_element_type3A_2277 = arith.extui %eq3A_2276 : i1 to i32
        %cond3A_2278 = arith.constant 0 : i32
        %cond3A_2279 = arith.cmpi ne, %convert_element_type3A_2277, %cond3A_2278 : i32
        scf.if %cond3A_2279 {
          %dma_start3A_2292 = arith.constant 1 : i32
          %dma_start3A_2293 = arith.constant 1 : i32
          %dma_start3A_2294 = arith.constant 0 : i32
          %dma_start3A_2295 = arith.constant 0 : i32
          %dma_start3A_2296 = tpu.memref_slice %arg18[%dma_start3A_2293, %dma_start3A_2294, %dma_start3A_2295] : memref<4x128x64xf32, #tpu.memory_space<vmem>> -> memref<1x128x64xf32, #tpu.memory_space<vmem>>
          %dma_start3A_2297 = tpu.memref_squeeze %dma_start3A_2296 : memref<1x128x64xf32, #tpu.memory_space<vmem>> -> memref<128x64xf32, #tpu.memory_space<vmem>>
          %dma_start3A_2298 = arith.constant 0 : i32
          %dma_start3A_2299 = tpu.memref_slice %arg16[%dma_start3A_2292, %dma_start3A_2298] : memref<4x128xi32, #tpu.memory_space<vmem>> -> memref<1x128xi32, #tpu.memory_space<vmem>>
          %dma_start3A_2300 = tpu.memref_squeeze %dma_start3A_2299 : memref<1x128xi32, #tpu.memory_space<vmem>> -> memref<128xi32, #tpu.memory_space<vmem>>
          %dma_start3A_2301 = arith.constant 0 : i32
          %dma_start3A_2302 = arith.constant 0 : i32
          %dma_start3A_2303 = tpu.memref_slice %arg7[%dma_start3A_2301, %dma_start3A_2302] : memref<10008x64xf32, #tpu.memory_space<hbm>> -> memref<10008x64xf32, #tpu.memory_space<hbm>>
          tpu.enqueue_indirect_dma source(%dma_start3A_2303 : memref<10008x64xf32, #tpu.memory_space<hbm>>) target(%dma_start3A_2297 : memref<128x64xf32, #tpu.memory_space<vmem>>) offsets(%dma_start3A_2300 : memref<128xi32, #tpu.memory_space<vmem>>) semaphore(%arg28 : memref<!tpu.dma_semaphore, #tpu.memory_space<semaphore_mem>>)
        } else {
        }
        %dma_start3A_2280 = arith.constant 1 : i32
        %dma_start3A_2281 = arith.constant 1 : i32
        %dma_start3A_2282 = arith.constant 0 : i32
        %dma_start3A_2283 = arith.constant 0 : i32
        %dma_start3A_2284 = tpu.memref_slice %arg19[%dma_start3A_2281, %dma_start3A_2282, %dma_start3A_2283] : memref<4x128x32xf32, #tpu.memory_space<vmem>> -> memref<1x128x32xf32, #tpu.memory_space<vmem>>
        %dma_start3A_2285 = tpu.memref_squeeze %dma_start3A_2284 : memref<1x128x32xf32, #tpu.memory_space<vmem>> -> memref<128x32xf32, #tpu.memory_space<vmem>>
        %dma_start3A_2286 = arith.constant 0 : i32
        %dma_start3A_2287 = tpu.memref_slice %arg17[%dma_start3A_2280, %dma_start3A_2286] : memref<4x128xi32, #tpu.memory_space<vmem>> -> memref<1x128xi32, #tpu.memory_space<vmem>>
        %dma_start3A_2288 = tpu.memref_squeeze %dma_start3A_2287 : memref<1x128xi32, #tpu.memory_space<vmem>> -> memref<128xi32, #tpu.memory_space<vmem>>
        %dma_start3A_2289 = arith.constant 0 : i32
        %dma_start3A_2290 = arith.constant 0 : i32
        %dma_start3A_2291 = tpu.memref_slice %arg8[%dma_start3A_2289, %dma_start3A_2290] : memref<10008x32xf32, #tpu.memory_space<hbm>> -> memref<10008x32xf32, #tpu.memory_space<hbm>>
        tpu.enqueue_indirect_dma source(%dma_start3A_2291 : memref<10008x32xf32, #tpu.memory_space<hbm>>) target(%dma_start3A_2285 : memref<128x32xf32, #tpu.memory_space<vmem>>) offsets(%dma_start3A_2288 : memref<128xi32, #tpu.memory_space<vmem>>) semaphore(%arg28 : memref<!tpu.dma_semaphore, #tpu.memory_space<semaphore_mem>>)
      } else {
      }
      %eq3A_249 = arith.constant 0 : i32
      %eq3A_250 = arith.cmpi eq, %arg0, %eq3A_249 : i32
      %convert_element_type3A_251 = arith.extui %eq3A_250 : i1 to i32
      %cond3A_252 = arith.constant 0 : i32
      %cond3A_253 = arith.cmpi ne, %convert_element_type3A_251, %cond3A_252 : i32
      scf.if %cond3A_253 {
        %dma_wait3A_2223 = arith.constant 0 : i32
        %dma_wait3A_2224 = arith.constant 0 : i32
        %dma_wait3A_2225 = arith.constant 0 : i32
        %dma_wait3A_2226 = arith.constant 0 : i32
        %dma_wait3A_2227 = tpu.memref_slice %arg18[%dma_wait3A_2224, %dma_wait3A_2225, %dma_wait3A_2226] : memref<4x128x64xf32, #tpu.memory_space<vmem>> -> memref<1x128x64xf32, #tpu.memory_space<vmem>>
        %dma_wait3A_2228 = tpu.memref_squeeze %dma_wait3A_2227 : memref<1x128x64xf32, #tpu.memory_space<vmem>> -> memref<128x64xf32, #tpu.memory_space<vmem>>
        %dma_wait3A_2229 = arith.constant 0 : i32
        %dma_wait3A_2230 = tpu.memref_slice %arg15[%dma_wait3A_2223, %dma_wait3A_2229] : memref<4x128xi32, #tpu.memory_space<vmem>> -> memref<1x128xi32, #tpu.memory_space<vmem>>
        %dma_wait3A_2231 = tpu.memref_squeeze %dma_wait3A_2230 : memref<1x128xi32, #tpu.memory_space<vmem>> -> memref<128xi32, #tpu.memory_space<vmem>>
        %dma_wait3A_2232 = arith.constant 0 : i32
        %dma_wait3A_2233 = arith.constant 0 : i32
        %dma_wait3A_2234 = tpu.memref_slice %arg6[%dma_wait3A_2232, %dma_wait3A_2233] : memref<2056x64xf32, #tpu.memory_space<hbm>> -> memref<2056x64xf32, #tpu.memory_space<hbm>>
        tpu.wait_indirect_dma semaphore(%arg27 : memref<!tpu.dma_semaphore, #tpu.memory_space<semaphore_mem>>) src(%dma_wait3A_2234 : memref<2056x64xf32, #tpu.memory_space<hbm>>) dst(%dma_wait3A_2228 : memref<128x64xf32, #tpu.memory_space<vmem>>)
      } else {
      }
      %eq3A_254 = arith.constant 1 : i32
      %eq3A_255 = arith.cmpi eq, %arg0, %eq3A_254 : i32
      %convert_element_type3A_256 = arith.extui %eq3A_255 : i1 to i32
      %cond3A_257 = arith.constant 0 : i32
      %cond3A_258 = arith.cmpi ne, %convert_element_type3A_256, %cond3A_257 : i32
      scf.if %cond3A_258 {
        %dma_wait3A_2223 = arith.constant 0 : i32
        %dma_wait3A_2224 = arith.constant 0 : i32
        %dma_wait3A_2225 = arith.constant 0 : i32
        %dma_wait3A_2226 = arith.constant 0 : i32
        %dma_wait3A_2227 = tpu.memref_slice %arg18[%dma_wait3A_2224, %dma_wait3A_2225, %dma_wait3A_2226] : memref<4x128x64xf32, #tpu.memory_space<vmem>> -> memref<1x128x64xf32, #tpu.memory_space<vmem>>
        %dma_wait3A_2228 = tpu.memref_squeeze %dma_wait3A_2227 : memref<1x128x64xf32, #tpu.memory_space<vmem>> -> memref<128x64xf32, #tpu.memory_space<vmem>>
        %dma_wait3A_2229 = arith.constant 0 : i32
        %dma_wait3A_2230 = tpu.memref_slice %arg16[%dma_wait3A_2223, %dma_wait3A_2229] : memref<4x128xi32, #tpu.memory_space<vmem>> -> memref<1x128xi32, #tpu.memory_space<vmem>>
        %dma_wait3A_2231 = tpu.memref_squeeze %dma_wait3A_2230 : memref<1x128xi32, #tpu.memory_space<vmem>> -> memref<128xi32, #tpu.memory_space<vmem>>
        %dma_wait3A_2232 = arith.constant 0 : i32
        %dma_wait3A_2233 = arith.constant 0 : i32
        %dma_wait3A_2234 = tpu.memref_slice %arg7[%dma_wait3A_2232, %dma_wait3A_2233] : memref<10008x64xf32, #tpu.memory_space<hbm>> -> memref<10008x64xf32, #tpu.memory_space<hbm>>
        tpu.wait_indirect_dma semaphore(%arg27 : memref<!tpu.dma_semaphore, #tpu.memory_space<semaphore_mem>>) src(%dma_wait3A_2234 : memref<10008x64xf32, #tpu.memory_space<hbm>>) dst(%dma_wait3A_2228 : memref<128x64xf32, #tpu.memory_space<vmem>>)
      } else {
      }
      %dma_wait3A_259 = arith.constant 0 : i32
      %dma_wait3A_260 = arith.constant 0 : i32
      %dma_wait3A_261 = arith.constant 0 : i32
      %dma_wait3A_262 = arith.constant 0 : i32
      %dma_wait3A_263 = tpu.memref_slice %arg19[%dma_wait3A_260, %dma_wait3A_261, %dma_wait3A_262] : memref<4x128x32xf32, #tpu.memory_space<vmem>> -> memref<1x128x32xf32, #tpu.memory_space<vmem>>
      %dma_wait3A_264 = tpu.memref_squeeze %dma_wait3A_263 : memref<1x128x32xf32, #tpu.memory_space<vmem>> -> memref<128x32xf32, #tpu.memory_space<vmem>>
      %dma_wait3A_265 = arith.constant 0 : i32
      %dma_wait3A_266 = tpu.memref_slice %arg17[%dma_wait3A_259, %dma_wait3A_265] : memref<4x128xi32, #tpu.memory_space<vmem>> -> memref<1x128xi32, #tpu.memory_space<vmem>>
      %dma_wait3A_267 = tpu.memref_squeeze %dma_wait3A_266 : memref<1x128xi32, #tpu.memory_space<vmem>> -> memref<128xi32, #tpu.memory_space<vmem>>
      %dma_wait3A_268 = arith.constant 0 : i32
      %dma_wait3A_269 = arith.constant 0 : i32
      %dma_wait3A_270 = tpu.memref_slice %arg8[%dma_wait3A_268, %dma_wait3A_269] : memref<10008x32xf32, #tpu.memory_space<hbm>> -> memref<10008x32xf32, #tpu.memory_space<hbm>>
      tpu.wait_indirect_dma semaphore(%arg27 : memref<!tpu.dma_semaphore, #tpu.memory_space<semaphore_mem>>) src(%dma_wait3A_270 : memref<10008x32xf32, #tpu.memory_space<hbm>>) dst(%dma_wait3A_264 : memref<128x32xf32, #tpu.memory_space<vmem>>)
      %iota3A = tpu.iota {dimensions = array<i32: 0>} : vector<16xi32>
      %get3A = arith.constant 0 : i32
      %get3A_271 = arith.index_cast %get3A : i32 to index
      %get3A_272 = arith.constant 0 : index
      %get3A_273 = tpu.vector_load %arg20[%get3A_271, %get3A_272] {strides = array<i32>} : memref<4x512xf32, #tpu.memory_space<vmem>>, vector<16xf32>,
      %add3A_274 = arith.constant 0 : i32
      %add3A_275 = vector.broadcast %add3A_274 : i32 to vector<16xi32>
      %add3A_276 = arith.addi %iota3A, %add3A_275 : vector<16xi32>
      %broadcast_in_dim3A = arith.constant 24 : i32
      %broadcast_in_dim3A_277 = vector.broadcast %broadcast_in_dim3A : i32 to vector<16xi32>
      %scatter3A = arith.constant 0 : i32
      %scatter3A_278 = arith.constant 0 : i32
      %scatter3A_279 = arith.constant 0 : i32
      %scatter3A_280 = tpu.memref_slice %arg19[%scatter3A, %scatter3A_278, %scatter3A_279] : memref<4x128x32xf32, #tpu.memory_space<vmem>> -> memref<1x128x32xf32, #tpu.memory_space<vmem>>
      %scatter3A_281 = tpu.memref_squeeze %scatter3A_280 : memref<1x128x32xf32, #tpu.memory_space<vmem>> -> memref<128x32xf32, #tpu.memory_space<vmem>>
      tpu.vector_store_idx %scatter3A_281[%add3A_276, %broadcast_in_dim3A_277], %get3A_273 : memref<128x32xf32, #tpu.memory_space<vmem>>[vector<16xi32>, vector<16xi32>], vector<16xf32>,
      %get3A_282 = arith.constant 0 : i32
      %get3A_283 = arith.index_cast %get3A_282 : i32 to index
      %get3A_284 = arith.constant 16 : index
      %get3A_285 = tpu.vector_load %arg20[%get3A_283, %get3A_284] {strides = array<i32>} : memref<4x512xf32, #tpu.memory_space<vmem>>, vector<16xf32>,
      %add3A_286 = arith.constant 16 : i32
      %add3A_287 = vector.broadcast %add3A_286 : i32 to vector<16xi32>
      %add3A_288 = arith.addi %iota3A, %add3A_287 : vector<16xi32>
      %broadcast_in_dim3A_289 = arith.constant 24 : i32
      %broadcast_in_dim3A_290 = vector.broadcast %broadcast_in_dim3A_289 : i32 to vector<16xi32>
      %scatter3A_291 = arith.constant 0 : i32
      %scatter3A_292 = arith.constant 0 : i32
      %scatter3A_293 = arith.constant 0 : i32
      %scatter3A_294 = tpu.memref_slice %arg19[%scatter3A_291, %scatter3A_292, %scatter3A_293] : memref<4x128x32xf32, #tpu.memory_space<vmem>> -> memref<1x128x32xf32, #tpu.memory_space<vmem>>
      %scatter3A_295 = tpu.memref_squeeze %scatter3A_294 : memref<1x128x32xf32, #tpu.memory_space<vmem>> -> memref<128x32xf32, #tpu.memory_space<vmem>>
      tpu.vector_store_idx %scatter3A_295[%add3A_288, %broadcast_in_dim3A_290], %get3A_285 : memref<128x32xf32, #tpu.memory_space<vmem>>[vector<16xi32>, vector<16xi32>], vector<16xf32>,
      %get3A_296 = arith.constant 0 : i32
      %get3A_297 = arith.index_cast %get3A_296 : i32 to index
      %get3A_298 = arith.constant 32 : index
      %get3A_299 = tpu.vector_load %arg20[%get3A_297, %get3A_298] {strides = array<i32>} : memref<4x512xf32, #tpu.memory_space<vmem>>, vector<16xf32>,
      %add3A_300 = arith.constant 32 : i32
      %add3A_301 = vector.broadcast %add3A_300 : i32 to vector<16xi32>
      %add3A_302 = arith.addi %iota3A, %add3A_301 : vector<16xi32>
      %broadcast_in_dim3A_303 = arith.constant 24 : i32
      %broadcast_in_dim3A_304 = vector.broadcast %broadcast_in_dim3A_303 : i32 to vector<16xi32>
      %scatter3A_305 = arith.constant 0 : i32
      %scatter3A_306 = arith.constant 0 : i32
      %scatter3A_307 = arith.constant 0 : i32
      %scatter3A_308 = tpu.memref_slice %arg19[%scatter3A_305, %scatter3A_306, %scatter3A_307] : memref<4x128x32xf32, #tpu.memory_space<vmem>> -> memref<1x128x32xf32, #tpu.memory_space<vmem>>
      %scatter3A_309 = tpu.memref_squeeze %scatter3A_308 : memref<1x128x32xf32, #tpu.memory_space<vmem>> -> memref<128x32xf32, #tpu.memory_space<vmem>>
      tpu.vector_store_idx %scatter3A_309[%add3A_302, %broadcast_in_dim3A_304], %get3A_299 : memref<128x32xf32, #tpu.memory_space<vmem>>[vector<16xi32>, vector<16xi32>], vector<16xf32>,
      %get3A_310 = arith.constant 0 : i32
      %get3A_311 = arith.index_cast %get3A_310 : i32 to index
      %get3A_312 = arith.constant 48 : index
      %get3A_313 = tpu.vector_load %arg20[%get3A_311, %get3A_312] {strides = array<i32>} : memref<4x512xf32, #tpu.memory_space<vmem>>, vector<16xf32>,
      %add3A_314 = arith.constant 48 : i32
      %add3A_315 = vector.broadcast %add3A_314 : i32 to vector<16xi32>
      %add3A_316 = arith.addi %iota3A, %add3A_315 : vector<16xi32>
      %broadcast_in_dim3A_317 = arith.constant 24 : i32
      %broadcast_in_dim3A_318 = vector.broadcast %broadcast_in_dim3A_317 : i32 to vector<16xi32>
      %scatter3A_319 = arith.constant 0 : i32
      %scatter3A_320 = arith.constant 0 : i32
      %scatter3A_321 = arith.constant 0 : i32
      %scatter3A_322 = tpu.memref_slice %arg19[%scatter3A_319, %scatter3A_320, %scatter3A_321] : memref<4x128x32xf32, #tpu.memory_space<vmem>> -> memref<1x128x32xf32, #tpu.memory_space<vmem>>
      %scatter3A_323 = tpu.memref_squeeze %scatter3A_322 : memref<1x128x32xf32, #tpu.memory_space<vmem>> -> memref<128x32xf32, #tpu.memory_space<vmem>>
      tpu.vector_store_idx %scatter3A_323[%add3A_316, %broadcast_in_dim3A_318], %get3A_313 : memref<128x32xf32, #tpu.memory_space<vmem>>[vector<16xi32>, vector<16xi32>], vector<16xf32>,
      %get3A_324 = arith.constant 0 : i32
      %get3A_325 = arith.index_cast %get3A_324 : i32 to index
      %get3A_326 = arith.constant 64 : index
      %get3A_327 = tpu.vector_load %arg20[%get3A_325, %get3A_326] {strides = array<i32>} : memref<4x512xf32, #tpu.memory_space<vmem>>, vector<16xf32>,
      %add3A_328 = arith.constant 64 : i32
      %add3A_329 = vector.broadcast %add3A_328 : i32 to vector<16xi32>
      %add3A_330 = arith.addi %iota3A, %add3A_329 : vector<16xi32>
      %broadcast_in_dim3A_331 = arith.constant 24 : i32
      %broadcast_in_dim3A_332 = vector.broadcast %broadcast_in_dim3A_331 : i32 to vector<16xi32>
      %scatter3A_333 = arith.constant 0 : i32
      %scatter3A_334 = arith.constant 0 : i32
      %scatter3A_335 = arith.constant 0 : i32
      %scatter3A_336 = tpu.memref_slice %arg19[%scatter3A_333, %scatter3A_334, %scatter3A_335] : memref<4x128x32xf32, #tpu.memory_space<vmem>> -> memref<1x128x32xf32, #tpu.memory_space<vmem>>
      %scatter3A_337 = tpu.memref_squeeze %scatter3A_336 : memref<1x128x32xf32, #tpu.memory_space<vmem>> -> memref<128x32xf32, #tpu.memory_space<vmem>>
      tpu.vector_store_idx %scatter3A_337[%add3A_330, %broadcast_in_dim3A_332], %get3A_327 : memref<128x32xf32, #tpu.memory_space<vmem>>[vector<16xi32>, vector<16xi32>], vector<16xf32>,
      %get3A_338 = arith.constant 0 : i32
      %get3A_339 = arith.index_cast %get3A_338 : i32 to index
      %get3A_340 = arith.constant 80 : index
      %get3A_341 = tpu.vector_load %arg20[%get3A_339, %get3A_340] {strides = array<i32>} : memref<4x512xf32, #tpu.memory_space<vmem>>, vector<16xf32>,
      %add3A_342 = arith.constant 80 : i32
      %add3A_343 = vector.broadcast %add3A_342 : i32 to vector<16xi32>
      %add3A_344 = arith.addi %iota3A, %add3A_343 : vector<16xi32>
      %broadcast_in_dim3A_345 = arith.constant 24 : i32
      %broadcast_in_dim3A_346 = vector.broadcast %broadcast_in_dim3A_345 : i32 to vector<16xi32>
      %scatter3A_347 = arith.constant 0 : i32
      %scatter3A_348 = arith.constant 0 : i32
      %scatter3A_349 = arith.constant 0 : i32
      %scatter3A_350 = tpu.memref_slice %arg19[%scatter3A_347, %scatter3A_348, %scatter3A_349] : memref<4x128x32xf32, #tpu.memory_space<vmem>> -> memref<1x128x32xf32, #tpu.memory_space<vmem>>
      %scatter3A_351 = tpu.memref_squeeze %scatter3A_350 : memref<1x128x32xf32, #tpu.memory_space<vmem>> -> memref<128x32xf32, #tpu.memory_space<vmem>>
      tpu.vector_store_idx %scatter3A_351[%add3A_344, %broadcast_in_dim3A_346], %get3A_341 : memref<128x32xf32, #tpu.memory_space<vmem>>[vector<16xi32>, vector<16xi32>], vector<16xf32>,
      %get3A_352 = arith.constant 0 : i32
      %get3A_353 = arith.index_cast %get3A_352 : i32 to index
      %get3A_354 = arith.constant 96 : index
      %get3A_355 = tpu.vector_load %arg20[%get3A_353, %get3A_354] {strides = array<i32>} : memref<4x512xf32, #tpu.memory_space<vmem>>, vector<16xf32>,
      %add3A_356 = arith.constant 96 : i32
      %add3A_357 = vector.broadcast %add3A_356 : i32 to vector<16xi32>
      %add3A_358 = arith.addi %iota3A, %add3A_357 : vector<16xi32>
      %broadcast_in_dim3A_359 = arith.constant 24 : i32
      %broadcast_in_dim3A_360 = vector.broadcast %broadcast_in_dim3A_359 : i32 to vector<16xi32>
      %scatter3A_361 = arith.constant 0 : i32
      %scatter3A_362 = arith.constant 0 : i32
      %scatter3A_363 = arith.constant 0 : i32
      %scatter3A_364 = tpu.memref_slice %arg19[%scatter3A_361, %scatter3A_362, %scatter3A_363] : memref<4x128x32xf32, #tpu.memory_space<vmem>> -> memref<1x128x32xf32, #tpu.memory_space<vmem>>
      %scatter3A_365 = tpu.memref_squeeze %scatter3A_364 : memref<1x128x32xf32, #tpu.memory_space<vmem>> -> memref<128x32xf32, #tpu.memory_space<vmem>>
      tpu.vector_store_idx %scatter3A_365[%add3A_358, %broadcast_in_dim3A_360], %get3A_355 : memref<128x32xf32, #tpu.memory_space<vmem>>[vector<16xi32>, vector<16xi32>], vector<16xf32>,
      %get3A_366 = arith.constant 0 : i32
      %get3A_367 = arith.index_cast %get3A_366 : i32 to index
      %get3A_368 = arith.constant 112 : index
      %get3A_369 = tpu.vector_load %arg20[%get3A_367, %get3A_368] {strides = array<i32>} : memref<4x512xf32, #tpu.memory_space<vmem>>, vector<16xf32>,
      %add3A_370 = arith.constant 112 : i32
      %add3A_371 = vector.broadcast %add3A_370 : i32 to vector<16xi32>
      %add3A_372 = arith.addi %iota3A, %add3A_371 : vector<16xi32>
      %broadcast_in_dim3A_373 = arith.constant 24 : i32
      %broadcast_in_dim3A_374 = vector.broadcast %broadcast_in_dim3A_373 : i32 to vector<16xi32>
      %scatter3A_375 = arith.constant 0 : i32
      %scatter3A_376 = arith.constant 0 : i32
      %scatter3A_377 = arith.constant 0 : i32
      %scatter3A_378 = tpu.memref_slice %arg19[%scatter3A_375, %scatter3A_376, %scatter3A_377] : memref<4x128x32xf32, #tpu.memory_space<vmem>> -> memref<1x128x32xf32, #tpu.memory_space<vmem>>
      %scatter3A_379 = tpu.memref_squeeze %scatter3A_378 : memref<1x128x32xf32, #tpu.memory_space<vmem>> -> memref<128x32xf32, #tpu.memory_space<vmem>>
      tpu.vector_store_idx %scatter3A_379[%add3A_372, %broadcast_in_dim3A_374], %get3A_369 : memref<128x32xf32, #tpu.memory_space<vmem>>[vector<16xi32>, vector<16xi32>], vector<16xf32>,
      %get3A_380 = arith.constant 0 : i32
      %get3A_381 = arith.index_cast %get3A_380 : i32 to index
      %get3A_382 = arith.constant 128 : index
      %get3A_383 = tpu.vector_load %arg20[%get3A_381, %get3A_382] {strides = array<i32>} : memref<4x512xf32, #tpu.memory_space<vmem>>, vector<16xf32>,
      %add3A_384 = arith.constant 0 : i32
      %add3A_385 = vector.broadcast %add3A_384 : i32 to vector<16xi32>
      %add3A_386 = arith.addi %iota3A, %add3A_385 : vector<16xi32>
      %broadcast_in_dim3A_387 = arith.constant 25 : i32
      %broadcast_in_dim3A_388 = vector.broadcast %broadcast_in_dim3A_387 : i32 to vector<16xi32>
      %scatter3A_389 = arith.constant 0 : i32
      %scatter3A_390 = arith.constant 0 : i32
      %scatter3A_391 = arith.constant 0 : i32
      %scatter3A_392 = tpu.memref_slice %arg19[%scatter3A_389, %scatter3A_390, %scatter3A_391] : memref<4x128x32xf32, #tpu.memory_space<vmem>> -> memref<1x128x32xf32, #tpu.memory_space<vmem>>
      %scatter3A_393 = tpu.memref_squeeze %scatter3A_392 : memref<1x128x32xf32, #tpu.memory_space<vmem>> -> memref<128x32xf32, #tpu.memory_space<vmem>>
      tpu.vector_store_idx %scatter3A_393[%add3A_386, %broadcast_in_dim3A_388], %get3A_383 : memref<128x32xf32, #tpu.memory_space<vmem>>[vector<16xi32>, vector<16xi32>], vector<16xf32>,
      %get3A_394 = arith.constant 0 : i32
      %get3A_395 = arith.index_cast %get3A_394 : i32 to index
      %get3A_396 = arith.constant 144 : index
      %get3A_397 = tpu.vector_load %arg20[%get3A_395, %get3A_396] {strides = array<i32>} : memref<4x512xf32, #tpu.memory_space<vmem>>, vector<16xf32>,
      %add3A_398 = arith.constant 16 : i32
      %add3A_399 = vector.broadcast %add3A_398 : i32 to vector<16xi32>
      %add3A_400 = arith.addi %iota3A, %add3A_399 : vector<16xi32>
      %broadcast_in_dim3A_401 = arith.constant 25 : i32
      %broadcast_in_dim3A_402 = vector.broadcast %broadcast_in_dim3A_401 : i32 to vector<16xi32>
      %scatter3A_403 = arith.constant 0 : i32
      %scatter3A_404 = arith.constant 0 : i32
      %scatter3A_405 = arith.constant 0 : i32
      %scatter3A_406 = tpu.memref_slice %arg19[%scatter3A_403, %scatter3A_404, %scatter3A_405] : memref<4x128x32xf32, #tpu.memory_space<vmem>> -> memref<1x128x32xf32, #tpu.memory_space<vmem>>
      %scatter3A_407 = tpu.memref_squeeze %scatter3A_406 : memref<1x128x32xf32, #tpu.memory_space<vmem>> -> memref<128x32xf32, #tpu.memory_space<vmem>>
      tpu.vector_store_idx %scatter3A_407[%add3A_400, %broadcast_in_dim3A_402], %get3A_397 : memref<128x32xf32, #tpu.memory_space<vmem>>[vector<16xi32>, vector<16xi32>], vector<16xf32>,
      %get3A_408 = arith.constant 0 : i32
      %get3A_409 = arith.index_cast %get3A_408 : i32 to index
      %get3A_410 = arith.constant 160 : index
      %get3A_411 = tpu.vector_load %arg20[%get3A_409, %get3A_410] {strides = array<i32>} : memref<4x512xf32, #tpu.memory_space<vmem>>, vector<16xf32>,
      %add3A_412 = arith.constant 32 : i32
      %add3A_413 = vector.broadcast %add3A_412 : i32 to vector<16xi32>
      %add3A_414 = arith.addi %iota3A, %add3A_413 : vector<16xi32>
      %broadcast_in_dim3A_415 = arith.constant 25 : i32
      %broadcast_in_dim3A_416 = vector.broadcast %broadcast_in_dim3A_415 : i32 to vector<16xi32>
      %scatter3A_417 = arith.constant 0 : i32
      %scatter3A_418 = arith.constant 0 : i32
      %scatter3A_419 = arith.constant 0 : i32
      %scatter3A_420 = tpu.memref_slice %arg19[%scatter3A_417, %scatter3A_418, %scatter3A_419] : memref<4x128x32xf32, #tpu.memory_space<vmem>> -> memref<1x128x32xf32, #tpu.memory_space<vmem>>
      %scatter3A_421 = tpu.memref_squeeze %scatter3A_420 : memref<1x128x32xf32, #tpu.memory_space<vmem>> -> memref<128x32xf32, #tpu.memory_space<vmem>>
      tpu.vector_store_idx %scatter3A_421[%add3A_414, %broadcast_in_dim3A_416], %get3A_411 : memref<128x32xf32, #tpu.memory_space<vmem>>[vector<16xi32>, vector<16xi32>], vector<16xf32>,
      %get3A_422 = arith.constant 0 : i32
      %get3A_423 = arith.index_cast %get3A_422 : i32 to index
      %get3A_424 = arith.constant 176 : index
      %get3A_425 = tpu.vector_load %arg20[%get3A_423, %get3A_424] {strides = array<i32>} : memref<4x512xf32, #tpu.memory_space<vmem>>, vector<16xf32>,
      %add3A_426 = arith.constant 48 : i32
      %add3A_427 = vector.broadcast %add3A_426 : i32 to vector<16xi32>
      %add3A_428 = arith.addi %iota3A, %add3A_427 : vector<16xi32>
      %broadcast_in_dim3A_429 = arith.constant 25 : i32
      %broadcast_in_dim3A_430 = vector.broadcast %broadcast_in_dim3A_429 : i32 to vector<16xi32>
      %scatter3A_431 = arith.constant 0 : i32
      %scatter3A_432 = arith.constant 0 : i32
      %scatter3A_433 = arith.constant 0 : i32
      %scatter3A_434 = tpu.memref_slice %arg19[%scatter3A_431, %scatter3A_432, %scatter3A_433] : memref<4x128x32xf32, #tpu.memory_space<vmem>> -> memref<1x128x32xf32, #tpu.memory_space<vmem>>
      %scatter3A_435 = tpu.memref_squeeze %scatter3A_434 : memref<1x128x32xf32, #tpu.memory_space<vmem>> -> memref<128x32xf32, #tpu.memory_space<vmem>>
      tpu.vector_store_idx %scatter3A_435[%add3A_428, %broadcast_in_dim3A_430], %get3A_425 : memref<128x32xf32, #tpu.memory_space<vmem>>[vector<16xi32>, vector<16xi32>], vector<16xf32>,
      %get3A_436 = arith.constant 0 : i32
      %get3A_437 = arith.index_cast %get3A_436 : i32 to index
      %get3A_438 = arith.constant 192 : index
      %get3A_439 = tpu.vector_load %arg20[%get3A_437, %get3A_438] {strides = array<i32>} : memref<4x512xf32, #tpu.memory_space<vmem>>, vector<16xf32>,
      %add3A_440 = arith.constant 64 : i32
      %add3A_441 = vector.broadcast %add3A_440 : i32 to vector<16xi32>
      %add3A_442 = arith.addi %iota3A, %add3A_441 : vector<16xi32>
      %broadcast_in_dim3A_443 = arith.constant 25 : i32
      %broadcast_in_dim3A_444 = vector.broadcast %broadcast_in_dim3A_443 : i32 to vector<16xi32>
      %scatter3A_445 = arith.constant 0 : i32
      %scatter3A_446 = arith.constant 0 : i32
      %scatter3A_447 = arith.constant 0 : i32
      %scatter3A_448 = tpu.memref_slice %arg19[%scatter3A_445, %scatter3A_446, %scatter3A_447] : memref<4x128x32xf32, #tpu.memory_space<vmem>> -> memref<1x128x32xf32, #tpu.memory_space<vmem>>
      %scatter3A_449 = tpu.memref_squeeze %scatter3A_448 : memref<1x128x32xf32, #tpu.memory_space<vmem>> -> memref<128x32xf32, #tpu.memory_space<vmem>>
      tpu.vector_store_idx %scatter3A_449[%add3A_442, %broadcast_in_dim3A_444], %get3A_439 : memref<128x32xf32, #tpu.memory_space<vmem>>[vector<16xi32>, vector<16xi32>], vector<16xf32>,
      %get3A_450 = arith.constant 0 : i32
      %get3A_451 = arith.index_cast %get3A_450 : i32 to index
      %get3A_452 = arith.constant 208 : index
      %get3A_453 = tpu.vector_load %arg20[%get3A_451, %get3A_452] {strides = array<i32>} : memref<4x512xf32, #tpu.memory_space<vmem>>, vector<16xf32>,
      %add3A_454 = arith.constant 80 : i32
      %add3A_455 = vector.broadcast %add3A_454 : i32 to vector<16xi32>
      %add3A_456 = arith.addi %iota3A, %add3A_455 : vector<16xi32>
      %broadcast_in_dim3A_457 = arith.constant 25 : i32
      %broadcast_in_dim3A_458 = vector.broadcast %broadcast_in_dim3A_457 : i32 to vector<16xi32>
      %scatter3A_459 = arith.constant 0 : i32
      %scatter3A_460 = arith.constant 0 : i32
      %scatter3A_461 = arith.constant 0 : i32
      %scatter3A_462 = tpu.memref_slice %arg19[%scatter3A_459, %scatter3A_460, %scatter3A_461] : memref<4x128x32xf32, #tpu.memory_space<vmem>> -> memref<1x128x32xf32, #tpu.memory_space<vmem>>
      %scatter3A_463 = tpu.memref_squeeze %scatter3A_462 : memref<1x128x32xf32, #tpu.memory_space<vmem>> -> memref<128x32xf32, #tpu.memory_space<vmem>>
      tpu.vector_store_idx %scatter3A_463[%add3A_456, %broadcast_in_dim3A_458], %get3A_453 : memref<128x32xf32, #tpu.memory_space<vmem>>[vector<16xi32>, vector<16xi32>], vector<16xf32>,
      %get3A_464 = arith.constant 0 : i32
      %get3A_465 = arith.index_cast %get3A_464 : i32 to index
      %get3A_466 = arith.constant 224 : index
      %get3A_467 = tpu.vector_load %arg20[%get3A_465, %get3A_466] {strides = array<i32>} : memref<4x512xf32, #tpu.memory_space<vmem>>, vector<16xf32>,
      %add3A_468 = arith.constant 96 : i32
      %add3A_469 = vector.broadcast %add3A_468 : i32 to vector<16xi32>
      %add3A_470 = arith.addi %iota3A, %add3A_469 : vector<16xi32>
      %broadcast_in_dim3A_471 = arith.constant 25 : i32
      %broadcast_in_dim3A_472 = vector.broadcast %broadcast_in_dim3A_471 : i32 to vector<16xi32>
      %scatter3A_473 = arith.constant 0 : i32
      %scatter3A_474 = arith.constant 0 : i32
      %scatter3A_475 = arith.constant 0 : i32
      %scatter3A_476 = tpu.memref_slice %arg19[%scatter3A_473, %scatter3A_474, %scatter3A_475] : memref<4x128x32xf32, #tpu.memory_space<vmem>> -> memref<1x128x32xf32, #tpu.memory_space<vmem>>
      %scatter3A_477 = tpu.memref_squeeze %scatter3A_476 : memref<1x128x32xf32, #tpu.memory_space<vmem>> -> memref<128x32xf32, #tpu.memory_space<vmem>>
      tpu.vector_store_idx %scatter3A_477[%add3A_470, %broadcast_in_dim3A_472], %get3A_467 : memref<128x32xf32, #tpu.memory_space<vmem>>[vector<16xi32>, vector<16xi32>], vector<16xf32>,
      %get3A_478 = arith.constant 0 : i32
      %get3A_479 = arith.index_cast %get3A_478 : i32 to index
      %get3A_480 = arith.constant 240 : index
      %get3A_481 = tpu.vector_load %arg20[%get3A_479, %get3A_480] {strides = array<i32>} : memref<4x512xf32, #tpu.memory_space<vmem>>, vector<16xf32>,
      %add3A_482 = arith.constant 112 : i32
      %add3A_483 = vector.broadcast %add3A_482 : i32 to vector<16xi32>
      %add3A_484 = arith.addi %iota3A, %add3A_483 : vector<16xi32>
      %broadcast_in_dim3A_485 = arith.constant 25 : i32
      %broadcast_in_dim3A_486 = vector.broadcast %broadcast_in_dim3A_485 : i32 to vector<16xi32>
      %scatter3A_487 = arith.constant 0 : i32
      %scatter3A_488 = arith.constant 0 : i32
      %scatter3A_489 = arith.constant 0 : i32
      %scatter3A_490 = tpu.memref_slice %arg19[%scatter3A_487, %scatter3A_488, %scatter3A_489] : memref<4x128x32xf32, #tpu.memory_space<vmem>> -> memref<1x128x32xf32, #tpu.memory_space<vmem>>
      %scatter3A_491 = tpu.memref_squeeze %scatter3A_490 : memref<1x128x32xf32, #tpu.memory_space<vmem>> -> memref<128x32xf32, #tpu.memory_space<vmem>>
      tpu.vector_store_idx %scatter3A_491[%add3A_484, %broadcast_in_dim3A_486], %get3A_481 : memref<128x32xf32, #tpu.memory_space<vmem>>[vector<16xi32>, vector<16xi32>], vector<16xf32>,
      %get3A_492 = arith.constant 0 : i32
      %get3A_493 = arith.index_cast %get3A_492 : i32 to index
      %get3A_494 = arith.constant 256 : index
      %get3A_495 = tpu.vector_load %arg20[%get3A_493, %get3A_494] {strides = array<i32>} : memref<4x512xf32, #tpu.memory_space<vmem>>, vector<16xf32>,
      %add3A_496 = arith.constant 0 : i32
      %add3A_497 = vector.broadcast %add3A_496 : i32 to vector<16xi32>
      %add3A_498 = arith.addi %iota3A, %add3A_497 : vector<16xi32>
      %broadcast_in_dim3A_499 = arith.constant 26 : i32
      %broadcast_in_dim3A_500 = vector.broadcast %broadcast_in_dim3A_499 : i32 to vector<16xi32>
      %scatter3A_501 = arith.constant 0 : i32
      %scatter3A_502 = arith.constant 0 : i32
      %scatter3A_503 = arith.constant 0 : i32
      %scatter3A_504 = tpu.memref_slice %arg19[%scatter3A_501, %scatter3A_502, %scatter3A_503] : memref<4x128x32xf32, #tpu.memory_space<vmem>> -> memref<1x128x32xf32, #tpu.memory_space<vmem>>
      %scatter3A_505 = tpu.memref_squeeze %scatter3A_504 : memref<1x128x32xf32, #tpu.memory_space<vmem>> -> memref<128x32xf32, #tpu.memory_space<vmem>>
      tpu.vector_store_idx %scatter3A_505[%add3A_498, %broadcast_in_dim3A_500], %get3A_495 : memref<128x32xf32, #tpu.memory_space<vmem>>[vector<16xi32>, vector<16xi32>], vector<16xf32>,
      %get3A_506 = arith.constant 0 : i32
      %get3A_507 = arith.index_cast %get3A_506 : i32 to index
      %get3A_508 = arith.constant 272 : index
      %get3A_509 = tpu.vector_load %arg20[%get3A_507, %get3A_508] {strides = array<i32>} : memref<4x512xf32, #tpu.memory_space<vmem>>, vector<16xf32>,
      %add3A_510 = arith.constant 16 : i32
      %add3A_511 = vector.broadcast %add3A_510 : i32 to vector<16xi32>
      %add3A_512 = arith.addi %iota3A, %add3A_511 : vector<16xi32>
      %broadcast_in_dim3A_513 = arith.constant 26 : i32
      %broadcast_in_dim3A_514 = vector.broadcast %broadcast_in_dim3A_513 : i32 to vector<16xi32>
      %scatter3A_515 = arith.constant 0 : i32
      %scatter3A_516 = arith.constant 0 : i32
      %scatter3A_517 = arith.constant 0 : i32
      %scatter3A_518 = tpu.memref_slice %arg19[%scatter3A_515, %scatter3A_516, %scatter3A_517] : memref<4x128x32xf32, #tpu.memory_space<vmem>> -> memref<1x128x32xf32, #tpu.memory_space<vmem>>
      %scatter3A_519 = tpu.memref_squeeze %scatter3A_518 : memref<1x128x32xf32, #tpu.memory_space<vmem>> -> memref<128x32xf32, #tpu.memory_space<vmem>>
      tpu.vector_store_idx %scatter3A_519[%add3A_512, %broadcast_in_dim3A_514], %get3A_509 : memref<128x32xf32, #tpu.memory_space<vmem>>[vector<16xi32>, vector<16xi32>], vector<16xf32>,
      %get3A_520 = arith.constant 0 : i32
      %get3A_521 = arith.index_cast %get3A_520 : i32 to index
      %get3A_522 = arith.constant 288 : index
      %get3A_523 = tpu.vector_load %arg20[%get3A_521, %get3A_522] {strides = array<i32>} : memref<4x512xf32, #tpu.memory_space<vmem>>, vector<16xf32>,
      %add3A_524 = arith.constant 32 : i32
      %add3A_525 = vector.broadcast %add3A_524 : i32 to vector<16xi32>
      %add3A_526 = arith.addi %iota3A, %add3A_525 : vector<16xi32>
      %broadcast_in_dim3A_527 = arith.constant 26 : i32
      %broadcast_in_dim3A_528 = vector.broadcast %broadcast_in_dim3A_527 : i32 to vector<16xi32>
      %scatter3A_529 = arith.constant 0 : i32
      %scatter3A_530 = arith.constant 0 : i32
      %scatter3A_531 = arith.constant 0 : i32
      %scatter3A_532 = tpu.memref_slice %arg19[%scatter3A_529, %scatter3A_530, %scatter3A_531] : memref<4x128x32xf32, #tpu.memory_space<vmem>> -> memref<1x128x32xf32, #tpu.memory_space<vmem>>
      %scatter3A_533 = tpu.memref_squeeze %scatter3A_532 : memref<1x128x32xf32, #tpu.memory_space<vmem>> -> memref<128x32xf32, #tpu.memory_space<vmem>>
      tpu.vector_store_idx %scatter3A_533[%add3A_526, %broadcast_in_dim3A_528], %get3A_523 : memref<128x32xf32, #tpu.memory_space<vmem>>[vector<16xi32>, vector<16xi32>], vector<16xf32>,
      %get3A_534 = arith.constant 0 : i32
      %get3A_535 = arith.index_cast %get3A_534 : i32 to index
      %get3A_536 = arith.constant 304 : index
      %get3A_537 = tpu.vector_load %arg20[%get3A_535, %get3A_536] {strides = array<i32>} : memref<4x512xf32, #tpu.memory_space<vmem>>, vector<16xf32>,
      %add3A_538 = arith.constant 48 : i32
      %add3A_539 = vector.broadcast %add3A_538 : i32 to vector<16xi32>
      %add3A_540 = arith.addi %iota3A, %add3A_539 : vector<16xi32>
      %broadcast_in_dim3A_541 = arith.constant 26 : i32
      %broadcast_in_dim3A_542 = vector.broadcast %broadcast_in_dim3A_541 : i32 to vector<16xi32>
      %scatter3A_543 = arith.constant 0 : i32
      %scatter3A_544 = arith.constant 0 : i32
      %scatter3A_545 = arith.constant 0 : i32
      %scatter3A_546 = tpu.memref_slice %arg19[%scatter3A_543, %scatter3A_544, %scatter3A_545] : memref<4x128x32xf32, #tpu.memory_space<vmem>> -> memref<1x128x32xf32, #tpu.memory_space<vmem>>
      %scatter3A_547 = tpu.memref_squeeze %scatter3A_546 : memref<1x128x32xf32, #tpu.memory_space<vmem>> -> memref<128x32xf32, #tpu.memory_space<vmem>>
      tpu.vector_store_idx %scatter3A_547[%add3A_540, %broadcast_in_dim3A_542], %get3A_537 : memref<128x32xf32, #tpu.memory_space<vmem>>[vector<16xi32>, vector<16xi32>], vector<16xf32>,
      %get3A_548 = arith.constant 0 : i32
      %get3A_549 = arith.index_cast %get3A_548 : i32 to index
      %get3A_550 = arith.constant 320 : index
      %get3A_551 = tpu.vector_load %arg20[%get3A_549, %get3A_550] {strides = array<i32>} : memref<4x512xf32, #tpu.memory_space<vmem>>, vector<16xf32>,
      %add3A_552 = arith.constant 64 : i32
      %add3A_553 = vector.broadcast %add3A_552 : i32 to vector<16xi32>
      %add3A_554 = arith.addi %iota3A, %add3A_553 : vector<16xi32>
      %broadcast_in_dim3A_555 = arith.constant 26 : i32
      %broadcast_in_dim3A_556 = vector.broadcast %broadcast_in_dim3A_555 : i32 to vector<16xi32>
      %scatter3A_557 = arith.constant 0 : i32
      %scatter3A_558 = arith.constant 0 : i32
      %scatter3A_559 = arith.constant 0 : i32
      %scatter3A_560 = tpu.memref_slice %arg19[%scatter3A_557, %scatter3A_558, %scatter3A_559] : memref<4x128x32xf32, #tpu.memory_space<vmem>> -> memref<1x128x32xf32, #tpu.memory_space<vmem>>
      %scatter3A_561 = tpu.memref_squeeze %scatter3A_560 : memref<1x128x32xf32, #tpu.memory_space<vmem>> -> memref<128x32xf32, #tpu.memory_space<vmem>>
      tpu.vector_store_idx %scatter3A_561[%add3A_554, %broadcast_in_dim3A_556], %get3A_551 : memref<128x32xf32, #tpu.memory_space<vmem>>[vector<16xi32>, vector<16xi32>], vector<16xf32>,
      %get3A_562 = arith.constant 0 : i32
      %get3A_563 = arith.index_cast %get3A_562 : i32 to index
      %get3A_564 = arith.constant 336 : index
      %get3A_565 = tpu.vector_load %arg20[%get3A_563, %get3A_564] {strides = array<i32>} : memref<4x512xf32, #tpu.memory_space<vmem>>, vector<16xf32>,
      %add3A_566 = arith.constant 80 : i32
      %add3A_567 = vector.broadcast %add3A_566 : i32 to vector<16xi32>
      %add3A_568 = arith.addi %iota3A, %add3A_567 : vector<16xi32>
      %broadcast_in_dim3A_569 = arith.constant 26 : i32
      %broadcast_in_dim3A_570 = vector.broadcast %broadcast_in_dim3A_569 : i32 to vector<16xi32>
      %scatter3A_571 = arith.constant 0 : i32
      %scatter3A_572 = arith.constant 0 : i32
      %scatter3A_573 = arith.constant 0 : i32
      %scatter3A_574 = tpu.memref_slice %arg19[%scatter3A_571, %scatter3A_572, %scatter3A_573] : memref<4x128x32xf32, #tpu.memory_space<vmem>> -> memref<1x128x32xf32, #tpu.memory_space<vmem>>
      %scatter3A_575 = tpu.memref_squeeze %scatter3A_574 : memref<1x128x32xf32, #tpu.memory_space<vmem>> -> memref<128x32xf32, #tpu.memory_space<vmem>>
      tpu.vector_store_idx %scatter3A_575[%add3A_568, %broadcast_in_dim3A_570], %get3A_565 : memref<128x32xf32, #tpu.memory_space<vmem>>[vector<16xi32>, vector<16xi32>], vector<16xf32>,
      %get3A_576 = arith.constant 0 : i32
      %get3A_577 = arith.index_cast %get3A_576 : i32 to index
      %get3A_578 = arith.constant 352 : index
      %get3A_579 = tpu.vector_load %arg20[%get3A_577, %get3A_578] {strides = array<i32>} : memref<4x512xf32, #tpu.memory_space<vmem>>, vector<16xf32>,
      %add3A_580 = arith.constant 96 : i32
      %add3A_581 = vector.broadcast %add3A_580 : i32 to vector<16xi32>
      %add3A_582 = arith.addi %iota3A, %add3A_581 : vector<16xi32>
      %broadcast_in_dim3A_583 = arith.constant 26 : i32
      %broadcast_in_dim3A_584 = vector.broadcast %broadcast_in_dim3A_583 : i32 to vector<16xi32>
      %scatter3A_585 = arith.constant 0 : i32
      %scatter3A_586 = arith.constant 0 : i32
      %scatter3A_587 = arith.constant 0 : i32
      %scatter3A_588 = tpu.memref_slice %arg19[%scatter3A_585, %scatter3A_586, %scatter3A_587] : memref<4x128x32xf32, #tpu.memory_space<vmem>> -> memref<1x128x32xf32, #tpu.memory_space<vmem>>
      %scatter3A_589 = tpu.memref_squeeze %scatter3A_588 : memref<1x128x32xf32, #tpu.memory_space<vmem>> -> memref<128x32xf32, #tpu.memory_space<vmem>>
      tpu.vector_store_idx %scatter3A_589[%add3A_582, %broadcast_in_dim3A_584], %get3A_579 : memref<128x32xf32, #tpu.memory_space<vmem>>[vector<16xi32>, vector<16xi32>], vector<16xf32>,
      %get3A_590 = arith.constant 0 : i32
      %get3A_591 = arith.index_cast %get3A_590 : i32 to index
      %get3A_592 = arith.constant 368 : index
      %get3A_593 = tpu.vector_load %arg20[%get3A_591, %get3A_592] {strides = array<i32>} : memref<4x512xf32, #tpu.memory_space<vmem>>, vector<16xf32>,
      %add3A_594 = arith.constant 112 : i32
      %add3A_595 = vector.broadcast %add3A_594 : i32 to vector<16xi32>
      %add3A_596 = arith.addi %iota3A, %add3A_595 : vector<16xi32>
      %broadcast_in_dim3A_597 = arith.constant 26 : i32
      %broadcast_in_dim3A_598 = vector.broadcast %broadcast_in_dim3A_597 : i32 to vector<16xi32>
      %scatter3A_599 = arith.constant 0 : i32
      %scatter3A_600 = arith.constant 0 : i32
      %scatter3A_601 = arith.constant 0 : i32
      %scatter3A_602 = tpu.memref_slice %arg19[%scatter3A_599, %scatter3A_600, %scatter3A_601] : memref<4x128x32xf32, #tpu.memory_space<vmem>> -> memref<1x128x32xf32, #tpu.memory_space<vmem>>
      %scatter3A_603 = tpu.memref_squeeze %scatter3A_602 : memref<1x128x32xf32, #tpu.memory_space<vmem>> -> memref<128x32xf32, #tpu.memory_space<vmem>>
      tpu.vector_store_idx %scatter3A_603[%add3A_596, %broadcast_in_dim3A_598], %get3A_593 : memref<128x32xf32, #tpu.memory_space<vmem>>[vector<16xi32>, vector<16xi32>], vector<16xf32>,
      %get3A_604 = arith.constant 0 : i32
      %get3A_605 = arith.index_cast %get3A_604 : i32 to index
      %get3A_606 = arith.constant 384 : index
      %get3A_607 = tpu.vector_load %arg20[%get3A_605, %get3A_606] {strides = array<i32>} : memref<4x512xf32, #tpu.memory_space<vmem>>, vector<16xf32>,
      %add3A_608 = arith.constant 0 : i32
      %add3A_609 = vector.broadcast %add3A_608 : i32 to vector<16xi32>
      %add3A_610 = arith.addi %iota3A, %add3A_609 : vector<16xi32>
      %broadcast_in_dim3A_611 = arith.constant 27 : i32
      %broadcast_in_dim3A_612 = vector.broadcast %broadcast_in_dim3A_611 : i32 to vector<16xi32>
      %scatter3A_613 = arith.constant 0 : i32
      %scatter3A_614 = arith.constant 0 : i32
      %scatter3A_615 = arith.constant 0 : i32
      %scatter3A_616 = tpu.memref_slice %arg19[%scatter3A_613, %scatter3A_614, %scatter3A_615] : memref<4x128x32xf32, #tpu.memory_space<vmem>> -> memref<1x128x32xf32, #tpu.memory_space<vmem>>
      %scatter3A_617 = tpu.memref_squeeze %scatter3A_616 : memref<1x128x32xf32, #tpu.memory_space<vmem>> -> memref<128x32xf32, #tpu.memory_space<vmem>>
      tpu.vector_store_idx %scatter3A_617[%add3A_610, %broadcast_in_dim3A_612], %get3A_607 : memref<128x32xf32, #tpu.memory_space<vmem>>[vector<16xi32>, vector<16xi32>], vector<16xf32>,
      %get3A_618 = arith.constant 0 : i32
      %get3A_619 = arith.index_cast %get3A_618 : i32 to index
      %get3A_620 = arith.constant 400 : index
      %get3A_621 = tpu.vector_load %arg20[%get3A_619, %get3A_620] {strides = array<i32>} : memref<4x512xf32, #tpu.memory_space<vmem>>, vector<16xf32>,
      %add3A_622 = arith.constant 16 : i32
      %add3A_623 = vector.broadcast %add3A_622 : i32 to vector<16xi32>
      %add3A_624 = arith.addi %iota3A, %add3A_623 : vector<16xi32>
      %broadcast_in_dim3A_625 = arith.constant 27 : i32
      %broadcast_in_dim3A_626 = vector.broadcast %broadcast_in_dim3A_625 : i32 to vector<16xi32>
      %scatter3A_627 = arith.constant 0 : i32
      %scatter3A_628 = arith.constant 0 : i32
      %scatter3A_629 = arith.constant 0 : i32
      %scatter3A_630 = tpu.memref_slice %arg19[%scatter3A_627, %scatter3A_628, %scatter3A_629] : memref<4x128x32xf32, #tpu.memory_space<vmem>> -> memref<1x128x32xf32, #tpu.memory_space<vmem>>
      %scatter3A_631 = tpu.memref_squeeze %scatter3A_630 : memref<1x128x32xf32, #tpu.memory_space<vmem>> -> memref<128x32xf32, #tpu.memory_space<vmem>>
      tpu.vector_store_idx %scatter3A_631[%add3A_624, %broadcast_in_dim3A_626], %get3A_621 : memref<128x32xf32, #tpu.memory_space<vmem>>[vector<16xi32>, vector<16xi32>], vector<16xf32>,
      %get3A_632 = arith.constant 0 : i32
      %get3A_633 = arith.index_cast %get3A_632 : i32 to index
      %get3A_634 = arith.constant 416 : index
      %get3A_635 = tpu.vector_load %arg20[%get3A_633, %get3A_634] {strides = array<i32>} : memref<4x512xf32, #tpu.memory_space<vmem>>, vector<16xf32>,
      %add3A_636 = arith.constant 32 : i32
      %add3A_637 = vector.broadcast %add3A_636 : i32 to vector<16xi32>
      %add3A_638 = arith.addi %iota3A, %add3A_637 : vector<16xi32>
      %broadcast_in_dim3A_639 = arith.constant 27 : i32
      %broadcast_in_dim3A_640 = vector.broadcast %broadcast_in_dim3A_639 : i32 to vector<16xi32>
      %scatter3A_641 = arith.constant 0 : i32
      %scatter3A_642 = arith.constant 0 : i32
      %scatter3A_643 = arith.constant 0 : i32
      %scatter3A_644 = tpu.memref_slice %arg19[%scatter3A_641, %scatter3A_642, %scatter3A_643] : memref<4x128x32xf32, #tpu.memory_space<vmem>> -> memref<1x128x32xf32, #tpu.memory_space<vmem>>
      %scatter3A_645 = tpu.memref_squeeze %scatter3A_644 : memref<1x128x32xf32, #tpu.memory_space<vmem>> -> memref<128x32xf32, #tpu.memory_space<vmem>>
      tpu.vector_store_idx %scatter3A_645[%add3A_638, %broadcast_in_dim3A_640], %get3A_635 : memref<128x32xf32, #tpu.memory_space<vmem>>[vector<16xi32>, vector<16xi32>], vector<16xf32>,
      %get3A_646 = arith.constant 0 : i32
      %get3A_647 = arith.index_cast %get3A_646 : i32 to index
      %get3A_648 = arith.constant 432 : index
      %get3A_649 = tpu.vector_load %arg20[%get3A_647, %get3A_648] {strides = array<i32>} : memref<4x512xf32, #tpu.memory_space<vmem>>, vector<16xf32>,
      %add3A_650 = arith.constant 48 : i32
      %add3A_651 = vector.broadcast %add3A_650 : i32 to vector<16xi32>
      %add3A_652 = arith.addi %iota3A, %add3A_651 : vector<16xi32>
      %broadcast_in_dim3A_653 = arith.constant 27 : i32
      %broadcast_in_dim3A_654 = vector.broadcast %broadcast_in_dim3A_653 : i32 to vector<16xi32>
      %scatter3A_655 = arith.constant 0 : i32
      %scatter3A_656 = arith.constant 0 : i32
      %scatter3A_657 = arith.constant 0 : i32
      %scatter3A_658 = tpu.memref_slice %arg19[%scatter3A_655, %scatter3A_656, %scatter3A_657] : memref<4x128x32xf32, #tpu.memory_space<vmem>> -> memref<1x128x32xf32, #tpu.memory_space<vmem>>
      %scatter3A_659 = tpu.memref_squeeze %scatter3A_658 : memref<1x128x32xf32, #tpu.memory_space<vmem>> -> memref<128x32xf32, #tpu.memory_space<vmem>>
      tpu.vector_store_idx %scatter3A_659[%add3A_652, %broadcast_in_dim3A_654], %get3A_649 : memref<128x32xf32, #tpu.memory_space<vmem>>[vector<16xi32>, vector<16xi32>], vector<16xf32>,
      %get3A_660 = arith.constant 0 : i32
      %get3A_661 = arith.index_cast %get3A_660 : i32 to index
      %get3A_662 = arith.constant 448 : index
      %get3A_663 = tpu.vector_load %arg20[%get3A_661, %get3A_662] {strides = array<i32>} : memref<4x512xf32, #tpu.memory_space<vmem>>, vector<16xf32>,
      %add3A_664 = arith.constant 64 : i32
      %add3A_665 = vector.broadcast %add3A_664 : i32 to vector<16xi32>
      %add3A_666 = arith.addi %iota3A, %add3A_665 : vector<16xi32>
      %broadcast_in_dim3A_667 = arith.constant 27 : i32
      %broadcast_in_dim3A_668 = vector.broadcast %broadcast_in_dim3A_667 : i32 to vector<16xi32>
      %scatter3A_669 = arith.constant 0 : i32
      %scatter3A_670 = arith.constant 0 : i32
      %scatter3A_671 = arith.constant 0 : i32
      %scatter3A_672 = tpu.memref_slice %arg19[%scatter3A_669, %scatter3A_670, %scatter3A_671] : memref<4x128x32xf32, #tpu.memory_space<vmem>> -> memref<1x128x32xf32, #tpu.memory_space<vmem>>
      %scatter3A_673 = tpu.memref_squeeze %scatter3A_672 : memref<1x128x32xf32, #tpu.memory_space<vmem>> -> memref<128x32xf32, #tpu.memory_space<vmem>>
      tpu.vector_store_idx %scatter3A_673[%add3A_666, %broadcast_in_dim3A_668], %get3A_663 : memref<128x32xf32, #tpu.memory_space<vmem>>[vector<16xi32>, vector<16xi32>], vector<16xf32>,
      %get3A_674 = arith.constant 0 : i32
      %get3A_675 = arith.index_cast %get3A_674 : i32 to index
      %get3A_676 = arith.constant 464 : index
      %get3A_677 = tpu.vector_load %arg20[%get3A_675, %get3A_676] {strides = array<i32>} : memref<4x512xf32, #tpu.memory_space<vmem>>, vector<16xf32>,
      %add3A_678 = arith.constant 80 : i32
      %add3A_679 = vector.broadcast %add3A_678 : i32 to vector<16xi32>
      %add3A_680 = arith.addi %iota3A, %add3A_679 : vector<16xi32>
      %broadcast_in_dim3A_681 = arith.constant 27 : i32
      %broadcast_in_dim3A_682 = vector.broadcast %broadcast_in_dim3A_681 : i32 to vector<16xi32>
      %scatter3A_683 = arith.constant 0 : i32
      %scatter3A_684 = arith.constant 0 : i32
      %scatter3A_685 = arith.constant 0 : i32
      %scatter3A_686 = tpu.memref_slice %arg19[%scatter3A_683, %scatter3A_684, %scatter3A_685] : memref<4x128x32xf32, #tpu.memory_space<vmem>> -> memref<1x128x32xf32, #tpu.memory_space<vmem>>
      %scatter3A_687 = tpu.memref_squeeze %scatter3A_686 : memref<1x128x32xf32, #tpu.memory_space<vmem>> -> memref<128x32xf32, #tpu.memory_space<vmem>>
      tpu.vector_store_idx %scatter3A_687[%add3A_680, %broadcast_in_dim3A_682], %get3A_677 : memref<128x32xf32, #tpu.memory_space<vmem>>[vector<16xi32>, vector<16xi32>], vector<16xf32>,
      %get3A_688 = arith.constant 0 : i32
      %get3A_689 = arith.index_cast %get3A_688 : i32 to index
      %get3A_690 = arith.constant 480 : index
      %get3A_691 = tpu.vector_load %arg20[%get3A_689, %get3A_690] {strides = array<i32>} : memref<4x512xf32, #tpu.memory_space<vmem>>, vector<16xf32>,
      %add3A_692 = arith.constant 96 : i32
      %add3A_693 = vector.broadcast %add3A_692 : i32 to vector<16xi32>
      %add3A_694 = arith.addi %iota3A, %add3A_693 : vector<16xi32>
      %broadcast_in_dim3A_695 = arith.constant 27 : i32
      %broadcast_in_dim3A_696 = vector.broadcast %broadcast_in_dim3A_695 : i32 to vector<16xi32>
      %scatter3A_697 = arith.constant 0 : i32
      %scatter3A_698 = arith.constant 0 : i32
      %scatter3A_699 = arith.constant 0 : i32
      %scatter3A_700 = tpu.memref_slice %arg19[%scatter3A_697, %scatter3A_698, %scatter3A_699] : memref<4x128x32xf32, #tpu.memory_space<vmem>> -> memref<1x128x32xf32, #tpu.memory_space<vmem>>
      %scatter3A_701 = tpu.memref_squeeze %scatter3A_700 : memref<1x128x32xf32, #tpu.memory_space<vmem>> -> memref<128x32xf32, #tpu.memory_space<vmem>>
      tpu.vector_store_idx %scatter3A_701[%add3A_694, %broadcast_in_dim3A_696], %get3A_691 : memref<128x32xf32, #tpu.memory_space<vmem>>[vector<16xi32>, vector<16xi32>], vector<16xf32>,
      %get3A_702 = arith.constant 0 : i32
      %get3A_703 = arith.index_cast %get3A_702 : i32 to index
      %get3A_704 = arith.constant 496 : index
      %get3A_705 = tpu.vector_load %arg20[%get3A_703, %get3A_704] {strides = array<i32>} : memref<4x512xf32, #tpu.memory_space<vmem>>, vector<16xf32>,
      %add3A_706 = arith.constant 112 : i32
      %add3A_707 = vector.broadcast %add3A_706 : i32 to vector<16xi32>
      %add3A_708 = arith.addi %iota3A, %add3A_707 : vector<16xi32>
      %broadcast_in_dim3A_709 = arith.constant 27 : i32
      %broadcast_in_dim3A_710 = vector.broadcast %broadcast_in_dim3A_709 : i32 to vector<16xi32>
      %scatter3A_711 = arith.constant 0 : i32
      %scatter3A_712 = arith.constant 0 : i32
      %scatter3A_713 = arith.constant 0 : i32
      %scatter3A_714 = tpu.memref_slice %arg19[%scatter3A_711, %scatter3A_712, %scatter3A_713] : memref<4x128x32xf32, #tpu.memory_space<vmem>> -> memref<1x128x32xf32, #tpu.memory_space<vmem>>
      %scatter3A_715 = tpu.memref_squeeze %scatter3A_714 : memref<1x128x32xf32, #tpu.memory_space<vmem>> -> memref<128x32xf32, #tpu.memory_space<vmem>>
      tpu.vector_store_idx %scatter3A_715[%add3A_708, %broadcast_in_dim3A_710], %get3A_705 : memref<128x32xf32, #tpu.memory_space<vmem>>[vector<16xi32>, vector<16xi32>], vector<16xf32>,
      %eq3A_716 = arith.constant 0 : i32
      %eq3A_717 = arith.cmpi eq, %arg0, %eq3A_716 : i32
      %convert_element_type3A_718 = arith.extui %eq3A_717 : i1 to i32
      %cond3A_719 = arith.constant 0 : i32
      %cond3A_720 = arith.cmpi ne, %convert_element_type3A_718, %cond3A_719 : i32
      scf.if %cond3A_720 {
        %dma_start3A_2223 = arith.constant 0 : i32
        %dma_start3A_2224 = arith.constant 0 : i32
        %dma_start3A_2225 = arith.constant 0 : i32
        %dma_start3A_2226 = arith.constant 0 : i32
        %dma_start3A_2227 = tpu.memref_slice %arg18[%dma_start3A_2223, %dma_start3A_2225, %dma_start3A_2226] : memref<4x128x64xf32, #tpu.memory_space<vmem>> -> memref<1x128x64xf32, #tpu.memory_space<vmem>>
        %dma_start3A_2228 = tpu.memref_squeeze %dma_start3A_2227 : memref<1x128x64xf32, #tpu.memory_space<vmem>> -> memref<128x64xf32, #tpu.memory_space<vmem>>
        %dma_start3A_2229 = arith.constant 0 : i32
        %dma_start3A_2230 = tpu.memref_slice %arg16[%dma_start3A_2224, %dma_start3A_2229] : memref<4x128xi32, #tpu.memory_space<vmem>> -> memref<1x128xi32, #tpu.memory_space<vmem>>
        %dma_start3A_2231 = tpu.memref_squeeze %dma_start3A_2230 : memref<1x128xi32, #tpu.memory_space<vmem>> -> memref<128xi32, #tpu.memory_space<vmem>>
        %dma_start3A_2232 = arith.constant 0 : i32
        %dma_start3A_2233 = arith.constant 0 : i32
        %dma_start3A_2234 = tpu.memref_slice %arg21[%dma_start3A_2232, %dma_start3A_2233] : memref<10008x64xf32, #tpu.memory_space<vmem_shared>> -> memref<10008x64xf32, #tpu.memory_space<vmem_shared>>
        tpu.enqueue_indirect_dma source(%dma_start3A_2228 : memref<128x64xf32, #tpu.memory_space<vmem>>) target(%dma_start3A_2234 : memref<10008x64xf32, #tpu.memory_space<vmem_shared>>) offsets(%dma_start3A_2231 : memref<128xi32, #tpu.memory_space<vmem>>) semaphore(%arg31 : memref<!tpu.dma_semaphore, #tpu.memory_space<semaphore_mem>>) {add = true}
        %dma_start3A_2235 = arith.constant 0 : i32
        %dma_start3A_2236 = arith.constant 0 : i32
        %dma_start3A_2237 = arith.constant 0 : i32
        %dma_start3A_2238 = arith.constant 0 : i32
        %dma_start3A_2239 = tpu.memref_slice %arg19[%dma_start3A_2235, %dma_start3A_2237, %dma_start3A_2238] : memref<4x128x32xf32, #tpu.memory_space<vmem>> -> memref<1x128x32xf32, #tpu.memory_space<vmem>>
        %dma_start3A_2240 = tpu.memref_squeeze %dma_start3A_2239 : memref<1x128x32xf32, #tpu.memory_space<vmem>> -> memref<128x32xf32, #tpu.memory_space<vmem>>
        %dma_start3A_2241 = arith.constant 0 : i32
        %dma_start3A_2242 = tpu.memref_slice %arg16[%dma_start3A_2236, %dma_start3A_2241] : memref<4x128xi32, #tpu.memory_space<vmem>> -> memref<1x128xi32, #tpu.memory_space<vmem>>
        %dma_start3A_2243 = tpu.memref_squeeze %dma_start3A_2242 : memref<1x128xi32, #tpu.memory_space<vmem>> -> memref<128xi32, #tpu.memory_space<vmem>>
        %dma_start3A_2244 = arith.constant 0 : i32
        %dma_start3A_2245 = arith.constant 0 : i32
        %dma_start3A_2246 = tpu.memref_slice %arg22[%dma_start3A_2244, %dma_start3A_2245] : memref<10008x32xf32, #tpu.memory_space<vmem_shared>> -> memref<10008x32xf32, #tpu.memory_space<vmem_shared>>
        tpu.enqueue_indirect_dma source(%dma_start3A_2240 : memref<128x32xf32, #tpu.memory_space<vmem>>) target(%dma_start3A_2246 : memref<10008x32xf32, #tpu.memory_space<vmem_shared>>) offsets(%dma_start3A_2243 : memref<128xi32, #tpu.memory_space<vmem>>) semaphore(%arg31 : memref<!tpu.dma_semaphore, #tpu.memory_space<semaphore_mem>>) {add = true}
      } else {
      }
      %eq3A_721 = arith.constant 1 : i32
      %eq3A_722 = arith.cmpi eq, %arg0, %eq3A_721 : i32
      %convert_element_type3A_723 = arith.extui %eq3A_722 : i1 to i32
      %cond3A_724 = arith.constant 0 : i32
      %cond3A_725 = arith.cmpi ne, %convert_element_type3A_723, %cond3A_724 : i32
      scf.if %cond3A_725 {
        %dma_start3A_2223 = arith.constant 0 : i32
        %dma_start3A_2224 = arith.constant 0 : i32
        %dma_start3A_2225 = arith.constant 0 : i32
        %dma_start3A_2226 = arith.constant 0 : i32
        %dma_start3A_2227 = tpu.memref_slice %arg18[%dma_start3A_2223, %dma_start3A_2225, %dma_start3A_2226] : memref<4x128x64xf32, #tpu.memory_space<vmem>> -> memref<1x128x64xf32, #tpu.memory_space<vmem>>
        %dma_start3A_2228 = tpu.memref_squeeze %dma_start3A_2227 : memref<1x128x64xf32, #tpu.memory_space<vmem>> -> memref<128x64xf32, #tpu.memory_space<vmem>>
        %dma_start3A_2229 = arith.constant 0 : i32
        %dma_start3A_2230 = tpu.memref_slice %arg15[%dma_start3A_2224, %dma_start3A_2229] : memref<4x128xi32, #tpu.memory_space<vmem>> -> memref<1x128xi32, #tpu.memory_space<vmem>>
        %dma_start3A_2231 = tpu.memref_squeeze %dma_start3A_2230 : memref<1x128xi32, #tpu.memory_space<vmem>> -> memref<128xi32, #tpu.memory_space<vmem>>
        %dma_start3A_2232 = arith.constant 0 : i32
        %dma_start3A_2233 = arith.constant 0 : i32
        %dma_start3A_2234 = tpu.memref_slice %arg21[%dma_start3A_2232, %dma_start3A_2233] : memref<10008x64xf32, #tpu.memory_space<vmem_shared>> -> memref<10008x64xf32, #tpu.memory_space<vmem_shared>>
        tpu.enqueue_indirect_dma source(%dma_start3A_2228 : memref<128x64xf32, #tpu.memory_space<vmem>>) target(%dma_start3A_2234 : memref<10008x64xf32, #tpu.memory_space<vmem_shared>>) offsets(%dma_start3A_2231 : memref<128xi32, #tpu.memory_space<vmem>>) semaphore(%arg31 : memref<!tpu.dma_semaphore, #tpu.memory_space<semaphore_mem>>) {add = true}
        %dma_start3A_2235 = arith.constant 0 : i32
        %dma_start3A_2236 = arith.constant 0 : i32
        %dma_start3A_2237 = arith.constant 0 : i32
        %dma_start3A_2238 = arith.constant 0 : i32
        %dma_start3A_2239 = tpu.memref_slice %arg19[%dma_start3A_2235, %dma_start3A_2237, %dma_start3A_2238] : memref<4x128x32xf32, #tpu.memory_space<vmem>> -> memref<1x128x32xf32, #tpu.memory_space<vmem>>
        %dma_start3A_2240 = tpu.memref_squeeze %dma_start3A_2239 : memref<1x128x32xf32, #tpu.memory_space<vmem>> -> memref<128x32xf32, #tpu.memory_space<vmem>>
        %dma_start3A_2241 = arith.constant 0 : i32
        %dma_start3A_2242 = tpu.memref_slice %arg15[%dma_start3A_2236, %dma_start3A_2241] : memref<4x128xi32, #tpu.memory_space<vmem>> -> memref<1x128xi32, #tpu.memory_space<vmem>>
        %dma_start3A_2243 = tpu.memref_squeeze %dma_start3A_2242 : memref<1x128xi32, #tpu.memory_space<vmem>> -> memref<128xi32, #tpu.memory_space<vmem>>
        %dma_start3A_2244 = arith.constant 0 : i32
        %dma_start3A_2245 = arith.constant 0 : i32
        %dma_start3A_2246 = tpu.memref_slice %arg22[%dma_start3A_2244, %dma_start3A_2245] : memref<10008x32xf32, #tpu.memory_space<vmem_shared>> -> memref<10008x32xf32, #tpu.memory_space<vmem_shared>>
        tpu.enqueue_indirect_dma source(%dma_start3A_2240 : memref<128x32xf32, #tpu.memory_space<vmem>>) target(%dma_start3A_2246 : memref<10008x32xf32, #tpu.memory_space<vmem_shared>>) offsets(%dma_start3A_2243 : memref<128xi32, #tpu.memory_space<vmem>>) semaphore(%arg31 : memref<!tpu.dma_semaphore, #tpu.memory_space<semaphore_mem>>) {add = true}
      } else {
      }
      %mul3A_726 = arith.constant 4 : i32
      %mul3A_727 = arith.muli %mul3A_726, %add3A_230 : i32
      %add3A_728 = arith.constant 1 : i32
      %add3A_729 = arith.addi %mul3A_727, %add3A_728 : i32
      %add3A_730 = arith.constant 2 : i32
      %add3A_731 = arith.addi %add3A_729, %add3A_730 : i32
      %lt3A_732 = arith.constant 160 : i32
      %lt3A_733 = arith.cmpi slt, %add3A_731, %lt3A_732 : i32
      %convert_element_type3A_734 = arith.extui %lt3A_733 : i1 to i32
      %cond3A_735 = arith.constant 0 : i32
      %cond3A_736 = arith.cmpi ne, %convert_element_type3A_734, %cond3A_735 : i32
      scf.if %cond3A_736 {
        %ge3A = arith.constant 2 : i32
        %ge3A_2223 = arith.cmpi sge, %add3A_729, %ge3A : i32
        %convert_element_type3A_2224 = arith.extui %ge3A_2223 : i1 to i32
        %cond3A_2225 = arith.constant 0 : i32
        %cond3A_2226 = arith.cmpi ne, %convert_element_type3A_2224, %cond3A_2225 : i32
        scf.if %cond3A_2226 {
          %sub3A = arith.constant 2 : i32
          %sub3A_2272 = arith.subi %add3A_729, %sub3A : i32
          %eq3A_2273 = arith.constant 0 : i32
          %eq3A_2274 = arith.cmpi eq, %arg0, %eq3A_2273 : i32
          %convert_element_type3A_2275 = arith.extui %eq3A_2274 : i1 to i32
          %cond3A_2276 = arith.constant 0 : i32
          %cond3A_2277 = arith.cmpi ne, %convert_element_type3A_2275, %cond3A_2276 : i32
          scf.if %cond3A_2277 {
            %dma_wait3A_2283 = arith.constant 3 : i32
            %dma_wait3A_2284 = arith.constant 3 : i32
            %dma_wait3A_2285 = arith.constant 0 : i32
            %dma_wait3A_2286 = arith.constant 0 : i32
            %dma_wait3A_2287 = tpu.memref_slice %arg18[%dma_wait3A_2283, %dma_wait3A_2285, %dma_wait3A_2286] : memref<4x128x64xf32, #tpu.memory_space<vmem>> -> memref<1x128x64xf32, #tpu.memory_space<vmem>>
            %dma_wait3A_2288 = tpu.memref_squeeze %dma_wait3A_2287 : memref<1x128x64xf32, #tpu.memory_space<vmem>> -> memref<128x64xf32, #tpu.memory_space<vmem>>
            %dma_wait3A_2289 = arith.constant 0 : i32
            %dma_wait3A_2290 = tpu.memref_slice %arg16[%dma_wait3A_2284, %dma_wait3A_2289] : memref<4x128xi32, #tpu.memory_space<vmem>> -> memref<1x128xi32, #tpu.memory_space<vmem>>
            %dma_wait3A_2291 = tpu.memref_squeeze %dma_wait3A_2290 : memref<1x128xi32, #tpu.memory_space<vmem>> -> memref<128xi32, #tpu.memory_space<vmem>>
            %dma_wait3A_2292 = arith.constant 0 : i32
            %dma_wait3A_2293 = arith.constant 0 : i32
            %dma_wait3A_2294 = tpu.memref_slice %arg21[%dma_wait3A_2292, %dma_wait3A_2293] : memref<10008x64xf32, #tpu.memory_space<vmem_shared>> -> memref<10008x64xf32, #tpu.memory_space<vmem_shared>>
            tpu.wait_indirect_dma semaphore(%arg34 : memref<!tpu.dma_semaphore, #tpu.memory_space<semaphore_mem>>) src(%dma_wait3A_2288 : memref<128x64xf32, #tpu.memory_space<vmem>>) dst(%dma_wait3A_2294 : memref<10008x64xf32, #tpu.memory_space<vmem_shared>>)
            %dma_wait3A_2295 = arith.constant 3 : i32
            %dma_wait3A_2296 = arith.constant 3 : i32
            %dma_wait3A_2297 = arith.constant 0 : i32
            %dma_wait3A_2298 = arith.constant 0 : i32
            %dma_wait3A_2299 = tpu.memref_slice %arg19[%dma_wait3A_2295, %dma_wait3A_2297, %dma_wait3A_2298] : memref<4x128x32xf32, #tpu.memory_space<vmem>> -> memref<1x128x32xf32, #tpu.memory_space<vmem>>
            %dma_wait3A_2300 = tpu.memref_squeeze %dma_wait3A_2299 : memref<1x128x32xf32, #tpu.memory_space<vmem>> -> memref<128x32xf32, #tpu.memory_space<vmem>>
            %dma_wait3A_2301 = arith.constant 0 : i32
            %dma_wait3A_2302 = tpu.memref_slice %arg16[%dma_wait3A_2296, %dma_wait3A_2301] : memref<4x128xi32, #tpu.memory_space<vmem>> -> memref<1x128xi32, #tpu.memory_space<vmem>>
            %dma_wait3A_2303 = tpu.memref_squeeze %dma_wait3A_2302 : memref<1x128xi32, #tpu.memory_space<vmem>> -> memref<128xi32, #tpu.memory_space<vmem>>
            %dma_wait3A_2304 = arith.constant 0 : i32
            %dma_wait3A_2305 = arith.constant 0 : i32
            %dma_wait3A_2306 = tpu.memref_slice %arg22[%dma_wait3A_2304, %dma_wait3A_2305] : memref<10008x32xf32, #tpu.memory_space<vmem_shared>> -> memref<10008x32xf32, #tpu.memory_space<vmem_shared>>
            tpu.wait_indirect_dma semaphore(%arg34 : memref<!tpu.dma_semaphore, #tpu.memory_space<semaphore_mem>>) src(%dma_wait3A_2300 : memref<128x32xf32, #tpu.memory_space<vmem>>) dst(%dma_wait3A_2306 : memref<10008x32xf32, #tpu.memory_space<vmem_shared>>)
          } else {
          }
          %eq3A_2278 = arith.constant 1 : i32
          %eq3A_2279 = arith.cmpi eq, %arg0, %eq3A_2278 : i32
          %convert_element_type3A_2280 = arith.extui %eq3A_2279 : i1 to i32
          %cond3A_2281 = arith.constant 0 : i32
          %cond3A_2282 = arith.cmpi ne, %convert_element_type3A_2280, %cond3A_2281 : i32
          scf.if %cond3A_2282 {
            %dma_wait3A_2283 = arith.constant 3 : i32
            %dma_wait3A_2284 = arith.constant 3 : i32
            %dma_wait3A_2285 = arith.constant 0 : i32
            %dma_wait3A_2286 = arith.constant 0 : i32
            %dma_wait3A_2287 = tpu.memref_slice %arg18[%dma_wait3A_2283, %dma_wait3A_2285, %dma_wait3A_2286] : memref<4x128x64xf32, #tpu.memory_space<vmem>> -> memref<1x128x64xf32, #tpu.memory_space<vmem>>
            %dma_wait3A_2288 = tpu.memref_squeeze %dma_wait3A_2287 : memref<1x128x64xf32, #tpu.memory_space<vmem>> -> memref<128x64xf32, #tpu.memory_space<vmem>>
            %dma_wait3A_2289 = arith.constant 0 : i32
            %dma_wait3A_2290 = tpu.memref_slice %arg15[%dma_wait3A_2284, %dma_wait3A_2289] : memref<4x128xi32, #tpu.memory_space<vmem>> -> memref<1x128xi32, #tpu.memory_space<vmem>>
            %dma_wait3A_2291 = tpu.memref_squeeze %dma_wait3A_2290 : memref<1x128xi32, #tpu.memory_space<vmem>> -> memref<128xi32, #tpu.memory_space<vmem>>
            %dma_wait3A_2292 = arith.constant 0 : i32
            %dma_wait3A_2293 = arith.constant 0 : i32
            %dma_wait3A_2294 = tpu.memref_slice %arg21[%dma_wait3A_2292, %dma_wait3A_2293] : memref<10008x64xf32, #tpu.memory_space<vmem_shared>> -> memref<10008x64xf32, #tpu.memory_space<vmem_shared>>
            tpu.wait_indirect_dma semaphore(%arg34 : memref<!tpu.dma_semaphore, #tpu.memory_space<semaphore_mem>>) src(%dma_wait3A_2288 : memref<128x64xf32, #tpu.memory_space<vmem>>) dst(%dma_wait3A_2294 : memref<10008x64xf32, #tpu.memory_space<vmem_shared>>)
            %dma_wait3A_2295 = arith.constant 3 : i32
            %dma_wait3A_2296 = arith.constant 3 : i32
            %dma_wait3A_2297 = arith.constant 0 : i32
            %dma_wait3A_2298 = arith.constant 0 : i32
            %dma_wait3A_2299 = tpu.memref_slice %arg19[%dma_wait3A_2295, %dma_wait3A_2297, %dma_wait3A_2298] : memref<4x128x32xf32, #tpu.memory_space<vmem>> -> memref<1x128x32xf32, #tpu.memory_space<vmem>>
            %dma_wait3A_2300 = tpu.memref_squeeze %dma_wait3A_2299 : memref<1x128x32xf32, #tpu.memory_space<vmem>> -> memref<128x32xf32, #tpu.memory_space<vmem>>
            %dma_wait3A_2301 = arith.constant 0 : i32
            %dma_wait3A_2302 = tpu.memref_slice %arg15[%dma_wait3A_2296, %dma_wait3A_2301] : memref<4x128xi32, #tpu.memory_space<vmem>> -> memref<1x128xi32, #tpu.memory_space<vmem>>
            %dma_wait3A_2303 = tpu.memref_squeeze %dma_wait3A_2302 : memref<1x128xi32, #tpu.memory_space<vmem>> -> memref<128xi32, #tpu.memory_space<vmem>>
            %dma_wait3A_2304 = arith.constant 0 : i32
            %dma_wait3A_2305 = arith.constant 0 : i32
            %dma_wait3A_2306 = tpu.memref_slice %arg22[%dma_wait3A_2304, %dma_wait3A_2305] : memref<10008x32xf32, #tpu.memory_space<vmem_shared>> -> memref<10008x32xf32, #tpu.memory_space<vmem_shared>>
            tpu.wait_indirect_dma semaphore(%arg34 : memref<!tpu.dma_semaphore, #tpu.memory_space<semaphore_mem>>) src(%dma_wait3A_2300 : memref<128x32xf32, #tpu.memory_space<vmem>>) dst(%dma_wait3A_2306 : memref<10008x32xf32, #tpu.memory_space<vmem_shared>>)
          } else {
          }
        } else {
        }
        %add3A_2227 = arith.constant 2 : i32
        %add3A_2228 = arith.addi %add3A_729, %add3A_2227 : i32
        %mul3A_2229 = arith.constant 16 : i32
        %mul3A_2230 = arith.muli %mul3A_2229, %add3A_2228 : i32
        %add3A_2231 = arith.addi %arg1, %mul3A_2230 : i32
        %mul3A_2232 = arith.constant 128 : i32
        %mul3A_2233 = arith.muli %add3A_2231, %mul3A_2232 : i32
        %mul3A_2234 = arith.constant 4 : i32
        %mul3A_2235 = arith.muli %mul3A_2234, %mul3A_2233 : i32
        %dma_start3A_2236 = arith.constant 3 : i32
        %dma_start3A_2237 = arith.constant 0 : i32
        %dma_start3A_2238 = tpu.memref_slice %arg15[%dma_start3A_2236, %dma_start3A_2237] : memref<4x128xi32, #tpu.memory_space<vmem>> -> memref<1x128xi32, #tpu.memory_space<vmem>>
        %dma_start3A_2239 = tpu.memref_squeeze %dma_start3A_2238 : memref<1x128xi32, #tpu.memory_space<vmem>> -> memref<128xi32, #tpu.memory_space<vmem>>
        %dma_start3A_2240 = tpu.memref_slice %arg2[%mul3A_2233] : memref<327680xi32, #tpu.memory_space<hbm>> -> memref<128xi32, #tpu.memory_space<hbm>>
        %dma_start3A_2241 = arith.constant 0 : i32
        %dma_start3A_2242 = tpu.memref_slice %arg15[%dma_start3A_2236, %dma_start3A_2241] : memref<4x128xi32, #tpu.memory_space<vmem>> -> memref<1x128xi32, #tpu.memory_space<vmem>>
        %dma_start3A_2243 = tpu.memref_squeeze %dma_start3A_2242 : memref<1x128xi32, #tpu.memory_space<vmem>> -> memref<128xi32, #tpu.memory_space<vmem>>
        %dma_start3A_2244 = tpu.memref_slice %arg2[%mul3A_2233] : memref<327680xi32, #tpu.memory_space<hbm>> -> memref<128xi32, #tpu.memory_space<hbm>>
        tpu.enqueue_dma source(%dma_start3A_2244 : memref<128xi32, #tpu.memory_space<hbm>>) target(%dma_start3A_2243 : memref<128xi32, #tpu.memory_space<vmem>>) target_semaphore(%arg26 : memref<!tpu.dma_semaphore, #tpu.memory_space<semaphore_mem>>)
        %dma_start3A_2245 = arith.constant 3 : i32
        %dma_start3A_2246 = arith.constant 0 : i32
        %dma_start3A_2247 = tpu.memref_slice %arg16[%dma_start3A_2245, %dma_start3A_2246] : memref<4x128xi32, #tpu.memory_space<vmem>> -> memref<1x128xi32, #tpu.memory_space<vmem>>
        %dma_start3A_2248 = tpu.memref_squeeze %dma_start3A_2247 : memref<1x128xi32, #tpu.memory_space<vmem>> -> memref<128xi32, #tpu.memory_space<vmem>>
        %dma_start3A_2249 = tpu.memref_slice %arg3[%mul3A_2233] : memref<327680xi32, #tpu.memory_space<hbm>> -> memref<128xi32, #tpu.memory_space<hbm>>
        %dma_start3A_2250 = arith.constant 0 : i32
        %dma_start3A_2251 = tpu.memref_slice %arg16[%dma_start3A_2245, %dma_start3A_2250] : memref<4x128xi32, #tpu.memory_space<vmem>> -> memref<1x128xi32, #tpu.memory_space<vmem>>
        %dma_start3A_2252 = tpu.memref_squeeze %dma_start3A_2251 : memref<1x128xi32, #tpu.memory_space<vmem>> -> memref<128xi32, #tpu.memory_space<vmem>>
        %dma_start3A_2253 = tpu.memref_slice %arg3[%mul3A_2233] : memref<327680xi32, #tpu.memory_space<hbm>> -> memref<128xi32, #tpu.memory_space<hbm>>
        tpu.enqueue_dma source(%dma_start3A_2253 : memref<128xi32, #tpu.memory_space<hbm>>) target(%dma_start3A_2252 : memref<128xi32, #tpu.memory_space<vmem>>) target_semaphore(%arg26 : memref<!tpu.dma_semaphore, #tpu.memory_space<semaphore_mem>>)
        %dma_start3A_2254 = arith.constant 3 : i32
        %dma_start3A_2255 = arith.constant 0 : i32
        %dma_start3A_2256 = tpu.memref_slice %arg17[%dma_start3A_2254, %dma_start3A_2255] : memref<4x128xi32, #tpu.memory_space<vmem>> -> memref<1x128xi32, #tpu.memory_space<vmem>>
        %dma_start3A_2257 = tpu.memref_squeeze %dma_start3A_2256 : memref<1x128xi32, #tpu.memory_space<vmem>> -> memref<128xi32, #tpu.memory_space<vmem>>
        %dma_start3A_2258 = tpu.memref_slice %arg4[%mul3A_2233] : memref<327680xi32, #tpu.memory_space<hbm>> -> memref<128xi32, #tpu.memory_space<hbm>>
        %dma_start3A_2259 = arith.constant 0 : i32
        %dma_start3A_2260 = tpu.memref_slice %arg17[%dma_start3A_2254, %dma_start3A_2259] : memref<4x128xi32, #tpu.memory_space<vmem>> -> memref<1x128xi32, #tpu.memory_space<vmem>>
        %dma_start3A_2261 = tpu.memref_squeeze %dma_start3A_2260 : memref<1x128xi32, #tpu.memory_space<vmem>> -> memref<128xi32, #tpu.memory_space<vmem>>
        %dma_start3A_2262 = tpu.memref_slice %arg4[%mul3A_2233] : memref<327680xi32, #tpu.memory_space<hbm>> -> memref<128xi32, #tpu.memory_space<hbm>>
        tpu.enqueue_dma source(%dma_start3A_2262 : memref<128xi32, #tpu.memory_space<hbm>>) target(%dma_start3A_2261 : memref<128xi32, #tpu.memory_space<vmem>>) target_semaphore(%arg26 : memref<!tpu.dma_semaphore, #tpu.memory_space<semaphore_mem>>)
        %dma_start3A_2263 = arith.constant 3 : i32
        %dma_start3A_2264 = arith.constant 0 : i32
        %dma_start3A_2265 = tpu.memref_slice %arg20[%dma_start3A_2263, %dma_start3A_2264] : memref<4x512xf32, #tpu.memory_space<vmem>> -> memref<1x512xf32, #tpu.memory_space<vmem>>
        %dma_start3A_2266 = tpu.memref_squeeze %dma_start3A_2265 : memref<1x512xf32, #tpu.memory_space<vmem>> -> memref<512xf32, #tpu.memory_space<vmem>>
        %dma_start3A_2267 = tpu.memref_slice %arg5[%mul3A_2235] : memref<1310720xf32, #tpu.memory_space<hbm>> -> memref<512xf32, #tpu.memory_space<hbm>>
        %dma_start3A_2268 = arith.constant 0 : i32
        %dma_start3A_2269 = tpu.memref_slice %arg20[%dma_start3A_2263, %dma_start3A_2268] : memref<4x512xf32, #tpu.memory_space<vmem>> -> memref<1x512xf32, #tpu.memory_space<vmem>>
        %dma_start3A_2270 = tpu.memref_squeeze %dma_start3A_2269 : memref<1x512xf32, #tpu.memory_space<vmem>> -> memref<512xf32, #tpu.memory_space<vmem>>
        %dma_start3A_2271 = tpu.memref_slice %arg5[%mul3A_2235] : memref<1310720xf32, #tpu.memory_space<hbm>> -> memref<512xf32, #tpu.memory_space<hbm>>
        tpu.enqueue_dma source(%dma_start3A_2271 : memref<512xf32, #tpu.memory_space<hbm>>) target(%dma_start3A_2270 : memref<512xf32, #tpu.memory_space<vmem>>) target_semaphore(%arg26 : memref<!tpu.dma_semaphore, #tpu.memory_space<semaphore_mem>>)
      } else {
      }
      %add3A_737 = arith.constant 1 : i32
      %add3A_738 = arith.addi %add3A_729, %add3A_737 : i32
      %lt3A_739 = arith.constant 160 : i32
      %lt3A_740 = arith.cmpi slt, %add3A_738, %lt3A_739 : i32
      %convert_element_type3A_741 = arith.extui %lt3A_740 : i1 to i32
      %cond3A_742 = arith.constant 0 : i32
      %cond3A_743 = arith.cmpi ne, %convert_element_type3A_741, %cond3A_742 : i32
      scf.if %cond3A_743 {
        %add3A_2223 = arith.constant 1 : i32
        %add3A_2224 = arith.addi %add3A_729, %add3A_2223 : i32
        %mul3A_2225 = arith.constant 16 : i32
        %mul3A_2226 = arith.muli %mul3A_2225, %add3A_2224 : i32
        %add3A_2227 = arith.addi %arg1, %mul3A_2226 : i32
        %mul3A_2228 = arith.constant 128 : i32
        %mul3A_2229 = arith.muli %add3A_2227, %mul3A_2228 : i32
        %mul3A_2230 = arith.constant 4 : i32
        %mul3A_2231 = arith.muli %mul3A_2230, %mul3A_2229 : i32
        %dma_wait3A_2232 = arith.constant 2 : i32
        %dma_wait3A_2233 = arith.constant 0 : i32
        %dma_wait3A_2234 = tpu.memref_slice %arg15[%dma_wait3A_2232, %dma_wait3A_2233] : memref<4x128xi32, #tpu.memory_space<vmem>> -> memref<1x128xi32, #tpu.memory_space<vmem>>
        %dma_wait3A_2235 = tpu.memref_squeeze %dma_wait3A_2234 : memref<1x128xi32, #tpu.memory_space<vmem>> -> memref<128xi32, #tpu.memory_space<vmem>>
        %dma_wait3A_2236 = tpu.memref_slice %arg2[%mul3A_2229] : memref<327680xi32, #tpu.memory_space<hbm>> -> memref<128xi32, #tpu.memory_space<hbm>>
        %dma_wait3A_2237 = arith.constant 0 : i32
        %dma_wait3A_2238 = tpu.memref_slice %arg15[%dma_wait3A_2232, %dma_wait3A_2237] : memref<4x128xi32, #tpu.memory_space<vmem>> -> memref<1x128xi32, #tpu.memory_space<vmem>>
        %dma_wait3A_2239 = tpu.memref_squeeze %dma_wait3A_2238 : memref<1x128xi32, #tpu.memory_space<vmem>> -> memref<128xi32, #tpu.memory_space<vmem>>
        %dma_wait3A_2240 = tpu.memref_slice %arg2[%mul3A_2229] : memref<327680xi32, #tpu.memory_space<hbm>> -> memref<128xi32, #tpu.memory_space<hbm>>
        tpu.wait_dma2 semaphore(%arg25 : memref<!tpu.dma_semaphore, #tpu.memory_space<semaphore_mem>>) src(%dma_wait3A_2240 : memref<128xi32, #tpu.memory_space<hbm>>) dst(%dma_wait3A_2239 : memref<128xi32, #tpu.memory_space<vmem>>)
        %dma_wait3A_2241 = arith.constant 2 : i32
        %dma_wait3A_2242 = arith.constant 0 : i32
        %dma_wait3A_2243 = tpu.memref_slice %arg16[%dma_wait3A_2241, %dma_wait3A_2242] : memref<4x128xi32, #tpu.memory_space<vmem>> -> memref<1x128xi32, #tpu.memory_space<vmem>>
        %dma_wait3A_2244 = tpu.memref_squeeze %dma_wait3A_2243 : memref<1x128xi32, #tpu.memory_space<vmem>> -> memref<128xi32, #tpu.memory_space<vmem>>
        %dma_wait3A_2245 = tpu.memref_slice %arg3[%mul3A_2229] : memref<327680xi32, #tpu.memory_space<hbm>> -> memref<128xi32, #tpu.memory_space<hbm>>
        %dma_wait3A_2246 = arith.constant 0 : i32
        %dma_wait3A_2247 = tpu.memref_slice %arg16[%dma_wait3A_2241, %dma_wait3A_2246] : memref<4x128xi32, #tpu.memory_space<vmem>> -> memref<1x128xi32, #tpu.memory_space<vmem>>
        %dma_wait3A_2248 = tpu.memref_squeeze %dma_wait3A_2247 : memref<1x128xi32, #tpu.memory_space<vmem>> -> memref<128xi32, #tpu.memory_space<vmem>>
        %dma_wait3A_2249 = tpu.memref_slice %arg3[%mul3A_2229] : memref<327680xi32, #tpu.memory_space<hbm>> -> memref<128xi32, #tpu.memory_space<hbm>>
        tpu.wait_dma2 semaphore(%arg25 : memref<!tpu.dma_semaphore, #tpu.memory_space<semaphore_mem>>) src(%dma_wait3A_2249 : memref<128xi32, #tpu.memory_space<hbm>>) dst(%dma_wait3A_2248 : memref<128xi32, #tpu.memory_space<vmem>>)
        %dma_wait3A_2250 = arith.constant 2 : i32
        %dma_wait3A_2251 = arith.constant 0 : i32
        %dma_wait3A_2252 = tpu.memref_slice %arg17[%dma_wait3A_2250, %dma_wait3A_2251] : memref<4x128xi32, #tpu.memory_space<vmem>> -> memref<1x128xi32, #tpu.memory_space<vmem>>
        %dma_wait3A_2253 = tpu.memref_squeeze %dma_wait3A_2252 : memref<1x128xi32, #tpu.memory_space<vmem>> -> memref<128xi32, #tpu.memory_space<vmem>>
        %dma_wait3A_2254 = tpu.memref_slice %arg4[%mul3A_2229] : memref<327680xi32, #tpu.memory_space<hbm>> -> memref<128xi32, #tpu.memory_space<hbm>>
        %dma_wait3A_2255 = arith.constant 0 : i32
        %dma_wait3A_2256 = tpu.memref_slice %arg17[%dma_wait3A_2250, %dma_wait3A_2255] : memref<4x128xi32, #tpu.memory_space<vmem>> -> memref<1x128xi32, #tpu.memory_space<vmem>>
        %dma_wait3A_2257 = tpu.memref_squeeze %dma_wait3A_2256 : memref<1x128xi32, #tpu.memory_space<vmem>> -> memref<128xi32, #tpu.memory_space<vmem>>
        %dma_wait3A_2258 = tpu.memref_slice %arg4[%mul3A_2229] : memref<327680xi32, #tpu.memory_space<hbm>> -> memref<128xi32, #tpu.memory_space<hbm>>
        tpu.wait_dma2 semaphore(%arg25 : memref<!tpu.dma_semaphore, #tpu.memory_space<semaphore_mem>>) src(%dma_wait3A_2258 : memref<128xi32, #tpu.memory_space<hbm>>) dst(%dma_wait3A_2257 : memref<128xi32, #tpu.memory_space<vmem>>)
        %dma_wait3A_2259 = arith.constant 2 : i32
        %dma_wait3A_2260 = arith.constant 0 : i32
        %dma_wait3A_2261 = tpu.memref_slice %arg20[%dma_wait3A_2259, %dma_wait3A_2260] : memref<4x512xf32, #tpu.memory_space<vmem>> -> memref<1x512xf32, #tpu.memory_space<vmem>>
        %dma_wait3A_2262 = tpu.memref_squeeze %dma_wait3A_2261 : memref<1x512xf32, #tpu.memory_space<vmem>> -> memref<512xf32, #tpu.memory_space<vmem>>
        %dma_wait3A_2263 = tpu.memref_slice %arg5[%mul3A_2231] : memref<1310720xf32, #tpu.memory_space<hbm>> -> memref<512xf32, #tpu.memory_space<hbm>>
        %dma_wait3A_2264 = arith.constant 0 : i32
        %dma_wait3A_2265 = tpu.memref_slice %arg20[%dma_wait3A_2259, %dma_wait3A_2264] : memref<4x512xf32, #tpu.memory_space<vmem>> -> memref<1x512xf32, #tpu.memory_space<vmem>>
        %dma_wait3A_2266 = tpu.memref_squeeze %dma_wait3A_2265 : memref<1x512xf32, #tpu.memory_space<vmem>> -> memref<512xf32, #tpu.memory_space<vmem>>
        %dma_wait3A_2267 = tpu.memref_slice %arg5[%mul3A_2231] : memref<1310720xf32, #tpu.memory_space<hbm>> -> memref<512xf32, #tpu.memory_space<hbm>>
        tpu.wait_dma2 semaphore(%arg25 : memref<!tpu.dma_semaphore, #tpu.memory_space<semaphore_mem>>) src(%dma_wait3A_2267 : memref<512xf32, #tpu.memory_space<hbm>>) dst(%dma_wait3A_2266 : memref<512xf32, #tpu.memory_space<vmem>>)
        %add3A_2268 = arith.constant 1 : i32
        %add3A_2269 = arith.addi %add3A_729, %add3A_2268 : i32
        %eq3A_2270 = arith.constant 0 : i32
        %eq3A_2271 = arith.cmpi eq, %arg0, %eq3A_2270 : i32
        %convert_element_type3A_2272 = arith.extui %eq3A_2271 : i1 to i32
        %cond3A_2273 = arith.constant 0 : i32
        %cond3A_2274 = arith.cmpi ne, %convert_element_type3A_2272, %cond3A_2273 : i32
        scf.if %cond3A_2274 {
          %dma_start3A_2292 = arith.constant 2 : i32
          %dma_start3A_2293 = arith.constant 2 : i32
          %dma_start3A_2294 = arith.constant 0 : i32
          %dma_start3A_2295 = arith.constant 0 : i32
          %dma_start3A_2296 = tpu.memref_slice %arg18[%dma_start3A_2293, %dma_start3A_2294, %dma_start3A_2295] : memref<4x128x64xf32, #tpu.memory_space<vmem>> -> memref<1x128x64xf32, #tpu.memory_space<vmem>>
          %dma_start3A_2297 = tpu.memref_squeeze %dma_start3A_2296 : memref<1x128x64xf32, #tpu.memory_space<vmem>> -> memref<128x64xf32, #tpu.memory_space<vmem>>
          %dma_start3A_2298 = arith.constant 0 : i32
          %dma_start3A_2299 = tpu.memref_slice %arg15[%dma_start3A_2292, %dma_start3A_2298] : memref<4x128xi32, #tpu.memory_space<vmem>> -> memref<1x128xi32, #tpu.memory_space<vmem>>
          %dma_start3A_2300 = tpu.memref_squeeze %dma_start3A_2299 : memref<1x128xi32, #tpu.memory_space<vmem>> -> memref<128xi32, #tpu.memory_space<vmem>>
          %dma_start3A_2301 = arith.constant 0 : i32
          %dma_start3A_2302 = arith.constant 0 : i32
          %dma_start3A_2303 = tpu.memref_slice %arg6[%dma_start3A_2301, %dma_start3A_2302] : memref<2056x64xf32, #tpu.memory_space<hbm>> -> memref<2056x64xf32, #tpu.memory_space<hbm>>
          tpu.enqueue_indirect_dma source(%dma_start3A_2303 : memref<2056x64xf32, #tpu.memory_space<hbm>>) target(%dma_start3A_2297 : memref<128x64xf32, #tpu.memory_space<vmem>>) offsets(%dma_start3A_2300 : memref<128xi32, #tpu.memory_space<vmem>>) semaphore(%arg29 : memref<!tpu.dma_semaphore, #tpu.memory_space<semaphore_mem>>)
        } else {
        }
        %eq3A_2275 = arith.constant 1 : i32
        %eq3A_2276 = arith.cmpi eq, %arg0, %eq3A_2275 : i32
        %convert_element_type3A_2277 = arith.extui %eq3A_2276 : i1 to i32
        %cond3A_2278 = arith.constant 0 : i32
        %cond3A_2279 = arith.cmpi ne, %convert_element_type3A_2277, %cond3A_2278 : i32
        scf.if %cond3A_2279 {
          %dma_start3A_2292 = arith.constant 2 : i32
          %dma_start3A_2293 = arith.constant 2 : i32
          %dma_start3A_2294 = arith.constant 0 : i32
          %dma_start3A_2295 = arith.constant 0 : i32
          %dma_start3A_2296 = tpu.memref_slice %arg18[%dma_start3A_2293, %dma_start3A_2294, %dma_start3A_2295] : memref<4x128x64xf32, #tpu.memory_space<vmem>> -> memref<1x128x64xf32, #tpu.memory_space<vmem>>
          %dma_start3A_2297 = tpu.memref_squeeze %dma_start3A_2296 : memref<1x128x64xf32, #tpu.memory_space<vmem>> -> memref<128x64xf32, #tpu.memory_space<vmem>>
          %dma_start3A_2298 = arith.constant 0 : i32
          %dma_start3A_2299 = tpu.memref_slice %arg16[%dma_start3A_2292, %dma_start3A_2298] : memref<4x128xi32, #tpu.memory_space<vmem>> -> memref<1x128xi32, #tpu.memory_space<vmem>>
          %dma_start3A_2300 = tpu.memref_squeeze %dma_start3A_2299 : memref<1x128xi32, #tpu.memory_space<vmem>> -> memref<128xi32, #tpu.memory_space<vmem>>
          %dma_start3A_2301 = arith.constant 0 : i32
          %dma_start3A_2302 = arith.constant 0 : i32
          %dma_start3A_2303 = tpu.memref_slice %arg7[%dma_start3A_2301, %dma_start3A_2302] : memref<10008x64xf32, #tpu.memory_space<hbm>> -> memref<10008x64xf32, #tpu.memory_space<hbm>>
          tpu.enqueue_indirect_dma source(%dma_start3A_2303 : memref<10008x64xf32, #tpu.memory_space<hbm>>) target(%dma_start3A_2297 : memref<128x64xf32, #tpu.memory_space<vmem>>) offsets(%dma_start3A_2300 : memref<128xi32, #tpu.memory_space<vmem>>) semaphore(%arg29 : memref<!tpu.dma_semaphore, #tpu.memory_space<semaphore_mem>>)
        } else {
        }
        %dma_start3A_2280 = arith.constant 2 : i32
        %dma_start3A_2281 = arith.constant 2 : i32
        %dma_start3A_2282 = arith.constant 0 : i32
        %dma_start3A_2283 = arith.constant 0 : i32
        %dma_start3A_2284 = tpu.memref_slice %arg19[%dma_start3A_2281, %dma_start3A_2282, %dma_start3A_2283] : memref<4x128x32xf32, #tpu.memory_space<vmem>> -> memref<1x128x32xf32, #tpu.memory_space<vmem>>
        %dma_start3A_2285 = tpu.memref_squeeze %dma_start3A_2284 : memref<1x128x32xf32, #tpu.memory_space<vmem>> -> memref<128x32xf32, #tpu.memory_space<vmem>>
        %dma_start3A_2286 = arith.constant 0 : i32
        %dma_start3A_2287 = tpu.memref_slice %arg17[%dma_start3A_2280, %dma_start3A_2286] : memref<4x128xi32, #tpu.memory_space<vmem>> -> memref<1x128xi32, #tpu.memory_space<vmem>>
        %dma_start3A_2288 = tpu.memref_squeeze %dma_start3A_2287 : memref<1x128xi32, #tpu.memory_space<vmem>> -> memref<128xi32, #tpu.memory_space<vmem>>
        %dma_start3A_2289 = arith.constant 0 : i32
        %dma_start3A_2290 = arith.constant 0 : i32
        %dma_start3A_2291 = tpu.memref_slice %arg8[%dma_start3A_2289, %dma_start3A_2290] : memref<10008x32xf32, #tpu.memory_space<hbm>> -> memref<10008x32xf32, #tpu.memory_space<hbm>>
        tpu.enqueue_indirect_dma source(%dma_start3A_2291 : memref<10008x32xf32, #tpu.memory_space<hbm>>) target(%dma_start3A_2285 : memref<128x32xf32, #tpu.memory_space<vmem>>) offsets(%dma_start3A_2288 : memref<128xi32, #tpu.memory_space<vmem>>) semaphore(%arg29 : memref<!tpu.dma_semaphore, #tpu.memory_space<semaphore_mem>>)
      } else {
      }
      %eq3A_744 = arith.constant 0 : i32
      %eq3A_745 = arith.cmpi eq, %arg0, %eq3A_744 : i32
      %convert_element_type3A_746 = arith.extui %eq3A_745 : i1 to i32
      %cond3A_747 = arith.constant 0 : i32
      %cond3A_748 = arith.cmpi ne, %convert_element_type3A_746, %cond3A_747 : i32
      scf.if %cond3A_748 {
        %dma_wait3A_2223 = arith.constant 1 : i32
        %dma_wait3A_2224 = arith.constant 1 : i32
        %dma_wait3A_2225 = arith.constant 0 : i32
        %dma_wait3A_2226 = arith.constant 0 : i32
        %dma_wait3A_2227 = tpu.memref_slice %arg18[%dma_wait3A_2224, %dma_wait3A_2225, %dma_wait3A_2226] : memref<4x128x64xf32, #tpu.memory_space<vmem>> -> memref<1x128x64xf32, #tpu.memory_space<vmem>>
        %dma_wait3A_2228 = tpu.memref_squeeze %dma_wait3A_2227 : memref<1x128x64xf32, #tpu.memory_space<vmem>> -> memref<128x64xf32, #tpu.memory_space<vmem>>
        %dma_wait3A_2229 = arith.constant 0 : i32
        %dma_wait3A_2230 = tpu.memref_slice %arg15[%dma_wait3A_2223, %dma_wait3A_2229] : memref<4x128xi32, #tpu.memory_space<vmem>> -> memref<1x128xi32, #tpu.memory_space<vmem>>
        %dma_wait3A_2231 = tpu.memref_squeeze %dma_wait3A_2230 : memref<1x128xi32, #tpu.memory_space<vmem>> -> memref<128xi32, #tpu.memory_space<vmem>>
        %dma_wait3A_2232 = arith.constant 0 : i32
        %dma_wait3A_2233 = arith.constant 0 : i32
        %dma_wait3A_2234 = tpu.memref_slice %arg6[%dma_wait3A_2232, %dma_wait3A_2233] : memref<2056x64xf32, #tpu.memory_space<hbm>> -> memref<2056x64xf32, #tpu.memory_space<hbm>>
        tpu.wait_indirect_dma semaphore(%arg28 : memref<!tpu.dma_semaphore, #tpu.memory_space<semaphore_mem>>) src(%dma_wait3A_2234 : memref<2056x64xf32, #tpu.memory_space<hbm>>) dst(%dma_wait3A_2228 : memref<128x64xf32, #tpu.memory_space<vmem>>)
      } else {
      }
      %eq3A_749 = arith.constant 1 : i32
      %eq3A_750 = arith.cmpi eq, %arg0, %eq3A_749 : i32
      %convert_element_type3A_751 = arith.extui %eq3A_750 : i1 to i32
      %cond3A_752 = arith.constant 0 : i32
      %cond3A_753 = arith.cmpi ne, %convert_element_type3A_751, %cond3A_752 : i32
      scf.if %cond3A_753 {
        %dma_wait3A_2223 = arith.constant 1 : i32
        %dma_wait3A_2224 = arith.constant 1 : i32
        %dma_wait3A_2225 = arith.constant 0 : i32
        %dma_wait3A_2226 = arith.constant 0 : i32
        %dma_wait3A_2227 = tpu.memref_slice %arg18[%dma_wait3A_2224, %dma_wait3A_2225, %dma_wait3A_2226] : memref<4x128x64xf32, #tpu.memory_space<vmem>> -> memref<1x128x64xf32, #tpu.memory_space<vmem>>
        %dma_wait3A_2228 = tpu.memref_squeeze %dma_wait3A_2227 : memref<1x128x64xf32, #tpu.memory_space<vmem>> -> memref<128x64xf32, #tpu.memory_space<vmem>>
        %dma_wait3A_2229 = arith.constant 0 : i32
        %dma_wait3A_2230 = tpu.memref_slice %arg16[%dma_wait3A_2223, %dma_wait3A_2229] : memref<4x128xi32, #tpu.memory_space<vmem>> -> memref<1x128xi32, #tpu.memory_space<vmem>>
        %dma_wait3A_2231 = tpu.memref_squeeze %dma_wait3A_2230 : memref<1x128xi32, #tpu.memory_space<vmem>> -> memref<128xi32, #tpu.memory_space<vmem>>
        %dma_wait3A_2232 = arith.constant 0 : i32
        %dma_wait3A_2233 = arith.constant 0 : i32
        %dma_wait3A_2234 = tpu.memref_slice %arg7[%dma_wait3A_2232, %dma_wait3A_2233] : memref<10008x64xf32, #tpu.memory_space<hbm>> -> memref<10008x64xf32, #tpu.memory_space<hbm>>
        tpu.wait_indirect_dma semaphore(%arg28 : memref<!tpu.dma_semaphore, #tpu.memory_space<semaphore_mem>>) src(%dma_wait3A_2234 : memref<10008x64xf32, #tpu.memory_space<hbm>>) dst(%dma_wait3A_2228 : memref<128x64xf32, #tpu.memory_space<vmem>>)
      } else {
      }
      %dma_wait3A_754 = arith.constant 1 : i32
      %dma_wait3A_755 = arith.constant 1 : i32
      %dma_wait3A_756 = arith.constant 0 : i32
      %dma_wait3A_757 = arith.constant 0 : i32
      %dma_wait3A_758 = tpu.memref_slice %arg19[%dma_wait3A_755, %dma_wait3A_756, %dma_wait3A_757] : memref<4x128x32xf32, #tpu.memory_space<vmem>> -> memref<1x128x32xf32, #tpu.memory_space<vmem>>
      %dma_wait3A_759 = tpu.memref_squeeze %dma_wait3A_758 : memref<1x128x32xf32, #tpu.memory_space<vmem>> -> memref<128x32xf32, #tpu.memory_space<vmem>>
      %dma_wait3A_760 = arith.constant 0 : i32
      %dma_wait3A_761 = tpu.memref_slice %arg17[%dma_wait3A_754, %dma_wait3A_760] : memref<4x128xi32, #tpu.memory_space<vmem>> -> memref<1x128xi32, #tpu.memory_space<vmem>>
      %dma_wait3A_762 = tpu.memref_squeeze %dma_wait3A_761 : memref<1x128xi32, #tpu.memory_space<vmem>> -> memref<128xi32, #tpu.memory_space<vmem>>
      %dma_wait3A_763 = arith.constant 0 : i32
      %dma_wait3A_764 = arith.constant 0 : i32
      %dma_wait3A_765 = tpu.memref_slice %arg8[%dma_wait3A_763, %dma_wait3A_764] : memref<10008x32xf32, #tpu.memory_space<hbm>> -> memref<10008x32xf32, #tpu.memory_space<hbm>>
      tpu.wait_indirect_dma semaphore(%arg28 : memref<!tpu.dma_semaphore, #tpu.memory_space<semaphore_mem>>) src(%dma_wait3A_765 : memref<10008x32xf32, #tpu.memory_space<hbm>>) dst(%dma_wait3A_759 : memref<128x32xf32, #tpu.memory_space<vmem>>)
      %iota3A_766 = tpu.iota {dimensions = array<i32: 0>} : vector<16xi32>
      %get3A_767 = arith.constant 1 : i32
      %get3A_768 = arith.index_cast %get3A_767 : i32 to index
      %get3A_769 = arith.constant 0 : index
      %get3A_770 = tpu.vector_load %arg20[%get3A_768, %get3A_769] {strides = array<i32>} : memref<4x512xf32, #tpu.memory_space<vmem>>, vector<16xf32>,
      %add3A_771 = arith.constant 0 : i32
      %add3A_772 = vector.broadcast %add3A_771 : i32 to vector<16xi32>
      %add3A_773 = arith.addi %iota3A_766, %add3A_772 : vector<16xi32>
      %broadcast_in_dim3A_774 = arith.constant 24 : i32
      %broadcast_in_dim3A_775 = vector.broadcast %broadcast_in_dim3A_774 : i32 to vector<16xi32>
      %scatter3A_776 = arith.constant 1 : i32
      %scatter3A_777 = arith.constant 0 : i32
      %scatter3A_778 = arith.constant 0 : i32
      %scatter3A_779 = tpu.memref_slice %arg19[%scatter3A_776, %scatter3A_777, %scatter3A_778] : memref<4x128x32xf32, #tpu.memory_space<vmem>> -> memref<1x128x32xf32, #tpu.memory_space<vmem>>
      %scatter3A_780 = tpu.memref_squeeze %scatter3A_779 : memref<1x128x32xf32, #tpu.memory_space<vmem>> -> memref<128x32xf32, #tpu.memory_space<vmem>>
      tpu.vector_store_idx %scatter3A_780[%add3A_773, %broadcast_in_dim3A_775], %get3A_770 : memref<128x32xf32, #tpu.memory_space<vmem>>[vector<16xi32>, vector<16xi32>], vector<16xf32>,
      %get3A_781 = arith.constant 1 : i32
      %get3A_782 = arith.index_cast %get3A_781 : i32 to index
      %get3A_783 = arith.constant 16 : index
      %get3A_784 = tpu.vector_load %arg20[%get3A_782, %get3A_783] {strides = array<i32>} : memref<4x512xf32, #tpu.memory_space<vmem>>, vector<16xf32>,
      %add3A_785 = arith.constant 16 : i32
      %add3A_786 = vector.broadcast %add3A_785 : i32 to vector<16xi32>
      %add3A_787 = arith.addi %iota3A_766, %add3A_786 : vector<16xi32>
      %broadcast_in_dim3A_788 = arith.constant 24 : i32
      %broadcast_in_dim3A_789 = vector.broadcast %broadcast_in_dim3A_788 : i32 to vector<16xi32>
      %scatter3A_790 = arith.constant 1 : i32
      %scatter3A_791 = arith.constant 0 : i32
      %scatter3A_792 = arith.constant 0 : i32
      %scatter3A_793 = tpu.memref_slice %arg19[%scatter3A_790, %scatter3A_791, %scatter3A_792] : memref<4x128x32xf32, #tpu.memory_space<vmem>> -> memref<1x128x32xf32, #tpu.memory_space<vmem>>
      %scatter3A_794 = tpu.memref_squeeze %scatter3A_793 : memref<1x128x32xf32, #tpu.memory_space<vmem>> -> memref<128x32xf32, #tpu.memory_space<vmem>>
      tpu.vector_store_idx %scatter3A_794[%add3A_787, %broadcast_in_dim3A_789], %get3A_784 : memref<128x32xf32, #tpu.memory_space<vmem>>[vector<16xi32>, vector<16xi32>], vector<16xf32>,
      %get3A_795 = arith.constant 1 : i32
      %get3A_796 = arith.index_cast %get3A_795 : i32 to index
      %get3A_797 = arith.constant 32 : index
      %get3A_798 = tpu.vector_load %arg20[%get3A_796, %get3A_797] {strides = array<i32>} : memref<4x512xf32, #tpu.memory_space<vmem>>, vector<16xf32>,
      %add3A_799 = arith.constant 32 : i32
      %add3A_800 = vector.broadcast %add3A_799 : i32 to vector<16xi32>
      %add3A_801 = arith.addi %iota3A_766, %add3A_800 : vector<16xi32>
      %broadcast_in_dim3A_802 = arith.constant 24 : i32
      %broadcast_in_dim3A_803 = vector.broadcast %broadcast_in_dim3A_802 : i32 to vector<16xi32>
      %scatter3A_804 = arith.constant 1 : i32
      %scatter3A_805 = arith.constant 0 : i32
      %scatter3A_806 = arith.constant 0 : i32
      %scatter3A_807 = tpu.memref_slice %arg19[%scatter3A_804, %scatter3A_805, %scatter3A_806] : memref<4x128x32xf32, #tpu.memory_space<vmem>> -> memref<1x128x32xf32, #tpu.memory_space<vmem>>
      %scatter3A_808 = tpu.memref_squeeze %scatter3A_807 : memref<1x128x32xf32, #tpu.memory_space<vmem>> -> memref<128x32xf32, #tpu.memory_space<vmem>>
      tpu.vector_store_idx %scatter3A_808[%add3A_801, %broadcast_in_dim3A_803], %get3A_798 : memref<128x32xf32, #tpu.memory_space<vmem>>[vector<16xi32>, vector<16xi32>], vector<16xf32>,
      %get3A_809 = arith.constant 1 : i32
      %get3A_810 = arith.index_cast %get3A_809 : i32 to index
      %get3A_811 = arith.constant 48 : index
      %get3A_812 = tpu.vector_load %arg20[%get3A_810, %get3A_811] {strides = array<i32>} : memref<4x512xf32, #tpu.memory_space<vmem>>, vector<16xf32>,
      %add3A_813 = arith.constant 48 : i32
      %add3A_814 = vector.broadcast %add3A_813 : i32 to vector<16xi32>
      %add3A_815 = arith.addi %iota3A_766, %add3A_814 : vector<16xi32>
      %broadcast_in_dim3A_816 = arith.constant 24 : i32
      %broadcast_in_dim3A_817 = vector.broadcast %broadcast_in_dim3A_816 : i32 to vector<16xi32>
      %scatter3A_818 = arith.constant 1 : i32
      %scatter3A_819 = arith.constant 0 : i32
      %scatter3A_820 = arith.constant 0 : i32
      %scatter3A_821 = tpu.memref_slice %arg19[%scatter3A_818, %scatter3A_819, %scatter3A_820] : memref<4x128x32xf32, #tpu.memory_space<vmem>> -> memref<1x128x32xf32, #tpu.memory_space<vmem>>
      %scatter3A_822 = tpu.memref_squeeze %scatter3A_821 : memref<1x128x32xf32, #tpu.memory_space<vmem>> -> memref<128x32xf32, #tpu.memory_space<vmem>>
      tpu.vector_store_idx %scatter3A_822[%add3A_815, %broadcast_in_dim3A_817], %get3A_812 : memref<128x32xf32, #tpu.memory_space<vmem>>[vector<16xi32>, vector<16xi32>], vector<16xf32>,
      %get3A_823 = arith.constant 1 : i32
      %get3A_824 = arith.index_cast %get3A_823 : i32 to index
      %get3A_825 = arith.constant 64 : index
      %get3A_826 = tpu.vector_load %arg20[%get3A_824, %get3A_825] {strides = array<i32>} : memref<4x512xf32, #tpu.memory_space<vmem>>, vector<16xf32>,
      %add3A_827 = arith.constant 64 : i32
      %add3A_828 = vector.broadcast %add3A_827 : i32 to vector<16xi32>
      %add3A_829 = arith.addi %iota3A_766, %add3A_828 : vector<16xi32>
      %broadcast_in_dim3A_830 = arith.constant 24 : i32
      %broadcast_in_dim3A_831 = vector.broadcast %broadcast_in_dim3A_830 : i32 to vector<16xi32>
      %scatter3A_832 = arith.constant 1 : i32
      %scatter3A_833 = arith.constant 0 : i32
      %scatter3A_834 = arith.constant 0 : i32
      %scatter3A_835 = tpu.memref_slice %arg19[%scatter3A_832, %scatter3A_833, %scatter3A_834] : memref<4x128x32xf32, #tpu.memory_space<vmem>> -> memref<1x128x32xf32, #tpu.memory_space<vmem>>
      %scatter3A_836 = tpu.memref_squeeze %scatter3A_835 : memref<1x128x32xf32, #tpu.memory_space<vmem>> -> memref<128x32xf32, #tpu.memory_space<vmem>>
      tpu.vector_store_idx %scatter3A_836[%add3A_829, %broadcast_in_dim3A_831], %get3A_826 : memref<128x32xf32, #tpu.memory_space<vmem>>[vector<16xi32>, vector<16xi32>], vector<16xf32>,
      %get3A_837 = arith.constant 1 : i32
      %get3A_838 = arith.index_cast %get3A_837 : i32 to index
      %get3A_839 = arith.constant 80 : index
      %get3A_840 = tpu.vector_load %arg20[%get3A_838, %get3A_839] {strides = array<i32>} : memref<4x512xf32, #tpu.memory_space<vmem>>, vector<16xf32>,
      %add3A_841 = arith.constant 80 : i32
      %add3A_842 = vector.broadcast %add3A_841 : i32 to vector<16xi32>
      %add3A_843 = arith.addi %iota3A_766, %add3A_842 : vector<16xi32>
      %broadcast_in_dim3A_844 = arith.constant 24 : i32
      %broadcast_in_dim3A_845 = vector.broadcast %broadcast_in_dim3A_844 : i32 to vector<16xi32>
      %scatter3A_846 = arith.constant 1 : i32
      %scatter3A_847 = arith.constant 0 : i32
      %scatter3A_848 = arith.constant 0 : i32
      %scatter3A_849 = tpu.memref_slice %arg19[%scatter3A_846, %scatter3A_847, %scatter3A_848] : memref<4x128x32xf32, #tpu.memory_space<vmem>> -> memref<1x128x32xf32, #tpu.memory_space<vmem>>
      %scatter3A_850 = tpu.memref_squeeze %scatter3A_849 : memref<1x128x32xf32, #tpu.memory_space<vmem>> -> memref<128x32xf32, #tpu.memory_space<vmem>>
      tpu.vector_store_idx %scatter3A_850[%add3A_843, %broadcast_in_dim3A_845], %get3A_840 : memref<128x32xf32, #tpu.memory_space<vmem>>[vector<16xi32>, vector<16xi32>], vector<16xf32>,
      %get3A_851 = arith.constant 1 : i32
      %get3A_852 = arith.index_cast %get3A_851 : i32 to index
      %get3A_853 = arith.constant 96 : index
      %get3A_854 = tpu.vector_load %arg20[%get3A_852, %get3A_853] {strides = array<i32>} : memref<4x512xf32, #tpu.memory_space<vmem>>, vector<16xf32>,
      %add3A_855 = arith.constant 96 : i32
      %add3A_856 = vector.broadcast %add3A_855 : i32 to vector<16xi32>
      %add3A_857 = arith.addi %iota3A_766, %add3A_856 : vector<16xi32>
      %broadcast_in_dim3A_858 = arith.constant 24 : i32
      %broadcast_in_dim3A_859 = vector.broadcast %broadcast_in_dim3A_858 : i32 to vector<16xi32>
      %scatter3A_860 = arith.constant 1 : i32
      %scatter3A_861 = arith.constant 0 : i32
      %scatter3A_862 = arith.constant 0 : i32
      %scatter3A_863 = tpu.memref_slice %arg19[%scatter3A_860, %scatter3A_861, %scatter3A_862] : memref<4x128x32xf32, #tpu.memory_space<vmem>> -> memref<1x128x32xf32, #tpu.memory_space<vmem>>
      %scatter3A_864 = tpu.memref_squeeze %scatter3A_863 : memref<1x128x32xf32, #tpu.memory_space<vmem>> -> memref<128x32xf32, #tpu.memory_space<vmem>>
      tpu.vector_store_idx %scatter3A_864[%add3A_857, %broadcast_in_dim3A_859], %get3A_854 : memref<128x32xf32, #tpu.memory_space<vmem>>[vector<16xi32>, vector<16xi32>], vector<16xf32>,
      %get3A_865 = arith.constant 1 : i32
      %get3A_866 = arith.index_cast %get3A_865 : i32 to index
      %get3A_867 = arith.constant 112 : index
      %get3A_868 = tpu.vector_load %arg20[%get3A_866, %get3A_867] {strides = array<i32>} : memref<4x512xf32, #tpu.memory_space<vmem>>, vector<16xf32>,
      %add3A_869 = arith.constant 112 : i32
      %add3A_870 = vector.broadcast %add3A_869 : i32 to vector<16xi32>
      %add3A_871 = arith.addi %iota3A_766, %add3A_870 : vector<16xi32>
      %broadcast_in_dim3A_872 = arith.constant 24 : i32
      %broadcast_in_dim3A_873 = vector.broadcast %broadcast_in_dim3A_872 : i32 to vector<16xi32>
      %scatter3A_874 = arith.constant 1 : i32
      %scatter3A_875 = arith.constant 0 : i32
      %scatter3A_876 = arith.constant 0 : i32
      %scatter3A_877 = tpu.memref_slice %arg19[%scatter3A_874, %scatter3A_875, %scatter3A_876] : memref<4x128x32xf32, #tpu.memory_space<vmem>> -> memref<1x128x32xf32, #tpu.memory_space<vmem>>
      %scatter3A_878 = tpu.memref_squeeze %scatter3A_877 : memref<1x128x32xf32, #tpu.memory_space<vmem>> -> memref<128x32xf32, #tpu.memory_space<vmem>>
      tpu.vector_store_idx %scatter3A_878[%add3A_871, %broadcast_in_dim3A_873], %get3A_868 : memref<128x32xf32, #tpu.memory_space<vmem>>[vector<16xi32>, vector<16xi32>], vector<16xf32>,
      %get3A_879 = arith.constant 1 : i32
      %get3A_880 = arith.index_cast %get3A_879 : i32 to index
      %get3A_881 = arith.constant 128 : index
      %get3A_882 = tpu.vector_load %arg20[%get3A_880, %get3A_881] {strides = array<i32>} : memref<4x512xf32, #tpu.memory_space<vmem>>, vector<16xf32>,
      %add3A_883 = arith.constant 0 : i32
      %add3A_884 = vector.broadcast %add3A_883 : i32 to vector<16xi32>
      %add3A_885 = arith.addi %iota3A_766, %add3A_884 : vector<16xi32>
      %broadcast_in_dim3A_886 = arith.constant 25 : i32
      %broadcast_in_dim3A_887 = vector.broadcast %broadcast_in_dim3A_886 : i32 to vector<16xi32>
      %scatter3A_888 = arith.constant 1 : i32
      %scatter3A_889 = arith.constant 0 : i32
      %scatter3A_890 = arith.constant 0 : i32
      %scatter3A_891 = tpu.memref_slice %arg19[%scatter3A_888, %scatter3A_889, %scatter3A_890] : memref<4x128x32xf32, #tpu.memory_space<vmem>> -> memref<1x128x32xf32, #tpu.memory_space<vmem>>
      %scatter3A_892 = tpu.memref_squeeze %scatter3A_891 : memref<1x128x32xf32, #tpu.memory_space<vmem>> -> memref<128x32xf32, #tpu.memory_space<vmem>>
      tpu.vector_store_idx %scatter3A_892[%add3A_885, %broadcast_in_dim3A_887], %get3A_882 : memref<128x32xf32, #tpu.memory_space<vmem>>[vector<16xi32>, vector<16xi32>], vector<16xf32>,
      %get3A_893 = arith.constant 1 : i32
      %get3A_894 = arith.index_cast %get3A_893 : i32 to index
      %get3A_895 = arith.constant 144 : index
      %get3A_896 = tpu.vector_load %arg20[%get3A_894, %get3A_895] {strides = array<i32>} : memref<4x512xf32, #tpu.memory_space<vmem>>, vector<16xf32>,
      %add3A_897 = arith.constant 16 : i32
      %add3A_898 = vector.broadcast %add3A_897 : i32 to vector<16xi32>
      %add3A_899 = arith.addi %iota3A_766, %add3A_898 : vector<16xi32>
      %broadcast_in_dim3A_900 = arith.constant 25 : i32
      %broadcast_in_dim3A_901 = vector.broadcast %broadcast_in_dim3A_900 : i32 to vector<16xi32>
      %scatter3A_902 = arith.constant 1 : i32
      %scatter3A_903 = arith.constant 0 : i32
      %scatter3A_904 = arith.constant 0 : i32
      %scatter3A_905 = tpu.memref_slice %arg19[%scatter3A_902, %scatter3A_903, %scatter3A_904] : memref<4x128x32xf32, #tpu.memory_space<vmem>> -> memref<1x128x32xf32, #tpu.memory_space<vmem>>
      %scatter3A_906 = tpu.memref_squeeze %scatter3A_905 : memref<1x128x32xf32, #tpu.memory_space<vmem>> -> memref<128x32xf32, #tpu.memory_space<vmem>>
      tpu.vector_store_idx %scatter3A_906[%add3A_899, %broadcast_in_dim3A_901], %get3A_896 : memref<128x32xf32, #tpu.memory_space<vmem>>[vector<16xi32>, vector<16xi32>], vector<16xf32>,
      %get3A_907 = arith.constant 1 : i32
      %get3A_908 = arith.index_cast %get3A_907 : i32 to index
      %get3A_909 = arith.constant 160 : index
      %get3A_910 = tpu.vector_load %arg20[%get3A_908, %get3A_909] {strides = array<i32>} : memref<4x512xf32, #tpu.memory_space<vmem>>, vector<16xf32>,
      %add3A_911 = arith.constant 32 : i32
      %add3A_912 = vector.broadcast %add3A_911 : i32 to vector<16xi32>
      %add3A_913 = arith.addi %iota3A_766, %add3A_912 : vector<16xi32>
      %broadcast_in_dim3A_914 = arith.constant 25 : i32
      %broadcast_in_dim3A_915 = vector.broadcast %broadcast_in_dim3A_914 : i32 to vector<16xi32>
      %scatter3A_916 = arith.constant 1 : i32
      %scatter3A_917 = arith.constant 0 : i32
      %scatter3A_918 = arith.constant 0 : i32
      %scatter3A_919 = tpu.memref_slice %arg19[%scatter3A_916, %scatter3A_917, %scatter3A_918] : memref<4x128x32xf32, #tpu.memory_space<vmem>> -> memref<1x128x32xf32, #tpu.memory_space<vmem>>
      %scatter3A_920 = tpu.memref_squeeze %scatter3A_919 : memref<1x128x32xf32, #tpu.memory_space<vmem>> -> memref<128x32xf32, #tpu.memory_space<vmem>>
      tpu.vector_store_idx %scatter3A_920[%add3A_913, %broadcast_in_dim3A_915], %get3A_910 : memref<128x32xf32, #tpu.memory_space<vmem>>[vector<16xi32>, vector<16xi32>], vector<16xf32>,
      %get3A_921 = arith.constant 1 : i32
      %get3A_922 = arith.index_cast %get3A_921 : i32 to index
      %get3A_923 = arith.constant 176 : index
      %get3A_924 = tpu.vector_load %arg20[%get3A_922, %get3A_923] {strides = array<i32>} : memref<4x512xf32, #tpu.memory_space<vmem>>, vector<16xf32>,
      %add3A_925 = arith.constant 48 : i32
      %add3A_926 = vector.broadcast %add3A_925 : i32 to vector<16xi32>
      %add3A_927 = arith.addi %iota3A_766, %add3A_926 : vector<16xi32>
      %broadcast_in_dim3A_928 = arith.constant 25 : i32
      %broadcast_in_dim3A_929 = vector.broadcast %broadcast_in_dim3A_928 : i32 to vector<16xi32>
      %scatter3A_930 = arith.constant 1 : i32
      %scatter3A_931 = arith.constant 0 : i32
      %scatter3A_932 = arith.constant 0 : i32
      %scatter3A_933 = tpu.memref_slice %arg19[%scatter3A_930, %scatter3A_931, %scatter3A_932] : memref<4x128x32xf32, #tpu.memory_space<vmem>> -> memref<1x128x32xf32, #tpu.memory_space<vmem>>
      %scatter3A_934 = tpu.memref_squeeze %scatter3A_933 : memref<1x128x32xf32, #tpu.memory_space<vmem>> -> memref<128x32xf32, #tpu.memory_space<vmem>>
      tpu.vector_store_idx %scatter3A_934[%add3A_927, %broadcast_in_dim3A_929], %get3A_924 : memref<128x32xf32, #tpu.memory_space<vmem>>[vector<16xi32>, vector<16xi32>], vector<16xf32>,
      %get3A_935 = arith.constant 1 : i32
      %get3A_936 = arith.index_cast %get3A_935 : i32 to index
      %get3A_937 = arith.constant 192 : index
      %get3A_938 = tpu.vector_load %arg20[%get3A_936, %get3A_937] {strides = array<i32>} : memref<4x512xf32, #tpu.memory_space<vmem>>, vector<16xf32>,
      %add3A_939 = arith.constant 64 : i32
      %add3A_940 = vector.broadcast %add3A_939 : i32 to vector<16xi32>
      %add3A_941 = arith.addi %iota3A_766, %add3A_940 : vector<16xi32>
      %broadcast_in_dim3A_942 = arith.constant 25 : i32
      %broadcast_in_dim3A_943 = vector.broadcast %broadcast_in_dim3A_942 : i32 to vector<16xi32>
      %scatter3A_944 = arith.constant 1 : i32
      %scatter3A_945 = arith.constant 0 : i32
      %scatter3A_946 = arith.constant 0 : i32
      %scatter3A_947 = tpu.memref_slice %arg19[%scatter3A_944, %scatter3A_945, %scatter3A_946] : memref<4x128x32xf32, #tpu.memory_space<vmem>> -> memref<1x128x32xf32, #tpu.memory_space<vmem>>
      %scatter3A_948 = tpu.memref_squeeze %scatter3A_947 : memref<1x128x32xf32, #tpu.memory_space<vmem>> -> memref<128x32xf32, #tpu.memory_space<vmem>>
      tpu.vector_store_idx %scatter3A_948[%add3A_941, %broadcast_in_dim3A_943], %get3A_938 : memref<128x32xf32, #tpu.memory_space<vmem>>[vector<16xi32>, vector<16xi32>], vector<16xf32>,
      %get3A_949 = arith.constant 1 : i32
      %get3A_950 = arith.index_cast %get3A_949 : i32 to index
      %get3A_951 = arith.constant 208 : index
      %get3A_952 = tpu.vector_load %arg20[%get3A_950, %get3A_951] {strides = array<i32>} : memref<4x512xf32, #tpu.memory_space<vmem>>, vector<16xf32>,
      %add3A_953 = arith.constant 80 : i32
      %add3A_954 = vector.broadcast %add3A_953 : i32 to vector<16xi32>
      %add3A_955 = arith.addi %iota3A_766, %add3A_954 : vector<16xi32>
      %broadcast_in_dim3A_956 = arith.constant 25 : i32
      %broadcast_in_dim3A_957 = vector.broadcast %broadcast_in_dim3A_956 : i32 to vector<16xi32>
      %scatter3A_958 = arith.constant 1 : i32
      %scatter3A_959 = arith.constant 0 : i32
      %scatter3A_960 = arith.constant 0 : i32
      %scatter3A_961 = tpu.memref_slice %arg19[%scatter3A_958, %scatter3A_959, %scatter3A_960] : memref<4x128x32xf32, #tpu.memory_space<vmem>> -> memref<1x128x32xf32, #tpu.memory_space<vmem>>
      %scatter3A_962 = tpu.memref_squeeze %scatter3A_961 : memref<1x128x32xf32, #tpu.memory_space<vmem>> -> memref<128x32xf32, #tpu.memory_space<vmem>>
      tpu.vector_store_idx %scatter3A_962[%add3A_955, %broadcast_in_dim3A_957], %get3A_952 : memref<128x32xf32, #tpu.memory_space<vmem>>[vector<16xi32>, vector<16xi32>], vector<16xf32>,
      %get3A_963 = arith.constant 1 : i32
      %get3A_964 = arith.index_cast %get3A_963 : i32 to index
      %get3A_965 = arith.constant 224 : index
      %get3A_966 = tpu.vector_load %arg20[%get3A_964, %get3A_965] {strides = array<i32>} : memref<4x512xf32, #tpu.memory_space<vmem>>, vector<16xf32>,
      %add3A_967 = arith.constant 96 : i32
      %add3A_968 = vector.broadcast %add3A_967 : i32 to vector<16xi32>
      %add3A_969 = arith.addi %iota3A_766, %add3A_968 : vector<16xi32>
      %broadcast_in_dim3A_970 = arith.constant 25 : i32
      %broadcast_in_dim3A_971 = vector.broadcast %broadcast_in_dim3A_970 : i32 to vector<16xi32>
      %scatter3A_972 = arith.constant 1 : i32
      %scatter3A_973 = arith.constant 0 : i32
      %scatter3A_974 = arith.constant 0 : i32
      %scatter3A_975 = tpu.memref_slice %arg19[%scatter3A_972, %scatter3A_973, %scatter3A_974] : memref<4x128x32xf32, #tpu.memory_space<vmem>> -> memref<1x128x32xf32, #tpu.memory_space<vmem>>
      %scatter3A_976 = tpu.memref_squeeze %scatter3A_975 : memref<1x128x32xf32, #tpu.memory_space<vmem>> -> memref<128x32xf32, #tpu.memory_space<vmem>>
      tpu.vector_store_idx %scatter3A_976[%add3A_969, %broadcast_in_dim3A_971], %get3A_966 : memref<128x32xf32, #tpu.memory_space<vmem>>[vector<16xi32>, vector<16xi32>], vector<16xf32>,
      %get3A_977 = arith.constant 1 : i32
      %get3A_978 = arith.index_cast %get3A_977 : i32 to index
      %get3A_979 = arith.constant 240 : index
      %get3A_980 = tpu.vector_load %arg20[%get3A_978, %get3A_979] {strides = array<i32>} : memref<4x512xf32, #tpu.memory_space<vmem>>, vector<16xf32>,
      %add3A_981 = arith.constant 112 : i32
      %add3A_982 = vector.broadcast %add3A_981 : i32 to vector<16xi32>
      %add3A_983 = arith.addi %iota3A_766, %add3A_982 : vector<16xi32>
      %broadcast_in_dim3A_984 = arith.constant 25 : i32
      %broadcast_in_dim3A_985 = vector.broadcast %broadcast_in_dim3A_984 : i32 to vector<16xi32>
      %scatter3A_986 = arith.constant 1 : i32
      %scatter3A_987 = arith.constant 0 : i32
      %scatter3A_988 = arith.constant 0 : i32
      %scatter3A_989 = tpu.memref_slice %arg19[%scatter3A_986, %scatter3A_987, %scatter3A_988] : memref<4x128x32xf32, #tpu.memory_space<vmem>> -> memref<1x128x32xf32, #tpu.memory_space<vmem>>
      %scatter3A_990 = tpu.memref_squeeze %scatter3A_989 : memref<1x128x32xf32, #tpu.memory_space<vmem>> -> memref<128x32xf32, #tpu.memory_space<vmem>>
      tpu.vector_store_idx %scatter3A_990[%add3A_983, %broadcast_in_dim3A_985], %get3A_980 : memref<128x32xf32, #tpu.memory_space<vmem>>[vector<16xi32>, vector<16xi32>], vector<16xf32>,
      %get3A_991 = arith.constant 1 : i32
      %get3A_992 = arith.index_cast %get3A_991 : i32 to index
      %get3A_993 = arith.constant 256 : index
      %get3A_994 = tpu.vector_load %arg20[%get3A_992, %get3A_993] {strides = array<i32>} : memref<4x512xf32, #tpu.memory_space<vmem>>, vector<16xf32>,
      %add3A_995 = arith.constant 0 : i32
      %add3A_996 = vector.broadcast %add3A_995 : i32 to vector<16xi32>
      %add3A_997 = arith.addi %iota3A_766, %add3A_996 : vector<16xi32>
      %broadcast_in_dim3A_998 = arith.constant 26 : i32
      %broadcast_in_dim3A_999 = vector.broadcast %broadcast_in_dim3A_998 : i32 to vector<16xi32>
      %scatter3A_1000 = arith.constant 1 : i32
      %scatter3A_1001 = arith.constant 0 : i32
      %scatter3A_1002 = arith.constant 0 : i32
      %scatter3A_1003 = tpu.memref_slice %arg19[%scatter3A_1000, %scatter3A_1001, %scatter3A_1002] : memref<4x128x32xf32, #tpu.memory_space<vmem>> -> memref<1x128x32xf32, #tpu.memory_space<vmem>>
      %scatter3A_1004 = tpu.memref_squeeze %scatter3A_1003 : memref<1x128x32xf32, #tpu.memory_space<vmem>> -> memref<128x32xf32, #tpu.memory_space<vmem>>
      tpu.vector_store_idx %scatter3A_1004[%add3A_997, %broadcast_in_dim3A_999], %get3A_994 : memref<128x32xf32, #tpu.memory_space<vmem>>[vector<16xi32>, vector<16xi32>], vector<16xf32>,
      %get3A_1005 = arith.constant 1 : i32
      %get3A_1006 = arith.index_cast %get3A_1005 : i32 to index
      %get3A_1007 = arith.constant 272 : index
      %get3A_1008 = tpu.vector_load %arg20[%get3A_1006, %get3A_1007] {strides = array<i32>} : memref<4x512xf32, #tpu.memory_space<vmem>>, vector<16xf32>,
      %add3A_1009 = arith.constant 16 : i32
      %add3A_1010 = vector.broadcast %add3A_1009 : i32 to vector<16xi32>
      %add3A_1011 = arith.addi %iota3A_766, %add3A_1010 : vector<16xi32>
      %broadcast_in_dim3A_1012 = arith.constant 26 : i32
      %broadcast_in_dim3A_1013 = vector.broadcast %broadcast_in_dim3A_1012 : i32 to vector<16xi32>
      %scatter3A_1014 = arith.constant 1 : i32
      %scatter3A_1015 = arith.constant 0 : i32
      %scatter3A_1016 = arith.constant 0 : i32
      %scatter3A_1017 = tpu.memref_slice %arg19[%scatter3A_1014, %scatter3A_1015, %scatter3A_1016] : memref<4x128x32xf32, #tpu.memory_space<vmem>> -> memref<1x128x32xf32, #tpu.memory_space<vmem>>
      %scatter3A_1018 = tpu.memref_squeeze %scatter3A_1017 : memref<1x128x32xf32, #tpu.memory_space<vmem>> -> memref<128x32xf32, #tpu.memory_space<vmem>>
      tpu.vector_store_idx %scatter3A_1018[%add3A_1011, %broadcast_in_dim3A_1013], %get3A_1008 : memref<128x32xf32, #tpu.memory_space<vmem>>[vector<16xi32>, vector<16xi32>], vector<16xf32>,
      %get3A_1019 = arith.constant 1 : i32
      %get3A_1020 = arith.index_cast %get3A_1019 : i32 to index
      %get3A_1021 = arith.constant 288 : index
      %get3A_1022 = tpu.vector_load %arg20[%get3A_1020, %get3A_1021] {strides = array<i32>} : memref<4x512xf32, #tpu.memory_space<vmem>>, vector<16xf32>,
      %add3A_1023 = arith.constant 32 : i32
      %add3A_1024 = vector.broadcast %add3A_1023 : i32 to vector<16xi32>
      %add3A_1025 = arith.addi %iota3A_766, %add3A_1024 : vector<16xi32>
      %broadcast_in_dim3A_1026 = arith.constant 26 : i32
      %broadcast_in_dim3A_1027 = vector.broadcast %broadcast_in_dim3A_1026 : i32 to vector<16xi32>
      %scatter3A_1028 = arith.constant 1 : i32
      %scatter3A_1029 = arith.constant 0 : i32
      %scatter3A_1030 = arith.constant 0 : i32
      %scatter3A_1031 = tpu.memref_slice %arg19[%scatter3A_1028, %scatter3A_1029, %scatter3A_1030] : memref<4x128x32xf32, #tpu.memory_space<vmem>> -> memref<1x128x32xf32, #tpu.memory_space<vmem>>
      %scatter3A_1032 = tpu.memref_squeeze %scatter3A_1031 : memref<1x128x32xf32, #tpu.memory_space<vmem>> -> memref<128x32xf32, #tpu.memory_space<vmem>>
      tpu.vector_store_idx %scatter3A_1032[%add3A_1025, %broadcast_in_dim3A_1027], %get3A_1022 : memref<128x32xf32, #tpu.memory_space<vmem>>[vector<16xi32>, vector<16xi32>], vector<16xf32>,
      %get3A_1033 = arith.constant 1 : i32
      %get3A_1034 = arith.index_cast %get3A_1033 : i32 to index
      %get3A_1035 = arith.constant 304 : index
      %get3A_1036 = tpu.vector_load %arg20[%get3A_1034, %get3A_1035] {strides = array<i32>} : memref<4x512xf32, #tpu.memory_space<vmem>>, vector<16xf32>,
      %add3A_1037 = arith.constant 48 : i32
      %add3A_1038 = vector.broadcast %add3A_1037 : i32 to vector<16xi32>
      %add3A_1039 = arith.addi %iota3A_766, %add3A_1038 : vector<16xi32>
      %broadcast_in_dim3A_1040 = arith.constant 26 : i32
      %broadcast_in_dim3A_1041 = vector.broadcast %broadcast_in_dim3A_1040 : i32 to vector<16xi32>
      %scatter3A_1042 = arith.constant 1 : i32
      %scatter3A_1043 = arith.constant 0 : i32
      %scatter3A_1044 = arith.constant 0 : i32
      %scatter3A_1045 = tpu.memref_slice %arg19[%scatter3A_1042, %scatter3A_1043, %scatter3A_1044] : memref<4x128x32xf32, #tpu.memory_space<vmem>> -> memref<1x128x32xf32, #tpu.memory_space<vmem>>
      %scatter3A_1046 = tpu.memref_squeeze %scatter3A_1045 : memref<1x128x32xf32, #tpu.memory_space<vmem>> -> memref<128x32xf32, #tpu.memory_space<vmem>>
      tpu.vector_store_idx %scatter3A_1046[%add3A_1039, %broadcast_in_dim3A_1041], %get3A_1036 : memref<128x32xf32, #tpu.memory_space<vmem>>[vector<16xi32>, vector<16xi32>], vector<16xf32>,
      %get3A_1047 = arith.constant 1 : i32
      %get3A_1048 = arith.index_cast %get3A_1047 : i32 to index
      %get3A_1049 = arith.constant 320 : index
      %get3A_1050 = tpu.vector_load %arg20[%get3A_1048, %get3A_1049] {strides = array<i32>} : memref<4x512xf32, #tpu.memory_space<vmem>>, vector<16xf32>,
      %add3A_1051 = arith.constant 64 : i32
      %add3A_1052 = vector.broadcast %add3A_1051 : i32 to vector<16xi32>
      %add3A_1053 = arith.addi %iota3A_766, %add3A_1052 : vector<16xi32>
      %broadcast_in_dim3A_1054 = arith.constant 26 : i32
      %broadcast_in_dim3A_1055 = vector.broadcast %broadcast_in_dim3A_1054 : i32 to vector<16xi32>
      %scatter3A_1056 = arith.constant 1 : i32
      %scatter3A_1057 = arith.constant 0 : i32
      %scatter3A_1058 = arith.constant 0 : i32
      %scatter3A_1059 = tpu.memref_slice %arg19[%scatter3A_1056, %scatter3A_1057, %scatter3A_1058] : memref<4x128x32xf32, #tpu.memory_space<vmem>> -> memref<1x128x32xf32, #tpu.memory_space<vmem>>
      %scatter3A_1060 = tpu.memref_squeeze %scatter3A_1059 : memref<1x128x32xf32, #tpu.memory_space<vmem>> -> memref<128x32xf32, #tpu.memory_space<vmem>>
      tpu.vector_store_idx %scatter3A_1060[%add3A_1053, %broadcast_in_dim3A_1055], %get3A_1050 : memref<128x32xf32, #tpu.memory_space<vmem>>[vector<16xi32>, vector<16xi32>], vector<16xf32>,
      %get3A_1061 = arith.constant 1 : i32
      %get3A_1062 = arith.index_cast %get3A_1061 : i32 to index
      %get3A_1063 = arith.constant 336 : index
      %get3A_1064 = tpu.vector_load %arg20[%get3A_1062, %get3A_1063] {strides = array<i32>} : memref<4x512xf32, #tpu.memory_space<vmem>>, vector<16xf32>,
      %add3A_1065 = arith.constant 80 : i32
      %add3A_1066 = vector.broadcast %add3A_1065 : i32 to vector<16xi32>
      %add3A_1067 = arith.addi %iota3A_766, %add3A_1066 : vector<16xi32>
      %broadcast_in_dim3A_1068 = arith.constant 26 : i32
      %broadcast_in_dim3A_1069 = vector.broadcast %broadcast_in_dim3A_1068 : i32 to vector<16xi32>
      %scatter3A_1070 = arith.constant 1 : i32
      %scatter3A_1071 = arith.constant 0 : i32
      %scatter3A_1072 = arith.constant 0 : i32
      %scatter3A_1073 = tpu.memref_slice %arg19[%scatter3A_1070, %scatter3A_1071, %scatter3A_1072] : memref<4x128x32xf32, #tpu.memory_space<vmem>> -> memref<1x128x32xf32, #tpu.memory_space<vmem>>
      %scatter3A_1074 = tpu.memref_squeeze %scatter3A_1073 : memref<1x128x32xf32, #tpu.memory_space<vmem>> -> memref<128x32xf32, #tpu.memory_space<vmem>>
      tpu.vector_store_idx %scatter3A_1074[%add3A_1067, %broadcast_in_dim3A_1069], %get3A_1064 : memref<128x32xf32, #tpu.memory_space<vmem>>[vector<16xi32>, vector<16xi32>], vector<16xf32>,
      %get3A_1075 = arith.constant 1 : i32
      %get3A_1076 = arith.index_cast %get3A_1075 : i32 to index
      %get3A_1077 = arith.constant 352 : index
      %get3A_1078 = tpu.vector_load %arg20[%get3A_1076, %get3A_1077] {strides = array<i32>} : memref<4x512xf32, #tpu.memory_space<vmem>>, vector<16xf32>,
      %add3A_1079 = arith.constant 96 : i32
      %add3A_1080 = vector.broadcast %add3A_1079 : i32 to vector<16xi32>
      %add3A_1081 = arith.addi %iota3A_766, %add3A_1080 : vector<16xi32>
      %broadcast_in_dim3A_1082 = arith.constant 26 : i32
      %broadcast_in_dim3A_1083 = vector.broadcast %broadcast_in_dim3A_1082 : i32 to vector<16xi32>
      %scatter3A_1084 = arith.constant 1 : i32
      %scatter3A_1085 = arith.constant 0 : i32
      %scatter3A_1086 = arith.constant 0 : i32
      %scatter3A_1087 = tpu.memref_slice %arg19[%scatter3A_1084, %scatter3A_1085, %scatter3A_1086] : memref<4x128x32xf32, #tpu.memory_space<vmem>> -> memref<1x128x32xf32, #tpu.memory_space<vmem>>
      %scatter3A_1088 = tpu.memref_squeeze %scatter3A_1087 : memref<1x128x32xf32, #tpu.memory_space<vmem>> -> memref<128x32xf32, #tpu.memory_space<vmem>>
      tpu.vector_store_idx %scatter3A_1088[%add3A_1081, %broadcast_in_dim3A_1083], %get3A_1078 : memref<128x32xf32, #tpu.memory_space<vmem>>[vector<16xi32>, vector<16xi32>], vector<16xf32>,
      %get3A_1089 = arith.constant 1 : i32
      %get3A_1090 = arith.index_cast %get3A_1089 : i32 to index
      %get3A_1091 = arith.constant 368 : index
      %get3A_1092 = tpu.vector_load %arg20[%get3A_1090, %get3A_1091] {strides = array<i32>} : memref<4x512xf32, #tpu.memory_space<vmem>>, vector<16xf32>,
      %add3A_1093 = arith.constant 112 : i32
      %add3A_1094 = vector.broadcast %add3A_1093 : i32 to vector<16xi32>
      %add3A_1095 = arith.addi %iota3A_766, %add3A_1094 : vector<16xi32>
      %broadcast_in_dim3A_1096 = arith.constant 26 : i32
      %broadcast_in_dim3A_1097 = vector.broadcast %broadcast_in_dim3A_1096 : i32 to vector<16xi32>
      %scatter3A_1098 = arith.constant 1 : i32
      %scatter3A_1099 = arith.constant 0 : i32
      %scatter3A_1100 = arith.constant 0 : i32
      %scatter3A_1101 = tpu.memref_slice %arg19[%scatter3A_1098, %scatter3A_1099, %scatter3A_1100] : memref<4x128x32xf32, #tpu.memory_space<vmem>> -> memref<1x128x32xf32, #tpu.memory_space<vmem>>
      %scatter3A_1102 = tpu.memref_squeeze %scatter3A_1101 : memref<1x128x32xf32, #tpu.memory_space<vmem>> -> memref<128x32xf32, #tpu.memory_space<vmem>>
      tpu.vector_store_idx %scatter3A_1102[%add3A_1095, %broadcast_in_dim3A_1097], %get3A_1092 : memref<128x32xf32, #tpu.memory_space<vmem>>[vector<16xi32>, vector<16xi32>], vector<16xf32>,
      %get3A_1103 = arith.constant 1 : i32
      %get3A_1104 = arith.index_cast %get3A_1103 : i32 to index
      %get3A_1105 = arith.constant 384 : index
      %get3A_1106 = tpu.vector_load %arg20[%get3A_1104, %get3A_1105] {strides = array<i32>} : memref<4x512xf32, #tpu.memory_space<vmem>>, vector<16xf32>,
      %add3A_1107 = arith.constant 0 : i32
      %add3A_1108 = vector.broadcast %add3A_1107 : i32 to vector<16xi32>
      %add3A_1109 = arith.addi %iota3A_766, %add3A_1108 : vector<16xi32>
      %broadcast_in_dim3A_1110 = arith.constant 27 : i32
      %broadcast_in_dim3A_1111 = vector.broadcast %broadcast_in_dim3A_1110 : i32 to vector<16xi32>
      %scatter3A_1112 = arith.constant 1 : i32
      %scatter3A_1113 = arith.constant 0 : i32
      %scatter3A_1114 = arith.constant 0 : i32
      %scatter3A_1115 = tpu.memref_slice %arg19[%scatter3A_1112, %scatter3A_1113, %scatter3A_1114] : memref<4x128x32xf32, #tpu.memory_space<vmem>> -> memref<1x128x32xf32, #tpu.memory_space<vmem>>
      %scatter3A_1116 = tpu.memref_squeeze %scatter3A_1115 : memref<1x128x32xf32, #tpu.memory_space<vmem>> -> memref<128x32xf32, #tpu.memory_space<vmem>>
      tpu.vector_store_idx %scatter3A_1116[%add3A_1109, %broadcast_in_dim3A_1111], %get3A_1106 : memref<128x32xf32, #tpu.memory_space<vmem>>[vector<16xi32>, vector<16xi32>], vector<16xf32>,
      %get3A_1117 = arith.constant 1 : i32
      %get3A_1118 = arith.index_cast %get3A_1117 : i32 to index
      %get3A_1119 = arith.constant 400 : index
      %get3A_1120 = tpu.vector_load %arg20[%get3A_1118, %get3A_1119] {strides = array<i32>} : memref<4x512xf32, #tpu.memory_space<vmem>>, vector<16xf32>,
      %add3A_1121 = arith.constant 16 : i32
      %add3A_1122 = vector.broadcast %add3A_1121 : i32 to vector<16xi32>
      %add3A_1123 = arith.addi %iota3A_766, %add3A_1122 : vector<16xi32>
      %broadcast_in_dim3A_1124 = arith.constant 27 : i32
      %broadcast_in_dim3A_1125 = vector.broadcast %broadcast_in_dim3A_1124 : i32 to vector<16xi32>
      %scatter3A_1126 = arith.constant 1 : i32
      %scatter3A_1127 = arith.constant 0 : i32
      %scatter3A_1128 = arith.constant 0 : i32
      %scatter3A_1129 = tpu.memref_slice %arg19[%scatter3A_1126, %scatter3A_1127, %scatter3A_1128] : memref<4x128x32xf32, #tpu.memory_space<vmem>> -> memref<1x128x32xf32, #tpu.memory_space<vmem>>
      %scatter3A_1130 = tpu.memref_squeeze %scatter3A_1129 : memref<1x128x32xf32, #tpu.memory_space<vmem>> -> memref<128x32xf32, #tpu.memory_space<vmem>>
      tpu.vector_store_idx %scatter3A_1130[%add3A_1123, %broadcast_in_dim3A_1125], %get3A_1120 : memref<128x32xf32, #tpu.memory_space<vmem>>[vector<16xi32>, vector<16xi32>], vector<16xf32>,
      %get3A_1131 = arith.constant 1 : i32
      %get3A_1132 = arith.index_cast %get3A_1131 : i32 to index
      %get3A_1133 = arith.constant 416 : index
      %get3A_1134 = tpu.vector_load %arg20[%get3A_1132, %get3A_1133] {strides = array<i32>} : memref<4x512xf32, #tpu.memory_space<vmem>>, vector<16xf32>,
      %add3A_1135 = arith.constant 32 : i32
      %add3A_1136 = vector.broadcast %add3A_1135 : i32 to vector<16xi32>
      %add3A_1137 = arith.addi %iota3A_766, %add3A_1136 : vector<16xi32>
      %broadcast_in_dim3A_1138 = arith.constant 27 : i32
      %broadcast_in_dim3A_1139 = vector.broadcast %broadcast_in_dim3A_1138 : i32 to vector<16xi32>
      %scatter3A_1140 = arith.constant 1 : i32
      %scatter3A_1141 = arith.constant 0 : i32
      %scatter3A_1142 = arith.constant 0 : i32
      %scatter3A_1143 = tpu.memref_slice %arg19[%scatter3A_1140, %scatter3A_1141, %scatter3A_1142] : memref<4x128x32xf32, #tpu.memory_space<vmem>> -> memref<1x128x32xf32, #tpu.memory_space<vmem>>
      %scatter3A_1144 = tpu.memref_squeeze %scatter3A_1143 : memref<1x128x32xf32, #tpu.memory_space<vmem>> -> memref<128x32xf32, #tpu.memory_space<vmem>>
      tpu.vector_store_idx %scatter3A_1144[%add3A_1137, %broadcast_in_dim3A_1139], %get3A_1134 : memref<128x32xf32, #tpu.memory_space<vmem>>[vector<16xi32>, vector<16xi32>], vector<16xf32>,
      %get3A_1145 = arith.constant 1 : i32
      %get3A_1146 = arith.index_cast %get3A_1145 : i32 to index
      %get3A_1147 = arith.constant 432 : index
      %get3A_1148 = tpu.vector_load %arg20[%get3A_1146, %get3A_1147] {strides = array<i32>} : memref<4x512xf32, #tpu.memory_space<vmem>>, vector<16xf32>,
      %add3A_1149 = arith.constant 48 : i32
      %add3A_1150 = vector.broadcast %add3A_1149 : i32 to vector<16xi32>
      %add3A_1151 = arith.addi %iota3A_766, %add3A_1150 : vector<16xi32>
      %broadcast_in_dim3A_1152 = arith.constant 27 : i32
      %broadcast_in_dim3A_1153 = vector.broadcast %broadcast_in_dim3A_1152 : i32 to vector<16xi32>
      %scatter3A_1154 = arith.constant 1 : i32
      %scatter3A_1155 = arith.constant 0 : i32
      %scatter3A_1156 = arith.constant 0 : i32
      %scatter3A_1157 = tpu.memref_slice %arg19[%scatter3A_1154, %scatter3A_1155, %scatter3A_1156] : memref<4x128x32xf32, #tpu.memory_space<vmem>> -> memref<1x128x32xf32, #tpu.memory_space<vmem>>
      %scatter3A_1158 = tpu.memref_squeeze %scatter3A_1157 : memref<1x128x32xf32, #tpu.memory_space<vmem>> -> memref<128x32xf32, #tpu.memory_space<vmem>>
      tpu.vector_store_idx %scatter3A_1158[%add3A_1151, %broadcast_in_dim3A_1153], %get3A_1148 : memref<128x32xf32, #tpu.memory_space<vmem>>[vector<16xi32>, vector<16xi32>], vector<16xf32>,
      %get3A_1159 = arith.constant 1 : i32
      %get3A_1160 = arith.index_cast %get3A_1159 : i32 to index
      %get3A_1161 = arith.constant 448 : index
      %get3A_1162 = tpu.vector_load %arg20[%get3A_1160, %get3A_1161] {strides = array<i32>} : memref<4x512xf32, #tpu.memory_space<vmem>>, vector<16xf32>,
      %add3A_1163 = arith.constant 64 : i32
      %add3A_1164 = vector.broadcast %add3A_1163 : i32 to vector<16xi32>
      %add3A_1165 = arith.addi %iota3A_766, %add3A_1164 : vector<16xi32>
      %broadcast_in_dim3A_1166 = arith.constant 27 : i32
      %broadcast_in_dim3A_1167 = vector.broadcast %broadcast_in_dim3A_1166 : i32 to vector<16xi32>
      %scatter3A_1168 = arith.constant 1 : i32
      %scatter3A_1169 = arith.constant 0 : i32
      %scatter3A_1170 = arith.constant 0 : i32
      %scatter3A_1171 = tpu.memref_slice %arg19[%scatter3A_1168, %scatter3A_1169, %scatter3A_1170] : memref<4x128x32xf32, #tpu.memory_space<vmem>> -> memref<1x128x32xf32, #tpu.memory_space<vmem>>
      %scatter3A_1172 = tpu.memref_squeeze %scatter3A_1171 : memref<1x128x32xf32, #tpu.memory_space<vmem>> -> memref<128x32xf32, #tpu.memory_space<vmem>>
      tpu.vector_store_idx %scatter3A_1172[%add3A_1165, %broadcast_in_dim3A_1167], %get3A_1162 : memref<128x32xf32, #tpu.memory_space<vmem>>[vector<16xi32>, vector<16xi32>], vector<16xf32>,
      %get3A_1173 = arith.constant 1 : i32
      %get3A_1174 = arith.index_cast %get3A_1173 : i32 to index
      %get3A_1175 = arith.constant 464 : index
      %get3A_1176 = tpu.vector_load %arg20[%get3A_1174, %get3A_1175] {strides = array<i32>} : memref<4x512xf32, #tpu.memory_space<vmem>>, vector<16xf32>,
      %add3A_1177 = arith.constant 80 : i32
      %add3A_1178 = vector.broadcast %add3A_1177 : i32 to vector<16xi32>
      %add3A_1179 = arith.addi %iota3A_766, %add3A_1178 : vector<16xi32>
      %broadcast_in_dim3A_1180 = arith.constant 27 : i32
      %broadcast_in_dim3A_1181 = vector.broadcast %broadcast_in_dim3A_1180 : i32 to vector<16xi32>
      %scatter3A_1182 = arith.constant 1 : i32
      %scatter3A_1183 = arith.constant 0 : i32
      %scatter3A_1184 = arith.constant 0 : i32
      %scatter3A_1185 = tpu.memref_slice %arg19[%scatter3A_1182, %scatter3A_1183, %scatter3A_1184] : memref<4x128x32xf32, #tpu.memory_space<vmem>> -> memref<1x128x32xf32, #tpu.memory_space<vmem>>
      %scatter3A_1186 = tpu.memref_squeeze %scatter3A_1185 : memref<1x128x32xf32, #tpu.memory_space<vmem>> -> memref<128x32xf32, #tpu.memory_space<vmem>>
      tpu.vector_store_idx %scatter3A_1186[%add3A_1179, %broadcast_in_dim3A_1181], %get3A_1176 : memref<128x32xf32, #tpu.memory_space<vmem>>[vector<16xi32>, vector<16xi32>], vector<16xf32>,
      %get3A_1187 = arith.constant 1 : i32
      %get3A_1188 = arith.index_cast %get3A_1187 : i32 to index
      %get3A_1189 = arith.constant 480 : index
      %get3A_1190 = tpu.vector_load %arg20[%get3A_1188, %get3A_1189] {strides = array<i32>} : memref<4x512xf32, #tpu.memory_space<vmem>>, vector<16xf32>,
      %add3A_1191 = arith.constant 96 : i32
      %add3A_1192 = vector.broadcast %add3A_1191 : i32 to vector<16xi32>
      %add3A_1193 = arith.addi %iota3A_766, %add3A_1192 : vector<16xi32>
      %broadcast_in_dim3A_1194 = arith.constant 27 : i32
      %broadcast_in_dim3A_1195 = vector.broadcast %broadcast_in_dim3A_1194 : i32 to vector<16xi32>
      %scatter3A_1196 = arith.constant 1 : i32
      %scatter3A_1197 = arith.constant 0 : i32
      %scatter3A_1198 = arith.constant 0 : i32
      %scatter3A_1199 = tpu.memref_slice %arg19[%scatter3A_1196, %scatter3A_1197, %scatter3A_1198] : memref<4x128x32xf32, #tpu.memory_space<vmem>> -> memref<1x128x32xf32, #tpu.memory_space<vmem>>
      %scatter3A_1200 = tpu.memref_squeeze %scatter3A_1199 : memref<1x128x32xf32, #tpu.memory_space<vmem>> -> memref<128x32xf32, #tpu.memory_space<vmem>>
      tpu.vector_store_idx %scatter3A_1200[%add3A_1193, %broadcast_in_dim3A_1195], %get3A_1190 : memref<128x32xf32, #tpu.memory_space<vmem>>[vector<16xi32>, vector<16xi32>], vector<16xf32>,
      %get3A_1201 = arith.constant 1 : i32
      %get3A_1202 = arith.index_cast %get3A_1201 : i32 to index
      %get3A_1203 = arith.constant 496 : index
      %get3A_1204 = tpu.vector_load %arg20[%get3A_1202, %get3A_1203] {strides = array<i32>} : memref<4x512xf32, #tpu.memory_space<vmem>>, vector<16xf32>,
      %add3A_1205 = arith.constant 112 : i32
      %add3A_1206 = vector.broadcast %add3A_1205 : i32 to vector<16xi32>
      %add3A_1207 = arith.addi %iota3A_766, %add3A_1206 : vector<16xi32>
      %broadcast_in_dim3A_1208 = arith.constant 27 : i32
      %broadcast_in_dim3A_1209 = vector.broadcast %broadcast_in_dim3A_1208 : i32 to vector<16xi32>
      %scatter3A_1210 = arith.constant 1 : i32
      %scatter3A_1211 = arith.constant 0 : i32
      %scatter3A_1212 = arith.constant 0 : i32
      %scatter3A_1213 = tpu.memref_slice %arg19[%scatter3A_1210, %scatter3A_1211, %scatter3A_1212] : memref<4x128x32xf32, #tpu.memory_space<vmem>> -> memref<1x128x32xf32, #tpu.memory_space<vmem>>
      %scatter3A_1214 = tpu.memref_squeeze %scatter3A_1213 : memref<1x128x32xf32, #tpu.memory_space<vmem>> -> memref<128x32xf32, #tpu.memory_space<vmem>>
      tpu.vector_store_idx %scatter3A_1214[%add3A_1207, %broadcast_in_dim3A_1209], %get3A_1204 : memref<128x32xf32, #tpu.memory_space<vmem>>[vector<16xi32>, vector<16xi32>], vector<16xf32>,
      %eq3A_1215 = arith.constant 0 : i32
      %eq3A_1216 = arith.cmpi eq, %arg0, %eq3A_1215 : i32
      %convert_element_type3A_1217 = arith.extui %eq3A_1216 : i1 to i32
      %cond3A_1218 = arith.constant 0 : i32
      %cond3A_1219 = arith.cmpi ne, %convert_element_type3A_1217, %cond3A_1218 : i32
      scf.if %cond3A_1219 {
        %dma_start3A_2223 = arith.constant 1 : i32
        %dma_start3A_2224 = arith.constant 1 : i32
        %dma_start3A_2225 = arith.constant 0 : i32
        %dma_start3A_2226 = arith.constant 0 : i32
        %dma_start3A_2227 = tpu.memref_slice %arg18[%dma_start3A_2223, %dma_start3A_2225, %dma_start3A_2226] : memref<4x128x64xf32, #tpu.memory_space<vmem>> -> memref<1x128x64xf32, #tpu.memory_space<vmem>>
        %dma_start3A_2228 = tpu.memref_squeeze %dma_start3A_2227 : memref<1x128x64xf32, #tpu.memory_space<vmem>> -> memref<128x64xf32, #tpu.memory_space<vmem>>
        %dma_start3A_2229 = arith.constant 0 : i32
        %dma_start3A_2230 = tpu.memref_slice %arg16[%dma_start3A_2224, %dma_start3A_2229] : memref<4x128xi32, #tpu.memory_space<vmem>> -> memref<1x128xi32, #tpu.memory_space<vmem>>
        %dma_start3A_2231 = tpu.memref_squeeze %dma_start3A_2230 : memref<1x128xi32, #tpu.memory_space<vmem>> -> memref<128xi32, #tpu.memory_space<vmem>>
        %dma_start3A_2232 = arith.constant 0 : i32
        %dma_start3A_2233 = arith.constant 0 : i32
        %dma_start3A_2234 = tpu.memref_slice %arg21[%dma_start3A_2232, %dma_start3A_2233] : memref<10008x64xf32, #tpu.memory_space<vmem_shared>> -> memref<10008x64xf32, #tpu.memory_space<vmem_shared>>
        tpu.enqueue_indirect_dma source(%dma_start3A_2228 : memref<128x64xf32, #tpu.memory_space<vmem>>) target(%dma_start3A_2234 : memref<10008x64xf32, #tpu.memory_space<vmem_shared>>) offsets(%dma_start3A_2231 : memref<128xi32, #tpu.memory_space<vmem>>) semaphore(%arg32 : memref<!tpu.dma_semaphore, #tpu.memory_space<semaphore_mem>>) {add = true}
        %dma_start3A_2235 = arith.constant 1 : i32
        %dma_start3A_2236 = arith.constant 1 : i32
        %dma_start3A_2237 = arith.constant 0 : i32
        %dma_start3A_2238 = arith.constant 0 : i32
        %dma_start3A_2239 = tpu.memref_slice %arg19[%dma_start3A_2235, %dma_start3A_2237, %dma_start3A_2238] : memref<4x128x32xf32, #tpu.memory_space<vmem>> -> memref<1x128x32xf32, #tpu.memory_space<vmem>>
        %dma_start3A_2240 = tpu.memref_squeeze %dma_start3A_2239 : memref<1x128x32xf32, #tpu.memory_space<vmem>> -> memref<128x32xf32, #tpu.memory_space<vmem>>
        %dma_start3A_2241 = arith.constant 0 : i32
        %dma_start3A_2242 = tpu.memref_slice %arg16[%dma_start3A_2236, %dma_start3A_2241] : memref<4x128xi32, #tpu.memory_space<vmem>> -> memref<1x128xi32, #tpu.memory_space<vmem>>
        %dma_start3A_2243 = tpu.memref_squeeze %dma_start3A_2242 : memref<1x128xi32, #tpu.memory_space<vmem>> -> memref<128xi32, #tpu.memory_space<vmem>>
        %dma_start3A_2244 = arith.constant 0 : i32
        %dma_start3A_2245 = arith.constant 0 : i32
        %dma_start3A_2246 = tpu.memref_slice %arg22[%dma_start3A_2244, %dma_start3A_2245] : memref<10008x32xf32, #tpu.memory_space<vmem_shared>> -> memref<10008x32xf32, #tpu.memory_space<vmem_shared>>
        tpu.enqueue_indirect_dma source(%dma_start3A_2240 : memref<128x32xf32, #tpu.memory_space<vmem>>) target(%dma_start3A_2246 : memref<10008x32xf32, #tpu.memory_space<vmem_shared>>) offsets(%dma_start3A_2243 : memref<128xi32, #tpu.memory_space<vmem>>) semaphore(%arg32 : memref<!tpu.dma_semaphore, #tpu.memory_space<semaphore_mem>>) {add = true}
      } else {
      }
      %eq3A_1220 = arith.constant 1 : i32
      %eq3A_1221 = arith.cmpi eq, %arg0, %eq3A_1220 : i32
      %convert_element_type3A_1222 = arith.extui %eq3A_1221 : i1 to i32
      %cond3A_1223 = arith.constant 0 : i32
      %cond3A_1224 = arith.cmpi ne, %convert_element_type3A_1222, %cond3A_1223 : i32
      scf.if %cond3A_1224 {
        %dma_start3A_2223 = arith.constant 1 : i32
        %dma_start3A_2224 = arith.constant 1 : i32
        %dma_start3A_2225 = arith.constant 0 : i32
        %dma_start3A_2226 = arith.constant 0 : i32
        %dma_start3A_2227 = tpu.memref_slice %arg18[%dma_start3A_2223, %dma_start3A_2225, %dma_start3A_2226] : memref<4x128x64xf32, #tpu.memory_space<vmem>> -> memref<1x128x64xf32, #tpu.memory_space<vmem>>
        %dma_start3A_2228 = tpu.memref_squeeze %dma_start3A_2227 : memref<1x128x64xf32, #tpu.memory_space<vmem>> -> memref<128x64xf32, #tpu.memory_space<vmem>>
        %dma_start3A_2229 = arith.constant 0 : i32
        %dma_start3A_2230 = tpu.memref_slice %arg15[%dma_start3A_2224, %dma_start3A_2229] : memref<4x128xi32, #tpu.memory_space<vmem>> -> memref<1x128xi32, #tpu.memory_space<vmem>>
        %dma_start3A_2231 = tpu.memref_squeeze %dma_start3A_2230 : memref<1x128xi32, #tpu.memory_space<vmem>> -> memref<128xi32, #tpu.memory_space<vmem>>
        %dma_start3A_2232 = arith.constant 0 : i32
        %dma_start3A_2233 = arith.constant 0 : i32
        %dma_start3A_2234 = tpu.memref_slice %arg21[%dma_start3A_2232, %dma_start3A_2233] : memref<10008x64xf32, #tpu.memory_space<vmem_shared>> -> memref<10008x64xf32, #tpu.memory_space<vmem_shared>>
        tpu.enqueue_indirect_dma source(%dma_start3A_2228 : memref<128x64xf32, #tpu.memory_space<vmem>>) target(%dma_start3A_2234 : memref<10008x64xf32, #tpu.memory_space<vmem_shared>>) offsets(%dma_start3A_2231 : memref<128xi32, #tpu.memory_space<vmem>>) semaphore(%arg32 : memref<!tpu.dma_semaphore, #tpu.memory_space<semaphore_mem>>) {add = true}
        %dma_start3A_2235 = arith.constant 1 : i32
        %dma_start3A_2236 = arith.constant 1 : i32
        %dma_start3A_2237 = arith.constant 0 : i32
        %dma_start3A_2238 = arith.constant 0 : i32
        %dma_start3A_2239 = tpu.memref_slice %arg19[%dma_start3A_2235, %dma_start3A_2237, %dma_start3A_2238] : memref<4x128x32xf32, #tpu.memory_space<vmem>> -> memref<1x128x32xf32, #tpu.memory_space<vmem>>
        %dma_start3A_2240 = tpu.memref_squeeze %dma_start3A_2239 : memref<1x128x32xf32, #tpu.memory_space<vmem>> -> memref<128x32xf32, #tpu.memory_space<vmem>>
        %dma_start3A_2241 = arith.constant 0 : i32
        %dma_start3A_2242 = tpu.memref_slice %arg15[%dma_start3A_2236, %dma_start3A_2241] : memref<4x128xi32, #tpu.memory_space<vmem>> -> memref<1x128xi32, #tpu.memory_space<vmem>>
        %dma_start3A_2243 = tpu.memref_squeeze %dma_start3A_2242 : memref<1x128xi32, #tpu.memory_space<vmem>> -> memref<128xi32, #tpu.memory_space<vmem>>
        %dma_start3A_2244 = arith.constant 0 : i32
        %dma_start3A_2245 = arith.constant 0 : i32
        %dma_start3A_2246 = tpu.memref_slice %arg22[%dma_start3A_2244, %dma_start3A_2245] : memref<10008x32xf32, #tpu.memory_space<vmem_shared>> -> memref<10008x32xf32, #tpu.memory_space<vmem_shared>>
        tpu.enqueue_indirect_dma source(%dma_start3A_2240 : memref<128x32xf32, #tpu.memory_space<vmem>>) target(%dma_start3A_2246 : memref<10008x32xf32, #tpu.memory_space<vmem_shared>>) offsets(%dma_start3A_2243 : memref<128xi32, #tpu.memory_space<vmem>>) semaphore(%arg32 : memref<!tpu.dma_semaphore, #tpu.memory_space<semaphore_mem>>) {add = true}
      } else {
      }
      %mul3A_1225 = arith.constant 4 : i32
      %mul3A_1226 = arith.muli %mul3A_1225, %add3A_230 : i32
      %add3A_1227 = arith.constant 2 : i32
      %add3A_1228 = arith.addi %mul3A_1226, %add3A_1227 : i32
      %add3A_1229 = arith.constant 2 : i32
      %add3A_1230 = arith.addi %add3A_1228, %add3A_1229 : i32
      %lt3A_1231 = arith.constant 160 : i32
      %lt3A_1232 = arith.cmpi slt, %add3A_1230, %lt3A_1231 : i32
      %convert_element_type3A_1233 = arith.extui %lt3A_1232 : i1 to i32
      %cond3A_1234 = arith.constant 0 : i32
      %cond3A_1235 = arith.cmpi ne, %convert_element_type3A_1233, %cond3A_1234 : i32
      scf.if %cond3A_1235 {
        %ge3A = arith.constant 2 : i32
        %ge3A_2223 = arith.cmpi sge, %add3A_1228, %ge3A : i32
        %convert_element_type3A_2224 = arith.extui %ge3A_2223 : i1 to i32
        %cond3A_2225 = arith.constant 0 : i32
        %cond3A_2226 = arith.cmpi ne, %convert_element_type3A_2224, %cond3A_2225 : i32
        scf.if %cond3A_2226 {
          %sub3A = arith.constant 2 : i32
          %sub3A_2272 = arith.subi %add3A_1228, %sub3A : i32
          %eq3A_2273 = arith.constant 0 : i32
          %eq3A_2274 = arith.cmpi eq, %arg0, %eq3A_2273 : i32
          %convert_element_type3A_2275 = arith.extui %eq3A_2274 : i1 to i32
          %cond3A_2276 = arith.constant 0 : i32
          %cond3A_2277 = arith.cmpi ne, %convert_element_type3A_2275, %cond3A_2276 : i32
          scf.if %cond3A_2277 {
            %dma_wait3A_2283 = arith.constant 0 : i32
            %dma_wait3A_2284 = arith.constant 0 : i32
            %dma_wait3A_2285 = arith.constant 0 : i32
            %dma_wait3A_2286 = arith.constant 0 : i32
            %dma_wait3A_2287 = tpu.memref_slice %arg18[%dma_wait3A_2283, %dma_wait3A_2285, %dma_wait3A_2286] : memref<4x128x64xf32, #tpu.memory_space<vmem>> -> memref<1x128x64xf32, #tpu.memory_space<vmem>>
            %dma_wait3A_2288 = tpu.memref_squeeze %dma_wait3A_2287 : memref<1x128x64xf32, #tpu.memory_space<vmem>> -> memref<128x64xf32, #tpu.memory_space<vmem>>
            %dma_wait3A_2289 = arith.constant 0 : i32
            %dma_wait3A_2290 = tpu.memref_slice %arg16[%dma_wait3A_2284, %dma_wait3A_2289] : memref<4x128xi32, #tpu.memory_space<vmem>> -> memref<1x128xi32, #tpu.memory_space<vmem>>
            %dma_wait3A_2291 = tpu.memref_squeeze %dma_wait3A_2290 : memref<1x128xi32, #tpu.memory_space<vmem>> -> memref<128xi32, #tpu.memory_space<vmem>>
            %dma_wait3A_2292 = arith.constant 0 : i32
            %dma_wait3A_2293 = arith.constant 0 : i32
            %dma_wait3A_2294 = tpu.memref_slice %arg21[%dma_wait3A_2292, %dma_wait3A_2293] : memref<10008x64xf32, #tpu.memory_space<vmem_shared>> -> memref<10008x64xf32, #tpu.memory_space<vmem_shared>>
            tpu.wait_indirect_dma semaphore(%arg31 : memref<!tpu.dma_semaphore, #tpu.memory_space<semaphore_mem>>) src(%dma_wait3A_2288 : memref<128x64xf32, #tpu.memory_space<vmem>>) dst(%dma_wait3A_2294 : memref<10008x64xf32, #tpu.memory_space<vmem_shared>>)
            %dma_wait3A_2295 = arith.constant 0 : i32
            %dma_wait3A_2296 = arith.constant 0 : i32
            %dma_wait3A_2297 = arith.constant 0 : i32
            %dma_wait3A_2298 = arith.constant 0 : i32
            %dma_wait3A_2299 = tpu.memref_slice %arg19[%dma_wait3A_2295, %dma_wait3A_2297, %dma_wait3A_2298] : memref<4x128x32xf32, #tpu.memory_space<vmem>> -> memref<1x128x32xf32, #tpu.memory_space<vmem>>
            %dma_wait3A_2300 = tpu.memref_squeeze %dma_wait3A_2299 : memref<1x128x32xf32, #tpu.memory_space<vmem>> -> memref<128x32xf32, #tpu.memory_space<vmem>>
            %dma_wait3A_2301 = arith.constant 0 : i32
            %dma_wait3A_2302 = tpu.memref_slice %arg16[%dma_wait3A_2296, %dma_wait3A_2301] : memref<4x128xi32, #tpu.memory_space<vmem>> -> memref<1x128xi32, #tpu.memory_space<vmem>>
            %dma_wait3A_2303 = tpu.memref_squeeze %dma_wait3A_2302 : memref<1x128xi32, #tpu.memory_space<vmem>> -> memref<128xi32, #tpu.memory_space<vmem>>
            %dma_wait3A_2304 = arith.constant 0 : i32
            %dma_wait3A_2305 = arith.constant 0 : i32
            %dma_wait3A_2306 = tpu.memref_slice %arg22[%dma_wait3A_2304, %dma_wait3A_2305] : memref<10008x32xf32, #tpu.memory_space<vmem_shared>> -> memref<10008x32xf32, #tpu.memory_space<vmem_shared>>
            tpu.wait_indirect_dma semaphore(%arg31 : memref<!tpu.dma_semaphore, #tpu.memory_space<semaphore_mem>>) src(%dma_wait3A_2300 : memref<128x32xf32, #tpu.memory_space<vmem>>) dst(%dma_wait3A_2306 : memref<10008x32xf32, #tpu.memory_space<vmem_shared>>)
          } else {
          }
          %eq3A_2278 = arith.constant 1 : i32
          %eq3A_2279 = arith.cmpi eq, %arg0, %eq3A_2278 : i32
          %convert_element_type3A_2280 = arith.extui %eq3A_2279 : i1 to i32
          %cond3A_2281 = arith.constant 0 : i32
          %cond3A_2282 = arith.cmpi ne, %convert_element_type3A_2280, %cond3A_2281 : i32
          scf.if %cond3A_2282 {
            %dma_wait3A_2283 = arith.constant 0 : i32
            %dma_wait3A_2284 = arith.constant 0 : i32
            %dma_wait3A_2285 = arith.constant 0 : i32
            %dma_wait3A_2286 = arith.constant 0 : i32
            %dma_wait3A_2287 = tpu.memref_slice %arg18[%dma_wait3A_2283, %dma_wait3A_2285, %dma_wait3A_2286] : memref<4x128x64xf32, #tpu.memory_space<vmem>> -> memref<1x128x64xf32, #tpu.memory_space<vmem>>
            %dma_wait3A_2288 = tpu.memref_squeeze %dma_wait3A_2287 : memref<1x128x64xf32, #tpu.memory_space<vmem>> -> memref<128x64xf32, #tpu.memory_space<vmem>>
            %dma_wait3A_2289 = arith.constant 0 : i32
            %dma_wait3A_2290 = tpu.memref_slice %arg15[%dma_wait3A_2284, %dma_wait3A_2289] : memref<4x128xi32, #tpu.memory_space<vmem>> -> memref<1x128xi32, #tpu.memory_space<vmem>>
            %dma_wait3A_2291 = tpu.memref_squeeze %dma_wait3A_2290 : memref<1x128xi32, #tpu.memory_space<vmem>> -> memref<128xi32, #tpu.memory_space<vmem>>
            %dma_wait3A_2292 = arith.constant 0 : i32
            %dma_wait3A_2293 = arith.constant 0 : i32
            %dma_wait3A_2294 = tpu.memref_slice %arg21[%dma_wait3A_2292, %dma_wait3A_2293] : memref<10008x64xf32, #tpu.memory_space<vmem_shared>> -> memref<10008x64xf32, #tpu.memory_space<vmem_shared>>
            tpu.wait_indirect_dma semaphore(%arg31 : memref<!tpu.dma_semaphore, #tpu.memory_space<semaphore_mem>>) src(%dma_wait3A_2288 : memref<128x64xf32, #tpu.memory_space<vmem>>) dst(%dma_wait3A_2294 : memref<10008x64xf32, #tpu.memory_space<vmem_shared>>)
            %dma_wait3A_2295 = arith.constant 0 : i32
            %dma_wait3A_2296 = arith.constant 0 : i32
            %dma_wait3A_2297 = arith.constant 0 : i32
            %dma_wait3A_2298 = arith.constant 0 : i32
            %dma_wait3A_2299 = tpu.memref_slice %arg19[%dma_wait3A_2295, %dma_wait3A_2297, %dma_wait3A_2298] : memref<4x128x32xf32, #tpu.memory_space<vmem>> -> memref<1x128x32xf32, #tpu.memory_space<vmem>>
            %dma_wait3A_2300 = tpu.memref_squeeze %dma_wait3A_2299 : memref<1x128x32xf32, #tpu.memory_space<vmem>> -> memref<128x32xf32, #tpu.memory_space<vmem>>
            %dma_wait3A_2301 = arith.constant 0 : i32
            %dma_wait3A_2302 = tpu.memref_slice %arg15[%dma_wait3A_2296, %dma_wait3A_2301] : memref<4x128xi32, #tpu.memory_space<vmem>> -> memref<1x128xi32, #tpu.memory_space<vmem>>
            %dma_wait3A_2303 = tpu.memref_squeeze %dma_wait3A_2302 : memref<1x128xi32, #tpu.memory_space<vmem>> -> memref<128xi32, #tpu.memory_space<vmem>>
            %dma_wait3A_2304 = arith.constant 0 : i32
            %dma_wait3A_2305 = arith.constant 0 : i32
            %dma_wait3A_2306 = tpu.memref_slice %arg22[%dma_wait3A_2304, %dma_wait3A_2305] : memref<10008x32xf32, #tpu.memory_space<vmem_shared>> -> memref<10008x32xf32, #tpu.memory_space<vmem_shared>>
            tpu.wait_indirect_dma semaphore(%arg31 : memref<!tpu.dma_semaphore, #tpu.memory_space<semaphore_mem>>) src(%dma_wait3A_2300 : memref<128x32xf32, #tpu.memory_space<vmem>>) dst(%dma_wait3A_2306 : memref<10008x32xf32, #tpu.memory_space<vmem_shared>>)
          } else {
          }
        } else {
        }
        %add3A_2227 = arith.constant 2 : i32
        %add3A_2228 = arith.addi %add3A_1228, %add3A_2227 : i32
        %mul3A_2229 = arith.constant 16 : i32
        %mul3A_2230 = arith.muli %mul3A_2229, %add3A_2228 : i32
        %add3A_2231 = arith.addi %arg1, %mul3A_2230 : i32
        %mul3A_2232 = arith.constant 128 : i32
        %mul3A_2233 = arith.muli %add3A_2231, %mul3A_2232 : i32
        %mul3A_2234 = arith.constant 4 : i32
        %mul3A_2235 = arith.muli %mul3A_2234, %mul3A_2233 : i32
        %dma_start3A_2236 = arith.constant 0 : i32
        %dma_start3A_2237 = arith.constant 0 : i32
        %dma_start3A_2238 = tpu.memref_slice %arg15[%dma_start3A_2236, %dma_start3A_2237] : memref<4x128xi32, #tpu.memory_space<vmem>> -> memref<1x128xi32, #tpu.memory_space<vmem>>
        %dma_start3A_2239 = tpu.memref_squeeze %dma_start3A_2238 : memref<1x128xi32, #tpu.memory_space<vmem>> -> memref<128xi32, #tpu.memory_space<vmem>>
        %dma_start3A_2240 = tpu.memref_slice %arg2[%mul3A_2233] : memref<327680xi32, #tpu.memory_space<hbm>> -> memref<128xi32, #tpu.memory_space<hbm>>
        %dma_start3A_2241 = arith.constant 0 : i32
        %dma_start3A_2242 = tpu.memref_slice %arg15[%dma_start3A_2236, %dma_start3A_2241] : memref<4x128xi32, #tpu.memory_space<vmem>> -> memref<1x128xi32, #tpu.memory_space<vmem>>
        %dma_start3A_2243 = tpu.memref_squeeze %dma_start3A_2242 : memref<1x128xi32, #tpu.memory_space<vmem>> -> memref<128xi32, #tpu.memory_space<vmem>>
        %dma_start3A_2244 = tpu.memref_slice %arg2[%mul3A_2233] : memref<327680xi32, #tpu.memory_space<hbm>> -> memref<128xi32, #tpu.memory_space<hbm>>
        tpu.enqueue_dma source(%dma_start3A_2244 : memref<128xi32, #tpu.memory_space<hbm>>) target(%dma_start3A_2243 : memref<128xi32, #tpu.memory_space<vmem>>) target_semaphore(%arg23 : memref<!tpu.dma_semaphore, #tpu.memory_space<semaphore_mem>>)
        %dma_start3A_2245 = arith.constant 0 : i32
        %dma_start3A_2246 = arith.constant 0 : i32
        %dma_start3A_2247 = tpu.memref_slice %arg16[%dma_start3A_2245, %dma_start3A_2246] : memref<4x128xi32, #tpu.memory_space<vmem>> -> memref<1x128xi32, #tpu.memory_space<vmem>>
        %dma_start3A_2248 = tpu.memref_squeeze %dma_start3A_2247 : memref<1x128xi32, #tpu.memory_space<vmem>> -> memref<128xi32, #tpu.memory_space<vmem>>
        %dma_start3A_2249 = tpu.memref_slice %arg3[%mul3A_2233] : memref<327680xi32, #tpu.memory_space<hbm>> -> memref<128xi32, #tpu.memory_space<hbm>>
        %dma_start3A_2250 = arith.constant 0 : i32
        %dma_start3A_2251 = tpu.memref_slice %arg16[%dma_start3A_2245, %dma_start3A_2250] : memref<4x128xi32, #tpu.memory_space<vmem>> -> memref<1x128xi32, #tpu.memory_space<vmem>>
        %dma_start3A_2252 = tpu.memref_squeeze %dma_start3A_2251 : memref<1x128xi32, #tpu.memory_space<vmem>> -> memref<128xi32, #tpu.memory_space<vmem>>
        %dma_start3A_2253 = tpu.memref_slice %arg3[%mul3A_2233] : memref<327680xi32, #tpu.memory_space<hbm>> -> memref<128xi32, #tpu.memory_space<hbm>>
        tpu.enqueue_dma source(%dma_start3A_2253 : memref<128xi32, #tpu.memory_space<hbm>>) target(%dma_start3A_2252 : memref<128xi32, #tpu.memory_space<vmem>>) target_semaphore(%arg23 : memref<!tpu.dma_semaphore, #tpu.memory_space<semaphore_mem>>)
        %dma_start3A_2254 = arith.constant 0 : i32
        %dma_start3A_2255 = arith.constant 0 : i32
        %dma_start3A_2256 = tpu.memref_slice %arg17[%dma_start3A_2254, %dma_start3A_2255] : memref<4x128xi32, #tpu.memory_space<vmem>> -> memref<1x128xi32, #tpu.memory_space<vmem>>
        %dma_start3A_2257 = tpu.memref_squeeze %dma_start3A_2256 : memref<1x128xi32, #tpu.memory_space<vmem>> -> memref<128xi32, #tpu.memory_space<vmem>>
        %dma_start3A_2258 = tpu.memref_slice %arg4[%mul3A_2233] : memref<327680xi32, #tpu.memory_space<hbm>> -> memref<128xi32, #tpu.memory_space<hbm>>
        %dma_start3A_2259 = arith.constant 0 : i32
        %dma_start3A_2260 = tpu.memref_slice %arg17[%dma_start3A_2254, %dma_start3A_2259] : memref<4x128xi32, #tpu.memory_space<vmem>> -> memref<1x128xi32, #tpu.memory_space<vmem>>
        %dma_start3A_2261 = tpu.memref_squeeze %dma_start3A_2260 : memref<1x128xi32, #tpu.memory_space<vmem>> -> memref<128xi32, #tpu.memory_space<vmem>>
        %dma_start3A_2262 = tpu.memref_slice %arg4[%mul3A_2233] : memref<327680xi32, #tpu.memory_space<hbm>> -> memref<128xi32, #tpu.memory_space<hbm>>
        tpu.enqueue_dma source(%dma_start3A_2262 : memref<128xi32, #tpu.memory_space<hbm>>) target(%dma_start3A_2261 : memref<128xi32, #tpu.memory_space<vmem>>) target_semaphore(%arg23 : memref<!tpu.dma_semaphore, #tpu.memory_space<semaphore_mem>>)
        %dma_start3A_2263 = arith.constant 0 : i32
        %dma_start3A_2264 = arith.constant 0 : i32
        %dma_start3A_2265 = tpu.memref_slice %arg20[%dma_start3A_2263, %dma_start3A_2264] : memref<4x512xf32, #tpu.memory_space<vmem>> -> memref<1x512xf32, #tpu.memory_space<vmem>>
        %dma_start3A_2266 = tpu.memref_squeeze %dma_start3A_2265 : memref<1x512xf32, #tpu.memory_space<vmem>> -> memref<512xf32, #tpu.memory_space<vmem>>
        %dma_start3A_2267 = tpu.memref_slice %arg5[%mul3A_2235] : memref<1310720xf32, #tpu.memory_space<hbm>> -> memref<512xf32, #tpu.memory_space<hbm>>
        %dma_start3A_2268 = arith.constant 0 : i32
        %dma_start3A_2269 = tpu.memref_slice %arg20[%dma_start3A_2263, %dma_start3A_2268] : memref<4x512xf32, #tpu.memory_space<vmem>> -> memref<1x512xf32, #tpu.memory_space<vmem>>
        %dma_start3A_2270 = tpu.memref_squeeze %dma_start3A_2269 : memref<1x512xf32, #tpu.memory_space<vmem>> -> memref<512xf32, #tpu.memory_space<vmem>>
        %dma_start3A_2271 = tpu.memref_slice %arg5[%mul3A_2235] : memref<1310720xf32, #tpu.memory_space<hbm>> -> memref<512xf32, #tpu.memory_space<hbm>>
        tpu.enqueue_dma source(%dma_start3A_2271 : memref<512xf32, #tpu.memory_space<hbm>>) target(%dma_start3A_2270 : memref<512xf32, #tpu.memory_space<vmem>>) target_semaphore(%arg23 : memref<!tpu.dma_semaphore, #tpu.memory_space<semaphore_mem>>)
      } else {
      }
      %add3A_1236 = arith.constant 1 : i32
      %add3A_1237 = arith.addi %add3A_1228, %add3A_1236 : i32
      %lt3A_1238 = arith.constant 160 : i32
      %lt3A_1239 = arith.cmpi slt, %add3A_1237, %lt3A_1238 : i32
      %convert_element_type3A_1240 = arith.extui %lt3A_1239 : i1 to i32
      %cond3A_1241 = arith.constant 0 : i32
      %cond3A_1242 = arith.cmpi ne, %convert_element_type3A_1240, %cond3A_1241 : i32
      scf.if %cond3A_1242 {
        %add3A_2223 = arith.constant 1 : i32
        %add3A_2224 = arith.addi %add3A_1228, %add3A_2223 : i32
        %mul3A_2225 = arith.constant 16 : i32
        %mul3A_2226 = arith.muli %mul3A_2225, %add3A_2224 : i32
        %add3A_2227 = arith.addi %arg1, %mul3A_2226 : i32
        %mul3A_2228 = arith.constant 128 : i32
        %mul3A_2229 = arith.muli %add3A_2227, %mul3A_2228 : i32
        %mul3A_2230 = arith.constant 4 : i32
        %mul3A_2231 = arith.muli %mul3A_2230, %mul3A_2229 : i32
        %dma_wait3A_2232 = arith.constant 3 : i32
        %dma_wait3A_2233 = arith.constant 0 : i32
        %dma_wait3A_2234 = tpu.memref_slice %arg15[%dma_wait3A_2232, %dma_wait3A_2233] : memref<4x128xi32, #tpu.memory_space<vmem>> -> memref<1x128xi32, #tpu.memory_space<vmem>>
        %dma_wait3A_2235 = tpu.memref_squeeze %dma_wait3A_2234 : memref<1x128xi32, #tpu.memory_space<vmem>> -> memref<128xi32, #tpu.memory_space<vmem>>
        %dma_wait3A_2236 = tpu.memref_slice %arg2[%mul3A_2229] : memref<327680xi32, #tpu.memory_space<hbm>> -> memref<128xi32, #tpu.memory_space<hbm>>
        %dma_wait3A_2237 = arith.constant 0 : i32
        %dma_wait3A_2238 = tpu.memref_slice %arg15[%dma_wait3A_2232, %dma_wait3A_2237] : memref<4x128xi32, #tpu.memory_space<vmem>> -> memref<1x128xi32, #tpu.memory_space<vmem>>
        %dma_wait3A_2239 = tpu.memref_squeeze %dma_wait3A_2238 : memref<1x128xi32, #tpu.memory_space<vmem>> -> memref<128xi32, #tpu.memory_space<vmem>>
        %dma_wait3A_2240 = tpu.memref_slice %arg2[%mul3A_2229] : memref<327680xi32, #tpu.memory_space<hbm>> -> memref<128xi32, #tpu.memory_space<hbm>>
        tpu.wait_dma2 semaphore(%arg26 : memref<!tpu.dma_semaphore, #tpu.memory_space<semaphore_mem>>) src(%dma_wait3A_2240 : memref<128xi32, #tpu.memory_space<hbm>>) dst(%dma_wait3A_2239 : memref<128xi32, #tpu.memory_space<vmem>>)
        %dma_wait3A_2241 = arith.constant 3 : i32
        %dma_wait3A_2242 = arith.constant 0 : i32
        %dma_wait3A_2243 = tpu.memref_slice %arg16[%dma_wait3A_2241, %dma_wait3A_2242] : memref<4x128xi32, #tpu.memory_space<vmem>> -> memref<1x128xi32, #tpu.memory_space<vmem>>
        %dma_wait3A_2244 = tpu.memref_squeeze %dma_wait3A_2243 : memref<1x128xi32, #tpu.memory_space<vmem>> -> memref<128xi32, #tpu.memory_space<vmem>>
        %dma_wait3A_2245 = tpu.memref_slice %arg3[%mul3A_2229] : memref<327680xi32, #tpu.memory_space<hbm>> -> memref<128xi32, #tpu.memory_space<hbm>>
        %dma_wait3A_2246 = arith.constant 0 : i32
        %dma_wait3A_2247 = tpu.memref_slice %arg16[%dma_wait3A_2241, %dma_wait3A_2246] : memref<4x128xi32, #tpu.memory_space<vmem>> -> memref<1x128xi32, #tpu.memory_space<vmem>>
        %dma_wait3A_2248 = tpu.memref_squeeze %dma_wait3A_2247 : memref<1x128xi32, #tpu.memory_space<vmem>> -> memref<128xi32, #tpu.memory_space<vmem>>
        %dma_wait3A_2249 = tpu.memref_slice %arg3[%mul3A_2229] : memref<327680xi32, #tpu.memory_space<hbm>> -> memref<128xi32, #tpu.memory_space<hbm>>
        tpu.wait_dma2 semaphore(%arg26 : memref<!tpu.dma_semaphore, #tpu.memory_space<semaphore_mem>>) src(%dma_wait3A_2249 : memref<128xi32, #tpu.memory_space<hbm>>) dst(%dma_wait3A_2248 : memref<128xi32, #tpu.memory_space<vmem>>)
        %dma_wait3A_2250 = arith.constant 3 : i32
        %dma_wait3A_2251 = arith.constant 0 : i32
        %dma_wait3A_2252 = tpu.memref_slice %arg17[%dma_wait3A_2250, %dma_wait3A_2251] : memref<4x128xi32, #tpu.memory_space<vmem>> -> memref<1x128xi32, #tpu.memory_space<vmem>>
        %dma_wait3A_2253 = tpu.memref_squeeze %dma_wait3A_2252 : memref<1x128xi32, #tpu.memory_space<vmem>> -> memref<128xi32, #tpu.memory_space<vmem>>
        %dma_wait3A_2254 = tpu.memref_slice %arg4[%mul3A_2229] : memref<327680xi32, #tpu.memory_space<hbm>> -> memref<128xi32, #tpu.memory_space<hbm>>
        %dma_wait3A_2255 = arith.constant 0 : i32
        %dma_wait3A_2256 = tpu.memref_slice %arg17[%dma_wait3A_2250, %dma_wait3A_2255] : memref<4x128xi32, #tpu.memory_space<vmem>> -> memref<1x128xi32, #tpu.memory_space<vmem>>
        %dma_wait3A_2257 = tpu.memref_squeeze %dma_wait3A_2256 : memref<1x128xi32, #tpu.memory_space<vmem>> -> memref<128xi32, #tpu.memory_space<vmem>>
        %dma_wait3A_2258 = tpu.memref_slice %arg4[%mul3A_2229] : memref<327680xi32, #tpu.memory_space<hbm>> -> memref<128xi32, #tpu.memory_space<hbm>>
        tpu.wait_dma2 semaphore(%arg26 : memref<!tpu.dma_semaphore, #tpu.memory_space<semaphore_mem>>) src(%dma_wait3A_2258 : memref<128xi32, #tpu.memory_space<hbm>>) dst(%dma_wait3A_2257 : memref<128xi32, #tpu.memory_space<vmem>>)
        %dma_wait3A_2259 = arith.constant 3 : i32
        %dma_wait3A_2260 = arith.constant 0 : i32
        %dma_wait3A_2261 = tpu.memref_slice %arg20[%dma_wait3A_2259, %dma_wait3A_2260] : memref<4x512xf32, #tpu.memory_space<vmem>> -> memref<1x512xf32, #tpu.memory_space<vmem>>
        %dma_wait3A_2262 = tpu.memref_squeeze %dma_wait3A_2261 : memref<1x512xf32, #tpu.memory_space<vmem>> -> memref<512xf32, #tpu.memory_space<vmem>>
        %dma_wait3A_2263 = tpu.memref_slice %arg5[%mul3A_2231] : memref<1310720xf32, #tpu.memory_space<hbm>> -> memref<512xf32, #tpu.memory_space<hbm>>
        %dma_wait3A_2264 = arith.constant 0 : i32
        %dma_wait3A_2265 = tpu.memref_slice %arg20[%dma_wait3A_2259, %dma_wait3A_2264] : memref<4x512xf32, #tpu.memory_space<vmem>> -> memref<1x512xf32, #tpu.memory_space<vmem>>
        %dma_wait3A_2266 = tpu.memref_squeeze %dma_wait3A_2265 : memref<1x512xf32, #tpu.memory_space<vmem>> -> memref<512xf32, #tpu.memory_space<vmem>>
        %dma_wait3A_2267 = tpu.memref_slice %arg5[%mul3A_2231] : memref<1310720xf32, #tpu.memory_space<hbm>> -> memref<512xf32, #tpu.memory_space<hbm>>
        tpu.wait_dma2 semaphore(%arg26 : memref<!tpu.dma_semaphore, #tpu.memory_space<semaphore_mem>>) src(%dma_wait3A_2267 : memref<512xf32, #tpu.memory_space<hbm>>) dst(%dma_wait3A_2266 : memref<512xf32, #tpu.memory_space<vmem>>)
        %add3A_2268 = arith.constant 1 : i32
        %add3A_2269 = arith.addi %add3A_1228, %add3A_2268 : i32
        %eq3A_2270 = arith.constant 0 : i32
        %eq3A_2271 = arith.cmpi eq, %arg0, %eq3A_2270 : i32
        %convert_element_type3A_2272 = arith.extui %eq3A_2271 : i1 to i32
        %cond3A_2273 = arith.constant 0 : i32
        %cond3A_2274 = arith.cmpi ne, %convert_element_type3A_2272, %cond3A_2273 : i32
        scf.if %cond3A_2274 {
          %dma_start3A_2292 = arith.constant 3 : i32
          %dma_start3A_2293 = arith.constant 3 : i32
          %dma_start3A_2294 = arith.constant 0 : i32
          %dma_start3A_2295 = arith.constant 0 : i32
          %dma_start3A_2296 = tpu.memref_slice %arg18[%dma_start3A_2293, %dma_start3A_2294, %dma_start3A_2295] : memref<4x128x64xf32, #tpu.memory_space<vmem>> -> memref<1x128x64xf32, #tpu.memory_space<vmem>>
          %dma_start3A_2297 = tpu.memref_squeeze %dma_start3A_2296 : memref<1x128x64xf32, #tpu.memory_space<vmem>> -> memref<128x64xf32, #tpu.memory_space<vmem>>
          %dma_start3A_2298 = arith.constant 0 : i32
          %dma_start3A_2299 = tpu.memref_slice %arg15[%dma_start3A_2292, %dma_start3A_2298] : memref<4x128xi32, #tpu.memory_space<vmem>> -> memref<1x128xi32, #tpu.memory_space<vmem>>
          %dma_start3A_2300 = tpu.memref_squeeze %dma_start3A_2299 : memref<1x128xi32, #tpu.memory_space<vmem>> -> memref<128xi32, #tpu.memory_space<vmem>>
          %dma_start3A_2301 = arith.constant 0 : i32
          %dma_start3A_2302 = arith.constant 0 : i32
          %dma_start3A_2303 = tpu.memref_slice %arg6[%dma_start3A_2301, %dma_start3A_2302] : memref<2056x64xf32, #tpu.memory_space<hbm>> -> memref<2056x64xf32, #tpu.memory_space<hbm>>
          tpu.enqueue_indirect_dma source(%dma_start3A_2303 : memref<2056x64xf32, #tpu.memory_space<hbm>>) target(%dma_start3A_2297 : memref<128x64xf32, #tpu.memory_space<vmem>>) offsets(%dma_start3A_2300 : memref<128xi32, #tpu.memory_space<vmem>>) semaphore(%arg30 : memref<!tpu.dma_semaphore, #tpu.memory_space<semaphore_mem>>)
        } else {
        }
        %eq3A_2275 = arith.constant 1 : i32
        %eq3A_2276 = arith.cmpi eq, %arg0, %eq3A_2275 : i32
        %convert_element_type3A_2277 = arith.extui %eq3A_2276 : i1 to i32
        %cond3A_2278 = arith.constant 0 : i32
        %cond3A_2279 = arith.cmpi ne, %convert_element_type3A_2277, %cond3A_2278 : i32
        scf.if %cond3A_2279 {
          %dma_start3A_2292 = arith.constant 3 : i32
          %dma_start3A_2293 = arith.constant 3 : i32
          %dma_start3A_2294 = arith.constant 0 : i32
          %dma_start3A_2295 = arith.constant 0 : i32
          %dma_start3A_2296 = tpu.memref_slice %arg18[%dma_start3A_2293, %dma_start3A_2294, %dma_start3A_2295] : memref<4x128x64xf32, #tpu.memory_space<vmem>> -> memref<1x128x64xf32, #tpu.memory_space<vmem>>
          %dma_start3A_2297 = tpu.memref_squeeze %dma_start3A_2296 : memref<1x128x64xf32, #tpu.memory_space<vmem>> -> memref<128x64xf32, #tpu.memory_space<vmem>>
          %dma_start3A_2298 = arith.constant 0 : i32
          %dma_start3A_2299 = tpu.memref_slice %arg16[%dma_start3A_2292, %dma_start3A_2298] : memref<4x128xi32, #tpu.memory_space<vmem>> -> memref<1x128xi32, #tpu.memory_space<vmem>>
          %dma_start3A_2300 = tpu.memref_squeeze %dma_start3A_2299 : memref<1x128xi32, #tpu.memory_space<vmem>> -> memref<128xi32, #tpu.memory_space<vmem>>
          %dma_start3A_2301 = arith.constant 0 : i32
          %dma_start3A_2302 = arith.constant 0 : i32
          %dma_start3A_2303 = tpu.memref_slice %arg7[%dma_start3A_2301, %dma_start3A_2302] : memref<10008x64xf32, #tpu.memory_space<hbm>> -> memref<10008x64xf32, #tpu.memory_space<hbm>>
          tpu.enqueue_indirect_dma source(%dma_start3A_2303 : memref<10008x64xf32, #tpu.memory_space<hbm>>) target(%dma_start3A_2297 : memref<128x64xf32, #tpu.memory_space<vmem>>) offsets(%dma_start3A_2300 : memref<128xi32, #tpu.memory_space<vmem>>) semaphore(%arg30 : memref<!tpu.dma_semaphore, #tpu.memory_space<semaphore_mem>>)
        } else {
        }
        %dma_start3A_2280 = arith.constant 3 : i32
        %dma_start3A_2281 = arith.constant 3 : i32
        %dma_start3A_2282 = arith.constant 0 : i32
        %dma_start3A_2283 = arith.constant 0 : i32
        %dma_start3A_2284 = tpu.memref_slice %arg19[%dma_start3A_2281, %dma_start3A_2282, %dma_start3A_2283] : memref<4x128x32xf32, #tpu.memory_space<vmem>> -> memref<1x128x32xf32, #tpu.memory_space<vmem>>
        %dma_start3A_2285 = tpu.memref_squeeze %dma_start3A_2284 : memref<1x128x32xf32, #tpu.memory_space<vmem>> -> memref<128x32xf32, #tpu.memory_space<vmem>>
        %dma_start3A_2286 = arith.constant 0 : i32
        %dma_start3A_2287 = tpu.memref_slice %arg17[%dma_start3A_2280, %dma_start3A_2286] : memref<4x128xi32, #tpu.memory_space<vmem>> -> memref<1x128xi32, #tpu.memory_space<vmem>>
        %dma_start3A_2288 = tpu.memref_squeeze %dma_start3A_2287 : memref<1x128xi32, #tpu.memory_space<vmem>> -> memref<128xi32, #tpu.memory_space<vmem>>
        %dma_start3A_2289 = arith.constant 0 : i32
        %dma_start3A_2290 = arith.constant 0 : i32
        %dma_start3A_2291 = tpu.memref_slice %arg8[%dma_start3A_2289, %dma_start3A_2290] : memref<10008x32xf32, #tpu.memory_space<hbm>> -> memref<10008x32xf32, #tpu.memory_space<hbm>>
        tpu.enqueue_indirect_dma source(%dma_start3A_2291 : memref<10008x32xf32, #tpu.memory_space<hbm>>) target(%dma_start3A_2285 : memref<128x32xf32, #tpu.memory_space<vmem>>) offsets(%dma_start3A_2288 : memref<128xi32, #tpu.memory_space<vmem>>) semaphore(%arg30 : memref<!tpu.dma_semaphore, #tpu.memory_space<semaphore_mem>>)
      } else {
      }
      %eq3A_1243 = arith.constant 0 : i32
      %eq3A_1244 = arith.cmpi eq, %arg0, %eq3A_1243 : i32
      %convert_element_type3A_1245 = arith.extui %eq3A_1244 : i1 to i32
      %cond3A_1246 = arith.constant 0 : i32
      %cond3A_1247 = arith.cmpi ne, %convert_element_type3A_1245, %cond3A_1246 : i32
      scf.if %cond3A_1247 {
        %dma_wait3A_2223 = arith.constant 2 : i32
        %dma_wait3A_2224 = arith.constant 2 : i32
        %dma_wait3A_2225 = arith.constant 0 : i32
        %dma_wait3A_2226 = arith.constant 0 : i32
        %dma_wait3A_2227 = tpu.memref_slice %arg18[%dma_wait3A_2224, %dma_wait3A_2225, %dma_wait3A_2226] : memref<4x128x64xf32, #tpu.memory_space<vmem>> -> memref<1x128x64xf32, #tpu.memory_space<vmem>>
        %dma_wait3A_2228 = tpu.memref_squeeze %dma_wait3A_2227 : memref<1x128x64xf32, #tpu.memory_space<vmem>> -> memref<128x64xf32, #tpu.memory_space<vmem>>
        %dma_wait3A_2229 = arith.constant 0 : i32
        %dma_wait3A_2230 = tpu.memref_slice %arg15[%dma_wait3A_2223, %dma_wait3A_2229] : memref<4x128xi32, #tpu.memory_space<vmem>> -> memref<1x128xi32, #tpu.memory_space<vmem>>
        %dma_wait3A_2231 = tpu.memref_squeeze %dma_wait3A_2230 : memref<1x128xi32, #tpu.memory_space<vmem>> -> memref<128xi32, #tpu.memory_space<vmem>>
        %dma_wait3A_2232 = arith.constant 0 : i32
        %dma_wait3A_2233 = arith.constant 0 : i32
        %dma_wait3A_2234 = tpu.memref_slice %arg6[%dma_wait3A_2232, %dma_wait3A_2233] : memref<2056x64xf32, #tpu.memory_space<hbm>> -> memref<2056x64xf32, #tpu.memory_space<hbm>>
        tpu.wait_indirect_dma semaphore(%arg29 : memref<!tpu.dma_semaphore, #tpu.memory_space<semaphore_mem>>) src(%dma_wait3A_2234 : memref<2056x64xf32, #tpu.memory_space<hbm>>) dst(%dma_wait3A_2228 : memref<128x64xf32, #tpu.memory_space<vmem>>)
      } else {
      }
      %eq3A_1248 = arith.constant 1 : i32
      %eq3A_1249 = arith.cmpi eq, %arg0, %eq3A_1248 : i32
      %convert_element_type3A_1250 = arith.extui %eq3A_1249 : i1 to i32
      %cond3A_1251 = arith.constant 0 : i32
      %cond3A_1252 = arith.cmpi ne, %convert_element_type3A_1250, %cond3A_1251 : i32
      scf.if %cond3A_1252 {
        %dma_wait3A_2223 = arith.constant 2 : i32
        %dma_wait3A_2224 = arith.constant 2 : i32
        %dma_wait3A_2225 = arith.constant 0 : i32
        %dma_wait3A_2226 = arith.constant 0 : i32
        %dma_wait3A_2227 = tpu.memref_slice %arg18[%dma_wait3A_2224, %dma_wait3A_2225, %dma_wait3A_2226] : memref<4x128x64xf32, #tpu.memory_space<vmem>> -> memref<1x128x64xf32, #tpu.memory_space<vmem>>
        %dma_wait3A_2228 = tpu.memref_squeeze %dma_wait3A_2227 : memref<1x128x64xf32, #tpu.memory_space<vmem>> -> memref<128x64xf32, #tpu.memory_space<vmem>>
        %dma_wait3A_2229 = arith.constant 0 : i32
        %dma_wait3A_2230 = tpu.memref_slice %arg16[%dma_wait3A_2223, %dma_wait3A_2229] : memref<4x128xi32, #tpu.memory_space<vmem>> -> memref<1x128xi32, #tpu.memory_space<vmem>>
        %dma_wait3A_2231 = tpu.memref_squeeze %dma_wait3A_2230 : memref<1x128xi32, #tpu.memory_space<vmem>> -> memref<128xi32, #tpu.memory_space<vmem>>
        %dma_wait3A_2232 = arith.constant 0 : i32
        %dma_wait3A_2233 = arith.constant 0 : i32
        %dma_wait3A_2234 = tpu.memref_slice %arg7[%dma_wait3A_2232, %dma_wait3A_2233] : memref<10008x64xf32, #tpu.memory_space<hbm>> -> memref<10008x64xf32, #tpu.memory_space<hbm>>
        tpu.wait_indirect_dma semaphore(%arg29 : memref<!tpu.dma_semaphore, #tpu.memory_space<semaphore_mem>>) src(%dma_wait3A_2234 : memref<10008x64xf32, #tpu.memory_space<hbm>>) dst(%dma_wait3A_2228 : memref<128x64xf32, #tpu.memory_space<vmem>>)
      } else {
      }
      %dma_wait3A_1253 = arith.constant 2 : i32
      %dma_wait3A_1254 = arith.constant 2 : i32
      %dma_wait3A_1255 = arith.constant 0 : i32
      %dma_wait3A_1256 = arith.constant 0 : i32
      %dma_wait3A_1257 = tpu.memref_slice %arg19[%dma_wait3A_1254, %dma_wait3A_1255, %dma_wait3A_1256] : memref<4x128x32xf32, #tpu.memory_space<vmem>> -> memref<1x128x32xf32, #tpu.memory_space<vmem>>
      %dma_wait3A_1258 = tpu.memref_squeeze %dma_wait3A_1257 : memref<1x128x32xf32, #tpu.memory_space<vmem>> -> memref<128x32xf32, #tpu.memory_space<vmem>>
      %dma_wait3A_1259 = arith.constant 0 : i32
      %dma_wait3A_1260 = tpu.memref_slice %arg17[%dma_wait3A_1253, %dma_wait3A_1259] : memref<4x128xi32, #tpu.memory_space<vmem>> -> memref<1x128xi32, #tpu.memory_space<vmem>>
      %dma_wait3A_1261 = tpu.memref_squeeze %dma_wait3A_1260 : memref<1x128xi32, #tpu.memory_space<vmem>> -> memref<128xi32, #tpu.memory_space<vmem>>
      %dma_wait3A_1262 = arith.constant 0 : i32
      %dma_wait3A_1263 = arith.constant 0 : i32
      %dma_wait3A_1264 = tpu.memref_slice %arg8[%dma_wait3A_1262, %dma_wait3A_1263] : memref<10008x32xf32, #tpu.memory_space<hbm>> -> memref<10008x32xf32, #tpu.memory_space<hbm>>
      tpu.wait_indirect_dma semaphore(%arg29 : memref<!tpu.dma_semaphore, #tpu.memory_space<semaphore_mem>>) src(%dma_wait3A_1264 : memref<10008x32xf32, #tpu.memory_space<hbm>>) dst(%dma_wait3A_1258 : memref<128x32xf32, #tpu.memory_space<vmem>>)
      %iota3A_1265 = tpu.iota {dimensions = array<i32: 0>} : vector<16xi32>
      %get3A_1266 = arith.constant 2 : i32
      %get3A_1267 = arith.index_cast %get3A_1266 : i32 to index
      %get3A_1268 = arith.constant 0 : index
      %get3A_1269 = tpu.vector_load %arg20[%get3A_1267, %get3A_1268] {strides = array<i32>} : memref<4x512xf32, #tpu.memory_space<vmem>>, vector<16xf32>,
      %add3A_1270 = arith.constant 0 : i32
      %add3A_1271 = vector.broadcast %add3A_1270 : i32 to vector<16xi32>
      %add3A_1272 = arith.addi %iota3A_1265, %add3A_1271 : vector<16xi32>
      %broadcast_in_dim3A_1273 = arith.constant 24 : i32
      %broadcast_in_dim3A_1274 = vector.broadcast %broadcast_in_dim3A_1273 : i32 to vector<16xi32>
      %scatter3A_1275 = arith.constant 2 : i32
      %scatter3A_1276 = arith.constant 0 : i32
      %scatter3A_1277 = arith.constant 0 : i32
      %scatter3A_1278 = tpu.memref_slice %arg19[%scatter3A_1275, %scatter3A_1276, %scatter3A_1277] : memref<4x128x32xf32, #tpu.memory_space<vmem>> -> memref<1x128x32xf32, #tpu.memory_space<vmem>>
      %scatter3A_1279 = tpu.memref_squeeze %scatter3A_1278 : memref<1x128x32xf32, #tpu.memory_space<vmem>> -> memref<128x32xf32, #tpu.memory_space<vmem>>
      tpu.vector_store_idx %scatter3A_1279[%add3A_1272, %broadcast_in_dim3A_1274], %get3A_1269 : memref<128x32xf32, #tpu.memory_space<vmem>>[vector<16xi32>, vector<16xi32>], vector<16xf32>,
      %get3A_1280 = arith.constant 2 : i32
      %get3A_1281 = arith.index_cast %get3A_1280 : i32 to index
      %get3A_1282 = arith.constant 16 : index
      %get3A_1283 = tpu.vector_load %arg20[%get3A_1281, %get3A_1282] {strides = array<i32>} : memref<4x512xf32, #tpu.memory_space<vmem>>, vector<16xf32>,
      %add3A_1284 = arith.constant 16 : i32
      %add3A_1285 = vector.broadcast %add3A_1284 : i32 to vector<16xi32>
      %add3A_1286 = arith.addi %iota3A_1265, %add3A_1285 : vector<16xi32>
      %broadcast_in_dim3A_1287 = arith.constant 24 : i32
      %broadcast_in_dim3A_1288 = vector.broadcast %broadcast_in_dim3A_1287 : i32 to vector<16xi32>
      %scatter3A_1289 = arith.constant 2 : i32
      %scatter3A_1290 = arith.constant 0 : i32
      %scatter3A_1291 = arith.constant 0 : i32
      %scatter3A_1292 = tpu.memref_slice %arg19[%scatter3A_1289, %scatter3A_1290, %scatter3A_1291] : memref<4x128x32xf32, #tpu.memory_space<vmem>> -> memref<1x128x32xf32, #tpu.memory_space<vmem>>
      %scatter3A_1293 = tpu.memref_squeeze %scatter3A_1292 : memref<1x128x32xf32, #tpu.memory_space<vmem>> -> memref<128x32xf32, #tpu.memory_space<vmem>>
      tpu.vector_store_idx %scatter3A_1293[%add3A_1286, %broadcast_in_dim3A_1288], %get3A_1283 : memref<128x32xf32, #tpu.memory_space<vmem>>[vector<16xi32>, vector<16xi32>], vector<16xf32>,
      %get3A_1294 = arith.constant 2 : i32
      %get3A_1295 = arith.index_cast %get3A_1294 : i32 to index
      %get3A_1296 = arith.constant 32 : index
      %get3A_1297 = tpu.vector_load %arg20[%get3A_1295, %get3A_1296] {strides = array<i32>} : memref<4x512xf32, #tpu.memory_space<vmem>>, vector<16xf32>,
      %add3A_1298 = arith.constant 32 : i32
      %add3A_1299 = vector.broadcast %add3A_1298 : i32 to vector<16xi32>
      %add3A_1300 = arith.addi %iota3A_1265, %add3A_1299 : vector<16xi32>
      %broadcast_in_dim3A_1301 = arith.constant 24 : i32
      %broadcast_in_dim3A_1302 = vector.broadcast %broadcast_in_dim3A_1301 : i32 to vector<16xi32>
      %scatter3A_1303 = arith.constant 2 : i32
      %scatter3A_1304 = arith.constant 0 : i32
      %scatter3A_1305 = arith.constant 0 : i32
      %scatter3A_1306 = tpu.memref_slice %arg19[%scatter3A_1303, %scatter3A_1304, %scatter3A_1305] : memref<4x128x32xf32, #tpu.memory_space<vmem>> -> memref<1x128x32xf32, #tpu.memory_space<vmem>>
      %scatter3A_1307 = tpu.memref_squeeze %scatter3A_1306 : memref<1x128x32xf32, #tpu.memory_space<vmem>> -> memref<128x32xf32, #tpu.memory_space<vmem>>
      tpu.vector_store_idx %scatter3A_1307[%add3A_1300, %broadcast_in_dim3A_1302], %get3A_1297 : memref<128x32xf32, #tpu.memory_space<vmem>>[vector<16xi32>, vector<16xi32>], vector<16xf32>,
      %get3A_1308 = arith.constant 2 : i32
      %get3A_1309 = arith.index_cast %get3A_1308 : i32 to index
      %get3A_1310 = arith.constant 48 : index
      %get3A_1311 = tpu.vector_load %arg20[%get3A_1309, %get3A_1310] {strides = array<i32>} : memref<4x512xf32, #tpu.memory_space<vmem>>, vector<16xf32>,
      %add3A_1312 = arith.constant 48 : i32
      %add3A_1313 = vector.broadcast %add3A_1312 : i32 to vector<16xi32>
      %add3A_1314 = arith.addi %iota3A_1265, %add3A_1313 : vector<16xi32>
      %broadcast_in_dim3A_1315 = arith.constant 24 : i32
      %broadcast_in_dim3A_1316 = vector.broadcast %broadcast_in_dim3A_1315 : i32 to vector<16xi32>
      %scatter3A_1317 = arith.constant 2 : i32
      %scatter3A_1318 = arith.constant 0 : i32
      %scatter3A_1319 = arith.constant 0 : i32
      %scatter3A_1320 = tpu.memref_slice %arg19[%scatter3A_1317, %scatter3A_1318, %scatter3A_1319] : memref<4x128x32xf32, #tpu.memory_space<vmem>> -> memref<1x128x32xf32, #tpu.memory_space<vmem>>
      %scatter3A_1321 = tpu.memref_squeeze %scatter3A_1320 : memref<1x128x32xf32, #tpu.memory_space<vmem>> -> memref<128x32xf32, #tpu.memory_space<vmem>>
      tpu.vector_store_idx %scatter3A_1321[%add3A_1314, %broadcast_in_dim3A_1316], %get3A_1311 : memref<128x32xf32, #tpu.memory_space<vmem>>[vector<16xi32>, vector<16xi32>], vector<16xf32>,
      %get3A_1322 = arith.constant 2 : i32
      %get3A_1323 = arith.index_cast %get3A_1322 : i32 to index
      %get3A_1324 = arith.constant 64 : index
      %get3A_1325 = tpu.vector_load %arg20[%get3A_1323, %get3A_1324] {strides = array<i32>} : memref<4x512xf32, #tpu.memory_space<vmem>>, vector<16xf32>,
      %add3A_1326 = arith.constant 64 : i32
      %add3A_1327 = vector.broadcast %add3A_1326 : i32 to vector<16xi32>
      %add3A_1328 = arith.addi %iota3A_1265, %add3A_1327 : vector<16xi32>
      %broadcast_in_dim3A_1329 = arith.constant 24 : i32
      %broadcast_in_dim3A_1330 = vector.broadcast %broadcast_in_dim3A_1329 : i32 to vector<16xi32>
      %scatter3A_1331 = arith.constant 2 : i32
      %scatter3A_1332 = arith.constant 0 : i32
      %scatter3A_1333 = arith.constant 0 : i32
      %scatter3A_1334 = tpu.memref_slice %arg19[%scatter3A_1331, %scatter3A_1332, %scatter3A_1333] : memref<4x128x32xf32, #tpu.memory_space<vmem>> -> memref<1x128x32xf32, #tpu.memory_space<vmem>>
      %scatter3A_1335 = tpu.memref_squeeze %scatter3A_1334 : memref<1x128x32xf32, #tpu.memory_space<vmem>> -> memref<128x32xf32, #tpu.memory_space<vmem>>
      tpu.vector_store_idx %scatter3A_1335[%add3A_1328, %broadcast_in_dim3A_1330], %get3A_1325 : memref<128x32xf32, #tpu.memory_space<vmem>>[vector<16xi32>, vector<16xi32>], vector<16xf32>,
      %get3A_1336 = arith.constant 2 : i32
      %get3A_1337 = arith.index_cast %get3A_1336 : i32 to index
      %get3A_1338 = arith.constant 80 : index
      %get3A_1339 = tpu.vector_load %arg20[%get3A_1337, %get3A_1338] {strides = array<i32>} : memref<4x512xf32, #tpu.memory_space<vmem>>, vector<16xf32>,
      %add3A_1340 = arith.constant 80 : i32
      %add3A_1341 = vector.broadcast %add3A_1340 : i32 to vector<16xi32>
      %add3A_1342 = arith.addi %iota3A_1265, %add3A_1341 : vector<16xi32>
      %broadcast_in_dim3A_1343 = arith.constant 24 : i32
      %broadcast_in_dim3A_1344 = vector.broadcast %broadcast_in_dim3A_1343 : i32 to vector<16xi32>
      %scatter3A_1345 = arith.constant 2 : i32
      %scatter3A_1346 = arith.constant 0 : i32
      %scatter3A_1347 = arith.constant 0 : i32
      %scatter3A_1348 = tpu.memref_slice %arg19[%scatter3A_1345, %scatter3A_1346, %scatter3A_1347] : memref<4x128x32xf32, #tpu.memory_space<vmem>> -> memref<1x128x32xf32, #tpu.memory_space<vmem>>
      %scatter3A_1349 = tpu.memref_squeeze %scatter3A_1348 : memref<1x128x32xf32, #tpu.memory_space<vmem>> -> memref<128x32xf32, #tpu.memory_space<vmem>>
      tpu.vector_store_idx %scatter3A_1349[%add3A_1342, %broadcast_in_dim3A_1344], %get3A_1339 : memref<128x32xf32, #tpu.memory_space<vmem>>[vector<16xi32>, vector<16xi32>], vector<16xf32>,
      %get3A_1350 = arith.constant 2 : i32
      %get3A_1351 = arith.index_cast %get3A_1350 : i32 to index
      %get3A_1352 = arith.constant 96 : index
      %get3A_1353 = tpu.vector_load %arg20[%get3A_1351, %get3A_1352] {strides = array<i32>} : memref<4x512xf32, #tpu.memory_space<vmem>>, vector<16xf32>,
      %add3A_1354 = arith.constant 96 : i32
      %add3A_1355 = vector.broadcast %add3A_1354 : i32 to vector<16xi32>
      %add3A_1356 = arith.addi %iota3A_1265, %add3A_1355 : vector<16xi32>
      %broadcast_in_dim3A_1357 = arith.constant 24 : i32
      %broadcast_in_dim3A_1358 = vector.broadcast %broadcast_in_dim3A_1357 : i32 to vector<16xi32>
      %scatter3A_1359 = arith.constant 2 : i32
      %scatter3A_1360 = arith.constant 0 : i32
      %scatter3A_1361 = arith.constant 0 : i32
      %scatter3A_1362 = tpu.memref_slice %arg19[%scatter3A_1359, %scatter3A_1360, %scatter3A_1361] : memref<4x128x32xf32, #tpu.memory_space<vmem>> -> memref<1x128x32xf32, #tpu.memory_space<vmem>>
      %scatter3A_1363 = tpu.memref_squeeze %scatter3A_1362 : memref<1x128x32xf32, #tpu.memory_space<vmem>> -> memref<128x32xf32, #tpu.memory_space<vmem>>
      tpu.vector_store_idx %scatter3A_1363[%add3A_1356, %broadcast_in_dim3A_1358], %get3A_1353 : memref<128x32xf32, #tpu.memory_space<vmem>>[vector<16xi32>, vector<16xi32>], vector<16xf32>,
      %get3A_1364 = arith.constant 2 : i32
      %get3A_1365 = arith.index_cast %get3A_1364 : i32 to index
      %get3A_1366 = arith.constant 112 : index
      %get3A_1367 = tpu.vector_load %arg20[%get3A_1365, %get3A_1366] {strides = array<i32>} : memref<4x512xf32, #tpu.memory_space<vmem>>, vector<16xf32>,
      %add3A_1368 = arith.constant 112 : i32
      %add3A_1369 = vector.broadcast %add3A_1368 : i32 to vector<16xi32>
      %add3A_1370 = arith.addi %iota3A_1265, %add3A_1369 : vector<16xi32>
      %broadcast_in_dim3A_1371 = arith.constant 24 : i32
      %broadcast_in_dim3A_1372 = vector.broadcast %broadcast_in_dim3A_1371 : i32 to vector<16xi32>
      %scatter3A_1373 = arith.constant 2 : i32
      %scatter3A_1374 = arith.constant 0 : i32
      %scatter3A_1375 = arith.constant 0 : i32
      %scatter3A_1376 = tpu.memref_slice %arg19[%scatter3A_1373, %scatter3A_1374, %scatter3A_1375] : memref<4x128x32xf32, #tpu.memory_space<vmem>> -> memref<1x128x32xf32, #tpu.memory_space<vmem>>
      %scatter3A_1377 = tpu.memref_squeeze %scatter3A_1376 : memref<1x128x32xf32, #tpu.memory_space<vmem>> -> memref<128x32xf32, #tpu.memory_space<vmem>>
      tpu.vector_store_idx %scatter3A_1377[%add3A_1370, %broadcast_in_dim3A_1372], %get3A_1367 : memref<128x32xf32, #tpu.memory_space<vmem>>[vector<16xi32>, vector<16xi32>], vector<16xf32>,
      %get3A_1378 = arith.constant 2 : i32
      %get3A_1379 = arith.index_cast %get3A_1378 : i32 to index
      %get3A_1380 = arith.constant 128 : index
      %get3A_1381 = tpu.vector_load %arg20[%get3A_1379, %get3A_1380] {strides = array<i32>} : memref<4x512xf32, #tpu.memory_space<vmem>>, vector<16xf32>,
      %add3A_1382 = arith.constant 0 : i32
      %add3A_1383 = vector.broadcast %add3A_1382 : i32 to vector<16xi32>
      %add3A_1384 = arith.addi %iota3A_1265, %add3A_1383 : vector<16xi32>
      %broadcast_in_dim3A_1385 = arith.constant 25 : i32
      %broadcast_in_dim3A_1386 = vector.broadcast %broadcast_in_dim3A_1385 : i32 to vector<16xi32>
      %scatter3A_1387 = arith.constant 2 : i32
      %scatter3A_1388 = arith.constant 0 : i32
      %scatter3A_1389 = arith.constant 0 : i32
      %scatter3A_1390 = tpu.memref_slice %arg19[%scatter3A_1387, %scatter3A_1388, %scatter3A_1389] : memref<4x128x32xf32, #tpu.memory_space<vmem>> -> memref<1x128x32xf32, #tpu.memory_space<vmem>>
      %scatter3A_1391 = tpu.memref_squeeze %scatter3A_1390 : memref<1x128x32xf32, #tpu.memory_space<vmem>> -> memref<128x32xf32, #tpu.memory_space<vmem>>
      tpu.vector_store_idx %scatter3A_1391[%add3A_1384, %broadcast_in_dim3A_1386], %get3A_1381 : memref<128x32xf32, #tpu.memory_space<vmem>>[vector<16xi32>, vector<16xi32>], vector<16xf32>,
      %get3A_1392 = arith.constant 2 : i32
      %get3A_1393 = arith.index_cast %get3A_1392 : i32 to index
      %get3A_1394 = arith.constant 144 : index
      %get3A_1395 = tpu.vector_load %arg20[%get3A_1393, %get3A_1394] {strides = array<i32>} : memref<4x512xf32, #tpu.memory_space<vmem>>, vector<16xf32>,
      %add3A_1396 = arith.constant 16 : i32
      %add3A_1397 = vector.broadcast %add3A_1396 : i32 to vector<16xi32>
      %add3A_1398 = arith.addi %iota3A_1265, %add3A_1397 : vector<16xi32>
      %broadcast_in_dim3A_1399 = arith.constant 25 : i32
      %broadcast_in_dim3A_1400 = vector.broadcast %broadcast_in_dim3A_1399 : i32 to vector<16xi32>
      %scatter3A_1401 = arith.constant 2 : i32
      %scatter3A_1402 = arith.constant 0 : i32
      %scatter3A_1403 = arith.constant 0 : i32
      %scatter3A_1404 = tpu.memref_slice %arg19[%scatter3A_1401, %scatter3A_1402, %scatter3A_1403] : memref<4x128x32xf32, #tpu.memory_space<vmem>> -> memref<1x128x32xf32, #tpu.memory_space<vmem>>
      %scatter3A_1405 = tpu.memref_squeeze %scatter3A_1404 : memref<1x128x32xf32, #tpu.memory_space<vmem>> -> memref<128x32xf32, #tpu.memory_space<vmem>>
      tpu.vector_store_idx %scatter3A_1405[%add3A_1398, %broadcast_in_dim3A_1400], %get3A_1395 : memref<128x32xf32, #tpu.memory_space<vmem>>[vector<16xi32>, vector<16xi32>], vector<16xf32>,
      %get3A_1406 = arith.constant 2 : i32
      %get3A_1407 = arith.index_cast %get3A_1406 : i32 to index
      %get3A_1408 = arith.constant 160 : index
      %get3A_1409 = tpu.vector_load %arg20[%get3A_1407, %get3A_1408] {strides = array<i32>} : memref<4x512xf32, #tpu.memory_space<vmem>>, vector<16xf32>,
      %add3A_1410 = arith.constant 32 : i32
      %add3A_1411 = vector.broadcast %add3A_1410 : i32 to vector<16xi32>
      %add3A_1412 = arith.addi %iota3A_1265, %add3A_1411 : vector<16xi32>
      %broadcast_in_dim3A_1413 = arith.constant 25 : i32
      %broadcast_in_dim3A_1414 = vector.broadcast %broadcast_in_dim3A_1413 : i32 to vector<16xi32>
      %scatter3A_1415 = arith.constant 2 : i32
      %scatter3A_1416 = arith.constant 0 : i32
      %scatter3A_1417 = arith.constant 0 : i32
      %scatter3A_1418 = tpu.memref_slice %arg19[%scatter3A_1415, %scatter3A_1416, %scatter3A_1417] : memref<4x128x32xf32, #tpu.memory_space<vmem>> -> memref<1x128x32xf32, #tpu.memory_space<vmem>>
      %scatter3A_1419 = tpu.memref_squeeze %scatter3A_1418 : memref<1x128x32xf32, #tpu.memory_space<vmem>> -> memref<128x32xf32, #tpu.memory_space<vmem>>
      tpu.vector_store_idx %scatter3A_1419[%add3A_1412, %broadcast_in_dim3A_1414], %get3A_1409 : memref<128x32xf32, #tpu.memory_space<vmem>>[vector<16xi32>, vector<16xi32>], vector<16xf32>,
      %get3A_1420 = arith.constant 2 : i32
      %get3A_1421 = arith.index_cast %get3A_1420 : i32 to index
      %get3A_1422 = arith.constant 176 : index
      %get3A_1423 = tpu.vector_load %arg20[%get3A_1421, %get3A_1422] {strides = array<i32>} : memref<4x512xf32, #tpu.memory_space<vmem>>, vector<16xf32>,
      %add3A_1424 = arith.constant 48 : i32
      %add3A_1425 = vector.broadcast %add3A_1424 : i32 to vector<16xi32>
      %add3A_1426 = arith.addi %iota3A_1265, %add3A_1425 : vector<16xi32>
      %broadcast_in_dim3A_1427 = arith.constant 25 : i32
      %broadcast_in_dim3A_1428 = vector.broadcast %broadcast_in_dim3A_1427 : i32 to vector<16xi32>
      %scatter3A_1429 = arith.constant 2 : i32
      %scatter3A_1430 = arith.constant 0 : i32
      %scatter3A_1431 = arith.constant 0 : i32
      %scatter3A_1432 = tpu.memref_slice %arg19[%scatter3A_1429, %scatter3A_1430, %scatter3A_1431] : memref<4x128x32xf32, #tpu.memory_space<vmem>> -> memref<1x128x32xf32, #tpu.memory_space<vmem>>
      %scatter3A_1433 = tpu.memref_squeeze %scatter3A_1432 : memref<1x128x32xf32, #tpu.memory_space<vmem>> -> memref<128x32xf32, #tpu.memory_space<vmem>>
      tpu.vector_store_idx %scatter3A_1433[%add3A_1426, %broadcast_in_dim3A_1428], %get3A_1423 : memref<128x32xf32, #tpu.memory_space<vmem>>[vector<16xi32>, vector<16xi32>], vector<16xf32>,
      %get3A_1434 = arith.constant 2 : i32
      %get3A_1435 = arith.index_cast %get3A_1434 : i32 to index
      %get3A_1436 = arith.constant 192 : index
      %get3A_1437 = tpu.vector_load %arg20[%get3A_1435, %get3A_1436] {strides = array<i32>} : memref<4x512xf32, #tpu.memory_space<vmem>>, vector<16xf32>,
      %add3A_1438 = arith.constant 64 : i32
      %add3A_1439 = vector.broadcast %add3A_1438 : i32 to vector<16xi32>
      %add3A_1440 = arith.addi %iota3A_1265, %add3A_1439 : vector<16xi32>
      %broadcast_in_dim3A_1441 = arith.constant 25 : i32
      %broadcast_in_dim3A_1442 = vector.broadcast %broadcast_in_dim3A_1441 : i32 to vector<16xi32>
      %scatter3A_1443 = arith.constant 2 : i32
      %scatter3A_1444 = arith.constant 0 : i32
      %scatter3A_1445 = arith.constant 0 : i32
      %scatter3A_1446 = tpu.memref_slice %arg19[%scatter3A_1443, %scatter3A_1444, %scatter3A_1445] : memref<4x128x32xf32, #tpu.memory_space<vmem>> -> memref<1x128x32xf32, #tpu.memory_space<vmem>>
      %scatter3A_1447 = tpu.memref_squeeze %scatter3A_1446 : memref<1x128x32xf32, #tpu.memory_space<vmem>> -> memref<128x32xf32, #tpu.memory_space<vmem>>
      tpu.vector_store_idx %scatter3A_1447[%add3A_1440, %broadcast_in_dim3A_1442], %get3A_1437 : memref<128x32xf32, #tpu.memory_space<vmem>>[vector<16xi32>, vector<16xi32>], vector<16xf32>,
      %get3A_1448 = arith.constant 2 : i32
      %get3A_1449 = arith.index_cast %get3A_1448 : i32 to index
      %get3A_1450 = arith.constant 208 : index
      %get3A_1451 = tpu.vector_load %arg20[%get3A_1449, %get3A_1450] {strides = array<i32>} : memref<4x512xf32, #tpu.memory_space<vmem>>, vector<16xf32>,
      %add3A_1452 = arith.constant 80 : i32
      %add3A_1453 = vector.broadcast %add3A_1452 : i32 to vector<16xi32>
      %add3A_1454 = arith.addi %iota3A_1265, %add3A_1453 : vector<16xi32>
      %broadcast_in_dim3A_1455 = arith.constant 25 : i32
      %broadcast_in_dim3A_1456 = vector.broadcast %broadcast_in_dim3A_1455 : i32 to vector<16xi32>
      %scatter3A_1457 = arith.constant 2 : i32
      %scatter3A_1458 = arith.constant 0 : i32
      %scatter3A_1459 = arith.constant 0 : i32
      %scatter3A_1460 = tpu.memref_slice %arg19[%scatter3A_1457, %scatter3A_1458, %scatter3A_1459] : memref<4x128x32xf32, #tpu.memory_space<vmem>> -> memref<1x128x32xf32, #tpu.memory_space<vmem>>
      %scatter3A_1461 = tpu.memref_squeeze %scatter3A_1460 : memref<1x128x32xf32, #tpu.memory_space<vmem>> -> memref<128x32xf32, #tpu.memory_space<vmem>>
      tpu.vector_store_idx %scatter3A_1461[%add3A_1454, %broadcast_in_dim3A_1456], %get3A_1451 : memref<128x32xf32, #tpu.memory_space<vmem>>[vector<16xi32>, vector<16xi32>], vector<16xf32>,
      %get3A_1462 = arith.constant 2 : i32
      %get3A_1463 = arith.index_cast %get3A_1462 : i32 to index
      %get3A_1464 = arith.constant 224 : index
      %get3A_1465 = tpu.vector_load %arg20[%get3A_1463, %get3A_1464] {strides = array<i32>} : memref<4x512xf32, #tpu.memory_space<vmem>>, vector<16xf32>,
      %add3A_1466 = arith.constant 96 : i32
      %add3A_1467 = vector.broadcast %add3A_1466 : i32 to vector<16xi32>
      %add3A_1468 = arith.addi %iota3A_1265, %add3A_1467 : vector<16xi32>
      %broadcast_in_dim3A_1469 = arith.constant 25 : i32
      %broadcast_in_dim3A_1470 = vector.broadcast %broadcast_in_dim3A_1469 : i32 to vector<16xi32>
      %scatter3A_1471 = arith.constant 2 : i32
      %scatter3A_1472 = arith.constant 0 : i32
      %scatter3A_1473 = arith.constant 0 : i32
      %scatter3A_1474 = tpu.memref_slice %arg19[%scatter3A_1471, %scatter3A_1472, %scatter3A_1473] : memref<4x128x32xf32, #tpu.memory_space<vmem>> -> memref<1x128x32xf32, #tpu.memory_space<vmem>>
      %scatter3A_1475 = tpu.memref_squeeze %scatter3A_1474 : memref<1x128x32xf32, #tpu.memory_space<vmem>> -> memref<128x32xf32, #tpu.memory_space<vmem>>
      tpu.vector_store_idx %scatter3A_1475[%add3A_1468, %broadcast_in_dim3A_1470], %get3A_1465 : memref<128x32xf32, #tpu.memory_space<vmem>>[vector<16xi32>, vector<16xi32>], vector<16xf32>,
      %get3A_1476 = arith.constant 2 : i32
      %get3A_1477 = arith.index_cast %get3A_1476 : i32 to index
      %get3A_1478 = arith.constant 240 : index
      %get3A_1479 = tpu.vector_load %arg20[%get3A_1477, %get3A_1478] {strides = array<i32>} : memref<4x512xf32, #tpu.memory_space<vmem>>, vector<16xf32>,
      %add3A_1480 = arith.constant 112 : i32
      %add3A_1481 = vector.broadcast %add3A_1480 : i32 to vector<16xi32>
      %add3A_1482 = arith.addi %iota3A_1265, %add3A_1481 : vector<16xi32>
      %broadcast_in_dim3A_1483 = arith.constant 25 : i32
      %broadcast_in_dim3A_1484 = vector.broadcast %broadcast_in_dim3A_1483 : i32 to vector<16xi32>
      %scatter3A_1485 = arith.constant 2 : i32
      %scatter3A_1486 = arith.constant 0 : i32
      %scatter3A_1487 = arith.constant 0 : i32
      %scatter3A_1488 = tpu.memref_slice %arg19[%scatter3A_1485, %scatter3A_1486, %scatter3A_1487] : memref<4x128x32xf32, #tpu.memory_space<vmem>> -> memref<1x128x32xf32, #tpu.memory_space<vmem>>
      %scatter3A_1489 = tpu.memref_squeeze %scatter3A_1488 : memref<1x128x32xf32, #tpu.memory_space<vmem>> -> memref<128x32xf32, #tpu.memory_space<vmem>>
      tpu.vector_store_idx %scatter3A_1489[%add3A_1482, %broadcast_in_dim3A_1484], %get3A_1479 : memref<128x32xf32, #tpu.memory_space<vmem>>[vector<16xi32>, vector<16xi32>], vector<16xf32>,
      %get3A_1490 = arith.constant 2 : i32
      %get3A_1491 = arith.index_cast %get3A_1490 : i32 to index
      %get3A_1492 = arith.constant 256 : index
      %get3A_1493 = tpu.vector_load %arg20[%get3A_1491, %get3A_1492] {strides = array<i32>} : memref<4x512xf32, #tpu.memory_space<vmem>>, vector<16xf32>,
      %add3A_1494 = arith.constant 0 : i32
      %add3A_1495 = vector.broadcast %add3A_1494 : i32 to vector<16xi32>
      %add3A_1496 = arith.addi %iota3A_1265, %add3A_1495 : vector<16xi32>
      %broadcast_in_dim3A_1497 = arith.constant 26 : i32
      %broadcast_in_dim3A_1498 = vector.broadcast %broadcast_in_dim3A_1497 : i32 to vector<16xi32>
      %scatter3A_1499 = arith.constant 2 : i32
      %scatter3A_1500 = arith.constant 0 : i32
      %scatter3A_1501 = arith.constant 0 : i32
      %scatter3A_1502 = tpu.memref_slice %arg19[%scatter3A_1499, %scatter3A_1500, %scatter3A_1501] : memref<4x128x32xf32, #tpu.memory_space<vmem>> -> memref<1x128x32xf32, #tpu.memory_space<vmem>>
      %scatter3A_1503 = tpu.memref_squeeze %scatter3A_1502 : memref<1x128x32xf32, #tpu.memory_space<vmem>> -> memref<128x32xf32, #tpu.memory_space<vmem>>
      tpu.vector_store_idx %scatter3A_1503[%add3A_1496, %broadcast_in_dim3A_1498], %get3A_1493 : memref<128x32xf32, #tpu.memory_space<vmem>>[vector<16xi32>, vector<16xi32>], vector<16xf32>,
      %get3A_1504 = arith.constant 2 : i32
      %get3A_1505 = arith.index_cast %get3A_1504 : i32 to index
      %get3A_1506 = arith.constant 272 : index
      %get3A_1507 = tpu.vector_load %arg20[%get3A_1505, %get3A_1506] {strides = array<i32>} : memref<4x512xf32, #tpu.memory_space<vmem>>, vector<16xf32>,
      %add3A_1508 = arith.constant 16 : i32
      %add3A_1509 = vector.broadcast %add3A_1508 : i32 to vector<16xi32>
      %add3A_1510 = arith.addi %iota3A_1265, %add3A_1509 : vector<16xi32>
      %broadcast_in_dim3A_1511 = arith.constant 26 : i32
      %broadcast_in_dim3A_1512 = vector.broadcast %broadcast_in_dim3A_1511 : i32 to vector<16xi32>
      %scatter3A_1513 = arith.constant 2 : i32
      %scatter3A_1514 = arith.constant 0 : i32
      %scatter3A_1515 = arith.constant 0 : i32
      %scatter3A_1516 = tpu.memref_slice %arg19[%scatter3A_1513, %scatter3A_1514, %scatter3A_1515] : memref<4x128x32xf32, #tpu.memory_space<vmem>> -> memref<1x128x32xf32, #tpu.memory_space<vmem>>
      %scatter3A_1517 = tpu.memref_squeeze %scatter3A_1516 : memref<1x128x32xf32, #tpu.memory_space<vmem>> -> memref<128x32xf32, #tpu.memory_space<vmem>>
      tpu.vector_store_idx %scatter3A_1517[%add3A_1510, %broadcast_in_dim3A_1512], %get3A_1507 : memref<128x32xf32, #tpu.memory_space<vmem>>[vector<16xi32>, vector<16xi32>], vector<16xf32>,
      %get3A_1518 = arith.constant 2 : i32
      %get3A_1519 = arith.index_cast %get3A_1518 : i32 to index
      %get3A_1520 = arith.constant 288 : index
      %get3A_1521 = tpu.vector_load %arg20[%get3A_1519, %get3A_1520] {strides = array<i32>} : memref<4x512xf32, #tpu.memory_space<vmem>>, vector<16xf32>,
      %add3A_1522 = arith.constant 32 : i32
      %add3A_1523 = vector.broadcast %add3A_1522 : i32 to vector<16xi32>
      %add3A_1524 = arith.addi %iota3A_1265, %add3A_1523 : vector<16xi32>
      %broadcast_in_dim3A_1525 = arith.constant 26 : i32
      %broadcast_in_dim3A_1526 = vector.broadcast %broadcast_in_dim3A_1525 : i32 to vector<16xi32>
      %scatter3A_1527 = arith.constant 2 : i32
      %scatter3A_1528 = arith.constant 0 : i32
      %scatter3A_1529 = arith.constant 0 : i32
      %scatter3A_1530 = tpu.memref_slice %arg19[%scatter3A_1527, %scatter3A_1528, %scatter3A_1529] : memref<4x128x32xf32, #tpu.memory_space<vmem>> -> memref<1x128x32xf32, #tpu.memory_space<vmem>>
      %scatter3A_1531 = tpu.memref_squeeze %scatter3A_1530 : memref<1x128x32xf32, #tpu.memory_space<vmem>> -> memref<128x32xf32, #tpu.memory_space<vmem>>
      tpu.vector_store_idx %scatter3A_1531[%add3A_1524, %broadcast_in_dim3A_1526], %get3A_1521 : memref<128x32xf32, #tpu.memory_space<vmem>>[vector<16xi32>, vector<16xi32>], vector<16xf32>,
      %get3A_1532 = arith.constant 2 : i32
      %get3A_1533 = arith.index_cast %get3A_1532 : i32 to index
      %get3A_1534 = arith.constant 304 : index
      %get3A_1535 = tpu.vector_load %arg20[%get3A_1533, %get3A_1534] {strides = array<i32>} : memref<4x512xf32, #tpu.memory_space<vmem>>, vector<16xf32>,
      %add3A_1536 = arith.constant 48 : i32
      %add3A_1537 = vector.broadcast %add3A_1536 : i32 to vector<16xi32>
      %add3A_1538 = arith.addi %iota3A_1265, %add3A_1537 : vector<16xi32>
      %broadcast_in_dim3A_1539 = arith.constant 26 : i32
      %broadcast_in_dim3A_1540 = vector.broadcast %broadcast_in_dim3A_1539 : i32 to vector<16xi32>
      %scatter3A_1541 = arith.constant 2 : i32
      %scatter3A_1542 = arith.constant 0 : i32
      %scatter3A_1543 = arith.constant 0 : i32
      %scatter3A_1544 = tpu.memref_slice %arg19[%scatter3A_1541, %scatter3A_1542, %scatter3A_1543] : memref<4x128x32xf32, #tpu.memory_space<vmem>> -> memref<1x128x32xf32, #tpu.memory_space<vmem>>
      %scatter3A_1545 = tpu.memref_squeeze %scatter3A_1544 : memref<1x128x32xf32, #tpu.memory_space<vmem>> -> memref<128x32xf32, #tpu.memory_space<vmem>>
      tpu.vector_store_idx %scatter3A_1545[%add3A_1538, %broadcast_in_dim3A_1540], %get3A_1535 : memref<128x32xf32, #tpu.memory_space<vmem>>[vector<16xi32>, vector<16xi32>], vector<16xf32>,
      %get3A_1546 = arith.constant 2 : i32
      %get3A_1547 = arith.index_cast %get3A_1546 : i32 to index
      %get3A_1548 = arith.constant 320 : index
      %get3A_1549 = tpu.vector_load %arg20[%get3A_1547, %get3A_1548] {strides = array<i32>} : memref<4x512xf32, #tpu.memory_space<vmem>>, vector<16xf32>,
      %add3A_1550 = arith.constant 64 : i32
      %add3A_1551 = vector.broadcast %add3A_1550 : i32 to vector<16xi32>
      %add3A_1552 = arith.addi %iota3A_1265, %add3A_1551 : vector<16xi32>
      %broadcast_in_dim3A_1553 = arith.constant 26 : i32
      %broadcast_in_dim3A_1554 = vector.broadcast %broadcast_in_dim3A_1553 : i32 to vector<16xi32>
      %scatter3A_1555 = arith.constant 2 : i32
      %scatter3A_1556 = arith.constant 0 : i32
      %scatter3A_1557 = arith.constant 0 : i32
      %scatter3A_1558 = tpu.memref_slice %arg19[%scatter3A_1555, %scatter3A_1556, %scatter3A_1557] : memref<4x128x32xf32, #tpu.memory_space<vmem>> -> memref<1x128x32xf32, #tpu.memory_space<vmem>>
      %scatter3A_1559 = tpu.memref_squeeze %scatter3A_1558 : memref<1x128x32xf32, #tpu.memory_space<vmem>> -> memref<128x32xf32, #tpu.memory_space<vmem>>
      tpu.vector_store_idx %scatter3A_1559[%add3A_1552, %broadcast_in_dim3A_1554], %get3A_1549 : memref<128x32xf32, #tpu.memory_space<vmem>>[vector<16xi32>, vector<16xi32>], vector<16xf32>,
      %get3A_1560 = arith.constant 2 : i32
      %get3A_1561 = arith.index_cast %get3A_1560 : i32 to index
      %get3A_1562 = arith.constant 336 : index
      %get3A_1563 = tpu.vector_load %arg20[%get3A_1561, %get3A_1562] {strides = array<i32>} : memref<4x512xf32, #tpu.memory_space<vmem>>, vector<16xf32>,
      %add3A_1564 = arith.constant 80 : i32
      %add3A_1565 = vector.broadcast %add3A_1564 : i32 to vector<16xi32>
      %add3A_1566 = arith.addi %iota3A_1265, %add3A_1565 : vector<16xi32>
      %broadcast_in_dim3A_1567 = arith.constant 26 : i32
      %broadcast_in_dim3A_1568 = vector.broadcast %broadcast_in_dim3A_1567 : i32 to vector<16xi32>
      %scatter3A_1569 = arith.constant 2 : i32
      %scatter3A_1570 = arith.constant 0 : i32
      %scatter3A_1571 = arith.constant 0 : i32
      %scatter3A_1572 = tpu.memref_slice %arg19[%scatter3A_1569, %scatter3A_1570, %scatter3A_1571] : memref<4x128x32xf32, #tpu.memory_space<vmem>> -> memref<1x128x32xf32, #tpu.memory_space<vmem>>
      %scatter3A_1573 = tpu.memref_squeeze %scatter3A_1572 : memref<1x128x32xf32, #tpu.memory_space<vmem>> -> memref<128x32xf32, #tpu.memory_space<vmem>>
      tpu.vector_store_idx %scatter3A_1573[%add3A_1566, %broadcast_in_dim3A_1568], %get3A_1563 : memref<128x32xf32, #tpu.memory_space<vmem>>[vector<16xi32>, vector<16xi32>], vector<16xf32>,
      %get3A_1574 = arith.constant 2 : i32
      %get3A_1575 = arith.index_cast %get3A_1574 : i32 to index
      %get3A_1576 = arith.constant 352 : index
      %get3A_1577 = tpu.vector_load %arg20[%get3A_1575, %get3A_1576] {strides = array<i32>} : memref<4x512xf32, #tpu.memory_space<vmem>>, vector<16xf32>,
      %add3A_1578 = arith.constant 96 : i32
      %add3A_1579 = vector.broadcast %add3A_1578 : i32 to vector<16xi32>
      %add3A_1580 = arith.addi %iota3A_1265, %add3A_1579 : vector<16xi32>
      %broadcast_in_dim3A_1581 = arith.constant 26 : i32
      %broadcast_in_dim3A_1582 = vector.broadcast %broadcast_in_dim3A_1581 : i32 to vector<16xi32>
      %scatter3A_1583 = arith.constant 2 : i32
      %scatter3A_1584 = arith.constant 0 : i32
      %scatter3A_1585 = arith.constant 0 : i32
      %scatter3A_1586 = tpu.memref_slice %arg19[%scatter3A_1583, %scatter3A_1584, %scatter3A_1585] : memref<4x128x32xf32, #tpu.memory_space<vmem>> -> memref<1x128x32xf32, #tpu.memory_space<vmem>>
      %scatter3A_1587 = tpu.memref_squeeze %scatter3A_1586 : memref<1x128x32xf32, #tpu.memory_space<vmem>> -> memref<128x32xf32, #tpu.memory_space<vmem>>
      tpu.vector_store_idx %scatter3A_1587[%add3A_1580, %broadcast_in_dim3A_1582], %get3A_1577 : memref<128x32xf32, #tpu.memory_space<vmem>>[vector<16xi32>, vector<16xi32>], vector<16xf32>,
      %get3A_1588 = arith.constant 2 : i32
      %get3A_1589 = arith.index_cast %get3A_1588 : i32 to index
      %get3A_1590 = arith.constant 368 : index
      %get3A_1591 = tpu.vector_load %arg20[%get3A_1589, %get3A_1590] {strides = array<i32>} : memref<4x512xf32, #tpu.memory_space<vmem>>, vector<16xf32>,
      %add3A_1592 = arith.constant 112 : i32
      %add3A_1593 = vector.broadcast %add3A_1592 : i32 to vector<16xi32>
      %add3A_1594 = arith.addi %iota3A_1265, %add3A_1593 : vector<16xi32>
      %broadcast_in_dim3A_1595 = arith.constant 26 : i32
      %broadcast_in_dim3A_1596 = vector.broadcast %broadcast_in_dim3A_1595 : i32 to vector<16xi32>
      %scatter3A_1597 = arith.constant 2 : i32
      %scatter3A_1598 = arith.constant 0 : i32
      %scatter3A_1599 = arith.constant 0 : i32
      %scatter3A_1600 = tpu.memref_slice %arg19[%scatter3A_1597, %scatter3A_1598, %scatter3A_1599] : memref<4x128x32xf32, #tpu.memory_space<vmem>> -> memref<1x128x32xf32, #tpu.memory_space<vmem>>
      %scatter3A_1601 = tpu.memref_squeeze %scatter3A_1600 : memref<1x128x32xf32, #tpu.memory_space<vmem>> -> memref<128x32xf32, #tpu.memory_space<vmem>>
      tpu.vector_store_idx %scatter3A_1601[%add3A_1594, %broadcast_in_dim3A_1596], %get3A_1591 : memref<128x32xf32, #tpu.memory_space<vmem>>[vector<16xi32>, vector<16xi32>], vector<16xf32>,
      %get3A_1602 = arith.constant 2 : i32
      %get3A_1603 = arith.index_cast %get3A_1602 : i32 to index
      %get3A_1604 = arith.constant 384 : index
      %get3A_1605 = tpu.vector_load %arg20[%get3A_1603, %get3A_1604] {strides = array<i32>} : memref<4x512xf32, #tpu.memory_space<vmem>>, vector<16xf32>,
      %add3A_1606 = arith.constant 0 : i32
      %add3A_1607 = vector.broadcast %add3A_1606 : i32 to vector<16xi32>
      %add3A_1608 = arith.addi %iota3A_1265, %add3A_1607 : vector<16xi32>
      %broadcast_in_dim3A_1609 = arith.constant 27 : i32
      %broadcast_in_dim3A_1610 = vector.broadcast %broadcast_in_dim3A_1609 : i32 to vector<16xi32>
      %scatter3A_1611 = arith.constant 2 : i32
      %scatter3A_1612 = arith.constant 0 : i32
      %scatter3A_1613 = arith.constant 0 : i32
      %scatter3A_1614 = tpu.memref_slice %arg19[%scatter3A_1611, %scatter3A_1612, %scatter3A_1613] : memref<4x128x32xf32, #tpu.memory_space<vmem>> -> memref<1x128x32xf32, #tpu.memory_space<vmem>>
      %scatter3A_1615 = tpu.memref_squeeze %scatter3A_1614 : memref<1x128x32xf32, #tpu.memory_space<vmem>> -> memref<128x32xf32, #tpu.memory_space<vmem>>
      tpu.vector_store_idx %scatter3A_1615[%add3A_1608, %broadcast_in_dim3A_1610], %get3A_1605 : memref<128x32xf32, #tpu.memory_space<vmem>>[vector<16xi32>, vector<16xi32>], vector<16xf32>,
      %get3A_1616 = arith.constant 2 : i32
      %get3A_1617 = arith.index_cast %get3A_1616 : i32 to index
      %get3A_1618 = arith.constant 400 : index
      %get3A_1619 = tpu.vector_load %arg20[%get3A_1617, %get3A_1618] {strides = array<i32>} : memref<4x512xf32, #tpu.memory_space<vmem>>, vector<16xf32>,
      %add3A_1620 = arith.constant 16 : i32
      %add3A_1621 = vector.broadcast %add3A_1620 : i32 to vector<16xi32>
      %add3A_1622 = arith.addi %iota3A_1265, %add3A_1621 : vector<16xi32>
      %broadcast_in_dim3A_1623 = arith.constant 27 : i32
      %broadcast_in_dim3A_1624 = vector.broadcast %broadcast_in_dim3A_1623 : i32 to vector<16xi32>
      %scatter3A_1625 = arith.constant 2 : i32
      %scatter3A_1626 = arith.constant 0 : i32
      %scatter3A_1627 = arith.constant 0 : i32
      %scatter3A_1628 = tpu.memref_slice %arg19[%scatter3A_1625, %scatter3A_1626, %scatter3A_1627] : memref<4x128x32xf32, #tpu.memory_space<vmem>> -> memref<1x128x32xf32, #tpu.memory_space<vmem>>
      %scatter3A_1629 = tpu.memref_squeeze %scatter3A_1628 : memref<1x128x32xf32, #tpu.memory_space<vmem>> -> memref<128x32xf32, #tpu.memory_space<vmem>>
      tpu.vector_store_idx %scatter3A_1629[%add3A_1622, %broadcast_in_dim3A_1624], %get3A_1619 : memref<128x32xf32, #tpu.memory_space<vmem>>[vector<16xi32>, vector<16xi32>], vector<16xf32>,
      %get3A_1630 = arith.constant 2 : i32
      %get3A_1631 = arith.index_cast %get3A_1630 : i32 to index
      %get3A_1632 = arith.constant 416 : index
      %get3A_1633 = tpu.vector_load %arg20[%get3A_1631, %get3A_1632] {strides = array<i32>} : memref<4x512xf32, #tpu.memory_space<vmem>>, vector<16xf32>,
      %add3A_1634 = arith.constant 32 : i32
      %add3A_1635 = vector.broadcast %add3A_1634 : i32 to vector<16xi32>
      %add3A_1636 = arith.addi %iota3A_1265, %add3A_1635 : vector<16xi32>
      %broadcast_in_dim3A_1637 = arith.constant 27 : i32
      %broadcast_in_dim3A_1638 = vector.broadcast %broadcast_in_dim3A_1637 : i32 to vector<16xi32>
      %scatter3A_1639 = arith.constant 2 : i32
      %scatter3A_1640 = arith.constant 0 : i32
      %scatter3A_1641 = arith.constant 0 : i32
      %scatter3A_1642 = tpu.memref_slice %arg19[%scatter3A_1639, %scatter3A_1640, %scatter3A_1641] : memref<4x128x32xf32, #tpu.memory_space<vmem>> -> memref<1x128x32xf32, #tpu.memory_space<vmem>>
      %scatter3A_1643 = tpu.memref_squeeze %scatter3A_1642 : memref<1x128x32xf32, #tpu.memory_space<vmem>> -> memref<128x32xf32, #tpu.memory_space<vmem>>
      tpu.vector_store_idx %scatter3A_1643[%add3A_1636, %broadcast_in_dim3A_1638], %get3A_1633 : memref<128x32xf32, #tpu.memory_space<vmem>>[vector<16xi32>, vector<16xi32>], vector<16xf32>,
      %get3A_1644 = arith.constant 2 : i32
      %get3A_1645 = arith.index_cast %get3A_1644 : i32 to index
      %get3A_1646 = arith.constant 432 : index
      %get3A_1647 = tpu.vector_load %arg20[%get3A_1645, %get3A_1646] {strides = array<i32>} : memref<4x512xf32, #tpu.memory_space<vmem>>, vector<16xf32>,
      %add3A_1648 = arith.constant 48 : i32
      %add3A_1649 = vector.broadcast %add3A_1648 : i32 to vector<16xi32>
      %add3A_1650 = arith.addi %iota3A_1265, %add3A_1649 : vector<16xi32>
      %broadcast_in_dim3A_1651 = arith.constant 27 : i32
      %broadcast_in_dim3A_1652 = vector.broadcast %broadcast_in_dim3A_1651 : i32 to vector<16xi32>
      %scatter3A_1653 = arith.constant 2 : i32
      %scatter3A_1654 = arith.constant 0 : i32
      %scatter3A_1655 = arith.constant 0 : i32
      %scatter3A_1656 = tpu.memref_slice %arg19[%scatter3A_1653, %scatter3A_1654, %scatter3A_1655] : memref<4x128x32xf32, #tpu.memory_space<vmem>> -> memref<1x128x32xf32, #tpu.memory_space<vmem>>
      %scatter3A_1657 = tpu.memref_squeeze %scatter3A_1656 : memref<1x128x32xf32, #tpu.memory_space<vmem>> -> memref<128x32xf32, #tpu.memory_space<vmem>>
      tpu.vector_store_idx %scatter3A_1657[%add3A_1650, %broadcast_in_dim3A_1652], %get3A_1647 : memref<128x32xf32, #tpu.memory_space<vmem>>[vector<16xi32>, vector<16xi32>], vector<16xf32>,
      %get3A_1658 = arith.constant 2 : i32
      %get3A_1659 = arith.index_cast %get3A_1658 : i32 to index
      %get3A_1660 = arith.constant 448 : index
      %get3A_1661 = tpu.vector_load %arg20[%get3A_1659, %get3A_1660] {strides = array<i32>} : memref<4x512xf32, #tpu.memory_space<vmem>>, vector<16xf32>,
      %add3A_1662 = arith.constant 64 : i32
      %add3A_1663 = vector.broadcast %add3A_1662 : i32 to vector<16xi32>
      %add3A_1664 = arith.addi %iota3A_1265, %add3A_1663 : vector<16xi32>
      %broadcast_in_dim3A_1665 = arith.constant 27 : i32
      %broadcast_in_dim3A_1666 = vector.broadcast %broadcast_in_dim3A_1665 : i32 to vector<16xi32>
      %scatter3A_1667 = arith.constant 2 : i32
      %scatter3A_1668 = arith.constant 0 : i32
      %scatter3A_1669 = arith.constant 0 : i32
      %scatter3A_1670 = tpu.memref_slice %arg19[%scatter3A_1667, %scatter3A_1668, %scatter3A_1669] : memref<4x128x32xf32, #tpu.memory_space<vmem>> -> memref<1x128x32xf32, #tpu.memory_space<vmem>>
      %scatter3A_1671 = tpu.memref_squeeze %scatter3A_1670 : memref<1x128x32xf32, #tpu.memory_space<vmem>> -> memref<128x32xf32, #tpu.memory_space<vmem>>
      tpu.vector_store_idx %scatter3A_1671[%add3A_1664, %broadcast_in_dim3A_1666], %get3A_1661 : memref<128x32xf32, #tpu.memory_space<vmem>>[vector<16xi32>, vector<16xi32>], vector<16xf32>,
      %get3A_1672 = arith.constant 2 : i32
      %get3A_1673 = arith.index_cast %get3A_1672 : i32 to index
      %get3A_1674 = arith.constant 464 : index
      %get3A_1675 = tpu.vector_load %arg20[%get3A_1673, %get3A_1674] {strides = array<i32>} : memref<4x512xf32, #tpu.memory_space<vmem>>, vector<16xf32>,
      %add3A_1676 = arith.constant 80 : i32
      %add3A_1677 = vector.broadcast %add3A_1676 : i32 to vector<16xi32>
      %add3A_1678 = arith.addi %iota3A_1265, %add3A_1677 : vector<16xi32>
      %broadcast_in_dim3A_1679 = arith.constant 27 : i32
      %broadcast_in_dim3A_1680 = vector.broadcast %broadcast_in_dim3A_1679 : i32 to vector<16xi32>
      %scatter3A_1681 = arith.constant 2 : i32
      %scatter3A_1682 = arith.constant 0 : i32
      %scatter3A_1683 = arith.constant 0 : i32
      %scatter3A_1684 = tpu.memref_slice %arg19[%scatter3A_1681, %scatter3A_1682, %scatter3A_1683] : memref<4x128x32xf32, #tpu.memory_space<vmem>> -> memref<1x128x32xf32, #tpu.memory_space<vmem>>
      %scatter3A_1685 = tpu.memref_squeeze %scatter3A_1684 : memref<1x128x32xf32, #tpu.memory_space<vmem>> -> memref<128x32xf32, #tpu.memory_space<vmem>>
      tpu.vector_store_idx %scatter3A_1685[%add3A_1678, %broadcast_in_dim3A_1680], %get3A_1675 : memref<128x32xf32, #tpu.memory_space<vmem>>[vector<16xi32>, vector<16xi32>], vector<16xf32>,
      %get3A_1686 = arith.constant 2 : i32
      %get3A_1687 = arith.index_cast %get3A_1686 : i32 to index
      %get3A_1688 = arith.constant 480 : index
      %get3A_1689 = tpu.vector_load %arg20[%get3A_1687, %get3A_1688] {strides = array<i32>} : memref<4x512xf32, #tpu.memory_space<vmem>>, vector<16xf32>,
      %add3A_1690 = arith.constant 96 : i32
      %add3A_1691 = vector.broadcast %add3A_1690 : i32 to vector<16xi32>
      %add3A_1692 = arith.addi %iota3A_1265, %add3A_1691 : vector<16xi32>
      %broadcast_in_dim3A_1693 = arith.constant 27 : i32
      %broadcast_in_dim3A_1694 = vector.broadcast %broadcast_in_dim3A_1693 : i32 to vector<16xi32>
      %scatter3A_1695 = arith.constant 2 : i32
      %scatter3A_1696 = arith.constant 0 : i32
      %scatter3A_1697 = arith.constant 0 : i32
      %scatter3A_1698 = tpu.memref_slice %arg19[%scatter3A_1695, %scatter3A_1696, %scatter3A_1697] : memref<4x128x32xf32, #tpu.memory_space<vmem>> -> memref<1x128x32xf32, #tpu.memory_space<vmem>>
      %scatter3A_1699 = tpu.memref_squeeze %scatter3A_1698 : memref<1x128x32xf32, #tpu.memory_space<vmem>> -> memref<128x32xf32, #tpu.memory_space<vmem>>
      tpu.vector_store_idx %scatter3A_1699[%add3A_1692, %broadcast_in_dim3A_1694], %get3A_1689 : memref<128x32xf32, #tpu.memory_space<vmem>>[vector<16xi32>, vector<16xi32>], vector<16xf32>,
      %get3A_1700 = arith.constant 2 : i32
      %get3A_1701 = arith.index_cast %get3A_1700 : i32 to index
      %get3A_1702 = arith.constant 496 : index
      %get3A_1703 = tpu.vector_load %arg20[%get3A_1701, %get3A_1702] {strides = array<i32>} : memref<4x512xf32, #tpu.memory_space<vmem>>, vector<16xf32>,
      %add3A_1704 = arith.constant 112 : i32
      %add3A_1705 = vector.broadcast %add3A_1704 : i32 to vector<16xi32>
      %add3A_1706 = arith.addi %iota3A_1265, %add3A_1705 : vector<16xi32>
      %broadcast_in_dim3A_1707 = arith.constant 27 : i32
      %broadcast_in_dim3A_1708 = vector.broadcast %broadcast_in_dim3A_1707 : i32 to vector<16xi32>
      %scatter3A_1709 = arith.constant 2 : i32
      %scatter3A_1710 = arith.constant 0 : i32
      %scatter3A_1711 = arith.constant 0 : i32
      %scatter3A_1712 = tpu.memref_slice %arg19[%scatter3A_1709, %scatter3A_1710, %scatter3A_1711] : memref<4x128x32xf32, #tpu.memory_space<vmem>> -> memref<1x128x32xf32, #tpu.memory_space<vmem>>
      %scatter3A_1713 = tpu.memref_squeeze %scatter3A_1712 : memref<1x128x32xf32, #tpu.memory_space<vmem>> -> memref<128x32xf32, #tpu.memory_space<vmem>>
      tpu.vector_store_idx %scatter3A_1713[%add3A_1706, %broadcast_in_dim3A_1708], %get3A_1703 : memref<128x32xf32, #tpu.memory_space<vmem>>[vector<16xi32>, vector<16xi32>], vector<16xf32>,
      %eq3A_1714 = arith.constant 0 : i32
      %eq3A_1715 = arith.cmpi eq, %arg0, %eq3A_1714 : i32
      %convert_element_type3A_1716 = arith.extui %eq3A_1715 : i1 to i32
      %cond3A_1717 = arith.constant 0 : i32
      %cond3A_1718 = arith.cmpi ne, %convert_element_type3A_1716, %cond3A_1717 : i32
      scf.if %cond3A_1718 {
        %dma_start3A_2223 = arith.constant 2 : i32
        %dma_start3A_2224 = arith.constant 2 : i32
        %dma_start3A_2225 = arith.constant 0 : i32
        %dma_start3A_2226 = arith.constant 0 : i32
        %dma_start3A_2227 = tpu.memref_slice %arg18[%dma_start3A_2223, %dma_start3A_2225, %dma_start3A_2226] : memref<4x128x64xf32, #tpu.memory_space<vmem>> -> memref<1x128x64xf32, #tpu.memory_space<vmem>>
        %dma_start3A_2228 = tpu.memref_squeeze %dma_start3A_2227 : memref<1x128x64xf32, #tpu.memory_space<vmem>> -> memref<128x64xf32, #tpu.memory_space<vmem>>
        %dma_start3A_2229 = arith.constant 0 : i32
        %dma_start3A_2230 = tpu.memref_slice %arg16[%dma_start3A_2224, %dma_start3A_2229] : memref<4x128xi32, #tpu.memory_space<vmem>> -> memref<1x128xi32, #tpu.memory_space<vmem>>
        %dma_start3A_2231 = tpu.memref_squeeze %dma_start3A_2230 : memref<1x128xi32, #tpu.memory_space<vmem>> -> memref<128xi32, #tpu.memory_space<vmem>>
        %dma_start3A_2232 = arith.constant 0 : i32
        %dma_start3A_2233 = arith.constant 0 : i32
        %dma_start3A_2234 = tpu.memref_slice %arg21[%dma_start3A_2232, %dma_start3A_2233] : memref<10008x64xf32, #tpu.memory_space<vmem_shared>> -> memref<10008x64xf32, #tpu.memory_space<vmem_shared>>
        tpu.enqueue_indirect_dma source(%dma_start3A_2228 : memref<128x64xf32, #tpu.memory_space<vmem>>) target(%dma_start3A_2234 : memref<10008x64xf32, #tpu.memory_space<vmem_shared>>) offsets(%dma_start3A_2231 : memref<128xi32, #tpu.memory_space<vmem>>) semaphore(%arg33 : memref<!tpu.dma_semaphore, #tpu.memory_space<semaphore_mem>>) {add = true}
        %dma_start3A_2235 = arith.constant 2 : i32
        %dma_start3A_2236 = arith.constant 2 : i32
        %dma_start3A_2237 = arith.constant 0 : i32
        %dma_start3A_2238 = arith.constant 0 : i32
        %dma_start3A_2239 = tpu.memref_slice %arg19[%dma_start3A_2235, %dma_start3A_2237, %dma_start3A_2238] : memref<4x128x32xf32, #tpu.memory_space<vmem>> -> memref<1x128x32xf32, #tpu.memory_space<vmem>>
        %dma_start3A_2240 = tpu.memref_squeeze %dma_start3A_2239 : memref<1x128x32xf32, #tpu.memory_space<vmem>> -> memref<128x32xf32, #tpu.memory_space<vmem>>
        %dma_start3A_2241 = arith.constant 0 : i32
        %dma_start3A_2242 = tpu.memref_slice %arg16[%dma_start3A_2236, %dma_start3A_2241] : memref<4x128xi32, #tpu.memory_space<vmem>> -> memref<1x128xi32, #tpu.memory_space<vmem>>
        %dma_start3A_2243 = tpu.memref_squeeze %dma_start3A_2242 : memref<1x128xi32, #tpu.memory_space<vmem>> -> memref<128xi32, #tpu.memory_space<vmem>>
        %dma_start3A_2244 = arith.constant 0 : i32
        %dma_start3A_2245 = arith.constant 0 : i32
        %dma_start3A_2246 = tpu.memref_slice %arg22[%dma_start3A_2244, %dma_start3A_2245] : memref<10008x32xf32, #tpu.memory_space<vmem_shared>> -> memref<10008x32xf32, #tpu.memory_space<vmem_shared>>
        tpu.enqueue_indirect_dma source(%dma_start3A_2240 : memref<128x32xf32, #tpu.memory_space<vmem>>) target(%dma_start3A_2246 : memref<10008x32xf32, #tpu.memory_space<vmem_shared>>) offsets(%dma_start3A_2243 : memref<128xi32, #tpu.memory_space<vmem>>) semaphore(%arg33 : memref<!tpu.dma_semaphore, #tpu.memory_space<semaphore_mem>>) {add = true}
      } else {
      }
      %eq3A_1719 = arith.constant 1 : i32
      %eq3A_1720 = arith.cmpi eq, %arg0, %eq3A_1719 : i32
      %convert_element_type3A_1721 = arith.extui %eq3A_1720 : i1 to i32
      %cond3A_1722 = arith.constant 0 : i32
      %cond3A_1723 = arith.cmpi ne, %convert_element_type3A_1721, %cond3A_1722 : i32
      scf.if %cond3A_1723 {
        %dma_start3A_2223 = arith.constant 2 : i32
        %dma_start3A_2224 = arith.constant 2 : i32
        %dma_start3A_2225 = arith.constant 0 : i32
        %dma_start3A_2226 = arith.constant 0 : i32
        %dma_start3A_2227 = tpu.memref_slice %arg18[%dma_start3A_2223, %dma_start3A_2225, %dma_start3A_2226] : memref<4x128x64xf32, #tpu.memory_space<vmem>> -> memref<1x128x64xf32, #tpu.memory_space<vmem>>
        %dma_start3A_2228 = tpu.memref_squeeze %dma_start3A_2227 : memref<1x128x64xf32, #tpu.memory_space<vmem>> -> memref<128x64xf32, #tpu.memory_space<vmem>>
        %dma_start3A_2229 = arith.constant 0 : i32
        %dma_start3A_2230 = tpu.memref_slice %arg15[%dma_start3A_2224, %dma_start3A_2229] : memref<4x128xi32, #tpu.memory_space<vmem>> -> memref<1x128xi32, #tpu.memory_space<vmem>>
        %dma_start3A_2231 = tpu.memref_squeeze %dma_start3A_2230 : memref<1x128xi32, #tpu.memory_space<vmem>> -> memref<128xi32, #tpu.memory_space<vmem>>
        %dma_start3A_2232 = arith.constant 0 : i32
        %dma_start3A_2233 = arith.constant 0 : i32
        %dma_start3A_2234 = tpu.memref_slice %arg21[%dma_start3A_2232, %dma_start3A_2233] : memref<10008x64xf32, #tpu.memory_space<vmem_shared>> -> memref<10008x64xf32, #tpu.memory_space<vmem_shared>>
        tpu.enqueue_indirect_dma source(%dma_start3A_2228 : memref<128x64xf32, #tpu.memory_space<vmem>>) target(%dma_start3A_2234 : memref<10008x64xf32, #tpu.memory_space<vmem_shared>>) offsets(%dma_start3A_2231 : memref<128xi32, #tpu.memory_space<vmem>>) semaphore(%arg33 : memref<!tpu.dma_semaphore, #tpu.memory_space<semaphore_mem>>) {add = true}
        %dma_start3A_2235 = arith.constant 2 : i32
        %dma_start3A_2236 = arith.constant 2 : i32
        %dma_start3A_2237 = arith.constant 0 : i32
        %dma_start3A_2238 = arith.constant 0 : i32
        %dma_start3A_2239 = tpu.memref_slice %arg19[%dma_start3A_2235, %dma_start3A_2237, %dma_start3A_2238] : memref<4x128x32xf32, #tpu.memory_space<vmem>> -> memref<1x128x32xf32, #tpu.memory_space<vmem>>
        %dma_start3A_2240 = tpu.memref_squeeze %dma_start3A_2239 : memref<1x128x32xf32, #tpu.memory_space<vmem>> -> memref<128x32xf32, #tpu.memory_space<vmem>>
        %dma_start3A_2241 = arith.constant 0 : i32
        %dma_start3A_2242 = tpu.memref_slice %arg15[%dma_start3A_2236, %dma_start3A_2241] : memref<4x128xi32, #tpu.memory_space<vmem>> -> memref<1x128xi32, #tpu.memory_space<vmem>>
        %dma_start3A_2243 = tpu.memref_squeeze %dma_start3A_2242 : memref<1x128xi32, #tpu.memory_space<vmem>> -> memref<128xi32, #tpu.memory_space<vmem>>
        %dma_start3A_2244 = arith.constant 0 : i32
        %dma_start3A_2245 = arith.constant 0 : i32
        %dma_start3A_2246 = tpu.memref_slice %arg22[%dma_start3A_2244, %dma_start3A_2245] : memref<10008x32xf32, #tpu.memory_space<vmem_shared>> -> memref<10008x32xf32, #tpu.memory_space<vmem_shared>>
        tpu.enqueue_indirect_dma source(%dma_start3A_2240 : memref<128x32xf32, #tpu.memory_space<vmem>>) target(%dma_start3A_2246 : memref<10008x32xf32, #tpu.memory_space<vmem_shared>>) offsets(%dma_start3A_2243 : memref<128xi32, #tpu.memory_space<vmem>>) semaphore(%arg33 : memref<!tpu.dma_semaphore, #tpu.memory_space<semaphore_mem>>) {add = true}
      } else {
      }
      %mul3A_1724 = arith.constant 4 : i32
      %mul3A_1725 = arith.muli %mul3A_1724, %add3A_230 : i32
      %add3A_1726 = arith.constant 3 : i32
      %add3A_1727 = arith.addi %mul3A_1725, %add3A_1726 : i32
      %add3A_1728 = arith.constant 2 : i32
      %add3A_1729 = arith.addi %add3A_1727, %add3A_1728 : i32
      %lt3A_1730 = arith.constant 160 : i32
      %lt3A_1731 = arith.cmpi slt, %add3A_1729, %lt3A_1730 : i32
      %convert_element_type3A_1732 = arith.extui %lt3A_1731 : i1 to i32
      %cond3A_1733 = arith.constant 0 : i32
      %cond3A_1734 = arith.cmpi ne, %convert_element_type3A_1732, %cond3A_1733 : i32
      scf.if %cond3A_1734 {
        %ge3A = arith.constant 2 : i32
        %ge3A_2223 = arith.cmpi sge, %add3A_1727, %ge3A : i32
        %convert_element_type3A_2224 = arith.extui %ge3A_2223 : i1 to i32
        %cond3A_2225 = arith.constant 0 : i32
        %cond3A_2226 = arith.cmpi ne, %convert_element_type3A_2224, %cond3A_2225 : i32
        scf.if %cond3A_2226 {
          %sub3A = arith.constant 2 : i32
          %sub3A_2272 = arith.subi %add3A_1727, %sub3A : i32
          %eq3A_2273 = arith.constant 0 : i32
          %eq3A_2274 = arith.cmpi eq, %arg0, %eq3A_2273 : i32
          %convert_element_type3A_2275 = arith.extui %eq3A_2274 : i1 to i32
          %cond3A_2276 = arith.constant 0 : i32
          %cond3A_2277 = arith.cmpi ne, %convert_element_type3A_2275, %cond3A_2276 : i32
          scf.if %cond3A_2277 {
            %dma_wait3A_2283 = arith.constant 1 : i32
            %dma_wait3A_2284 = arith.constant 1 : i32
            %dma_wait3A_2285 = arith.constant 0 : i32
            %dma_wait3A_2286 = arith.constant 0 : i32
            %dma_wait3A_2287 = tpu.memref_slice %arg18[%dma_wait3A_2283, %dma_wait3A_2285, %dma_wait3A_2286] : memref<4x128x64xf32, #tpu.memory_space<vmem>> -> memref<1x128x64xf32, #tpu.memory_space<vmem>>
            %dma_wait3A_2288 = tpu.memref_squeeze %dma_wait3A_2287 : memref<1x128x64xf32, #tpu.memory_space<vmem>> -> memref<128x64xf32, #tpu.memory_space<vmem>>
            %dma_wait3A_2289 = arith.constant 0 : i32
            %dma_wait3A_2290 = tpu.memref_slice %arg16[%dma_wait3A_2284, %dma_wait3A_2289] : memref<4x128xi32, #tpu.memory_space<vmem>> -> memref<1x128xi32, #tpu.memory_space<vmem>>
            %dma_wait3A_2291 = tpu.memref_squeeze %dma_wait3A_2290 : memref<1x128xi32, #tpu.memory_space<vmem>> -> memref<128xi32, #tpu.memory_space<vmem>>
            %dma_wait3A_2292 = arith.constant 0 : i32
            %dma_wait3A_2293 = arith.constant 0 : i32
            %dma_wait3A_2294 = tpu.memref_slice %arg21[%dma_wait3A_2292, %dma_wait3A_2293] : memref<10008x64xf32, #tpu.memory_space<vmem_shared>> -> memref<10008x64xf32, #tpu.memory_space<vmem_shared>>
            tpu.wait_indirect_dma semaphore(%arg32 : memref<!tpu.dma_semaphore, #tpu.memory_space<semaphore_mem>>) src(%dma_wait3A_2288 : memref<128x64xf32, #tpu.memory_space<vmem>>) dst(%dma_wait3A_2294 : memref<10008x64xf32, #tpu.memory_space<vmem_shared>>)
            %dma_wait3A_2295 = arith.constant 1 : i32
            %dma_wait3A_2296 = arith.constant 1 : i32
            %dma_wait3A_2297 = arith.constant 0 : i32
            %dma_wait3A_2298 = arith.constant 0 : i32
            %dma_wait3A_2299 = tpu.memref_slice %arg19[%dma_wait3A_2295, %dma_wait3A_2297, %dma_wait3A_2298] : memref<4x128x32xf32, #tpu.memory_space<vmem>> -> memref<1x128x32xf32, #tpu.memory_space<vmem>>
            %dma_wait3A_2300 = tpu.memref_squeeze %dma_wait3A_2299 : memref<1x128x32xf32, #tpu.memory_space<vmem>> -> memref<128x32xf32, #tpu.memory_space<vmem>>
            %dma_wait3A_2301 = arith.constant 0 : i32
            %dma_wait3A_2302 = tpu.memref_slice %arg16[%dma_wait3A_2296, %dma_wait3A_2301] : memref<4x128xi32, #tpu.memory_space<vmem>> -> memref<1x128xi32, #tpu.memory_space<vmem>>
            %dma_wait3A_2303 = tpu.memref_squeeze %dma_wait3A_2302 : memref<1x128xi32, #tpu.memory_space<vmem>> -> memref<128xi32, #tpu.memory_space<vmem>>
            %dma_wait3A_2304 = arith.constant 0 : i32
            %dma_wait3A_2305 = arith.constant 0 : i32
            %dma_wait3A_2306 = tpu.memref_slice %arg22[%dma_wait3A_2304, %dma_wait3A_2305] : memref<10008x32xf32, #tpu.memory_space<vmem_shared>> -> memref<10008x32xf32, #tpu.memory_space<vmem_shared>>
            tpu.wait_indirect_dma semaphore(%arg32 : memref<!tpu.dma_semaphore, #tpu.memory_space<semaphore_mem>>) src(%dma_wait3A_2300 : memref<128x32xf32, #tpu.memory_space<vmem>>) dst(%dma_wait3A_2306 : memref<10008x32xf32, #tpu.memory_space<vmem_shared>>)
          } else {
          }
          %eq3A_2278 = arith.constant 1 : i32
          %eq3A_2279 = arith.cmpi eq, %arg0, %eq3A_2278 : i32
          %convert_element_type3A_2280 = arith.extui %eq3A_2279 : i1 to i32
          %cond3A_2281 = arith.constant 0 : i32
          %cond3A_2282 = arith.cmpi ne, %convert_element_type3A_2280, %cond3A_2281 : i32
          scf.if %cond3A_2282 {
            %dma_wait3A_2283 = arith.constant 1 : i32
            %dma_wait3A_2284 = arith.constant 1 : i32
            %dma_wait3A_2285 = arith.constant 0 : i32
            %dma_wait3A_2286 = arith.constant 0 : i32
            %dma_wait3A_2287 = tpu.memref_slice %arg18[%dma_wait3A_2283, %dma_wait3A_2285, %dma_wait3A_2286] : memref<4x128x64xf32, #tpu.memory_space<vmem>> -> memref<1x128x64xf32, #tpu.memory_space<vmem>>
            %dma_wait3A_2288 = tpu.memref_squeeze %dma_wait3A_2287 : memref<1x128x64xf32, #tpu.memory_space<vmem>> -> memref<128x64xf32, #tpu.memory_space<vmem>>
            %dma_wait3A_2289 = arith.constant 0 : i32
            %dma_wait3A_2290 = tpu.memref_slice %arg15[%dma_wait3A_2284, %dma_wait3A_2289] : memref<4x128xi32, #tpu.memory_space<vmem>> -> memref<1x128xi32, #tpu.memory_space<vmem>>
            %dma_wait3A_2291 = tpu.memref_squeeze %dma_wait3A_2290 : memref<1x128xi32, #tpu.memory_space<vmem>> -> memref<128xi32, #tpu.memory_space<vmem>>
            %dma_wait3A_2292 = arith.constant 0 : i32
            %dma_wait3A_2293 = arith.constant 0 : i32
            %dma_wait3A_2294 = tpu.memref_slice %arg21[%dma_wait3A_2292, %dma_wait3A_2293] : memref<10008x64xf32, #tpu.memory_space<vmem_shared>> -> memref<10008x64xf32, #tpu.memory_space<vmem_shared>>
            tpu.wait_indirect_dma semaphore(%arg32 : memref<!tpu.dma_semaphore, #tpu.memory_space<semaphore_mem>>) src(%dma_wait3A_2288 : memref<128x64xf32, #tpu.memory_space<vmem>>) dst(%dma_wait3A_2294 : memref<10008x64xf32, #tpu.memory_space<vmem_shared>>)
            %dma_wait3A_2295 = arith.constant 1 : i32
            %dma_wait3A_2296 = arith.constant 1 : i32
            %dma_wait3A_2297 = arith.constant 0 : i32
            %dma_wait3A_2298 = arith.constant 0 : i32
            %dma_wait3A_2299 = tpu.memref_slice %arg19[%dma_wait3A_2295, %dma_wait3A_2297, %dma_wait3A_2298] : memref<4x128x32xf32, #tpu.memory_space<vmem>> -> memref<1x128x32xf32, #tpu.memory_space<vmem>>
            %dma_wait3A_2300 = tpu.memref_squeeze %dma_wait3A_2299 : memref<1x128x32xf32, #tpu.memory_space<vmem>> -> memref<128x32xf32, #tpu.memory_space<vmem>>
            %dma_wait3A_2301 = arith.constant 0 : i32
            %dma_wait3A_2302 = tpu.memref_slice %arg15[%dma_wait3A_2296, %dma_wait3A_2301] : memref<4x128xi32, #tpu.memory_space<vmem>> -> memref<1x128xi32, #tpu.memory_space<vmem>>
            %dma_wait3A_2303 = tpu.memref_squeeze %dma_wait3A_2302 : memref<1x128xi32, #tpu.memory_space<vmem>> -> memref<128xi32, #tpu.memory_space<vmem>>
            %dma_wait3A_2304 = arith.constant 0 : i32
            %dma_wait3A_2305 = arith.constant 0 : i32
            %dma_wait3A_2306 = tpu.memref_slice %arg22[%dma_wait3A_2304, %dma_wait3A_2305] : memref<10008x32xf32, #tpu.memory_space<vmem_shared>> -> memref<10008x32xf32, #tpu.memory_space<vmem_shared>>
            tpu.wait_indirect_dma semaphore(%arg32 : memref<!tpu.dma_semaphore, #tpu.memory_space<semaphore_mem>>) src(%dma_wait3A_2300 : memref<128x32xf32, #tpu.memory_space<vmem>>) dst(%dma_wait3A_2306 : memref<10008x32xf32, #tpu.memory_space<vmem_shared>>)
          } else {
          }
        } else {
        }
        %add3A_2227 = arith.constant 2 : i32
        %add3A_2228 = arith.addi %add3A_1727, %add3A_2227 : i32
        %mul3A_2229 = arith.constant 16 : i32
        %mul3A_2230 = arith.muli %mul3A_2229, %add3A_2228 : i32
        %add3A_2231 = arith.addi %arg1, %mul3A_2230 : i32
        %mul3A_2232 = arith.constant 128 : i32
        %mul3A_2233 = arith.muli %add3A_2231, %mul3A_2232 : i32
        %mul3A_2234 = arith.constant 4 : i32
        %mul3A_2235 = arith.muli %mul3A_2234, %mul3A_2233 : i32
        %dma_start3A_2236 = arith.constant 1 : i32
        %dma_start3A_2237 = arith.constant 0 : i32
        %dma_start3A_2238 = tpu.memref_slice %arg15[%dma_start3A_2236, %dma_start3A_2237] : memref<4x128xi32, #tpu.memory_space<vmem>> -> memref<1x128xi32, #tpu.memory_space<vmem>>
        %dma_start3A_2239 = tpu.memref_squeeze %dma_start3A_2238 : memref<1x128xi32, #tpu.memory_space<vmem>> -> memref<128xi32, #tpu.memory_space<vmem>>
        %dma_start3A_2240 = tpu.memref_slice %arg2[%mul3A_2233] : memref<327680xi32, #tpu.memory_space<hbm>> -> memref<128xi32, #tpu.memory_space<hbm>>
        %dma_start3A_2241 = arith.constant 0 : i32
        %dma_start3A_2242 = tpu.memref_slice %arg15[%dma_start3A_2236, %dma_start3A_2241] : memref<4x128xi32, #tpu.memory_space<vmem>> -> memref<1x128xi32, #tpu.memory_space<vmem>>
        %dma_start3A_2243 = tpu.memref_squeeze %dma_start3A_2242 : memref<1x128xi32, #tpu.memory_space<vmem>> -> memref<128xi32, #tpu.memory_space<vmem>>
        %dma_start3A_2244 = tpu.memref_slice %arg2[%mul3A_2233] : memref<327680xi32, #tpu.memory_space<hbm>> -> memref<128xi32, #tpu.memory_space<hbm>>
        tpu.enqueue_dma source(%dma_start3A_2244 : memref<128xi32, #tpu.memory_space<hbm>>) target(%dma_start3A_2243 : memref<128xi32, #tpu.memory_space<vmem>>) target_semaphore(%arg24 : memref<!tpu.dma_semaphore, #tpu.memory_space<semaphore_mem>>)
        %dma_start3A_2245 = arith.constant 1 : i32
        %dma_start3A_2246 = arith.constant 0 : i32
        %dma_start3A_2247 = tpu.memref_slice %arg16[%dma_start3A_2245, %dma_start3A_2246] : memref<4x128xi32, #tpu.memory_space<vmem>> -> memref<1x128xi32, #tpu.memory_space<vmem>>
        %dma_start3A_2248 = tpu.memref_squeeze %dma_start3A_2247 : memref<1x128xi32, #tpu.memory_space<vmem>> -> memref<128xi32, #tpu.memory_space<vmem>>
        %dma_start3A_2249 = tpu.memref_slice %arg3[%mul3A_2233] : memref<327680xi32, #tpu.memory_space<hbm>> -> memref<128xi32, #tpu.memory_space<hbm>>
        %dma_start3A_2250 = arith.constant 0 : i32
        %dma_start3A_2251 = tpu.memref_slice %arg16[%dma_start3A_2245, %dma_start3A_2250] : memref<4x128xi32, #tpu.memory_space<vmem>> -> memref<1x128xi32, #tpu.memory_space<vmem>>
        %dma_start3A_2252 = tpu.memref_squeeze %dma_start3A_2251 : memref<1x128xi32, #tpu.memory_space<vmem>> -> memref<128xi32, #tpu.memory_space<vmem>>
        %dma_start3A_2253 = tpu.memref_slice %arg3[%mul3A_2233] : memref<327680xi32, #tpu.memory_space<hbm>> -> memref<128xi32, #tpu.memory_space<hbm>>
        tpu.enqueue_dma source(%dma_start3A_2253 : memref<128xi32, #tpu.memory_space<hbm>>) target(%dma_start3A_2252 : memref<128xi32, #tpu.memory_space<vmem>>) target_semaphore(%arg24 : memref<!tpu.dma_semaphore, #tpu.memory_space<semaphore_mem>>)
        %dma_start3A_2254 = arith.constant 1 : i32
        %dma_start3A_2255 = arith.constant 0 : i32
        %dma_start3A_2256 = tpu.memref_slice %arg17[%dma_start3A_2254, %dma_start3A_2255] : memref<4x128xi32, #tpu.memory_space<vmem>> -> memref<1x128xi32, #tpu.memory_space<vmem>>
        %dma_start3A_2257 = tpu.memref_squeeze %dma_start3A_2256 : memref<1x128xi32, #tpu.memory_space<vmem>> -> memref<128xi32, #tpu.memory_space<vmem>>
        %dma_start3A_2258 = tpu.memref_slice %arg4[%mul3A_2233] : memref<327680xi32, #tpu.memory_space<hbm>> -> memref<128xi32, #tpu.memory_space<hbm>>
        %dma_start3A_2259 = arith.constant 0 : i32
        %dma_start3A_2260 = tpu.memref_slice %arg17[%dma_start3A_2254, %dma_start3A_2259] : memref<4x128xi32, #tpu.memory_space<vmem>> -> memref<1x128xi32, #tpu.memory_space<vmem>>
        %dma_start3A_2261 = tpu.memref_squeeze %dma_start3A_2260 : memref<1x128xi32, #tpu.memory_space<vmem>> -> memref<128xi32, #tpu.memory_space<vmem>>
        %dma_start3A_2262 = tpu.memref_slice %arg4[%mul3A_2233] : memref<327680xi32, #tpu.memory_space<hbm>> -> memref<128xi32, #tpu.memory_space<hbm>>
        tpu.enqueue_dma source(%dma_start3A_2262 : memref<128xi32, #tpu.memory_space<hbm>>) target(%dma_start3A_2261 : memref<128xi32, #tpu.memory_space<vmem>>) target_semaphore(%arg24 : memref<!tpu.dma_semaphore, #tpu.memory_space<semaphore_mem>>)
        %dma_start3A_2263 = arith.constant 1 : i32
        %dma_start3A_2264 = arith.constant 0 : i32
        %dma_start3A_2265 = tpu.memref_slice %arg20[%dma_start3A_2263, %dma_start3A_2264] : memref<4x512xf32, #tpu.memory_space<vmem>> -> memref<1x512xf32, #tpu.memory_space<vmem>>
        %dma_start3A_2266 = tpu.memref_squeeze %dma_start3A_2265 : memref<1x512xf32, #tpu.memory_space<vmem>> -> memref<512xf32, #tpu.memory_space<vmem>>
        %dma_start3A_2267 = tpu.memref_slice %arg5[%mul3A_2235] : memref<1310720xf32, #tpu.memory_space<hbm>> -> memref<512xf32, #tpu.memory_space<hbm>>
        %dma_start3A_2268 = arith.constant 0 : i32
        %dma_start3A_2269 = tpu.memref_slice %arg20[%dma_start3A_2263, %dma_start3A_2268] : memref<4x512xf32, #tpu.memory_space<vmem>> -> memref<1x512xf32, #tpu.memory_space<vmem>>
        %dma_start3A_2270 = tpu.memref_squeeze %dma_start3A_2269 : memref<1x512xf32, #tpu.memory_space<vmem>> -> memref<512xf32, #tpu.memory_space<vmem>>
        %dma_start3A_2271 = tpu.memref_slice %arg5[%mul3A_2235] : memref<1310720xf32, #tpu.memory_space<hbm>> -> memref<512xf32, #tpu.memory_space<hbm>>
        tpu.enqueue_dma source(%dma_start3A_2271 : memref<512xf32, #tpu.memory_space<hbm>>) target(%dma_start3A_2270 : memref<512xf32, #tpu.memory_space<vmem>>) target_semaphore(%arg24 : memref<!tpu.dma_semaphore, #tpu.memory_space<semaphore_mem>>)
      } else {
      }
      %add3A_1735 = arith.constant 1 : i32
      %add3A_1736 = arith.addi %add3A_1727, %add3A_1735 : i32
      %lt3A_1737 = arith.constant 160 : i32
      %lt3A_1738 = arith.cmpi slt, %add3A_1736, %lt3A_1737 : i32
      %convert_element_type3A_1739 = arith.extui %lt3A_1738 : i1 to i32
      %cond3A_1740 = arith.constant 0 : i32
      %cond3A_1741 = arith.cmpi ne, %convert_element_type3A_1739, %cond3A_1740 : i32
      scf.if %cond3A_1741 {
        %add3A_2223 = arith.constant 1 : i32
        %add3A_2224 = arith.addi %add3A_1727, %add3A_2223 : i32
        %mul3A_2225 = arith.constant 16 : i32
        %mul3A_2226 = arith.muli %mul3A_2225, %add3A_2224 : i32
        %add3A_2227 = arith.addi %arg1, %mul3A_2226 : i32
        %mul3A_2228 = arith.constant 128 : i32
        %mul3A_2229 = arith.muli %add3A_2227, %mul3A_2228 : i32
        %mul3A_2230 = arith.constant 4 : i32
        %mul3A_2231 = arith.muli %mul3A_2230, %mul3A_2229 : i32
        %dma_wait3A_2232 = arith.constant 0 : i32
        %dma_wait3A_2233 = arith.constant 0 : i32
        %dma_wait3A_2234 = tpu.memref_slice %arg15[%dma_wait3A_2232, %dma_wait3A_2233] : memref<4x128xi32, #tpu.memory_space<vmem>> -> memref<1x128xi32, #tpu.memory_space<vmem>>
        %dma_wait3A_2235 = tpu.memref_squeeze %dma_wait3A_2234 : memref<1x128xi32, #tpu.memory_space<vmem>> -> memref<128xi32, #tpu.memory_space<vmem>>
        %dma_wait3A_2236 = tpu.memref_slice %arg2[%mul3A_2229] : memref<327680xi32, #tpu.memory_space<hbm>> -> memref<128xi32, #tpu.memory_space<hbm>>
        %dma_wait3A_2237 = arith.constant 0 : i32
        %dma_wait3A_2238 = tpu.memref_slice %arg15[%dma_wait3A_2232, %dma_wait3A_2237] : memref<4x128xi32, #tpu.memory_space<vmem>> -> memref<1x128xi32, #tpu.memory_space<vmem>>
        %dma_wait3A_2239 = tpu.memref_squeeze %dma_wait3A_2238 : memref<1x128xi32, #tpu.memory_space<vmem>> -> memref<128xi32, #tpu.memory_space<vmem>>
        %dma_wait3A_2240 = tpu.memref_slice %arg2[%mul3A_2229] : memref<327680xi32, #tpu.memory_space<hbm>> -> memref<128xi32, #tpu.memory_space<hbm>>
        tpu.wait_dma2 semaphore(%arg23 : memref<!tpu.dma_semaphore, #tpu.memory_space<semaphore_mem>>) src(%dma_wait3A_2240 : memref<128xi32, #tpu.memory_space<hbm>>) dst(%dma_wait3A_2239 : memref<128xi32, #tpu.memory_space<vmem>>)
        %dma_wait3A_2241 = arith.constant 0 : i32
        %dma_wait3A_2242 = arith.constant 0 : i32
        %dma_wait3A_2243 = tpu.memref_slice %arg16[%dma_wait3A_2241, %dma_wait3A_2242] : memref<4x128xi32, #tpu.memory_space<vmem>> -> memref<1x128xi32, #tpu.memory_space<vmem>>
        %dma_wait3A_2244 = tpu.memref_squeeze %dma_wait3A_2243 : memref<1x128xi32, #tpu.memory_space<vmem>> -> memref<128xi32, #tpu.memory_space<vmem>>
        %dma_wait3A_2245 = tpu.memref_slice %arg3[%mul3A_2229] : memref<327680xi32, #tpu.memory_space<hbm>> -> memref<128xi32, #tpu.memory_space<hbm>>
        %dma_wait3A_2246 = arith.constant 0 : i32
        %dma_wait3A_2247 = tpu.memref_slice %arg16[%dma_wait3A_2241, %dma_wait3A_2246] : memref<4x128xi32, #tpu.memory_space<vmem>> -> memref<1x128xi32, #tpu.memory_space<vmem>>
        %dma_wait3A_2248 = tpu.memref_squeeze %dma_wait3A_2247 : memref<1x128xi32, #tpu.memory_space<vmem>> -> memref<128xi32, #tpu.memory_space<vmem>>
        %dma_wait3A_2249 = tpu.memref_slice %arg3[%mul3A_2229] : memref<327680xi32, #tpu.memory_space<hbm>> -> memref<128xi32, #tpu.memory_space<hbm>>
        tpu.wait_dma2 semaphore(%arg23 : memref<!tpu.dma_semaphore, #tpu.memory_space<semaphore_mem>>) src(%dma_wait3A_2249 : memref<128xi32, #tpu.memory_space<hbm>>) dst(%dma_wait3A_2248 : memref<128xi32, #tpu.memory_space<vmem>>)
        %dma_wait3A_2250 = arith.constant 0 : i32
        %dma_wait3A_2251 = arith.constant 0 : i32
        %dma_wait3A_2252 = tpu.memref_slice %arg17[%dma_wait3A_2250, %dma_wait3A_2251] : memref<4x128xi32, #tpu.memory_space<vmem>> -> memref<1x128xi32, #tpu.memory_space<vmem>>
        %dma_wait3A_2253 = tpu.memref_squeeze %dma_wait3A_2252 : memref<1x128xi32, #tpu.memory_space<vmem>> -> memref<128xi32, #tpu.memory_space<vmem>>
        %dma_wait3A_2254 = tpu.memref_slice %arg4[%mul3A_2229] : memref<327680xi32, #tpu.memory_space<hbm>> -> memref<128xi32, #tpu.memory_space<hbm>>
        %dma_wait3A_2255 = arith.constant 0 : i32
        %dma_wait3A_2256 = tpu.memref_slice %arg17[%dma_wait3A_2250, %dma_wait3A_2255] : memref<4x128xi32, #tpu.memory_space<vmem>> -> memref<1x128xi32, #tpu.memory_space<vmem>>
        %dma_wait3A_2257 = tpu.memref_squeeze %dma_wait3A_2256 : memref<1x128xi32, #tpu.memory_space<vmem>> -> memref<128xi32, #tpu.memory_space<vmem>>
        %dma_wait3A_2258 = tpu.memref_slice %arg4[%mul3A_2229] : memref<327680xi32, #tpu.memory_space<hbm>> -> memref<128xi32, #tpu.memory_space<hbm>>
        tpu.wait_dma2 semaphore(%arg23 : memref<!tpu.dma_semaphore, #tpu.memory_space<semaphore_mem>>) src(%dma_wait3A_2258 : memref<128xi32, #tpu.memory_space<hbm>>) dst(%dma_wait3A_2257 : memref<128xi32, #tpu.memory_space<vmem>>)
        %dma_wait3A_2259 = arith.constant 0 : i32
        %dma_wait3A_2260 = arith.constant 0 : i32
        %dma_wait3A_2261 = tpu.memref_slice %arg20[%dma_wait3A_2259, %dma_wait3A_2260] : memref<4x512xf32, #tpu.memory_space<vmem>> -> memref<1x512xf32, #tpu.memory_space<vmem>>
        %dma_wait3A_2262 = tpu.memref_squeeze %dma_wait3A_2261 : memref<1x512xf32, #tpu.memory_space<vmem>> -> memref<512xf32, #tpu.memory_space<vmem>>
        %dma_wait3A_2263 = tpu.memref_slice %arg5[%mul3A_2231] : memref<1310720xf32, #tpu.memory_space<hbm>> -> memref<512xf32, #tpu.memory_space<hbm>>
        %dma_wait3A_2264 = arith.constant 0 : i32
        %dma_wait3A_2265 = tpu.memref_slice %arg20[%dma_wait3A_2259, %dma_wait3A_2264] : memref<4x512xf32, #tpu.memory_space<vmem>> -> memref<1x512xf32, #tpu.memory_space<vmem>>
        %dma_wait3A_2266 = tpu.memref_squeeze %dma_wait3A_2265 : memref<1x512xf32, #tpu.memory_space<vmem>> -> memref<512xf32, #tpu.memory_space<vmem>>
        %dma_wait3A_2267 = tpu.memref_slice %arg5[%mul3A_2231] : memref<1310720xf32, #tpu.memory_space<hbm>> -> memref<512xf32, #tpu.memory_space<hbm>>
        tpu.wait_dma2 semaphore(%arg23 : memref<!tpu.dma_semaphore, #tpu.memory_space<semaphore_mem>>) src(%dma_wait3A_2267 : memref<512xf32, #tpu.memory_space<hbm>>) dst(%dma_wait3A_2266 : memref<512xf32, #tpu.memory_space<vmem>>)
        %add3A_2268 = arith.constant 1 : i32
        %add3A_2269 = arith.addi %add3A_1727, %add3A_2268 : i32
        %eq3A_2270 = arith.constant 0 : i32
        %eq3A_2271 = arith.cmpi eq, %arg0, %eq3A_2270 : i32
        %convert_element_type3A_2272 = arith.extui %eq3A_2271 : i1 to i32
        %cond3A_2273 = arith.constant 0 : i32
        %cond3A_2274 = arith.cmpi ne, %convert_element_type3A_2272, %cond3A_2273 : i32
        scf.if %cond3A_2274 {
          %dma_start3A_2292 = arith.constant 0 : i32
          %dma_start3A_2293 = arith.constant 0 : i32
          %dma_start3A_2294 = arith.constant 0 : i32
          %dma_start3A_2295 = arith.constant 0 : i32
          %dma_start3A_2296 = tpu.memref_slice %arg18[%dma_start3A_2293, %dma_start3A_2294, %dma_start3A_2295] : memref<4x128x64xf32, #tpu.memory_space<vmem>> -> memref<1x128x64xf32, #tpu.memory_space<vmem>>
          %dma_start3A_2297 = tpu.memref_squeeze %dma_start3A_2296 : memref<1x128x64xf32, #tpu.memory_space<vmem>> -> memref<128x64xf32, #tpu.memory_space<vmem>>
          %dma_start3A_2298 = arith.constant 0 : i32
          %dma_start3A_2299 = tpu.memref_slice %arg15[%dma_start3A_2292, %dma_start3A_2298] : memref<4x128xi32, #tpu.memory_space<vmem>> -> memref<1x128xi32, #tpu.memory_space<vmem>>
          %dma_start3A_2300 = tpu.memref_squeeze %dma_start3A_2299 : memref<1x128xi32, #tpu.memory_space<vmem>> -> memref<128xi32, #tpu.memory_space<vmem>>
          %dma_start3A_2301 = arith.constant 0 : i32
          %dma_start3A_2302 = arith.constant 0 : i32
          %dma_start3A_2303 = tpu.memref_slice %arg6[%dma_start3A_2301, %dma_start3A_2302] : memref<2056x64xf32, #tpu.memory_space<hbm>> -> memref<2056x64xf32, #tpu.memory_space<hbm>>
          tpu.enqueue_indirect_dma source(%dma_start3A_2303 : memref<2056x64xf32, #tpu.memory_space<hbm>>) target(%dma_start3A_2297 : memref<128x64xf32, #tpu.memory_space<vmem>>) offsets(%dma_start3A_2300 : memref<128xi32, #tpu.memory_space<vmem>>) semaphore(%arg27 : memref<!tpu.dma_semaphore, #tpu.memory_space<semaphore_mem>>)
        } else {
        }
        %eq3A_2275 = arith.constant 1 : i32
        %eq3A_2276 = arith.cmpi eq, %arg0, %eq3A_2275 : i32
        %convert_element_type3A_2277 = arith.extui %eq3A_2276 : i1 to i32
        %cond3A_2278 = arith.constant 0 : i32
        %cond3A_2279 = arith.cmpi ne, %convert_element_type3A_2277, %cond3A_2278 : i32
        scf.if %cond3A_2279 {
          %dma_start3A_2292 = arith.constant 0 : i32
          %dma_start3A_2293 = arith.constant 0 : i32
          %dma_start3A_2294 = arith.constant 0 : i32
          %dma_start3A_2295 = arith.constant 0 : i32
          %dma_start3A_2296 = tpu.memref_slice %arg18[%dma_start3A_2293, %dma_start3A_2294, %dma_start3A_2295] : memref<4x128x64xf32, #tpu.memory_space<vmem>> -> memref<1x128x64xf32, #tpu.memory_space<vmem>>
          %dma_start3A_2297 = tpu.memref_squeeze %dma_start3A_2296 : memref<1x128x64xf32, #tpu.memory_space<vmem>> -> memref<128x64xf32, #tpu.memory_space<vmem>>
          %dma_start3A_2298 = arith.constant 0 : i32
          %dma_start3A_2299 = tpu.memref_slice %arg16[%dma_start3A_2292, %dma_start3A_2298] : memref<4x128xi32, #tpu.memory_space<vmem>> -> memref<1x128xi32, #tpu.memory_space<vmem>>
          %dma_start3A_2300 = tpu.memref_squeeze %dma_start3A_2299 : memref<1x128xi32, #tpu.memory_space<vmem>> -> memref<128xi32, #tpu.memory_space<vmem>>
          %dma_start3A_2301 = arith.constant 0 : i32
          %dma_start3A_2302 = arith.constant 0 : i32
          %dma_start3A_2303 = tpu.memref_slice %arg7[%dma_start3A_2301, %dma_start3A_2302] : memref<10008x64xf32, #tpu.memory_space<hbm>> -> memref<10008x64xf32, #tpu.memory_space<hbm>>
          tpu.enqueue_indirect_dma source(%dma_start3A_2303 : memref<10008x64xf32, #tpu.memory_space<hbm>>) target(%dma_start3A_2297 : memref<128x64xf32, #tpu.memory_space<vmem>>) offsets(%dma_start3A_2300 : memref<128xi32, #tpu.memory_space<vmem>>) semaphore(%arg27 : memref<!tpu.dma_semaphore, #tpu.memory_space<semaphore_mem>>)
        } else {
        }
        %dma_start3A_2280 = arith.constant 0 : i32
        %dma_start3A_2281 = arith.constant 0 : i32
        %dma_start3A_2282 = arith.constant 0 : i32
        %dma_start3A_2283 = arith.constant 0 : i32
        %dma_start3A_2284 = tpu.memref_slice %arg19[%dma_start3A_2281, %dma_start3A_2282, %dma_start3A_2283] : memref<4x128x32xf32, #tpu.memory_space<vmem>> -> memref<1x128x32xf32, #tpu.memory_space<vmem>>
        %dma_start3A_2285 = tpu.memref_squeeze %dma_start3A_2284 : memref<1x128x32xf32, #tpu.memory_space<vmem>> -> memref<128x32xf32, #tpu.memory_space<vmem>>
        %dma_start3A_2286 = arith.constant 0 : i32
        %dma_start3A_2287 = tpu.memref_slice %arg17[%dma_start3A_2280, %dma_start3A_2286] : memref<4x128xi32, #tpu.memory_space<vmem>> -> memref<1x128xi32, #tpu.memory_space<vmem>>
        %dma_start3A_2288 = tpu.memref_squeeze %dma_start3A_2287 : memref<1x128xi32, #tpu.memory_space<vmem>> -> memref<128xi32, #tpu.memory_space<vmem>>
        %dma_start3A_2289 = arith.constant 0 : i32
        %dma_start3A_2290 = arith.constant 0 : i32
        %dma_start3A_2291 = tpu.memref_slice %arg8[%dma_start3A_2289, %dma_start3A_2290] : memref<10008x32xf32, #tpu.memory_space<hbm>> -> memref<10008x32xf32, #tpu.memory_space<hbm>>
        tpu.enqueue_indirect_dma source(%dma_start3A_2291 : memref<10008x32xf32, #tpu.memory_space<hbm>>) target(%dma_start3A_2285 : memref<128x32xf32, #tpu.memory_space<vmem>>) offsets(%dma_start3A_2288 : memref<128xi32, #tpu.memory_space<vmem>>) semaphore(%arg27 : memref<!tpu.dma_semaphore, #tpu.memory_space<semaphore_mem>>)
      } else {
      }
      %eq3A_1742 = arith.constant 0 : i32
      %eq3A_1743 = arith.cmpi eq, %arg0, %eq3A_1742 : i32
      %convert_element_type3A_1744 = arith.extui %eq3A_1743 : i1 to i32
      %cond3A_1745 = arith.constant 0 : i32
      %cond3A_1746 = arith.cmpi ne, %convert_element_type3A_1744, %cond3A_1745 : i32
      scf.if %cond3A_1746 {
        %dma_wait3A_2223 = arith.constant 3 : i32
        %dma_wait3A_2224 = arith.constant 3 : i32
        %dma_wait3A_2225 = arith.constant 0 : i32
        %dma_wait3A_2226 = arith.constant 0 : i32
        %dma_wait3A_2227 = tpu.memref_slice %arg18[%dma_wait3A_2224, %dma_wait3A_2225, %dma_wait3A_2226] : memref<4x128x64xf32, #tpu.memory_space<vmem>> -> memref<1x128x64xf32, #tpu.memory_space<vmem>>
        %dma_wait3A_2228 = tpu.memref_squeeze %dma_wait3A_2227 : memref<1x128x64xf32, #tpu.memory_space<vmem>> -> memref<128x64xf32, #tpu.memory_space<vmem>>
        %dma_wait3A_2229 = arith.constant 0 : i32
        %dma_wait3A_2230 = tpu.memref_slice %arg15[%dma_wait3A_2223, %dma_wait3A_2229] : memref<4x128xi32, #tpu.memory_space<vmem>> -> memref<1x128xi32, #tpu.memory_space<vmem>>
        %dma_wait3A_2231 = tpu.memref_squeeze %dma_wait3A_2230 : memref<1x128xi32, #tpu.memory_space<vmem>> -> memref<128xi32, #tpu.memory_space<vmem>>
        %dma_wait3A_2232 = arith.constant 0 : i32
        %dma_wait3A_2233 = arith.constant 0 : i32
        %dma_wait3A_2234 = tpu.memref_slice %arg6[%dma_wait3A_2232, %dma_wait3A_2233] : memref<2056x64xf32, #tpu.memory_space<hbm>> -> memref<2056x64xf32, #tpu.memory_space<hbm>>
        tpu.wait_indirect_dma semaphore(%arg30 : memref<!tpu.dma_semaphore, #tpu.memory_space<semaphore_mem>>) src(%dma_wait3A_2234 : memref<2056x64xf32, #tpu.memory_space<hbm>>) dst(%dma_wait3A_2228 : memref<128x64xf32, #tpu.memory_space<vmem>>)
      } else {
      }
      %eq3A_1747 = arith.constant 1 : i32
      %eq3A_1748 = arith.cmpi eq, %arg0, %eq3A_1747 : i32
      %convert_element_type3A_1749 = arith.extui %eq3A_1748 : i1 to i32
      %cond3A_1750 = arith.constant 0 : i32
      %cond3A_1751 = arith.cmpi ne, %convert_element_type3A_1749, %cond3A_1750 : i32
      scf.if %cond3A_1751 {
        %dma_wait3A_2223 = arith.constant 3 : i32
        %dma_wait3A_2224 = arith.constant 3 : i32
        %dma_wait3A_2225 = arith.constant 0 : i32
        %dma_wait3A_2226 = arith.constant 0 : i32
        %dma_wait3A_2227 = tpu.memref_slice %arg18[%dma_wait3A_2224, %dma_wait3A_2225, %dma_wait3A_2226] : memref<4x128x64xf32, #tpu.memory_space<vmem>> -> memref<1x128x64xf32, #tpu.memory_space<vmem>>
        %dma_wait3A_2228 = tpu.memref_squeeze %dma_wait3A_2227 : memref<1x128x64xf32, #tpu.memory_space<vmem>> -> memref<128x64xf32, #tpu.memory_space<vmem>>
        %dma_wait3A_2229 = arith.constant 0 : i32
        %dma_wait3A_2230 = tpu.memref_slice %arg16[%dma_wait3A_2223, %dma_wait3A_2229] : memref<4x128xi32, #tpu.memory_space<vmem>> -> memref<1x128xi32, #tpu.memory_space<vmem>>
        %dma_wait3A_2231 = tpu.memref_squeeze %dma_wait3A_2230 : memref<1x128xi32, #tpu.memory_space<vmem>> -> memref<128xi32, #tpu.memory_space<vmem>>
        %dma_wait3A_2232 = arith.constant 0 : i32
        %dma_wait3A_2233 = arith.constant 0 : i32
        %dma_wait3A_2234 = tpu.memref_slice %arg7[%dma_wait3A_2232, %dma_wait3A_2233] : memref<10008x64xf32, #tpu.memory_space<hbm>> -> memref<10008x64xf32, #tpu.memory_space<hbm>>
        tpu.wait_indirect_dma semaphore(%arg30 : memref<!tpu.dma_semaphore, #tpu.memory_space<semaphore_mem>>) src(%dma_wait3A_2234 : memref<10008x64xf32, #tpu.memory_space<hbm>>) dst(%dma_wait3A_2228 : memref<128x64xf32, #tpu.memory_space<vmem>>)
      } else {
      }
      %dma_wait3A_1752 = arith.constant 3 : i32
      %dma_wait3A_1753 = arith.constant 3 : i32
      %dma_wait3A_1754 = arith.constant 0 : i32
      %dma_wait3A_1755 = arith.constant 0 : i32
      %dma_wait3A_1756 = tpu.memref_slice %arg19[%dma_wait3A_1753, %dma_wait3A_1754, %dma_wait3A_1755] : memref<4x128x32xf32, #tpu.memory_space<vmem>> -> memref<1x128x32xf32, #tpu.memory_space<vmem>>
      %dma_wait3A_1757 = tpu.memref_squeeze %dma_wait3A_1756 : memref<1x128x32xf32, #tpu.memory_space<vmem>> -> memref<128x32xf32, #tpu.memory_space<vmem>>
      %dma_wait3A_1758 = arith.constant 0 : i32
      %dma_wait3A_1759 = tpu.memref_slice %arg17[%dma_wait3A_1752, %dma_wait3A_1758] : memref<4x128xi32, #tpu.memory_space<vmem>> -> memref<1x128xi32, #tpu.memory_space<vmem>>
      %dma_wait3A_1760 = tpu.memref_squeeze %dma_wait3A_1759 : memref<1x128xi32, #tpu.memory_space<vmem>> -> memref<128xi32, #tpu.memory_space<vmem>>
      %dma_wait3A_1761 = arith.constant 0 : i32
      %dma_wait3A_1762 = arith.constant 0 : i32
      %dma_wait3A_1763 = tpu.memref_slice %arg8[%dma_wait3A_1761, %dma_wait3A_1762] : memref<10008x32xf32, #tpu.memory_space<hbm>> -> memref<10008x32xf32, #tpu.memory_space<hbm>>
      tpu.wait_indirect_dma semaphore(%arg30 : memref<!tpu.dma_semaphore, #tpu.memory_space<semaphore_mem>>) src(%dma_wait3A_1763 : memref<10008x32xf32, #tpu.memory_space<hbm>>) dst(%dma_wait3A_1757 : memref<128x32xf32, #tpu.memory_space<vmem>>)
      %iota3A_1764 = tpu.iota {dimensions = array<i32: 0>} : vector<16xi32>
      %get3A_1765 = arith.constant 3 : i32
      %get3A_1766 = arith.index_cast %get3A_1765 : i32 to index
      %get3A_1767 = arith.constant 0 : index
      %get3A_1768 = tpu.vector_load %arg20[%get3A_1766, %get3A_1767] {strides = array<i32>} : memref<4x512xf32, #tpu.memory_space<vmem>>, vector<16xf32>,
      %add3A_1769 = arith.constant 0 : i32
      %add3A_1770 = vector.broadcast %add3A_1769 : i32 to vector<16xi32>
      %add3A_1771 = arith.addi %iota3A_1764, %add3A_1770 : vector<16xi32>
      %broadcast_in_dim3A_1772 = arith.constant 24 : i32
      %broadcast_in_dim3A_1773 = vector.broadcast %broadcast_in_dim3A_1772 : i32 to vector<16xi32>
      %scatter3A_1774 = arith.constant 3 : i32
      %scatter3A_1775 = arith.constant 0 : i32
      %scatter3A_1776 = arith.constant 0 : i32
      %scatter3A_1777 = tpu.memref_slice %arg19[%scatter3A_1774, %scatter3A_1775, %scatter3A_1776] : memref<4x128x32xf32, #tpu.memory_space<vmem>> -> memref<1x128x32xf32, #tpu.memory_space<vmem>>
      %scatter3A_1778 = tpu.memref_squeeze %scatter3A_1777 : memref<1x128x32xf32, #tpu.memory_space<vmem>> -> memref<128x32xf32, #tpu.memory_space<vmem>>
      tpu.vector_store_idx %scatter3A_1778[%add3A_1771, %broadcast_in_dim3A_1773], %get3A_1768 : memref<128x32xf32, #tpu.memory_space<vmem>>[vector<16xi32>, vector<16xi32>], vector<16xf32>,
      %get3A_1779 = arith.constant 3 : i32
      %get3A_1780 = arith.index_cast %get3A_1779 : i32 to index
      %get3A_1781 = arith.constant 16 : index
      %get3A_1782 = tpu.vector_load %arg20[%get3A_1780, %get3A_1781] {strides = array<i32>} : memref<4x512xf32, #tpu.memory_space<vmem>>, vector<16xf32>,
      %add3A_1783 = arith.constant 16 : i32
      %add3A_1784 = vector.broadcast %add3A_1783 : i32 to vector<16xi32>
      %add3A_1785 = arith.addi %iota3A_1764, %add3A_1784 : vector<16xi32>
      %broadcast_in_dim3A_1786 = arith.constant 24 : i32
      %broadcast_in_dim3A_1787 = vector.broadcast %broadcast_in_dim3A_1786 : i32 to vector<16xi32>
      %scatter3A_1788 = arith.constant 3 : i32
      %scatter3A_1789 = arith.constant 0 : i32
      %scatter3A_1790 = arith.constant 0 : i32
      %scatter3A_1791 = tpu.memref_slice %arg19[%scatter3A_1788, %scatter3A_1789, %scatter3A_1790] : memref<4x128x32xf32, #tpu.memory_space<vmem>> -> memref<1x128x32xf32, #tpu.memory_space<vmem>>
      %scatter3A_1792 = tpu.memref_squeeze %scatter3A_1791 : memref<1x128x32xf32, #tpu.memory_space<vmem>> -> memref<128x32xf32, #tpu.memory_space<vmem>>
      tpu.vector_store_idx %scatter3A_1792[%add3A_1785, %broadcast_in_dim3A_1787], %get3A_1782 : memref<128x32xf32, #tpu.memory_space<vmem>>[vector<16xi32>, vector<16xi32>], vector<16xf32>,
      %get3A_1793 = arith.constant 3 : i32
      %get3A_1794 = arith.index_cast %get3A_1793 : i32 to index
      %get3A_1795 = arith.constant 32 : index
      %get3A_1796 = tpu.vector_load %arg20[%get3A_1794, %get3A_1795] {strides = array<i32>} : memref<4x512xf32, #tpu.memory_space<vmem>>, vector<16xf32>,
      %add3A_1797 = arith.constant 32 : i32
      %add3A_1798 = vector.broadcast %add3A_1797 : i32 to vector<16xi32>
      %add3A_1799 = arith.addi %iota3A_1764, %add3A_1798 : vector<16xi32>
      %broadcast_in_dim3A_1800 = arith.constant 24 : i32
      %broadcast_in_dim3A_1801 = vector.broadcast %broadcast_in_dim3A_1800 : i32 to vector<16xi32>
      %scatter3A_1802 = arith.constant 3 : i32
      %scatter3A_1803 = arith.constant 0 : i32
      %scatter3A_1804 = arith.constant 0 : i32
      %scatter3A_1805 = tpu.memref_slice %arg19[%scatter3A_1802, %scatter3A_1803, %scatter3A_1804] : memref<4x128x32xf32, #tpu.memory_space<vmem>> -> memref<1x128x32xf32, #tpu.memory_space<vmem>>
      %scatter3A_1806 = tpu.memref_squeeze %scatter3A_1805 : memref<1x128x32xf32, #tpu.memory_space<vmem>> -> memref<128x32xf32, #tpu.memory_space<vmem>>
      tpu.vector_store_idx %scatter3A_1806[%add3A_1799, %broadcast_in_dim3A_1801], %get3A_1796 : memref<128x32xf32, #tpu.memory_space<vmem>>[vector<16xi32>, vector<16xi32>], vector<16xf32>,
      %get3A_1807 = arith.constant 3 : i32
      %get3A_1808 = arith.index_cast %get3A_1807 : i32 to index
      %get3A_1809 = arith.constant 48 : index
      %get3A_1810 = tpu.vector_load %arg20[%get3A_1808, %get3A_1809] {strides = array<i32>} : memref<4x512xf32, #tpu.memory_space<vmem>>, vector<16xf32>,
      %add3A_1811 = arith.constant 48 : i32
      %add3A_1812 = vector.broadcast %add3A_1811 : i32 to vector<16xi32>
      %add3A_1813 = arith.addi %iota3A_1764, %add3A_1812 : vector<16xi32>
      %broadcast_in_dim3A_1814 = arith.constant 24 : i32
      %broadcast_in_dim3A_1815 = vector.broadcast %broadcast_in_dim3A_1814 : i32 to vector<16xi32>
      %scatter3A_1816 = arith.constant 3 : i32
      %scatter3A_1817 = arith.constant 0 : i32
      %scatter3A_1818 = arith.constant 0 : i32
      %scatter3A_1819 = tpu.memref_slice %arg19[%scatter3A_1816, %scatter3A_1817, %scatter3A_1818] : memref<4x128x32xf32, #tpu.memory_space<vmem>> -> memref<1x128x32xf32, #tpu.memory_space<vmem>>
      %scatter3A_1820 = tpu.memref_squeeze %scatter3A_1819 : memref<1x128x32xf32, #tpu.memory_space<vmem>> -> memref<128x32xf32, #tpu.memory_space<vmem>>
      tpu.vector_store_idx %scatter3A_1820[%add3A_1813, %broadcast_in_dim3A_1815], %get3A_1810 : memref<128x32xf32, #tpu.memory_space<vmem>>[vector<16xi32>, vector<16xi32>], vector<16xf32>,
      %get3A_1821 = arith.constant 3 : i32
      %get3A_1822 = arith.index_cast %get3A_1821 : i32 to index
      %get3A_1823 = arith.constant 64 : index
      %get3A_1824 = tpu.vector_load %arg20[%get3A_1822, %get3A_1823] {strides = array<i32>} : memref<4x512xf32, #tpu.memory_space<vmem>>, vector<16xf32>,
      %add3A_1825 = arith.constant 64 : i32
      %add3A_1826 = vector.broadcast %add3A_1825 : i32 to vector<16xi32>
      %add3A_1827 = arith.addi %iota3A_1764, %add3A_1826 : vector<16xi32>
      %broadcast_in_dim3A_1828 = arith.constant 24 : i32
      %broadcast_in_dim3A_1829 = vector.broadcast %broadcast_in_dim3A_1828 : i32 to vector<16xi32>
      %scatter3A_1830 = arith.constant 3 : i32
      %scatter3A_1831 = arith.constant 0 : i32
      %scatter3A_1832 = arith.constant 0 : i32
      %scatter3A_1833 = tpu.memref_slice %arg19[%scatter3A_1830, %scatter3A_1831, %scatter3A_1832] : memref<4x128x32xf32, #tpu.memory_space<vmem>> -> memref<1x128x32xf32, #tpu.memory_space<vmem>>
      %scatter3A_1834 = tpu.memref_squeeze %scatter3A_1833 : memref<1x128x32xf32, #tpu.memory_space<vmem>> -> memref<128x32xf32, #tpu.memory_space<vmem>>
      tpu.vector_store_idx %scatter3A_1834[%add3A_1827, %broadcast_in_dim3A_1829], %get3A_1824 : memref<128x32xf32, #tpu.memory_space<vmem>>[vector<16xi32>, vector<16xi32>], vector<16xf32>,
      %get3A_1835 = arith.constant 3 : i32
      %get3A_1836 = arith.index_cast %get3A_1835 : i32 to index
      %get3A_1837 = arith.constant 80 : index
      %get3A_1838 = tpu.vector_load %arg20[%get3A_1836, %get3A_1837] {strides = array<i32>} : memref<4x512xf32, #tpu.memory_space<vmem>>, vector<16xf32>,
      %add3A_1839 = arith.constant 80 : i32
      %add3A_1840 = vector.broadcast %add3A_1839 : i32 to vector<16xi32>
      %add3A_1841 = arith.addi %iota3A_1764, %add3A_1840 : vector<16xi32>
      %broadcast_in_dim3A_1842 = arith.constant 24 : i32
      %broadcast_in_dim3A_1843 = vector.broadcast %broadcast_in_dim3A_1842 : i32 to vector<16xi32>
      %scatter3A_1844 = arith.constant 3 : i32
      %scatter3A_1845 = arith.constant 0 : i32
      %scatter3A_1846 = arith.constant 0 : i32
      %scatter3A_1847 = tpu.memref_slice %arg19[%scatter3A_1844, %scatter3A_1845, %scatter3A_1846] : memref<4x128x32xf32, #tpu.memory_space<vmem>> -> memref<1x128x32xf32, #tpu.memory_space<vmem>>
      %scatter3A_1848 = tpu.memref_squeeze %scatter3A_1847 : memref<1x128x32xf32, #tpu.memory_space<vmem>> -> memref<128x32xf32, #tpu.memory_space<vmem>>
      tpu.vector_store_idx %scatter3A_1848[%add3A_1841, %broadcast_in_dim3A_1843], %get3A_1838 : memref<128x32xf32, #tpu.memory_space<vmem>>[vector<16xi32>, vector<16xi32>], vector<16xf32>,
      %get3A_1849 = arith.constant 3 : i32
      %get3A_1850 = arith.index_cast %get3A_1849 : i32 to index
      %get3A_1851 = arith.constant 96 : index
      %get3A_1852 = tpu.vector_load %arg20[%get3A_1850, %get3A_1851] {strides = array<i32>} : memref<4x512xf32, #tpu.memory_space<vmem>>, vector<16xf32>,
      %add3A_1853 = arith.constant 96 : i32
      %add3A_1854 = vector.broadcast %add3A_1853 : i32 to vector<16xi32>
      %add3A_1855 = arith.addi %iota3A_1764, %add3A_1854 : vector<16xi32>
      %broadcast_in_dim3A_1856 = arith.constant 24 : i32
      %broadcast_in_dim3A_1857 = vector.broadcast %broadcast_in_dim3A_1856 : i32 to vector<16xi32>
      %scatter3A_1858 = arith.constant 3 : i32
      %scatter3A_1859 = arith.constant 0 : i32
      %scatter3A_1860 = arith.constant 0 : i32
      %scatter3A_1861 = tpu.memref_slice %arg19[%scatter3A_1858, %scatter3A_1859, %scatter3A_1860] : memref<4x128x32xf32, #tpu.memory_space<vmem>> -> memref<1x128x32xf32, #tpu.memory_space<vmem>>
      %scatter3A_1862 = tpu.memref_squeeze %scatter3A_1861 : memref<1x128x32xf32, #tpu.memory_space<vmem>> -> memref<128x32xf32, #tpu.memory_space<vmem>>
      tpu.vector_store_idx %scatter3A_1862[%add3A_1855, %broadcast_in_dim3A_1857], %get3A_1852 : memref<128x32xf32, #tpu.memory_space<vmem>>[vector<16xi32>, vector<16xi32>], vector<16xf32>,
      %get3A_1863 = arith.constant 3 : i32
      %get3A_1864 = arith.index_cast %get3A_1863 : i32 to index
      %get3A_1865 = arith.constant 112 : index
      %get3A_1866 = tpu.vector_load %arg20[%get3A_1864, %get3A_1865] {strides = array<i32>} : memref<4x512xf32, #tpu.memory_space<vmem>>, vector<16xf32>,
      %add3A_1867 = arith.constant 112 : i32
      %add3A_1868 = vector.broadcast %add3A_1867 : i32 to vector<16xi32>
      %add3A_1869 = arith.addi %iota3A_1764, %add3A_1868 : vector<16xi32>
      %broadcast_in_dim3A_1870 = arith.constant 24 : i32
      %broadcast_in_dim3A_1871 = vector.broadcast %broadcast_in_dim3A_1870 : i32 to vector<16xi32>
      %scatter3A_1872 = arith.constant 3 : i32
      %scatter3A_1873 = arith.constant 0 : i32
      %scatter3A_1874 = arith.constant 0 : i32
      %scatter3A_1875 = tpu.memref_slice %arg19[%scatter3A_1872, %scatter3A_1873, %scatter3A_1874] : memref<4x128x32xf32, #tpu.memory_space<vmem>> -> memref<1x128x32xf32, #tpu.memory_space<vmem>>
      %scatter3A_1876 = tpu.memref_squeeze %scatter3A_1875 : memref<1x128x32xf32, #tpu.memory_space<vmem>> -> memref<128x32xf32, #tpu.memory_space<vmem>>
      tpu.vector_store_idx %scatter3A_1876[%add3A_1869, %broadcast_in_dim3A_1871], %get3A_1866 : memref<128x32xf32, #tpu.memory_space<vmem>>[vector<16xi32>, vector<16xi32>], vector<16xf32>,
      %get3A_1877 = arith.constant 3 : i32
      %get3A_1878 = arith.index_cast %get3A_1877 : i32 to index
      %get3A_1879 = arith.constant 128 : index
      %get3A_1880 = tpu.vector_load %arg20[%get3A_1878, %get3A_1879] {strides = array<i32>} : memref<4x512xf32, #tpu.memory_space<vmem>>, vector<16xf32>,
      %add3A_1881 = arith.constant 0 : i32
      %add3A_1882 = vector.broadcast %add3A_1881 : i32 to vector<16xi32>
      %add3A_1883 = arith.addi %iota3A_1764, %add3A_1882 : vector<16xi32>
      %broadcast_in_dim3A_1884 = arith.constant 25 : i32
      %broadcast_in_dim3A_1885 = vector.broadcast %broadcast_in_dim3A_1884 : i32 to vector<16xi32>
      %scatter3A_1886 = arith.constant 3 : i32
      %scatter3A_1887 = arith.constant 0 : i32
      %scatter3A_1888 = arith.constant 0 : i32
      %scatter3A_1889 = tpu.memref_slice %arg19[%scatter3A_1886, %scatter3A_1887, %scatter3A_1888] : memref<4x128x32xf32, #tpu.memory_space<vmem>> -> memref<1x128x32xf32, #tpu.memory_space<vmem>>
      %scatter3A_1890 = tpu.memref_squeeze %scatter3A_1889 : memref<1x128x32xf32, #tpu.memory_space<vmem>> -> memref<128x32xf32, #tpu.memory_space<vmem>>
      tpu.vector_store_idx %scatter3A_1890[%add3A_1883, %broadcast_in_dim3A_1885], %get3A_1880 : memref<128x32xf32, #tpu.memory_space<vmem>>[vector<16xi32>, vector<16xi32>], vector<16xf32>,
      %get3A_1891 = arith.constant 3 : i32
      %get3A_1892 = arith.index_cast %get3A_1891 : i32 to index
      %get3A_1893 = arith.constant 144 : index
      %get3A_1894 = tpu.vector_load %arg20[%get3A_1892, %get3A_1893] {strides = array<i32>} : memref<4x512xf32, #tpu.memory_space<vmem>>, vector<16xf32>,
      %add3A_1895 = arith.constant 16 : i32
      %add3A_1896 = vector.broadcast %add3A_1895 : i32 to vector<16xi32>
      %add3A_1897 = arith.addi %iota3A_1764, %add3A_1896 : vector<16xi32>
      %broadcast_in_dim3A_1898 = arith.constant 25 : i32
      %broadcast_in_dim3A_1899 = vector.broadcast %broadcast_in_dim3A_1898 : i32 to vector<16xi32>
      %scatter3A_1900 = arith.constant 3 : i32
      %scatter3A_1901 = arith.constant 0 : i32
      %scatter3A_1902 = arith.constant 0 : i32
      %scatter3A_1903 = tpu.memref_slice %arg19[%scatter3A_1900, %scatter3A_1901, %scatter3A_1902] : memref<4x128x32xf32, #tpu.memory_space<vmem>> -> memref<1x128x32xf32, #tpu.memory_space<vmem>>
      %scatter3A_1904 = tpu.memref_squeeze %scatter3A_1903 : memref<1x128x32xf32, #tpu.memory_space<vmem>> -> memref<128x32xf32, #tpu.memory_space<vmem>>
      tpu.vector_store_idx %scatter3A_1904[%add3A_1897, %broadcast_in_dim3A_1899], %get3A_1894 : memref<128x32xf32, #tpu.memory_space<vmem>>[vector<16xi32>, vector<16xi32>], vector<16xf32>,
      %get3A_1905 = arith.constant 3 : i32
      %get3A_1906 = arith.index_cast %get3A_1905 : i32 to index
      %get3A_1907 = arith.constant 160 : index
      %get3A_1908 = tpu.vector_load %arg20[%get3A_1906, %get3A_1907] {strides = array<i32>} : memref<4x512xf32, #tpu.memory_space<vmem>>, vector<16xf32>,
      %add3A_1909 = arith.constant 32 : i32
      %add3A_1910 = vector.broadcast %add3A_1909 : i32 to vector<16xi32>
      %add3A_1911 = arith.addi %iota3A_1764, %add3A_1910 : vector<16xi32>
      %broadcast_in_dim3A_1912 = arith.constant 25 : i32
      %broadcast_in_dim3A_1913 = vector.broadcast %broadcast_in_dim3A_1912 : i32 to vector<16xi32>
      %scatter3A_1914 = arith.constant 3 : i32
      %scatter3A_1915 = arith.constant 0 : i32
      %scatter3A_1916 = arith.constant 0 : i32
      %scatter3A_1917 = tpu.memref_slice %arg19[%scatter3A_1914, %scatter3A_1915, %scatter3A_1916] : memref<4x128x32xf32, #tpu.memory_space<vmem>> -> memref<1x128x32xf32, #tpu.memory_space<vmem>>
      %scatter3A_1918 = tpu.memref_squeeze %scatter3A_1917 : memref<1x128x32xf32, #tpu.memory_space<vmem>> -> memref<128x32xf32, #tpu.memory_space<vmem>>
      tpu.vector_store_idx %scatter3A_1918[%add3A_1911, %broadcast_in_dim3A_1913], %get3A_1908 : memref<128x32xf32, #tpu.memory_space<vmem>>[vector<16xi32>, vector<16xi32>], vector<16xf32>,
      %get3A_1919 = arith.constant 3 : i32
      %get3A_1920 = arith.index_cast %get3A_1919 : i32 to index
      %get3A_1921 = arith.constant 176 : index
      %get3A_1922 = tpu.vector_load %arg20[%get3A_1920, %get3A_1921] {strides = array<i32>} : memref<4x512xf32, #tpu.memory_space<vmem>>, vector<16xf32>,
      %add3A_1923 = arith.constant 48 : i32
      %add3A_1924 = vector.broadcast %add3A_1923 : i32 to vector<16xi32>
      %add3A_1925 = arith.addi %iota3A_1764, %add3A_1924 : vector<16xi32>
      %broadcast_in_dim3A_1926 = arith.constant 25 : i32
      %broadcast_in_dim3A_1927 = vector.broadcast %broadcast_in_dim3A_1926 : i32 to vector<16xi32>
      %scatter3A_1928 = arith.constant 3 : i32
      %scatter3A_1929 = arith.constant 0 : i32
      %scatter3A_1930 = arith.constant 0 : i32
      %scatter3A_1931 = tpu.memref_slice %arg19[%scatter3A_1928, %scatter3A_1929, %scatter3A_1930] : memref<4x128x32xf32, #tpu.memory_space<vmem>> -> memref<1x128x32xf32, #tpu.memory_space<vmem>>
      %scatter3A_1932 = tpu.memref_squeeze %scatter3A_1931 : memref<1x128x32xf32, #tpu.memory_space<vmem>> -> memref<128x32xf32, #tpu.memory_space<vmem>>
      tpu.vector_store_idx %scatter3A_1932[%add3A_1925, %broadcast_in_dim3A_1927], %get3A_1922 : memref<128x32xf32, #tpu.memory_space<vmem>>[vector<16xi32>, vector<16xi32>], vector<16xf32>,
      %get3A_1933 = arith.constant 3 : i32
      %get3A_1934 = arith.index_cast %get3A_1933 : i32 to index
      %get3A_1935 = arith.constant 192 : index
      %get3A_1936 = tpu.vector_load %arg20[%get3A_1934, %get3A_1935] {strides = array<i32>} : memref<4x512xf32, #tpu.memory_space<vmem>>, vector<16xf32>,
      %add3A_1937 = arith.constant 64 : i32
      %add3A_1938 = vector.broadcast %add3A_1937 : i32 to vector<16xi32>
      %add3A_1939 = arith.addi %iota3A_1764, %add3A_1938 : vector<16xi32>
      %broadcast_in_dim3A_1940 = arith.constant 25 : i32
      %broadcast_in_dim3A_1941 = vector.broadcast %broadcast_in_dim3A_1940 : i32 to vector<16xi32>
      %scatter3A_1942 = arith.constant 3 : i32
      %scatter3A_1943 = arith.constant 0 : i32
      %scatter3A_1944 = arith.constant 0 : i32
      %scatter3A_1945 = tpu.memref_slice %arg19[%scatter3A_1942, %scatter3A_1943, %scatter3A_1944] : memref<4x128x32xf32, #tpu.memory_space<vmem>> -> memref<1x128x32xf32, #tpu.memory_space<vmem>>
      %scatter3A_1946 = tpu.memref_squeeze %scatter3A_1945 : memref<1x128x32xf32, #tpu.memory_space<vmem>> -> memref<128x32xf32, #tpu.memory_space<vmem>>
      tpu.vector_store_idx %scatter3A_1946[%add3A_1939, %broadcast_in_dim3A_1941], %get3A_1936 : memref<128x32xf32, #tpu.memory_space<vmem>>[vector<16xi32>, vector<16xi32>], vector<16xf32>,
      %get3A_1947 = arith.constant 3 : i32
      %get3A_1948 = arith.index_cast %get3A_1947 : i32 to index
      %get3A_1949 = arith.constant 208 : index
      %get3A_1950 = tpu.vector_load %arg20[%get3A_1948, %get3A_1949] {strides = array<i32>} : memref<4x512xf32, #tpu.memory_space<vmem>>, vector<16xf32>,
      %add3A_1951 = arith.constant 80 : i32
      %add3A_1952 = vector.broadcast %add3A_1951 : i32 to vector<16xi32>
      %add3A_1953 = arith.addi %iota3A_1764, %add3A_1952 : vector<16xi32>
      %broadcast_in_dim3A_1954 = arith.constant 25 : i32
      %broadcast_in_dim3A_1955 = vector.broadcast %broadcast_in_dim3A_1954 : i32 to vector<16xi32>
      %scatter3A_1956 = arith.constant 3 : i32
      %scatter3A_1957 = arith.constant 0 : i32
      %scatter3A_1958 = arith.constant 0 : i32
      %scatter3A_1959 = tpu.memref_slice %arg19[%scatter3A_1956, %scatter3A_1957, %scatter3A_1958] : memref<4x128x32xf32, #tpu.memory_space<vmem>> -> memref<1x128x32xf32, #tpu.memory_space<vmem>>
      %scatter3A_1960 = tpu.memref_squeeze %scatter3A_1959 : memref<1x128x32xf32, #tpu.memory_space<vmem>> -> memref<128x32xf32, #tpu.memory_space<vmem>>
      tpu.vector_store_idx %scatter3A_1960[%add3A_1953, %broadcast_in_dim3A_1955], %get3A_1950 : memref<128x32xf32, #tpu.memory_space<vmem>>[vector<16xi32>, vector<16xi32>], vector<16xf32>,
      %get3A_1961 = arith.constant 3 : i32
      %get3A_1962 = arith.index_cast %get3A_1961 : i32 to index
      %get3A_1963 = arith.constant 224 : index
      %get3A_1964 = tpu.vector_load %arg20[%get3A_1962, %get3A_1963] {strides = array<i32>} : memref<4x512xf32, #tpu.memory_space<vmem>>, vector<16xf32>,
      %add3A_1965 = arith.constant 96 : i32
      %add3A_1966 = vector.broadcast %add3A_1965 : i32 to vector<16xi32>
      %add3A_1967 = arith.addi %iota3A_1764, %add3A_1966 : vector<16xi32>
      %broadcast_in_dim3A_1968 = arith.constant 25 : i32
      %broadcast_in_dim3A_1969 = vector.broadcast %broadcast_in_dim3A_1968 : i32 to vector<16xi32>
      %scatter3A_1970 = arith.constant 3 : i32
      %scatter3A_1971 = arith.constant 0 : i32
      %scatter3A_1972 = arith.constant 0 : i32
      %scatter3A_1973 = tpu.memref_slice %arg19[%scatter3A_1970, %scatter3A_1971, %scatter3A_1972] : memref<4x128x32xf32, #tpu.memory_space<vmem>> -> memref<1x128x32xf32, #tpu.memory_space<vmem>>
      %scatter3A_1974 = tpu.memref_squeeze %scatter3A_1973 : memref<1x128x32xf32, #tpu.memory_space<vmem>> -> memref<128x32xf32, #tpu.memory_space<vmem>>
      tpu.vector_store_idx %scatter3A_1974[%add3A_1967, %broadcast_in_dim3A_1969], %get3A_1964 : memref<128x32xf32, #tpu.memory_space<vmem>>[vector<16xi32>, vector<16xi32>], vector<16xf32>,
      %get3A_1975 = arith.constant 3 : i32
      %get3A_1976 = arith.index_cast %get3A_1975 : i32 to index
      %get3A_1977 = arith.constant 240 : index
      %get3A_1978 = tpu.vector_load %arg20[%get3A_1976, %get3A_1977] {strides = array<i32>} : memref<4x512xf32, #tpu.memory_space<vmem>>, vector<16xf32>,
      %add3A_1979 = arith.constant 112 : i32
      %add3A_1980 = vector.broadcast %add3A_1979 : i32 to vector<16xi32>
      %add3A_1981 = arith.addi %iota3A_1764, %add3A_1980 : vector<16xi32>
      %broadcast_in_dim3A_1982 = arith.constant 25 : i32
      %broadcast_in_dim3A_1983 = vector.broadcast %broadcast_in_dim3A_1982 : i32 to vector<16xi32>
      %scatter3A_1984 = arith.constant 3 : i32
      %scatter3A_1985 = arith.constant 0 : i32
      %scatter3A_1986 = arith.constant 0 : i32
      %scatter3A_1987 = tpu.memref_slice %arg19[%scatter3A_1984, %scatter3A_1985, %scatter3A_1986] : memref<4x128x32xf32, #tpu.memory_space<vmem>> -> memref<1x128x32xf32, #tpu.memory_space<vmem>>
      %scatter3A_1988 = tpu.memref_squeeze %scatter3A_1987 : memref<1x128x32xf32, #tpu.memory_space<vmem>> -> memref<128x32xf32, #tpu.memory_space<vmem>>
      tpu.vector_store_idx %scatter3A_1988[%add3A_1981, %broadcast_in_dim3A_1983], %get3A_1978 : memref<128x32xf32, #tpu.memory_space<vmem>>[vector<16xi32>, vector<16xi32>], vector<16xf32>,
      %get3A_1989 = arith.constant 3 : i32
      %get3A_1990 = arith.index_cast %get3A_1989 : i32 to index
      %get3A_1991 = arith.constant 256 : index
      %get3A_1992 = tpu.vector_load %arg20[%get3A_1990, %get3A_1991] {strides = array<i32>} : memref<4x512xf32, #tpu.memory_space<vmem>>, vector<16xf32>,
      %add3A_1993 = arith.constant 0 : i32
      %add3A_1994 = vector.broadcast %add3A_1993 : i32 to vector<16xi32>
      %add3A_1995 = arith.addi %iota3A_1764, %add3A_1994 : vector<16xi32>
      %broadcast_in_dim3A_1996 = arith.constant 26 : i32
      %broadcast_in_dim3A_1997 = vector.broadcast %broadcast_in_dim3A_1996 : i32 to vector<16xi32>
      %scatter3A_1998 = arith.constant 3 : i32
      %scatter3A_1999 = arith.constant 0 : i32
      %scatter3A_2000 = arith.constant 0 : i32
      %scatter3A_2001 = tpu.memref_slice %arg19[%scatter3A_1998, %scatter3A_1999, %scatter3A_2000] : memref<4x128x32xf32, #tpu.memory_space<vmem>> -> memref<1x128x32xf32, #tpu.memory_space<vmem>>
      %scatter3A_2002 = tpu.memref_squeeze %scatter3A_2001 : memref<1x128x32xf32, #tpu.memory_space<vmem>> -> memref<128x32xf32, #tpu.memory_space<vmem>>
      tpu.vector_store_idx %scatter3A_2002[%add3A_1995, %broadcast_in_dim3A_1997], %get3A_1992 : memref<128x32xf32, #tpu.memory_space<vmem>>[vector<16xi32>, vector<16xi32>], vector<16xf32>,
      %get3A_2003 = arith.constant 3 : i32
      %get3A_2004 = arith.index_cast %get3A_2003 : i32 to index
      %get3A_2005 = arith.constant 272 : index
      %get3A_2006 = tpu.vector_load %arg20[%get3A_2004, %get3A_2005] {strides = array<i32>} : memref<4x512xf32, #tpu.memory_space<vmem>>, vector<16xf32>,
      %add3A_2007 = arith.constant 16 : i32
      %add3A_2008 = vector.broadcast %add3A_2007 : i32 to vector<16xi32>
      %add3A_2009 = arith.addi %iota3A_1764, %add3A_2008 : vector<16xi32>
      %broadcast_in_dim3A_2010 = arith.constant 26 : i32
      %broadcast_in_dim3A_2011 = vector.broadcast %broadcast_in_dim3A_2010 : i32 to vector<16xi32>
      %scatter3A_2012 = arith.constant 3 : i32
      %scatter3A_2013 = arith.constant 0 : i32
      %scatter3A_2014 = arith.constant 0 : i32
      %scatter3A_2015 = tpu.memref_slice %arg19[%scatter3A_2012, %scatter3A_2013, %scatter3A_2014] : memref<4x128x32xf32, #tpu.memory_space<vmem>> -> memref<1x128x32xf32, #tpu.memory_space<vmem>>
      %scatter3A_2016 = tpu.memref_squeeze %scatter3A_2015 : memref<1x128x32xf32, #tpu.memory_space<vmem>> -> memref<128x32xf32, #tpu.memory_space<vmem>>
      tpu.vector_store_idx %scatter3A_2016[%add3A_2009, %broadcast_in_dim3A_2011], %get3A_2006 : memref<128x32xf32, #tpu.memory_space<vmem>>[vector<16xi32>, vector<16xi32>], vector<16xf32>,
      %get3A_2017 = arith.constant 3 : i32
      %get3A_2018 = arith.index_cast %get3A_2017 : i32 to index
      %get3A_2019 = arith.constant 288 : index
      %get3A_2020 = tpu.vector_load %arg20[%get3A_2018, %get3A_2019] {strides = array<i32>} : memref<4x512xf32, #tpu.memory_space<vmem>>, vector<16xf32>,
      %add3A_2021 = arith.constant 32 : i32
      %add3A_2022 = vector.broadcast %add3A_2021 : i32 to vector<16xi32>
      %add3A_2023 = arith.addi %iota3A_1764, %add3A_2022 : vector<16xi32>
      %broadcast_in_dim3A_2024 = arith.constant 26 : i32
      %broadcast_in_dim3A_2025 = vector.broadcast %broadcast_in_dim3A_2024 : i32 to vector<16xi32>
      %scatter3A_2026 = arith.constant 3 : i32
      %scatter3A_2027 = arith.constant 0 : i32
      %scatter3A_2028 = arith.constant 0 : i32
      %scatter3A_2029 = tpu.memref_slice %arg19[%scatter3A_2026, %scatter3A_2027, %scatter3A_2028] : memref<4x128x32xf32, #tpu.memory_space<vmem>> -> memref<1x128x32xf32, #tpu.memory_space<vmem>>
      %scatter3A_2030 = tpu.memref_squeeze %scatter3A_2029 : memref<1x128x32xf32, #tpu.memory_space<vmem>> -> memref<128x32xf32, #tpu.memory_space<vmem>>
      tpu.vector_store_idx %scatter3A_2030[%add3A_2023, %broadcast_in_dim3A_2025], %get3A_2020 : memref<128x32xf32, #tpu.memory_space<vmem>>[vector<16xi32>, vector<16xi32>], vector<16xf32>,
      %get3A_2031 = arith.constant 3 : i32
      %get3A_2032 = arith.index_cast %get3A_2031 : i32 to index
      %get3A_2033 = arith.constant 304 : index
      %get3A_2034 = tpu.vector_load %arg20[%get3A_2032, %get3A_2033] {strides = array<i32>} : memref<4x512xf32, #tpu.memory_space<vmem>>, vector<16xf32>,
      %add3A_2035 = arith.constant 48 : i32
      %add3A_2036 = vector.broadcast %add3A_2035 : i32 to vector<16xi32>
      %add3A_2037 = arith.addi %iota3A_1764, %add3A_2036 : vector<16xi32>
      %broadcast_in_dim3A_2038 = arith.constant 26 : i32
      %broadcast_in_dim3A_2039 = vector.broadcast %broadcast_in_dim3A_2038 : i32 to vector<16xi32>
      %scatter3A_2040 = arith.constant 3 : i32
      %scatter3A_2041 = arith.constant 0 : i32
      %scatter3A_2042 = arith.constant 0 : i32
      %scatter3A_2043 = tpu.memref_slice %arg19[%scatter3A_2040, %scatter3A_2041, %scatter3A_2042] : memref<4x128x32xf32, #tpu.memory_space<vmem>> -> memref<1x128x32xf32, #tpu.memory_space<vmem>>
      %scatter3A_2044 = tpu.memref_squeeze %scatter3A_2043 : memref<1x128x32xf32, #tpu.memory_space<vmem>> -> memref<128x32xf32, #tpu.memory_space<vmem>>
      tpu.vector_store_idx %scatter3A_2044[%add3A_2037, %broadcast_in_dim3A_2039], %get3A_2034 : memref<128x32xf32, #tpu.memory_space<vmem>>[vector<16xi32>, vector<16xi32>], vector<16xf32>,
      %get3A_2045 = arith.constant 3 : i32
      %get3A_2046 = arith.index_cast %get3A_2045 : i32 to index
      %get3A_2047 = arith.constant 320 : index
      %get3A_2048 = tpu.vector_load %arg20[%get3A_2046, %get3A_2047] {strides = array<i32>} : memref<4x512xf32, #tpu.memory_space<vmem>>, vector<16xf32>,
      %add3A_2049 = arith.constant 64 : i32
      %add3A_2050 = vector.broadcast %add3A_2049 : i32 to vector<16xi32>
      %add3A_2051 = arith.addi %iota3A_1764, %add3A_2050 : vector<16xi32>
      %broadcast_in_dim3A_2052 = arith.constant 26 : i32
      %broadcast_in_dim3A_2053 = vector.broadcast %broadcast_in_dim3A_2052 : i32 to vector<16xi32>
      %scatter3A_2054 = arith.constant 3 : i32
      %scatter3A_2055 = arith.constant 0 : i32
      %scatter3A_2056 = arith.constant 0 : i32
      %scatter3A_2057 = tpu.memref_slice %arg19[%scatter3A_2054, %scatter3A_2055, %scatter3A_2056] : memref<4x128x32xf32, #tpu.memory_space<vmem>> -> memref<1x128x32xf32, #tpu.memory_space<vmem>>
      %scatter3A_2058 = tpu.memref_squeeze %scatter3A_2057 : memref<1x128x32xf32, #tpu.memory_space<vmem>> -> memref<128x32xf32, #tpu.memory_space<vmem>>
      tpu.vector_store_idx %scatter3A_2058[%add3A_2051, %broadcast_in_dim3A_2053], %get3A_2048 : memref<128x32xf32, #tpu.memory_space<vmem>>[vector<16xi32>, vector<16xi32>], vector<16xf32>,
      %get3A_2059 = arith.constant 3 : i32
      %get3A_2060 = arith.index_cast %get3A_2059 : i32 to index
      %get3A_2061 = arith.constant 336 : index
      %get3A_2062 = tpu.vector_load %arg20[%get3A_2060, %get3A_2061] {strides = array<i32>} : memref<4x512xf32, #tpu.memory_space<vmem>>, vector<16xf32>,
      %add3A_2063 = arith.constant 80 : i32
      %add3A_2064 = vector.broadcast %add3A_2063 : i32 to vector<16xi32>
      %add3A_2065 = arith.addi %iota3A_1764, %add3A_2064 : vector<16xi32>
      %broadcast_in_dim3A_2066 = arith.constant 26 : i32
      %broadcast_in_dim3A_2067 = vector.broadcast %broadcast_in_dim3A_2066 : i32 to vector<16xi32>
      %scatter3A_2068 = arith.constant 3 : i32
      %scatter3A_2069 = arith.constant 0 : i32
      %scatter3A_2070 = arith.constant 0 : i32
      %scatter3A_2071 = tpu.memref_slice %arg19[%scatter3A_2068, %scatter3A_2069, %scatter3A_2070] : memref<4x128x32xf32, #tpu.memory_space<vmem>> -> memref<1x128x32xf32, #tpu.memory_space<vmem>>
      %scatter3A_2072 = tpu.memref_squeeze %scatter3A_2071 : memref<1x128x32xf32, #tpu.memory_space<vmem>> -> memref<128x32xf32, #tpu.memory_space<vmem>>
      tpu.vector_store_idx %scatter3A_2072[%add3A_2065, %broadcast_in_dim3A_2067], %get3A_2062 : memref<128x32xf32, #tpu.memory_space<vmem>>[vector<16xi32>, vector<16xi32>], vector<16xf32>,
      %get3A_2073 = arith.constant 3 : i32
      %get3A_2074 = arith.index_cast %get3A_2073 : i32 to index
      %get3A_2075 = arith.constant 352 : index
      %get3A_2076 = tpu.vector_load %arg20[%get3A_2074, %get3A_2075] {strides = array<i32>} : memref<4x512xf32, #tpu.memory_space<vmem>>, vector<16xf32>,
      %add3A_2077 = arith.constant 96 : i32
      %add3A_2078 = vector.broadcast %add3A_2077 : i32 to vector<16xi32>
      %add3A_2079 = arith.addi %iota3A_1764, %add3A_2078 : vector<16xi32>
      %broadcast_in_dim3A_2080 = arith.constant 26 : i32
      %broadcast_in_dim3A_2081 = vector.broadcast %broadcast_in_dim3A_2080 : i32 to vector<16xi32>
      %scatter3A_2082 = arith.constant 3 : i32
      %scatter3A_2083 = arith.constant 0 : i32
      %scatter3A_2084 = arith.constant 0 : i32
      %scatter3A_2085 = tpu.memref_slice %arg19[%scatter3A_2082, %scatter3A_2083, %scatter3A_2084] : memref<4x128x32xf32, #tpu.memory_space<vmem>> -> memref<1x128x32xf32, #tpu.memory_space<vmem>>
      %scatter3A_2086 = tpu.memref_squeeze %scatter3A_2085 : memref<1x128x32xf32, #tpu.memory_space<vmem>> -> memref<128x32xf32, #tpu.memory_space<vmem>>
      tpu.vector_store_idx %scatter3A_2086[%add3A_2079, %broadcast_in_dim3A_2081], %get3A_2076 : memref<128x32xf32, #tpu.memory_space<vmem>>[vector<16xi32>, vector<16xi32>], vector<16xf32>,
      %get3A_2087 = arith.constant 3 : i32
      %get3A_2088 = arith.index_cast %get3A_2087 : i32 to index
      %get3A_2089 = arith.constant 368 : index
      %get3A_2090 = tpu.vector_load %arg20[%get3A_2088, %get3A_2089] {strides = array<i32>} : memref<4x512xf32, #tpu.memory_space<vmem>>, vector<16xf32>,
      %add3A_2091 = arith.constant 112 : i32
      %add3A_2092 = vector.broadcast %add3A_2091 : i32 to vector<16xi32>
      %add3A_2093 = arith.addi %iota3A_1764, %add3A_2092 : vector<16xi32>
      %broadcast_in_dim3A_2094 = arith.constant 26 : i32
      %broadcast_in_dim3A_2095 = vector.broadcast %broadcast_in_dim3A_2094 : i32 to vector<16xi32>
      %scatter3A_2096 = arith.constant 3 : i32
      %scatter3A_2097 = arith.constant 0 : i32
      %scatter3A_2098 = arith.constant 0 : i32
      %scatter3A_2099 = tpu.memref_slice %arg19[%scatter3A_2096, %scatter3A_2097, %scatter3A_2098] : memref<4x128x32xf32, #tpu.memory_space<vmem>> -> memref<1x128x32xf32, #tpu.memory_space<vmem>>
      %scatter3A_2100 = tpu.memref_squeeze %scatter3A_2099 : memref<1x128x32xf32, #tpu.memory_space<vmem>> -> memref<128x32xf32, #tpu.memory_space<vmem>>
      tpu.vector_store_idx %scatter3A_2100[%add3A_2093, %broadcast_in_dim3A_2095], %get3A_2090 : memref<128x32xf32, #tpu.memory_space<vmem>>[vector<16xi32>, vector<16xi32>], vector<16xf32>,
      %get3A_2101 = arith.constant 3 : i32
      %get3A_2102 = arith.index_cast %get3A_2101 : i32 to index
      %get3A_2103 = arith.constant 384 : index
      %get3A_2104 = tpu.vector_load %arg20[%get3A_2102, %get3A_2103] {strides = array<i32>} : memref<4x512xf32, #tpu.memory_space<vmem>>, vector<16xf32>,
      %add3A_2105 = arith.constant 0 : i32
      %add3A_2106 = vector.broadcast %add3A_2105 : i32 to vector<16xi32>
      %add3A_2107 = arith.addi %iota3A_1764, %add3A_2106 : vector<16xi32>
      %broadcast_in_dim3A_2108 = arith.constant 27 : i32
      %broadcast_in_dim3A_2109 = vector.broadcast %broadcast_in_dim3A_2108 : i32 to vector<16xi32>
      %scatter3A_2110 = arith.constant 3 : i32
      %scatter3A_2111 = arith.constant 0 : i32
      %scatter3A_2112 = arith.constant 0 : i32
      %scatter3A_2113 = tpu.memref_slice %arg19[%scatter3A_2110, %scatter3A_2111, %scatter3A_2112] : memref<4x128x32xf32, #tpu.memory_space<vmem>> -> memref<1x128x32xf32, #tpu.memory_space<vmem>>
      %scatter3A_2114 = tpu.memref_squeeze %scatter3A_2113 : memref<1x128x32xf32, #tpu.memory_space<vmem>> -> memref<128x32xf32, #tpu.memory_space<vmem>>
      tpu.vector_store_idx %scatter3A_2114[%add3A_2107, %broadcast_in_dim3A_2109], %get3A_2104 : memref<128x32xf32, #tpu.memory_space<vmem>>[vector<16xi32>, vector<16xi32>], vector<16xf32>,
      %get3A_2115 = arith.constant 3 : i32
      %get3A_2116 = arith.index_cast %get3A_2115 : i32 to index
      %get3A_2117 = arith.constant 400 : index
      %get3A_2118 = tpu.vector_load %arg20[%get3A_2116, %get3A_2117] {strides = array<i32>} : memref<4x512xf32, #tpu.memory_space<vmem>>, vector<16xf32>,
      %add3A_2119 = arith.constant 16 : i32
      %add3A_2120 = vector.broadcast %add3A_2119 : i32 to vector<16xi32>
      %add3A_2121 = arith.addi %iota3A_1764, %add3A_2120 : vector<16xi32>
      %broadcast_in_dim3A_2122 = arith.constant 27 : i32
      %broadcast_in_dim3A_2123 = vector.broadcast %broadcast_in_dim3A_2122 : i32 to vector<16xi32>
      %scatter3A_2124 = arith.constant 3 : i32
      %scatter3A_2125 = arith.constant 0 : i32
      %scatter3A_2126 = arith.constant 0 : i32
      %scatter3A_2127 = tpu.memref_slice %arg19[%scatter3A_2124, %scatter3A_2125, %scatter3A_2126] : memref<4x128x32xf32, #tpu.memory_space<vmem>> -> memref<1x128x32xf32, #tpu.memory_space<vmem>>
      %scatter3A_2128 = tpu.memref_squeeze %scatter3A_2127 : memref<1x128x32xf32, #tpu.memory_space<vmem>> -> memref<128x32xf32, #tpu.memory_space<vmem>>
      tpu.vector_store_idx %scatter3A_2128[%add3A_2121, %broadcast_in_dim3A_2123], %get3A_2118 : memref<128x32xf32, #tpu.memory_space<vmem>>[vector<16xi32>, vector<16xi32>], vector<16xf32>,
      %get3A_2129 = arith.constant 3 : i32
      %get3A_2130 = arith.index_cast %get3A_2129 : i32 to index
      %get3A_2131 = arith.constant 416 : index
      %get3A_2132 = tpu.vector_load %arg20[%get3A_2130, %get3A_2131] {strides = array<i32>} : memref<4x512xf32, #tpu.memory_space<vmem>>, vector<16xf32>,
      %add3A_2133 = arith.constant 32 : i32
      %add3A_2134 = vector.broadcast %add3A_2133 : i32 to vector<16xi32>
      %add3A_2135 = arith.addi %iota3A_1764, %add3A_2134 : vector<16xi32>
      %broadcast_in_dim3A_2136 = arith.constant 27 : i32
      %broadcast_in_dim3A_2137 = vector.broadcast %broadcast_in_dim3A_2136 : i32 to vector<16xi32>
      %scatter3A_2138 = arith.constant 3 : i32
      %scatter3A_2139 = arith.constant 0 : i32
      %scatter3A_2140 = arith.constant 0 : i32
      %scatter3A_2141 = tpu.memref_slice %arg19[%scatter3A_2138, %scatter3A_2139, %scatter3A_2140] : memref<4x128x32xf32, #tpu.memory_space<vmem>> -> memref<1x128x32xf32, #tpu.memory_space<vmem>>
      %scatter3A_2142 = tpu.memref_squeeze %scatter3A_2141 : memref<1x128x32xf32, #tpu.memory_space<vmem>> -> memref<128x32xf32, #tpu.memory_space<vmem>>
      tpu.vector_store_idx %scatter3A_2142[%add3A_2135, %broadcast_in_dim3A_2137], %get3A_2132 : memref<128x32xf32, #tpu.memory_space<vmem>>[vector<16xi32>, vector<16xi32>], vector<16xf32>,
      %get3A_2143 = arith.constant 3 : i32
      %get3A_2144 = arith.index_cast %get3A_2143 : i32 to index
      %get3A_2145 = arith.constant 432 : index
      %get3A_2146 = tpu.vector_load %arg20[%get3A_2144, %get3A_2145] {strides = array<i32>} : memref<4x512xf32, #tpu.memory_space<vmem>>, vector<16xf32>,
      %add3A_2147 = arith.constant 48 : i32
      %add3A_2148 = vector.broadcast %add3A_2147 : i32 to vector<16xi32>
      %add3A_2149 = arith.addi %iota3A_1764, %add3A_2148 : vector<16xi32>
      %broadcast_in_dim3A_2150 = arith.constant 27 : i32
      %broadcast_in_dim3A_2151 = vector.broadcast %broadcast_in_dim3A_2150 : i32 to vector<16xi32>
      %scatter3A_2152 = arith.constant 3 : i32
      %scatter3A_2153 = arith.constant 0 : i32
      %scatter3A_2154 = arith.constant 0 : i32
      %scatter3A_2155 = tpu.memref_slice %arg19[%scatter3A_2152, %scatter3A_2153, %scatter3A_2154] : memref<4x128x32xf32, #tpu.memory_space<vmem>> -> memref<1x128x32xf32, #tpu.memory_space<vmem>>
      %scatter3A_2156 = tpu.memref_squeeze %scatter3A_2155 : memref<1x128x32xf32, #tpu.memory_space<vmem>> -> memref<128x32xf32, #tpu.memory_space<vmem>>
      tpu.vector_store_idx %scatter3A_2156[%add3A_2149, %broadcast_in_dim3A_2151], %get3A_2146 : memref<128x32xf32, #tpu.memory_space<vmem>>[vector<16xi32>, vector<16xi32>], vector<16xf32>,
      %get3A_2157 = arith.constant 3 : i32
      %get3A_2158 = arith.index_cast %get3A_2157 : i32 to index
      %get3A_2159 = arith.constant 448 : index
      %get3A_2160 = tpu.vector_load %arg20[%get3A_2158, %get3A_2159] {strides = array<i32>} : memref<4x512xf32, #tpu.memory_space<vmem>>, vector<16xf32>,
      %add3A_2161 = arith.constant 64 : i32
      %add3A_2162 = vector.broadcast %add3A_2161 : i32 to vector<16xi32>
      %add3A_2163 = arith.addi %iota3A_1764, %add3A_2162 : vector<16xi32>
      %broadcast_in_dim3A_2164 = arith.constant 27 : i32
      %broadcast_in_dim3A_2165 = vector.broadcast %broadcast_in_dim3A_2164 : i32 to vector<16xi32>
      %scatter3A_2166 = arith.constant 3 : i32
      %scatter3A_2167 = arith.constant 0 : i32
      %scatter3A_2168 = arith.constant 0 : i32
      %scatter3A_2169 = tpu.memref_slice %arg19[%scatter3A_2166, %scatter3A_2167, %scatter3A_2168] : memref<4x128x32xf32, #tpu.memory_space<vmem>> -> memref<1x128x32xf32, #tpu.memory_space<vmem>>
      %scatter3A_2170 = tpu.memref_squeeze %scatter3A_2169 : memref<1x128x32xf32, #tpu.memory_space<vmem>> -> memref<128x32xf32, #tpu.memory_space<vmem>>
      tpu.vector_store_idx %scatter3A_2170[%add3A_2163, %broadcast_in_dim3A_2165], %get3A_2160 : memref<128x32xf32, #tpu.memory_space<vmem>>[vector<16xi32>, vector<16xi32>], vector<16xf32>,
      %get3A_2171 = arith.constant 3 : i32
      %get3A_2172 = arith.index_cast %get3A_2171 : i32 to index
      %get3A_2173 = arith.constant 464 : index
      %get3A_2174 = tpu.vector_load %arg20[%get3A_2172, %get3A_2173] {strides = array<i32>} : memref<4x512xf32, #tpu.memory_space<vmem>>, vector<16xf32>,
      %add3A_2175 = arith.constant 80 : i32
      %add3A_2176 = vector.broadcast %add3A_2175 : i32 to vector<16xi32>
      %add3A_2177 = arith.addi %iota3A_1764, %add3A_2176 : vector<16xi32>
      %broadcast_in_dim3A_2178 = arith.constant 27 : i32
      %broadcast_in_dim3A_2179 = vector.broadcast %broadcast_in_dim3A_2178 : i32 to vector<16xi32>
      %scatter3A_2180 = arith.constant 3 : i32
      %scatter3A_2181 = arith.constant 0 : i32
      %scatter3A_2182 = arith.constant 0 : i32
      %scatter3A_2183 = tpu.memref_slice %arg19[%scatter3A_2180, %scatter3A_2181, %scatter3A_2182] : memref<4x128x32xf32, #tpu.memory_space<vmem>> -> memref<1x128x32xf32, #tpu.memory_space<vmem>>
      %scatter3A_2184 = tpu.memref_squeeze %scatter3A_2183 : memref<1x128x32xf32, #tpu.memory_space<vmem>> -> memref<128x32xf32, #tpu.memory_space<vmem>>
      tpu.vector_store_idx %scatter3A_2184[%add3A_2177, %broadcast_in_dim3A_2179], %get3A_2174 : memref<128x32xf32, #tpu.memory_space<vmem>>[vector<16xi32>, vector<16xi32>], vector<16xf32>,
      %get3A_2185 = arith.constant 3 : i32
      %get3A_2186 = arith.index_cast %get3A_2185 : i32 to index
      %get3A_2187 = arith.constant 480 : index
      %get3A_2188 = tpu.vector_load %arg20[%get3A_2186, %get3A_2187] {strides = array<i32>} : memref<4x512xf32, #tpu.memory_space<vmem>>, vector<16xf32>,
      %add3A_2189 = arith.constant 96 : i32
      %add3A_2190 = vector.broadcast %add3A_2189 : i32 to vector<16xi32>
      %add3A_2191 = arith.addi %iota3A_1764, %add3A_2190 : vector<16xi32>
      %broadcast_in_dim3A_2192 = arith.constant 27 : i32
      %broadcast_in_dim3A_2193 = vector.broadcast %broadcast_in_dim3A_2192 : i32 to vector<16xi32>
      %scatter3A_2194 = arith.constant 3 : i32
      %scatter3A_2195 = arith.constant 0 : i32
      %scatter3A_2196 = arith.constant 0 : i32
      %scatter3A_2197 = tpu.memref_slice %arg19[%scatter3A_2194, %scatter3A_2195, %scatter3A_2196] : memref<4x128x32xf32, #tpu.memory_space<vmem>> -> memref<1x128x32xf32, #tpu.memory_space<vmem>>
      %scatter3A_2198 = tpu.memref_squeeze %scatter3A_2197 : memref<1x128x32xf32, #tpu.memory_space<vmem>> -> memref<128x32xf32, #tpu.memory_space<vmem>>
      tpu.vector_store_idx %scatter3A_2198[%add3A_2191, %broadcast_in_dim3A_2193], %get3A_2188 : memref<128x32xf32, #tpu.memory_space<vmem>>[vector<16xi32>, vector<16xi32>], vector<16xf32>,
      %get3A_2199 = arith.constant 3 : i32
      %get3A_2200 = arith.index_cast %get3A_2199 : i32 to index
      %get3A_2201 = arith.constant 496 : index
      %get3A_2202 = tpu.vector_load %arg20[%get3A_2200, %get3A_2201] {strides = array<i32>} : memref<4x512xf32, #tpu.memory_space<vmem>>, vector<16xf32>,
      %add3A_2203 = arith.constant 112 : i32
      %add3A_2204 = vector.broadcast %add3A_2203 : i32 to vector<16xi32>
      %add3A_2205 = arith.addi %iota3A_1764, %add3A_2204 : vector<16xi32>
      %broadcast_in_dim3A_2206 = arith.constant 27 : i32
      %broadcast_in_dim3A_2207 = vector.broadcast %broadcast_in_dim3A_2206 : i32 to vector<16xi32>
      %scatter3A_2208 = arith.constant 3 : i32
      %scatter3A_2209 = arith.constant 0 : i32
      %scatter3A_2210 = arith.constant 0 : i32
      %scatter3A_2211 = tpu.memref_slice %arg19[%scatter3A_2208, %scatter3A_2209, %scatter3A_2210] : memref<4x128x32xf32, #tpu.memory_space<vmem>> -> memref<1x128x32xf32, #tpu.memory_space<vmem>>
      %scatter3A_2212 = tpu.memref_squeeze %scatter3A_2211 : memref<1x128x32xf32, #tpu.memory_space<vmem>> -> memref<128x32xf32, #tpu.memory_space<vmem>>
      tpu.vector_store_idx %scatter3A_2212[%add3A_2205, %broadcast_in_dim3A_2207], %get3A_2202 : memref<128x32xf32, #tpu.memory_space<vmem>>[vector<16xi32>, vector<16xi32>], vector<16xf32>,
      %eq3A_2213 = arith.constant 0 : i32
      %eq3A_2214 = arith.cmpi eq, %arg0, %eq3A_2213 : i32
      %convert_element_type3A_2215 = arith.extui %eq3A_2214 : i1 to i32
      %cond3A_2216 = arith.constant 0 : i32
      %cond3A_2217 = arith.cmpi ne, %convert_element_type3A_2215, %cond3A_2216 : i32
      scf.if %cond3A_2217 {
        %dma_start3A_2223 = arith.constant 3 : i32
        %dma_start3A_2224 = arith.constant 3 : i32
        %dma_start3A_2225 = arith.constant 0 : i32
        %dma_start3A_2226 = arith.constant 0 : i32
        %dma_start3A_2227 = tpu.memref_slice %arg18[%dma_start3A_2223, %dma_start3A_2225, %dma_start3A_2226] : memref<4x128x64xf32, #tpu.memory_space<vmem>> -> memref<1x128x64xf32, #tpu.memory_space<vmem>>
        %dma_start3A_2228 = tpu.memref_squeeze %dma_start3A_2227 : memref<1x128x64xf32, #tpu.memory_space<vmem>> -> memref<128x64xf32, #tpu.memory_space<vmem>>
        %dma_start3A_2229 = arith.constant 0 : i32
        %dma_start3A_2230 = tpu.memref_slice %arg16[%dma_start3A_2224, %dma_start3A_2229] : memref<4x128xi32, #tpu.memory_space<vmem>> -> memref<1x128xi32, #tpu.memory_space<vmem>>
        %dma_start3A_2231 = tpu.memref_squeeze %dma_start3A_2230 : memref<1x128xi32, #tpu.memory_space<vmem>> -> memref<128xi32, #tpu.memory_space<vmem>>
        %dma_start3A_2232 = arith.constant 0 : i32
        %dma_start3A_2233 = arith.constant 0 : i32
        %dma_start3A_2234 = tpu.memref_slice %arg21[%dma_start3A_2232, %dma_start3A_2233] : memref<10008x64xf32, #tpu.memory_space<vmem_shared>> -> memref<10008x64xf32, #tpu.memory_space<vmem_shared>>
        tpu.enqueue_indirect_dma source(%dma_start3A_2228 : memref<128x64xf32, #tpu.memory_space<vmem>>) target(%dma_start3A_2234 : memref<10008x64xf32, #tpu.memory_space<vmem_shared>>) offsets(%dma_start3A_2231 : memref<128xi32, #tpu.memory_space<vmem>>) semaphore(%arg34 : memref<!tpu.dma_semaphore, #tpu.memory_space<semaphore_mem>>) {add = true}
        %dma_start3A_2235 = arith.constant 3 : i32
        %dma_start3A_2236 = arith.constant 3 : i32
        %dma_start3A_2237 = arith.constant 0 : i32
        %dma_start3A_2238 = arith.constant 0 : i32
        %dma_start3A_2239 = tpu.memref_slice %arg19[%dma_start3A_2235, %dma_start3A_2237, %dma_start3A_2238] : memref<4x128x32xf32, #tpu.memory_space<vmem>> -> memref<1x128x32xf32, #tpu.memory_space<vmem>>
        %dma_start3A_2240 = tpu.memref_squeeze %dma_start3A_2239 : memref<1x128x32xf32, #tpu.memory_space<vmem>> -> memref<128x32xf32, #tpu.memory_space<vmem>>
        %dma_start3A_2241 = arith.constant 0 : i32
        %dma_start3A_2242 = tpu.memref_slice %arg16[%dma_start3A_2236, %dma_start3A_2241] : memref<4x128xi32, #tpu.memory_space<vmem>> -> memref<1x128xi32, #tpu.memory_space<vmem>>
        %dma_start3A_2243 = tpu.memref_squeeze %dma_start3A_2242 : memref<1x128xi32, #tpu.memory_space<vmem>> -> memref<128xi32, #tpu.memory_space<vmem>>
        %dma_start3A_2244 = arith.constant 0 : i32
        %dma_start3A_2245 = arith.constant 0 : i32
        %dma_start3A_2246 = tpu.memref_slice %arg22[%dma_start3A_2244, %dma_start3A_2245] : memref<10008x32xf32, #tpu.memory_space<vmem_shared>> -> memref<10008x32xf32, #tpu.memory_space<vmem_shared>>
        tpu.enqueue_indirect_dma source(%dma_start3A_2240 : memref<128x32xf32, #tpu.memory_space<vmem>>) target(%dma_start3A_2246 : memref<10008x32xf32, #tpu.memory_space<vmem_shared>>) offsets(%dma_start3A_2243 : memref<128xi32, #tpu.memory_space<vmem>>) semaphore(%arg34 : memref<!tpu.dma_semaphore, #tpu.memory_space<semaphore_mem>>) {add = true}
      } else {
      }
      %eq3A_2218 = arith.constant 1 : i32
      %eq3A_2219 = arith.cmpi eq, %arg0, %eq3A_2218 : i32
      %convert_element_type3A_2220 = arith.extui %eq3A_2219 : i1 to i32
      %cond3A_2221 = arith.constant 0 : i32
      %cond3A_2222 = arith.cmpi ne, %convert_element_type3A_2220, %cond3A_2221 : i32
      scf.if %cond3A_2222 {
        %dma_start3A_2223 = arith.constant 3 : i32
        %dma_start3A_2224 = arith.constant 3 : i32
        %dma_start3A_2225 = arith.constant 0 : i32
        %dma_start3A_2226 = arith.constant 0 : i32
        %dma_start3A_2227 = tpu.memref_slice %arg18[%dma_start3A_2223, %dma_start3A_2225, %dma_start3A_2226] : memref<4x128x64xf32, #tpu.memory_space<vmem>> -> memref<1x128x64xf32, #tpu.memory_space<vmem>>
        %dma_start3A_2228 = tpu.memref_squeeze %dma_start3A_2227 : memref<1x128x64xf32, #tpu.memory_space<vmem>> -> memref<128x64xf32, #tpu.memory_space<vmem>>
        %dma_start3A_2229 = arith.constant 0 : i32
        %dma_start3A_2230 = tpu.memref_slice %arg15[%dma_start3A_2224, %dma_start3A_2229] : memref<4x128xi32, #tpu.memory_space<vmem>> -> memref<1x128xi32, #tpu.memory_space<vmem>>
        %dma_start3A_2231 = tpu.memref_squeeze %dma_start3A_2230 : memref<1x128xi32, #tpu.memory_space<vmem>> -> memref<128xi32, #tpu.memory_space<vmem>>
        %dma_start3A_2232 = arith.constant 0 : i32
        %dma_start3A_2233 = arith.constant 0 : i32
        %dma_start3A_2234 = tpu.memref_slice %arg21[%dma_start3A_2232, %dma_start3A_2233] : memref<10008x64xf32, #tpu.memory_space<vmem_shared>> -> memref<10008x64xf32, #tpu.memory_space<vmem_shared>>
        tpu.enqueue_indirect_dma source(%dma_start3A_2228 : memref<128x64xf32, #tpu.memory_space<vmem>>) target(%dma_start3A_2234 : memref<10008x64xf32, #tpu.memory_space<vmem_shared>>) offsets(%dma_start3A_2231 : memref<128xi32, #tpu.memory_space<vmem>>) semaphore(%arg34 : memref<!tpu.dma_semaphore, #tpu.memory_space<semaphore_mem>>) {add = true}
        %dma_start3A_2235 = arith.constant 3 : i32
        %dma_start3A_2236 = arith.constant 3 : i32
        %dma_start3A_2237 = arith.constant 0 : i32
        %dma_start3A_2238 = arith.constant 0 : i32
        %dma_start3A_2239 = tpu.memref_slice %arg19[%dma_start3A_2235, %dma_start3A_2237, %dma_start3A_2238] : memref<4x128x32xf32, #tpu.memory_space<vmem>> -> memref<1x128x32xf32, #tpu.memory_space<vmem>>
        %dma_start3A_2240 = tpu.memref_squeeze %dma_start3A_2239 : memref<1x128x32xf32, #tpu.memory_space<vmem>> -> memref<128x32xf32, #tpu.memory_space<vmem>>
        %dma_start3A_2241 = arith.constant 0 : i32
        %dma_start3A_2242 = tpu.memref_slice %arg15[%dma_start3A_2236, %dma_start3A_2241] : memref<4x128xi32, #tpu.memory_space<vmem>> -> memref<1x128xi32, #tpu.memory_space<vmem>>
        %dma_start3A_2243 = tpu.memref_squeeze %dma_start3A_2242 : memref<1x128xi32, #tpu.memory_space<vmem>> -> memref<128xi32, #tpu.memory_space<vmem>>
        %dma_start3A_2244 = arith.constant 0 : i32
        %dma_start3A_2245 = arith.constant 0 : i32
        %dma_start3A_2246 = tpu.memref_slice %arg22[%dma_start3A_2244, %dma_start3A_2245] : memref<10008x32xf32, #tpu.memory_space<vmem_shared>> -> memref<10008x32xf32, #tpu.memory_space<vmem_shared>>
        tpu.enqueue_indirect_dma source(%dma_start3A_2240 : memref<128x32xf32, #tpu.memory_space<vmem>>) target(%dma_start3A_2246 : memref<10008x32xf32, #tpu.memory_space<vmem_shared>>) offsets(%dma_start3A_2243 : memref<128xi32, #tpu.memory_space<vmem>>) semaphore(%arg34 : memref<!tpu.dma_semaphore, #tpu.memory_space<semaphore_mem>>) {add = true}
      } else {
      }
    }
    %scan3A_163 = arith.constant 40 : i32
    %eq3A_164 = arith.constant 0 : i32
    %eq3A_165 = arith.cmpi eq, %arg0, %eq3A_164 : i32
    %convert_element_type3A_166 = arith.extui %eq3A_165 : i1 to i32
    %cond3A_167 = arith.constant 0 : i32
    %cond3A_168 = arith.cmpi ne, %convert_element_type3A_166, %cond3A_167 : i32
    scf.if %cond3A_168 {
      %dma_wait3A_226 = arith.constant 0 : i32
      %dma_wait3A_227 = arith.constant 0 : i32
      %dma_wait3A_228 = arith.constant 0 : i32
      %dma_wait3A_229 = arith.constant 0 : i32
      %dma_wait3A_230 = tpu.memref_slice %arg18[%dma_wait3A_226, %dma_wait3A_228, %dma_wait3A_229] : memref<4x128x64xf32, #tpu.memory_space<vmem>> -> memref<1x128x64xf32, #tpu.memory_space<vmem>>
      %dma_wait3A_231 = tpu.memref_squeeze %dma_wait3A_230 : memref<1x128x64xf32, #tpu.memory_space<vmem>> -> memref<128x64xf32, #tpu.memory_space<vmem>>
      %dma_wait3A_232 = arith.constant 0 : i32
      %dma_wait3A_233 = tpu.memref_slice %arg16[%dma_wait3A_227, %dma_wait3A_232] : memref<4x128xi32, #tpu.memory_space<vmem>> -> memref<1x128xi32, #tpu.memory_space<vmem>>
      %dma_wait3A_234 = tpu.memref_squeeze %dma_wait3A_233 : memref<1x128xi32, #tpu.memory_space<vmem>> -> memref<128xi32, #tpu.memory_space<vmem>>
      %dma_wait3A_235 = arith.constant 0 : i32
      %dma_wait3A_236 = arith.constant 0 : i32
      %dma_wait3A_237 = tpu.memref_slice %arg21[%dma_wait3A_235, %dma_wait3A_236] : memref<10008x64xf32, #tpu.memory_space<vmem_shared>> -> memref<10008x64xf32, #tpu.memory_space<vmem_shared>>
      tpu.wait_indirect_dma semaphore(%arg31 : memref<!tpu.dma_semaphore, #tpu.memory_space<semaphore_mem>>) src(%dma_wait3A_231 : memref<128x64xf32, #tpu.memory_space<vmem>>) dst(%dma_wait3A_237 : memref<10008x64xf32, #tpu.memory_space<vmem_shared>>)
      %dma_wait3A_238 = arith.constant 0 : i32
      %dma_wait3A_239 = arith.constant 0 : i32
      %dma_wait3A_240 = arith.constant 0 : i32
      %dma_wait3A_241 = arith.constant 0 : i32
      %dma_wait3A_242 = tpu.memref_slice %arg19[%dma_wait3A_238, %dma_wait3A_240, %dma_wait3A_241] : memref<4x128x32xf32, #tpu.memory_space<vmem>> -> memref<1x128x32xf32, #tpu.memory_space<vmem>>
      %dma_wait3A_243 = tpu.memref_squeeze %dma_wait3A_242 : memref<1x128x32xf32, #tpu.memory_space<vmem>> -> memref<128x32xf32, #tpu.memory_space<vmem>>
      %dma_wait3A_244 = arith.constant 0 : i32
      %dma_wait3A_245 = tpu.memref_slice %arg16[%dma_wait3A_239, %dma_wait3A_244] : memref<4x128xi32, #tpu.memory_space<vmem>> -> memref<1x128xi32, #tpu.memory_space<vmem>>
      %dma_wait3A_246 = tpu.memref_squeeze %dma_wait3A_245 : memref<1x128xi32, #tpu.memory_space<vmem>> -> memref<128xi32, #tpu.memory_space<vmem>>
      %dma_wait3A_247 = arith.constant 0 : i32
      %dma_wait3A_248 = arith.constant 0 : i32
      %dma_wait3A_249 = tpu.memref_slice %arg22[%dma_wait3A_247, %dma_wait3A_248] : memref<10008x32xf32, #tpu.memory_space<vmem_shared>> -> memref<10008x32xf32, #tpu.memory_space<vmem_shared>>
      tpu.wait_indirect_dma semaphore(%arg31 : memref<!tpu.dma_semaphore, #tpu.memory_space<semaphore_mem>>) src(%dma_wait3A_243 : memref<128x32xf32, #tpu.memory_space<vmem>>) dst(%dma_wait3A_249 : memref<10008x32xf32, #tpu.memory_space<vmem_shared>>)
    } else {
    }
    %eq3A_169 = arith.constant 1 : i32
    %eq3A_170 = arith.cmpi eq, %arg0, %eq3A_169 : i32
    %convert_element_type3A_171 = arith.extui %eq3A_170 : i1 to i32
    %cond3A_172 = arith.constant 0 : i32
    %cond3A_173 = arith.cmpi ne, %convert_element_type3A_171, %cond3A_172 : i32
    scf.if %cond3A_173 {
      %dma_wait3A_226 = arith.constant 0 : i32
      %dma_wait3A_227 = arith.constant 0 : i32
      %dma_wait3A_228 = arith.constant 0 : i32
      %dma_wait3A_229 = arith.constant 0 : i32
      %dma_wait3A_230 = tpu.memref_slice %arg18[%dma_wait3A_226, %dma_wait3A_228, %dma_wait3A_229] : memref<4x128x64xf32, #tpu.memory_space<vmem>> -> memref<1x128x64xf32, #tpu.memory_space<vmem>>
      %dma_wait3A_231 = tpu.memref_squeeze %dma_wait3A_230 : memref<1x128x64xf32, #tpu.memory_space<vmem>> -> memref<128x64xf32, #tpu.memory_space<vmem>>
      %dma_wait3A_232 = arith.constant 0 : i32
      %dma_wait3A_233 = tpu.memref_slice %arg15[%dma_wait3A_227, %dma_wait3A_232] : memref<4x128xi32, #tpu.memory_space<vmem>> -> memref<1x128xi32, #tpu.memory_space<vmem>>
      %dma_wait3A_234 = tpu.memref_squeeze %dma_wait3A_233 : memref<1x128xi32, #tpu.memory_space<vmem>> -> memref<128xi32, #tpu.memory_space<vmem>>
      %dma_wait3A_235 = arith.constant 0 : i32
      %dma_wait3A_236 = arith.constant 0 : i32
      %dma_wait3A_237 = tpu.memref_slice %arg21[%dma_wait3A_235, %dma_wait3A_236] : memref<10008x64xf32, #tpu.memory_space<vmem_shared>> -> memref<10008x64xf32, #tpu.memory_space<vmem_shared>>
      tpu.wait_indirect_dma semaphore(%arg31 : memref<!tpu.dma_semaphore, #tpu.memory_space<semaphore_mem>>) src(%dma_wait3A_231 : memref<128x64xf32, #tpu.memory_space<vmem>>) dst(%dma_wait3A_237 : memref<10008x64xf32, #tpu.memory_space<vmem_shared>>)
      %dma_wait3A_238 = arith.constant 0 : i32
      %dma_wait3A_239 = arith.constant 0 : i32
      %dma_wait3A_240 = arith.constant 0 : i32
      %dma_wait3A_241 = arith.constant 0 : i32
      %dma_wait3A_242 = tpu.memref_slice %arg19[%dma_wait3A_238, %dma_wait3A_240, %dma_wait3A_241] : memref<4x128x32xf32, #tpu.memory_space<vmem>> -> memref<1x128x32xf32, #tpu.memory_space<vmem>>
      %dma_wait3A_243 = tpu.memref_squeeze %dma_wait3A_242 : memref<1x128x32xf32, #tpu.memory_space<vmem>> -> memref<128x32xf32, #tpu.memory_space<vmem>>
      %dma_wait3A_244 = arith.constant 0 : i32
      %dma_wait3A_245 = tpu.memref_slice %arg15[%dma_wait3A_239, %dma_wait3A_244] : memref<4x128xi32, #tpu.memory_space<vmem>> -> memref<1x128xi32, #tpu.memory_space<vmem>>
      %dma_wait3A_246 = tpu.memref_squeeze %dma_wait3A_245 : memref<1x128xi32, #tpu.memory_space<vmem>> -> memref<128xi32, #tpu.memory_space<vmem>>
      %dma_wait3A_247 = arith.constant 0 : i32
      %dma_wait3A_248 = arith.constant 0 : i32
      %dma_wait3A_249 = tpu.memref_slice %arg22[%dma_wait3A_247, %dma_wait3A_248] : memref<10008x32xf32, #tpu.memory_space<vmem_shared>> -> memref<10008x32xf32, #tpu.memory_space<vmem_shared>>
      tpu.wait_indirect_dma semaphore(%arg31 : memref<!tpu.dma_semaphore, #tpu.memory_space<semaphore_mem>>) src(%dma_wait3A_243 : memref<128x32xf32, #tpu.memory_space<vmem>>) dst(%dma_wait3A_249 : memref<10008x32xf32, #tpu.memory_space<vmem_shared>>)
    } else {
    }
    %eq3A_174 = arith.constant 0 : i32
    %eq3A_175 = arith.cmpi eq, %arg0, %eq3A_174 : i32
    %convert_element_type3A_176 = arith.extui %eq3A_175 : i1 to i32
    %cond3A_177 = arith.constant 0 : i32
    %cond3A_178 = arith.cmpi ne, %convert_element_type3A_176, %cond3A_177 : i32
    scf.if %cond3A_178 {
      %dma_wait3A_226 = arith.constant 1 : i32
      %dma_wait3A_227 = arith.constant 1 : i32
      %dma_wait3A_228 = arith.constant 0 : i32
      %dma_wait3A_229 = arith.constant 0 : i32
      %dma_wait3A_230 = tpu.memref_slice %arg18[%dma_wait3A_226, %dma_wait3A_228, %dma_wait3A_229] : memref<4x128x64xf32, #tpu.memory_space<vmem>> -> memref<1x128x64xf32, #tpu.memory_space<vmem>>
      %dma_wait3A_231 = tpu.memref_squeeze %dma_wait3A_230 : memref<1x128x64xf32, #tpu.memory_space<vmem>> -> memref<128x64xf32, #tpu.memory_space<vmem>>
      %dma_wait3A_232 = arith.constant 0 : i32
      %dma_wait3A_233 = tpu.memref_slice %arg16[%dma_wait3A_227, %dma_wait3A_232] : memref<4x128xi32, #tpu.memory_space<vmem>> -> memref<1x128xi32, #tpu.memory_space<vmem>>
      %dma_wait3A_234 = tpu.memref_squeeze %dma_wait3A_233 : memref<1x128xi32, #tpu.memory_space<vmem>> -> memref<128xi32, #tpu.memory_space<vmem>>
      %dma_wait3A_235 = arith.constant 0 : i32
      %dma_wait3A_236 = arith.constant 0 : i32
      %dma_wait3A_237 = tpu.memref_slice %arg21[%dma_wait3A_235, %dma_wait3A_236] : memref<10008x64xf32, #tpu.memory_space<vmem_shared>> -> memref<10008x64xf32, #tpu.memory_space<vmem_shared>>
      tpu.wait_indirect_dma semaphore(%arg32 : memref<!tpu.dma_semaphore, #tpu.memory_space<semaphore_mem>>) src(%dma_wait3A_231 : memref<128x64xf32, #tpu.memory_space<vmem>>) dst(%dma_wait3A_237 : memref<10008x64xf32, #tpu.memory_space<vmem_shared>>)
      %dma_wait3A_238 = arith.constant 1 : i32
      %dma_wait3A_239 = arith.constant 1 : i32
      %dma_wait3A_240 = arith.constant 0 : i32
      %dma_wait3A_241 = arith.constant 0 : i32
      %dma_wait3A_242 = tpu.memref_slice %arg19[%dma_wait3A_238, %dma_wait3A_240, %dma_wait3A_241] : memref<4x128x32xf32, #tpu.memory_space<vmem>> -> memref<1x128x32xf32, #tpu.memory_space<vmem>>
      %dma_wait3A_243 = tpu.memref_squeeze %dma_wait3A_242 : memref<1x128x32xf32, #tpu.memory_space<vmem>> -> memref<128x32xf32, #tpu.memory_space<vmem>>
      %dma_wait3A_244 = arith.constant 0 : i32
      %dma_wait3A_245 = tpu.memref_slice %arg16[%dma_wait3A_239, %dma_wait3A_244] : memref<4x128xi32, #tpu.memory_space<vmem>> -> memref<1x128xi32, #tpu.memory_space<vmem>>
      %dma_wait3A_246 = tpu.memref_squeeze %dma_wait3A_245 : memref<1x128xi32, #tpu.memory_space<vmem>> -> memref<128xi32, #tpu.memory_space<vmem>>
      %dma_wait3A_247 = arith.constant 0 : i32
      %dma_wait3A_248 = arith.constant 0 : i32
      %dma_wait3A_249 = tpu.memref_slice %arg22[%dma_wait3A_247, %dma_wait3A_248] : memref<10008x32xf32, #tpu.memory_space<vmem_shared>> -> memref<10008x32xf32, #tpu.memory_space<vmem_shared>>
      tpu.wait_indirect_dma semaphore(%arg32 : memref<!tpu.dma_semaphore, #tpu.memory_space<semaphore_mem>>) src(%dma_wait3A_243 : memref<128x32xf32, #tpu.memory_space<vmem>>) dst(%dma_wait3A_249 : memref<10008x32xf32, #tpu.memory_space<vmem_shared>>)
    } else {
    }
    %eq3A_179 = arith.constant 1 : i32
    %eq3A_180 = arith.cmpi eq, %arg0, %eq3A_179 : i32
    %convert_element_type3A_181 = arith.extui %eq3A_180 : i1 to i32
    %cond3A_182 = arith.constant 0 : i32
    %cond3A_183 = arith.cmpi ne, %convert_element_type3A_181, %cond3A_182 : i32
    scf.if %cond3A_183 {
      %dma_wait3A_226 = arith.constant 1 : i32
      %dma_wait3A_227 = arith.constant 1 : i32
      %dma_wait3A_228 = arith.constant 0 : i32
      %dma_wait3A_229 = arith.constant 0 : i32
      %dma_wait3A_230 = tpu.memref_slice %arg18[%dma_wait3A_226, %dma_wait3A_228, %dma_wait3A_229] : memref<4x128x64xf32, #tpu.memory_space<vmem>> -> memref<1x128x64xf32, #tpu.memory_space<vmem>>
      %dma_wait3A_231 = tpu.memref_squeeze %dma_wait3A_230 : memref<1x128x64xf32, #tpu.memory_space<vmem>> -> memref<128x64xf32, #tpu.memory_space<vmem>>
      %dma_wait3A_232 = arith.constant 0 : i32
      %dma_wait3A_233 = tpu.memref_slice %arg15[%dma_wait3A_227, %dma_wait3A_232] : memref<4x128xi32, #tpu.memory_space<vmem>> -> memref<1x128xi32, #tpu.memory_space<vmem>>
      %dma_wait3A_234 = tpu.memref_squeeze %dma_wait3A_233 : memref<1x128xi32, #tpu.memory_space<vmem>> -> memref<128xi32, #tpu.memory_space<vmem>>
      %dma_wait3A_235 = arith.constant 0 : i32
      %dma_wait3A_236 = arith.constant 0 : i32
      %dma_wait3A_237 = tpu.memref_slice %arg21[%dma_wait3A_235, %dma_wait3A_236] : memref<10008x64xf32, #tpu.memory_space<vmem_shared>> -> memref<10008x64xf32, #tpu.memory_space<vmem_shared>>
      tpu.wait_indirect_dma semaphore(%arg32 : memref<!tpu.dma_semaphore, #tpu.memory_space<semaphore_mem>>) src(%dma_wait3A_231 : memref<128x64xf32, #tpu.memory_space<vmem>>) dst(%dma_wait3A_237 : memref<10008x64xf32, #tpu.memory_space<vmem_shared>>)
      %dma_wait3A_238 = arith.constant 1 : i32
      %dma_wait3A_239 = arith.constant 1 : i32
      %dma_wait3A_240 = arith.constant 0 : i32
      %dma_wait3A_241 = arith.constant 0 : i32
      %dma_wait3A_242 = tpu.memref_slice %arg19[%dma_wait3A_238, %dma_wait3A_240, %dma_wait3A_241] : memref<4x128x32xf32, #tpu.memory_space<vmem>> -> memref<1x128x32xf32, #tpu.memory_space<vmem>>
      %dma_wait3A_243 = tpu.memref_squeeze %dma_wait3A_242 : memref<1x128x32xf32, #tpu.memory_space<vmem>> -> memref<128x32xf32, #tpu.memory_space<vmem>>
      %dma_wait3A_244 = arith.constant 0 : i32
      %dma_wait3A_245 = tpu.memref_slice %arg15[%dma_wait3A_239, %dma_wait3A_244] : memref<4x128xi32, #tpu.memory_space<vmem>> -> memref<1x128xi32, #tpu.memory_space<vmem>>
      %dma_wait3A_246 = tpu.memref_squeeze %dma_wait3A_245 : memref<1x128xi32, #tpu.memory_space<vmem>> -> memref<128xi32, #tpu.memory_space<vmem>>
      %dma_wait3A_247 = arith.constant 0 : i32
      %dma_wait3A_248 = arith.constant 0 : i32
      %dma_wait3A_249 = tpu.memref_slice %arg22[%dma_wait3A_247, %dma_wait3A_248] : memref<10008x32xf32, #tpu.memory_space<vmem_shared>> -> memref<10008x32xf32, #tpu.memory_space<vmem_shared>>
      tpu.wait_indirect_dma semaphore(%arg32 : memref<!tpu.dma_semaphore, #tpu.memory_space<semaphore_mem>>) src(%dma_wait3A_243 : memref<128x32xf32, #tpu.memory_space<vmem>>) dst(%dma_wait3A_249 : memref<10008x32xf32, #tpu.memory_space<vmem_shared>>)
    } else {
    }
    %eq3A_184 = arith.constant 0 : i32
    %eq3A_185 = arith.cmpi eq, %arg0, %eq3A_184 : i32
    %convert_element_type3A_186 = arith.extui %eq3A_185 : i1 to i32
    %cond3A_187 = arith.constant 0 : i32
    %cond3A_188 = arith.cmpi ne, %convert_element_type3A_186, %cond3A_187 : i32
    scf.if %cond3A_188 {
      %dma_wait3A_226 = arith.constant 2 : i32
      %dma_wait3A_227 = arith.constant 2 : i32
      %dma_wait3A_228 = arith.constant 0 : i32
      %dma_wait3A_229 = arith.constant 0 : i32
      %dma_wait3A_230 = tpu.memref_slice %arg18[%dma_wait3A_226, %dma_wait3A_228, %dma_wait3A_229] : memref<4x128x64xf32, #tpu.memory_space<vmem>> -> memref<1x128x64xf32, #tpu.memory_space<vmem>>
      %dma_wait3A_231 = tpu.memref_squeeze %dma_wait3A_230 : memref<1x128x64xf32, #tpu.memory_space<vmem>> -> memref<128x64xf32, #tpu.memory_space<vmem>>
      %dma_wait3A_232 = arith.constant 0 : i32
      %dma_wait3A_233 = tpu.memref_slice %arg16[%dma_wait3A_227, %dma_wait3A_232] : memref<4x128xi32, #tpu.memory_space<vmem>> -> memref<1x128xi32, #tpu.memory_space<vmem>>
      %dma_wait3A_234 = tpu.memref_squeeze %dma_wait3A_233 : memref<1x128xi32, #tpu.memory_space<vmem>> -> memref<128xi32, #tpu.memory_space<vmem>>
      %dma_wait3A_235 = arith.constant 0 : i32
      %dma_wait3A_236 = arith.constant 0 : i32
      %dma_wait3A_237 = tpu.memref_slice %arg21[%dma_wait3A_235, %dma_wait3A_236] : memref<10008x64xf32, #tpu.memory_space<vmem_shared>> -> memref<10008x64xf32, #tpu.memory_space<vmem_shared>>
      tpu.wait_indirect_dma semaphore(%arg33 : memref<!tpu.dma_semaphore, #tpu.memory_space<semaphore_mem>>) src(%dma_wait3A_231 : memref<128x64xf32, #tpu.memory_space<vmem>>) dst(%dma_wait3A_237 : memref<10008x64xf32, #tpu.memory_space<vmem_shared>>)
      %dma_wait3A_238 = arith.constant 2 : i32
      %dma_wait3A_239 = arith.constant 2 : i32
      %dma_wait3A_240 = arith.constant 0 : i32
      %dma_wait3A_241 = arith.constant 0 : i32
      %dma_wait3A_242 = tpu.memref_slice %arg19[%dma_wait3A_238, %dma_wait3A_240, %dma_wait3A_241] : memref<4x128x32xf32, #tpu.memory_space<vmem>> -> memref<1x128x32xf32, #tpu.memory_space<vmem>>
      %dma_wait3A_243 = tpu.memref_squeeze %dma_wait3A_242 : memref<1x128x32xf32, #tpu.memory_space<vmem>> -> memref<128x32xf32, #tpu.memory_space<vmem>>
      %dma_wait3A_244 = arith.constant 0 : i32
      %dma_wait3A_245 = tpu.memref_slice %arg16[%dma_wait3A_239, %dma_wait3A_244] : memref<4x128xi32, #tpu.memory_space<vmem>> -> memref<1x128xi32, #tpu.memory_space<vmem>>
      %dma_wait3A_246 = tpu.memref_squeeze %dma_wait3A_245 : memref<1x128xi32, #tpu.memory_space<vmem>> -> memref<128xi32, #tpu.memory_space<vmem>>
      %dma_wait3A_247 = arith.constant 0 : i32
      %dma_wait3A_248 = arith.constant 0 : i32
      %dma_wait3A_249 = tpu.memref_slice %arg22[%dma_wait3A_247, %dma_wait3A_248] : memref<10008x32xf32, #tpu.memory_space<vmem_shared>> -> memref<10008x32xf32, #tpu.memory_space<vmem_shared>>
      tpu.wait_indirect_dma semaphore(%arg33 : memref<!tpu.dma_semaphore, #tpu.memory_space<semaphore_mem>>) src(%dma_wait3A_243 : memref<128x32xf32, #tpu.memory_space<vmem>>) dst(%dma_wait3A_249 : memref<10008x32xf32, #tpu.memory_space<vmem_shared>>)
    } else {
    }
    %eq3A_189 = arith.constant 1 : i32
    %eq3A_190 = arith.cmpi eq, %arg0, %eq3A_189 : i32
    %convert_element_type3A_191 = arith.extui %eq3A_190 : i1 to i32
    %cond3A_192 = arith.constant 0 : i32
    %cond3A_193 = arith.cmpi ne, %convert_element_type3A_191, %cond3A_192 : i32
    scf.if %cond3A_193 {
      %dma_wait3A_226 = arith.constant 2 : i32
      %dma_wait3A_227 = arith.constant 2 : i32
      %dma_wait3A_228 = arith.constant 0 : i32
      %dma_wait3A_229 = arith.constant 0 : i32
      %dma_wait3A_230 = tpu.memref_slice %arg18[%dma_wait3A_226, %dma_wait3A_228, %dma_wait3A_229] : memref<4x128x64xf32, #tpu.memory_space<vmem>> -> memref<1x128x64xf32, #tpu.memory_space<vmem>>
      %dma_wait3A_231 = tpu.memref_squeeze %dma_wait3A_230 : memref<1x128x64xf32, #tpu.memory_space<vmem>> -> memref<128x64xf32, #tpu.memory_space<vmem>>
      %dma_wait3A_232 = arith.constant 0 : i32
      %dma_wait3A_233 = tpu.memref_slice %arg15[%dma_wait3A_227, %dma_wait3A_232] : memref<4x128xi32, #tpu.memory_space<vmem>> -> memref<1x128xi32, #tpu.memory_space<vmem>>
      %dma_wait3A_234 = tpu.memref_squeeze %dma_wait3A_233 : memref<1x128xi32, #tpu.memory_space<vmem>> -> memref<128xi32, #tpu.memory_space<vmem>>
      %dma_wait3A_235 = arith.constant 0 : i32
      %dma_wait3A_236 = arith.constant 0 : i32
      %dma_wait3A_237 = tpu.memref_slice %arg21[%dma_wait3A_235, %dma_wait3A_236] : memref<10008x64xf32, #tpu.memory_space<vmem_shared>> -> memref<10008x64xf32, #tpu.memory_space<vmem_shared>>
      tpu.wait_indirect_dma semaphore(%arg33 : memref<!tpu.dma_semaphore, #tpu.memory_space<semaphore_mem>>) src(%dma_wait3A_231 : memref<128x64xf32, #tpu.memory_space<vmem>>) dst(%dma_wait3A_237 : memref<10008x64xf32, #tpu.memory_space<vmem_shared>>)
      %dma_wait3A_238 = arith.constant 2 : i32
      %dma_wait3A_239 = arith.constant 2 : i32
      %dma_wait3A_240 = arith.constant 0 : i32
      %dma_wait3A_241 = arith.constant 0 : i32
      %dma_wait3A_242 = tpu.memref_slice %arg19[%dma_wait3A_238, %dma_wait3A_240, %dma_wait3A_241] : memref<4x128x32xf32, #tpu.memory_space<vmem>> -> memref<1x128x32xf32, #tpu.memory_space<vmem>>
      %dma_wait3A_243 = tpu.memref_squeeze %dma_wait3A_242 : memref<1x128x32xf32, #tpu.memory_space<vmem>> -> memref<128x32xf32, #tpu.memory_space<vmem>>
      %dma_wait3A_244 = arith.constant 0 : i32
      %dma_wait3A_245 = tpu.memref_slice %arg15[%dma_wait3A_239, %dma_wait3A_244] : memref<4x128xi32, #tpu.memory_space<vmem>> -> memref<1x128xi32, #tpu.memory_space<vmem>>
      %dma_wait3A_246 = tpu.memref_squeeze %dma_wait3A_245 : memref<1x128xi32, #tpu.memory_space<vmem>> -> memref<128xi32, #tpu.memory_space<vmem>>
      %dma_wait3A_247 = arith.constant 0 : i32
      %dma_wait3A_248 = arith.constant 0 : i32
      %dma_wait3A_249 = tpu.memref_slice %arg22[%dma_wait3A_247, %dma_wait3A_248] : memref<10008x32xf32, #tpu.memory_space<vmem_shared>> -> memref<10008x32xf32, #tpu.memory_space<vmem_shared>>
      tpu.wait_indirect_dma semaphore(%arg33 : memref<!tpu.dma_semaphore, #tpu.memory_space<semaphore_mem>>) src(%dma_wait3A_243 : memref<128x32xf32, #tpu.memory_space<vmem>>) dst(%dma_wait3A_249 : memref<10008x32xf32, #tpu.memory_space<vmem_shared>>)
    } else {
    }
    %eq3A_194 = arith.constant 0 : i32
    %eq3A_195 = arith.cmpi eq, %arg0, %eq3A_194 : i32
    %convert_element_type3A_196 = arith.extui %eq3A_195 : i1 to i32
    %cond3A_197 = arith.constant 0 : i32
    %cond3A_198 = arith.cmpi ne, %convert_element_type3A_196, %cond3A_197 : i32
    scf.if %cond3A_198 {
      %dma_wait3A_226 = arith.constant 3 : i32
      %dma_wait3A_227 = arith.constant 3 : i32
      %dma_wait3A_228 = arith.constant 0 : i32
      %dma_wait3A_229 = arith.constant 0 : i32
      %dma_wait3A_230 = tpu.memref_slice %arg18[%dma_wait3A_226, %dma_wait3A_228, %dma_wait3A_229] : memref<4x128x64xf32, #tpu.memory_space<vmem>> -> memref<1x128x64xf32, #tpu.memory_space<vmem>>
      %dma_wait3A_231 = tpu.memref_squeeze %dma_wait3A_230 : memref<1x128x64xf32, #tpu.memory_space<vmem>> -> memref<128x64xf32, #tpu.memory_space<vmem>>
      %dma_wait3A_232 = arith.constant 0 : i32
      %dma_wait3A_233 = tpu.memref_slice %arg16[%dma_wait3A_227, %dma_wait3A_232] : memref<4x128xi32, #tpu.memory_space<vmem>> -> memref<1x128xi32, #tpu.memory_space<vmem>>
      %dma_wait3A_234 = tpu.memref_squeeze %dma_wait3A_233 : memref<1x128xi32, #tpu.memory_space<vmem>> -> memref<128xi32, #tpu.memory_space<vmem>>
      %dma_wait3A_235 = arith.constant 0 : i32
      %dma_wait3A_236 = arith.constant 0 : i32
      %dma_wait3A_237 = tpu.memref_slice %arg21[%dma_wait3A_235, %dma_wait3A_236] : memref<10008x64xf32, #tpu.memory_space<vmem_shared>> -> memref<10008x64xf32, #tpu.memory_space<vmem_shared>>
      tpu.wait_indirect_dma semaphore(%arg34 : memref<!tpu.dma_semaphore, #tpu.memory_space<semaphore_mem>>) src(%dma_wait3A_231 : memref<128x64xf32, #tpu.memory_space<vmem>>) dst(%dma_wait3A_237 : memref<10008x64xf32, #tpu.memory_space<vmem_shared>>)
      %dma_wait3A_238 = arith.constant 3 : i32
      %dma_wait3A_239 = arith.constant 3 : i32
      %dma_wait3A_240 = arith.constant 0 : i32
      %dma_wait3A_241 = arith.constant 0 : i32
      %dma_wait3A_242 = tpu.memref_slice %arg19[%dma_wait3A_238, %dma_wait3A_240, %dma_wait3A_241] : memref<4x128x32xf32, #tpu.memory_space<vmem>> -> memref<1x128x32xf32, #tpu.memory_space<vmem>>
      %dma_wait3A_243 = tpu.memref_squeeze %dma_wait3A_242 : memref<1x128x32xf32, #tpu.memory_space<vmem>> -> memref<128x32xf32, #tpu.memory_space<vmem>>
      %dma_wait3A_244 = arith.constant 0 : i32
      %dma_wait3A_245 = tpu.memref_slice %arg16[%dma_wait3A_239, %dma_wait3A_244] : memref<4x128xi32, #tpu.memory_space<vmem>> -> memref<1x128xi32, #tpu.memory_space<vmem>>
      %dma_wait3A_246 = tpu.memref_squeeze %dma_wait3A_245 : memref<1x128xi32, #tpu.memory_space<vmem>> -> memref<128xi32, #tpu.memory_space<vmem>>
      %dma_wait3A_247 = arith.constant 0 : i32
      %dma_wait3A_248 = arith.constant 0 : i32
      %dma_wait3A_249 = tpu.memref_slice %arg22[%dma_wait3A_247, %dma_wait3A_248] : memref<10008x32xf32, #tpu.memory_space<vmem_shared>> -> memref<10008x32xf32, #tpu.memory_space<vmem_shared>>
      tpu.wait_indirect_dma semaphore(%arg34 : memref<!tpu.dma_semaphore, #tpu.memory_space<semaphore_mem>>) src(%dma_wait3A_243 : memref<128x32xf32, #tpu.memory_space<vmem>>) dst(%dma_wait3A_249 : memref<10008x32xf32, #tpu.memory_space<vmem_shared>>)
    } else {
    }
    %eq3A_199 = arith.constant 1 : i32
    %eq3A_200 = arith.cmpi eq, %arg0, %eq3A_199 : i32
    %convert_element_type3A_201 = arith.extui %eq3A_200 : i1 to i32
    %cond3A_202 = arith.constant 0 : i32
    %cond3A_203 = arith.cmpi ne, %convert_element_type3A_201, %cond3A_202 : i32
    scf.if %cond3A_203 {
      %dma_wait3A_226 = arith.constant 3 : i32
      %dma_wait3A_227 = arith.constant 3 : i32
      %dma_wait3A_228 = arith.constant 0 : i32
      %dma_wait3A_229 = arith.constant 0 : i32
      %dma_wait3A_230 = tpu.memref_slice %arg18[%dma_wait3A_226, %dma_wait3A_228, %dma_wait3A_229] : memref<4x128x64xf32, #tpu.memory_space<vmem>> -> memref<1x128x64xf32, #tpu.memory_space<vmem>>
      %dma_wait3A_231 = tpu.memref_squeeze %dma_wait3A_230 : memref<1x128x64xf32, #tpu.memory_space<vmem>> -> memref<128x64xf32, #tpu.memory_space<vmem>>
      %dma_wait3A_232 = arith.constant 0 : i32
      %dma_wait3A_233 = tpu.memref_slice %arg15[%dma_wait3A_227, %dma_wait3A_232] : memref<4x128xi32, #tpu.memory_space<vmem>> -> memref<1x128xi32, #tpu.memory_space<vmem>>
      %dma_wait3A_234 = tpu.memref_squeeze %dma_wait3A_233 : memref<1x128xi32, #tpu.memory_space<vmem>> -> memref<128xi32, #tpu.memory_space<vmem>>
      %dma_wait3A_235 = arith.constant 0 : i32
      %dma_wait3A_236 = arith.constant 0 : i32
      %dma_wait3A_237 = tpu.memref_slice %arg21[%dma_wait3A_235, %dma_wait3A_236] : memref<10008x64xf32, #tpu.memory_space<vmem_shared>> -> memref<10008x64xf32, #tpu.memory_space<vmem_shared>>
      tpu.wait_indirect_dma semaphore(%arg34 : memref<!tpu.dma_semaphore, #tpu.memory_space<semaphore_mem>>) src(%dma_wait3A_231 : memref<128x64xf32, #tpu.memory_space<vmem>>) dst(%dma_wait3A_237 : memref<10008x64xf32, #tpu.memory_space<vmem_shared>>)
      %dma_wait3A_238 = arith.constant 3 : i32
      %dma_wait3A_239 = arith.constant 3 : i32
      %dma_wait3A_240 = arith.constant 0 : i32
      %dma_wait3A_241 = arith.constant 0 : i32
      %dma_wait3A_242 = tpu.memref_slice %arg19[%dma_wait3A_238, %dma_wait3A_240, %dma_wait3A_241] : memref<4x128x32xf32, #tpu.memory_space<vmem>> -> memref<1x128x32xf32, #tpu.memory_space<vmem>>
      %dma_wait3A_243 = tpu.memref_squeeze %dma_wait3A_242 : memref<1x128x32xf32, #tpu.memory_space<vmem>> -> memref<128x32xf32, #tpu.memory_space<vmem>>
      %dma_wait3A_244 = arith.constant 0 : i32
      %dma_wait3A_245 = tpu.memref_slice %arg15[%dma_wait3A_239, %dma_wait3A_244] : memref<4x128xi32, #tpu.memory_space<vmem>> -> memref<1x128xi32, #tpu.memory_space<vmem>>
      %dma_wait3A_246 = tpu.memref_squeeze %dma_wait3A_245 : memref<1x128xi32, #tpu.memory_space<vmem>> -> memref<128xi32, #tpu.memory_space<vmem>>
      %dma_wait3A_247 = arith.constant 0 : i32
      %dma_wait3A_248 = arith.constant 0 : i32
      %dma_wait3A_249 = tpu.memref_slice %arg22[%dma_wait3A_247, %dma_wait3A_248] : memref<10008x32xf32, #tpu.memory_space<vmem_shared>> -> memref<10008x32xf32, #tpu.memory_space<vmem_shared>>
      tpu.wait_indirect_dma semaphore(%arg34 : memref<!tpu.dma_semaphore, #tpu.memory_space<semaphore_mem>>) src(%dma_wait3A_243 : memref<128x32xf32, #tpu.memory_space<vmem>>) dst(%dma_wait3A_249 : memref<10008x32xf32, #tpu.memory_space<vmem_shared>>)
    } else {
    }
    %barrier3A_204 = arith.constant 0 : index
    tpu.barrier barrier_id(%barrier3A_204)
    %eq3A_205 = arith.constant 0 : i32
    %eq3A_206 = arith.cmpi eq, %arg0, %eq3A_205 : i32
    %lt3A_207 = arith.constant 15 : i32
    %lt3A_208 = arith.cmpi slt, %arg1, %lt3A_207 : i32
    %and3A_209 = arith.andi %eq3A_206, %lt3A_208 : i1
    %convert_element_type3A_210 = arith.extui %and3A_209 : i1 to i32
    %cond3A_211 = arith.constant 0 : i32
    %cond3A_212 = arith.cmpi ne, %convert_element_type3A_210, %cond3A_211 : i32
    scf.if %cond3A_212 {
      %mul3A_226 = arith.constant 640 : i32
      %mul3A_227 = arith.muli %arg1, %mul3A_226 : i32
      "tpu.region"() ({
        %run_scoped3A = tpu.sem_alloc : memref<!tpu.dma_semaphore, #tpu.memory_space<semaphore_mem>>
        %dma_start3A_228 = arith.constant 0 : i32
        %dma_start3A_229 = tpu.memref_slice %arg11[%mul3A_227, %dma_start3A_228] : memref<10000x64xf32, #tpu.memory_space<hbm>> -> memref<640x64xf32, #tpu.memory_space<hbm>>
        %dma_start3A_230 = arith.constant 0 : i32
        %dma_start3A_231 = tpu.memref_slice %arg21[%mul3A_227, %dma_start3A_230] : memref<10008x64xf32, #tpu.memory_space<vmem_shared>> -> memref<640x64xf32, #tpu.memory_space<vmem_shared>>
        tpu.enqueue_dma source(%dma_start3A_231 : memref<640x64xf32, #tpu.memory_space<vmem_shared>>) target(%dma_start3A_229 : memref<640x64xf32, #tpu.memory_space<hbm>>) target_semaphore(%run_scoped3A : memref<!tpu.dma_semaphore, #tpu.memory_space<semaphore_mem>>)
        %dma_wait3A_232 = arith.constant 0 : i32
        %dma_wait3A_233 = tpu.memref_slice %arg11[%mul3A_227, %dma_wait3A_232] : memref<10000x64xf32, #tpu.memory_space<hbm>> -> memref<640x64xf32, #tpu.memory_space<hbm>>
        %dma_wait3A_234 = arith.constant 0 : i32
        %dma_wait3A_235 = tpu.memref_slice %arg21[%mul3A_227, %dma_wait3A_234] : memref<10008x64xf32, #tpu.memory_space<vmem_shared>> -> memref<640x64xf32, #tpu.memory_space<vmem_shared>>
        tpu.wait_dma2 semaphore(%run_scoped3A : memref<!tpu.dma_semaphore, #tpu.memory_space<semaphore_mem>>) src(%dma_wait3A_235 : memref<640x64xf32, #tpu.memory_space<vmem_shared>>) dst(%dma_wait3A_233 : memref<640x64xf32, #tpu.memory_space<hbm>>)
        tpu.yield
      }) : () -> ()
      "tpu.region"() ({
        %run_scoped3A = tpu.sem_alloc : memref<!tpu.dma_semaphore, #tpu.memory_space<semaphore_mem>>
        %dma_start3A_228 = arith.constant 0 : i32
        %dma_start3A_229 = tpu.memref_slice %arg12[%mul3A_227, %dma_start3A_228] : memref<10000x32xf32, #tpu.memory_space<hbm>> -> memref<640x32xf32, #tpu.memory_space<hbm>>
        %dma_start3A_230 = arith.constant 0 : i32
        %dma_start3A_231 = tpu.memref_slice %arg22[%mul3A_227, %dma_start3A_230] : memref<10008x32xf32, #tpu.memory_space<vmem_shared>> -> memref<640x32xf32, #tpu.memory_space<vmem_shared>>
        tpu.enqueue_dma source(%dma_start3A_231 : memref<640x32xf32, #tpu.memory_space<vmem_shared>>) target(%dma_start3A_229 : memref<640x32xf32, #tpu.memory_space<hbm>>) target_semaphore(%run_scoped3A : memref<!tpu.dma_semaphore, #tpu.memory_space<semaphore_mem>>)
        %dma_wait3A_232 = arith.constant 0 : i32
        %dma_wait3A_233 = tpu.memref_slice %arg12[%mul3A_227, %dma_wait3A_232] : memref<10000x32xf32, #tpu.memory_space<hbm>> -> memref<640x32xf32, #tpu.memory_space<hbm>>
        %dma_wait3A_234 = arith.constant 0 : i32
        %dma_wait3A_235 = tpu.memref_slice %arg22[%mul3A_227, %dma_wait3A_234] : memref<10008x32xf32, #tpu.memory_space<vmem_shared>> -> memref<640x32xf32, #tpu.memory_space<vmem_shared>>
        tpu.wait_dma2 semaphore(%run_scoped3A : memref<!tpu.dma_semaphore, #tpu.memory_space<semaphore_mem>>) src(%dma_wait3A_235 : memref<640x32xf32, #tpu.memory_space<vmem_shared>>) dst(%dma_wait3A_233 : memref<640x32xf32, #tpu.memory_space<hbm>>)
        tpu.yield
      }) : () -> ()
    } else {
    }
    %eq3A_213 = arith.constant 0 : i32
    %eq3A_214 = arith.cmpi eq, %arg0, %eq3A_213 : i32
    %eq3A_215 = arith.constant 15 : i32
    %eq3A_216 = arith.cmpi eq, %arg1, %eq3A_215 : i32
    %and3A_217 = arith.andi %eq3A_214, %eq3A_216 : i1
    %convert_element_type3A_218 = arith.extui %and3A_217 : i1 to i32
    %cond3A_219 = arith.constant 0 : i32
    %cond3A_220 = arith.cmpi ne, %convert_element_type3A_218, %cond3A_219 : i32
    scf.if %cond3A_220 {
      "tpu.region"() ({
        %run_scoped3A = tpu.sem_alloc : memref<!tpu.dma_semaphore, #tpu.memory_space<semaphore_mem>>
        %dma_start3A_226 = arith.constant 9600 : i32
        %dma_start3A_227 = arith.constant 0 : i32
        %dma_start3A_228 = tpu.memref_slice %arg11[%dma_start3A_226, %dma_start3A_227] : memref<10000x64xf32, #tpu.memory_space<hbm>> -> memref<400x64xf32, #tpu.memory_space<hbm>>
        %dma_start3A_229 = arith.constant 9600 : i32
        %dma_start3A_230 = arith.constant 0 : i32
        %dma_start3A_231 = tpu.memref_slice %arg21[%dma_start3A_229, %dma_start3A_230] : memref<10008x64xf32, #tpu.memory_space<vmem_shared>> -> memref<400x64xf32, #tpu.memory_space<vmem_shared>>
        tpu.enqueue_dma source(%dma_start3A_231 : memref<400x64xf32, #tpu.memory_space<vmem_shared>>) target(%dma_start3A_228 : memref<400x64xf32, #tpu.memory_space<hbm>>) target_semaphore(%run_scoped3A : memref<!tpu.dma_semaphore, #tpu.memory_space<semaphore_mem>>)
        %dma_wait3A_232 = arith.constant 9600 : i32
        %dma_wait3A_233 = arith.constant 0 : i32
        %dma_wait3A_234 = tpu.memref_slice %arg11[%dma_wait3A_232, %dma_wait3A_233] : memref<10000x64xf32, #tpu.memory_space<hbm>> -> memref<400x64xf32, #tpu.memory_space<hbm>>
        %dma_wait3A_235 = arith.constant 9600 : i32
        %dma_wait3A_236 = arith.constant 0 : i32
        %dma_wait3A_237 = tpu.memref_slice %arg21[%dma_wait3A_235, %dma_wait3A_236] : memref<10008x64xf32, #tpu.memory_space<vmem_shared>> -> memref<400x64xf32, #tpu.memory_space<vmem_shared>>
        tpu.wait_dma2 semaphore(%run_scoped3A : memref<!tpu.dma_semaphore, #tpu.memory_space<semaphore_mem>>) src(%dma_wait3A_237 : memref<400x64xf32, #tpu.memory_space<vmem_shared>>) dst(%dma_wait3A_234 : memref<400x64xf32, #tpu.memory_space<hbm>>)
        tpu.yield
      }) : () -> ()
      "tpu.region"() ({
        %run_scoped3A = tpu.sem_alloc : memref<!tpu.dma_semaphore, #tpu.memory_space<semaphore_mem>>
        %dma_start3A_226 = arith.constant 9600 : i32
        %dma_start3A_227 = arith.constant 0 : i32
        %dma_start3A_228 = tpu.memref_slice %arg12[%dma_start3A_226, %dma_start3A_227] : memref<10000x32xf32, #tpu.memory_space<hbm>> -> memref<400x32xf32, #tpu.memory_space<hbm>>
        %dma_start3A_229 = arith.constant 9600 : i32
        %dma_start3A_230 = arith.constant 0 : i32
        %dma_start3A_231 = tpu.memref_slice %arg22[%dma_start3A_229, %dma_start3A_230] : memref<10008x32xf32, #tpu.memory_space<vmem_shared>> -> memref<400x32xf32, #tpu.memory_space<vmem_shared>>
        tpu.enqueue_dma source(%dma_start3A_231 : memref<400x32xf32, #tpu.memory_space<vmem_shared>>) target(%dma_start3A_228 : memref<400x32xf32, #tpu.memory_space<hbm>>) target_semaphore(%run_scoped3A : memref<!tpu.dma_semaphore, #tpu.memory_space<semaphore_mem>>)
        %dma_wait3A_232 = arith.constant 9600 : i32
        %dma_wait3A_233 = arith.constant 0 : i32
        %dma_wait3A_234 = tpu.memref_slice %arg12[%dma_wait3A_232, %dma_wait3A_233] : memref<10000x32xf32, #tpu.memory_space<hbm>> -> memref<400x32xf32, #tpu.memory_space<hbm>>
        %dma_wait3A_235 = arith.constant 9600 : i32
        %dma_wait3A_236 = arith.constant 0 : i32
        %dma_wait3A_237 = tpu.memref_slice %arg22[%dma_wait3A_235, %dma_wait3A_236] : memref<10008x32xf32, #tpu.memory_space<vmem_shared>> -> memref<400x32xf32, #tpu.memory_space<vmem_shared>>
        tpu.wait_dma2 semaphore(%run_scoped3A : memref<!tpu.dma_semaphore, #tpu.memory_space<semaphore_mem>>) src(%dma_wait3A_237 : memref<400x32xf32, #tpu.memory_space<vmem_shared>>) dst(%dma_wait3A_234 : memref<400x32xf32, #tpu.memory_space<hbm>>)
        tpu.yield
      }) : () -> ()
    } else {
    }
    %eq3A_221 = arith.constant 1 : i32
    %eq3A_222 = arith.cmpi eq, %arg0, %eq3A_221 : i32
    %convert_element_type3A_223 = arith.extui %eq3A_222 : i1 to i32
    %cond3A_224 = arith.constant 0 : i32
    %cond3A_225 = arith.cmpi ne, %convert_element_type3A_223, %cond3A_224 : i32
    scf.if %cond3A_225 {
      %mul3A_226 = arith.constant 128 : i32
      %mul3A_227 = arith.muli %arg1, %mul3A_226 : i32
      "tpu.region"() ({
        %run_scoped3A = tpu.sem_alloc : memref<!tpu.dma_semaphore, #tpu.memory_space<semaphore_mem>>
        %dma_start3A_228 = arith.constant 0 : i32
        %dma_start3A_229 = tpu.memref_slice %arg13[%mul3A_227, %dma_start3A_228] : memref<2048x64xf32, #tpu.memory_space<hbm>> -> memref<128x64xf32, #tpu.memory_space<hbm>>
        %dma_start3A_230 = arith.constant 0 : i32
        %dma_start3A_231 = tpu.memref_slice %arg21[%mul3A_227, %dma_start3A_230] : memref<10008x64xf32, #tpu.memory_space<vmem_shared>> -> memref<128x64xf32, #tpu.memory_space<vmem_shared>>
        tpu.enqueue_dma source(%dma_start3A_231 : memref<128x64xf32, #tpu.memory_space<vmem_shared>>) target(%dma_start3A_229 : memref<128x64xf32, #tpu.memory_space<hbm>>) target_semaphore(%run_scoped3A : memref<!tpu.dma_semaphore, #tpu.memory_space<semaphore_mem>>)
        %dma_wait3A_232 = arith.constant 0 : i32
        %dma_wait3A_233 = tpu.memref_slice %arg13[%mul3A_227, %dma_wait3A_232] : memref<2048x64xf32, #tpu.memory_space<hbm>> -> memref<128x64xf32, #tpu.memory_space<hbm>>
        %dma_wait3A_234 = arith.constant 0 : i32
        %dma_wait3A_235 = tpu.memref_slice %arg21[%mul3A_227, %dma_wait3A_234] : memref<10008x64xf32, #tpu.memory_space<vmem_shared>> -> memref<128x64xf32, #tpu.memory_space<vmem_shared>>
        tpu.wait_dma2 semaphore(%run_scoped3A : memref<!tpu.dma_semaphore, #tpu.memory_space<semaphore_mem>>) src(%dma_wait3A_235 : memref<128x64xf32, #tpu.memory_space<vmem_shared>>) dst(%dma_wait3A_233 : memref<128x64xf32, #tpu.memory_space<hbm>>)
        tpu.yield
      }) : () -> ()
      "tpu.region"() ({
        %run_scoped3A = tpu.sem_alloc : memref<!tpu.dma_semaphore, #tpu.memory_space<semaphore_mem>>
        %dma_start3A_228 = arith.constant 0 : i32
        %dma_start3A_229 = tpu.memref_slice %arg14[%mul3A_227, %dma_start3A_228] : memref<2048x32xf32, #tpu.memory_space<hbm>> -> memref<128x32xf32, #tpu.memory_space<hbm>>
        %dma_start3A_230 = arith.constant 0 : i32
        %dma_start3A_231 = tpu.memref_slice %arg22[%mul3A_227, %dma_start3A_230] : memref<10008x32xf32, #tpu.memory_space<vmem_shared>> -> memref<128x32xf32, #tpu.memory_space<vmem_shared>>
        tpu.enqueue_dma source(%dma_start3A_231 : memref<128x32xf32, #tpu.memory_space<vmem_shared>>) target(%dma_start3A_229 : memref<128x32xf32, #tpu.memory_space<hbm>>) target_semaphore(%run_scoped3A : memref<!tpu.dma_semaphore, #tpu.memory_space<semaphore_mem>>)
        %dma_wait3A_232 = arith.constant 0 : i32
        %dma_wait3A_233 = tpu.memref_slice %arg14[%mul3A_227, %dma_wait3A_232] : memref<2048x32xf32, #tpu.memory_space<hbm>> -> memref<128x32xf32, #tpu.memory_space<hbm>>
        %dma_wait3A_234 = arith.constant 0 : i32
        %dma_wait3A_235 = tpu.memref_slice %arg22[%mul3A_227, %dma_wait3A_234] : memref<10008x32xf32, #tpu.memory_space<vmem_shared>> -> memref<128x32xf32, #tpu.memory_space<vmem_shared>>
        tpu.wait_dma2 semaphore(%run_scoped3A : memref<!tpu.dma_semaphore, #tpu.memory_space<semaphore_mem>>) src(%dma_wait3A_235 : memref<128x32xf32, #tpu.memory_space<vmem_shared>>) dst(%dma_wait3A_233 : memref<128x32xf32, #tpu.memory_space<hbm>>)
        tpu.yield
      }) : () -> ()
    } else {
    }
    return
  }
}

#map = affine_map<(d0, d1) -> (0)>
#map1 = affine_map<(d0, d1) -> (0, 0)>
module attributes {stable_mosaic.version = 14 : i64} {
  func.func @_sc_gather_body(%arg0: i32, %arg1: i32, %arg2: memref<4096xi32, #tpu.memory_space<hbm>>, %arg3: memref<4096xi32, #tpu.memory_space<hbm>>, %arg4: memref<2048x128xf32, #tpu.memory_space<hbm>>, %arg5: memref<10000x128xf32, #tpu.memory_space<hbm>>, %arg6: memref<4096x128xf32, #tpu.memory_space<hbm>>, %arg7: memref<4096x128xf32, #tpu.memory_space<hbm>>, %arg8: memref<128xi32, #tpu.memory_space<vmem>>, %arg9: memref<128x128xf32, #tpu.memory_space<vmem>>) attributes {dimension_semantics = [#tpu.dimension_semantics<core_parallel>, #tpu.dimension_semantics<subcore_parallel>], iteration_bounds = array<i64: 2, 16>, scalar_prefetch = 0 : i64, scratch_operands = 2 : i64, tpu.core_type = #tpu.core_type<sc_vector_subcore>, window_params = [{transform_indices = #map}, {transform_indices = #map}, {transform_indices = #map1}, {transform_indices = #map1}, {transform_indices = #map1}, {transform_indices = #map1}]} {
    %mul3A = arith.constant 2 : i32
    %mul3A_0 = arith.muli %arg1, %mul3A : i32
    %add3A = arith.addi %mul3A_0, %arg0 : i32
    %mul3A_1 = arith.constant 128 : i32
    %mul3A_2 = arith.muli %add3A, %mul3A_1 : i32
    "tpu.region"() ({
      %run_scoped3A = tpu.sem_alloc : memref<!tpu.dma_semaphore, #tpu.memory_space<semaphore_mem>>
      %dma_start3A = tpu.memref_slice %arg2[%mul3A_2] : memref<4096xi32, #tpu.memory_space<hbm>> -> memref<128xi32, #tpu.memory_space<hbm>>
      %dma_start3A_3 = tpu.memref_slice %arg2[%mul3A_2] : memref<4096xi32, #tpu.memory_space<hbm>> -> memref<128xi32, #tpu.memory_space<hbm>>
      tpu.enqueue_dma source(%dma_start3A_3 : memref<128xi32, #tpu.memory_space<hbm>>) target(%arg8 : memref<128xi32, #tpu.memory_space<vmem>>) target_semaphore(%run_scoped3A : memref<!tpu.dma_semaphore, #tpu.memory_space<semaphore_mem>>)
      %dma_wait3A = tpu.memref_slice %arg2[%mul3A_2] : memref<4096xi32, #tpu.memory_space<hbm>> -> memref<128xi32, #tpu.memory_space<hbm>>
      %dma_wait3A_4 = tpu.memref_slice %arg2[%mul3A_2] : memref<4096xi32, #tpu.memory_space<hbm>> -> memref<128xi32, #tpu.memory_space<hbm>>
      tpu.wait_dma2 semaphore(%run_scoped3A : memref<!tpu.dma_semaphore, #tpu.memory_space<semaphore_mem>>) src(%dma_wait3A_4 : memref<128xi32, #tpu.memory_space<hbm>>) dst(%arg8 : memref<128xi32, #tpu.memory_space<vmem>>)
      tpu.yield
    }) : () -> ()
    "tpu.region"() ({
      %run_scoped3A = tpu.sem_alloc : memref<!tpu.dma_semaphore, #tpu.memory_space<semaphore_mem>>
      %dma_start3A = arith.constant 0 : i32
      %dma_start3A_3 = arith.constant 0 : i32
      %dma_start3A_4 = tpu.memref_slice %arg4[%dma_start3A, %dma_start3A_3] : memref<2048x128xf32, #tpu.memory_space<hbm>> -> memref<2048x128xf32, #tpu.memory_space<hbm>>
      tpu.enqueue_indirect_dma source(%dma_start3A_4 : memref<2048x128xf32, #tpu.memory_space<hbm>>) target(%arg9 : memref<128x128xf32, #tpu.memory_space<vmem>>) offsets(%arg8 : memref<128xi32, #tpu.memory_space<vmem>>) semaphore(%run_scoped3A : memref<!tpu.dma_semaphore, #tpu.memory_space<semaphore_mem>>)
      %dma_wait3A = arith.constant 0 : i32
      %dma_wait3A_5 = arith.constant 0 : i32
      %dma_wait3A_6 = tpu.memref_slice %arg4[%dma_wait3A, %dma_wait3A_5] : memref<2048x128xf32, #tpu.memory_space<hbm>> -> memref<2048x128xf32, #tpu.memory_space<hbm>>
      tpu.wait_indirect_dma semaphore(%run_scoped3A : memref<!tpu.dma_semaphore, #tpu.memory_space<semaphore_mem>>) src(%dma_wait3A_6 : memref<2048x128xf32, #tpu.memory_space<hbm>>) dst(%arg9 : memref<128x128xf32, #tpu.memory_space<vmem>>)
      tpu.yield
    }) : () -> ()
    "tpu.region"() ({
      %run_scoped3A = tpu.sem_alloc : memref<!tpu.dma_semaphore, #tpu.memory_space<semaphore_mem>>
      %dma_start3A = arith.constant 0 : i32
      %dma_start3A_3 = tpu.memref_slice %arg6[%mul3A_2, %dma_start3A] : memref<4096x128xf32, #tpu.memory_space<hbm>> -> memref<128x128xf32, #tpu.memory_space<hbm>>
      %dma_start3A_4 = arith.constant 0 : i32
      %dma_start3A_5 = tpu.memref_slice %arg6[%mul3A_2, %dma_start3A_4] : memref<4096x128xf32, #tpu.memory_space<hbm>> -> memref<128x128xf32, #tpu.memory_space<hbm>>
      tpu.enqueue_dma source(%arg9 : memref<128x128xf32, #tpu.memory_space<vmem>>) target(%dma_start3A_5 : memref<128x128xf32, #tpu.memory_space<hbm>>) target_semaphore(%run_scoped3A : memref<!tpu.dma_semaphore, #tpu.memory_space<semaphore_mem>>)
      %dma_wait3A = arith.constant 0 : i32
      %dma_wait3A_6 = tpu.memref_slice %arg6[%mul3A_2, %dma_wait3A] : memref<4096x128xf32, #tpu.memory_space<hbm>> -> memref<128x128xf32, #tpu.memory_space<hbm>>
      %dma_wait3A_7 = arith.constant 0 : i32
      %dma_wait3A_8 = tpu.memref_slice %arg6[%mul3A_2, %dma_wait3A_7] : memref<4096x128xf32, #tpu.memory_space<hbm>> -> memref<128x128xf32, #tpu.memory_space<hbm>>
      tpu.wait_dma2 semaphore(%run_scoped3A : memref<!tpu.dma_semaphore, #tpu.memory_space<semaphore_mem>>) src(%arg9 : memref<128x128xf32, #tpu.memory_space<vmem>>) dst(%dma_wait3A_8 : memref<128x128xf32, #tpu.memory_space<hbm>>)
      tpu.yield
    }) : () -> ()
    "tpu.region"() ({
      %run_scoped3A = tpu.sem_alloc : memref<!tpu.dma_semaphore, #tpu.memory_space<semaphore_mem>>
      %dma_start3A = tpu.memref_slice %arg3[%mul3A_2] : memref<4096xi32, #tpu.memory_space<hbm>> -> memref<128xi32, #tpu.memory_space<hbm>>
      %dma_start3A_3 = tpu.memref_slice %arg3[%mul3A_2] : memref<4096xi32, #tpu.memory_space<hbm>> -> memref<128xi32, #tpu.memory_space<hbm>>
      tpu.enqueue_dma source(%dma_start3A_3 : memref<128xi32, #tpu.memory_space<hbm>>) target(%arg8 : memref<128xi32, #tpu.memory_space<vmem>>) target_semaphore(%run_scoped3A : memref<!tpu.dma_semaphore, #tpu.memory_space<semaphore_mem>>)
      %dma_wait3A = tpu.memref_slice %arg3[%mul3A_2] : memref<4096xi32, #tpu.memory_space<hbm>> -> memref<128xi32, #tpu.memory_space<hbm>>
      %dma_wait3A_4 = tpu.memref_slice %arg3[%mul3A_2] : memref<4096xi32, #tpu.memory_space<hbm>> -> memref<128xi32, #tpu.memory_space<hbm>>
      tpu.wait_dma2 semaphore(%run_scoped3A : memref<!tpu.dma_semaphore, #tpu.memory_space<semaphore_mem>>) src(%dma_wait3A_4 : memref<128xi32, #tpu.memory_space<hbm>>) dst(%arg8 : memref<128xi32, #tpu.memory_space<vmem>>)
      tpu.yield
    }) : () -> ()
    "tpu.region"() ({
      %run_scoped3A = tpu.sem_alloc : memref<!tpu.dma_semaphore, #tpu.memory_space<semaphore_mem>>
      %dma_start3A = arith.constant 0 : i32
      %dma_start3A_3 = arith.constant 0 : i32
      %dma_start3A_4 = tpu.memref_slice %arg5[%dma_start3A, %dma_start3A_3] : memref<10000x128xf32, #tpu.memory_space<hbm>> -> memref<10000x128xf32, #tpu.memory_space<hbm>>
      tpu.enqueue_indirect_dma source(%dma_start3A_4 : memref<10000x128xf32, #tpu.memory_space<hbm>>) target(%arg9 : memref<128x128xf32, #tpu.memory_space<vmem>>) offsets(%arg8 : memref<128xi32, #tpu.memory_space<vmem>>) semaphore(%run_scoped3A : memref<!tpu.dma_semaphore, #tpu.memory_space<semaphore_mem>>)
      %dma_wait3A = arith.constant 0 : i32
      %dma_wait3A_5 = arith.constant 0 : i32
      %dma_wait3A_6 = tpu.memref_slice %arg5[%dma_wait3A, %dma_wait3A_5] : memref<10000x128xf32, #tpu.memory_space<hbm>> -> memref<10000x128xf32, #tpu.memory_space<hbm>>
      tpu.wait_indirect_dma semaphore(%run_scoped3A : memref<!tpu.dma_semaphore, #tpu.memory_space<semaphore_mem>>) src(%dma_wait3A_6 : memref<10000x128xf32, #tpu.memory_space<hbm>>) dst(%arg9 : memref<128x128xf32, #tpu.memory_space<vmem>>)
      tpu.yield
    }) : () -> ()
    "tpu.region"() ({
      %run_scoped3A = tpu.sem_alloc : memref<!tpu.dma_semaphore, #tpu.memory_space<semaphore_mem>>
      %dma_start3A = arith.constant 0 : i32
      %dma_start3A_3 = tpu.memref_slice %arg7[%mul3A_2, %dma_start3A] : memref<4096x128xf32, #tpu.memory_space<hbm>> -> memref<128x128xf32, #tpu.memory_space<hbm>>
      %dma_start3A_4 = arith.constant 0 : i32
      %dma_start3A_5 = tpu.memref_slice %arg7[%mul3A_2, %dma_start3A_4] : memref<4096x128xf32, #tpu.memory_space<hbm>> -> memref<128x128xf32, #tpu.memory_space<hbm>>
      tpu.enqueue_dma source(%arg9 : memref<128x128xf32, #tpu.memory_space<vmem>>) target(%dma_start3A_5 : memref<128x128xf32, #tpu.memory_space<hbm>>) target_semaphore(%run_scoped3A : memref<!tpu.dma_semaphore, #tpu.memory_space<semaphore_mem>>)
      %dma_wait3A = arith.constant 0 : i32
      %dma_wait3A_6 = tpu.memref_slice %arg7[%mul3A_2, %dma_wait3A] : memref<4096x128xf32, #tpu.memory_space<hbm>> -> memref<128x128xf32, #tpu.memory_space<hbm>>
      %dma_wait3A_7 = arith.constant 0 : i32
      %dma_wait3A_8 = tpu.memref_slice %arg7[%mul3A_2, %dma_wait3A_7] : memref<4096x128xf32, #tpu.memory_space<hbm>> -> memref<128x128xf32, #tpu.memory_space<hbm>>
      tpu.wait_dma2 semaphore(%run_scoped3A : memref<!tpu.dma_semaphore, #tpu.memory_space<semaphore_mem>>) src(%arg9 : memref<128x128xf32, #tpu.memory_space<vmem>>) dst(%dma_wait3A_8 : memref<128x128xf32, #tpu.memory_space<hbm>>)
      tpu.yield
    }) : () -> ()
    return
  }
}

module attributes {stable_mosaic.version = 14 : i64} {
  func.func @_feat_node_body(%arg0: i32, %arg1: memref<2000x4xi32, #tpu.memory_space<vmem>>, %arg2: memref<2000x8xf32, #tpu.memory_space<vmem>>, %arg3: memref<2000x10xf32, #tpu.memory_space<vmem>>, %arg4: memref<4x100x10xf32, #tpu.memory_space<vmem>>, %arg5: memref<8x10xf32, #tpu.memory_space<vmem>>, %arg6: memref<2000x64xf32, #tpu.memory_space<vmem>>) attributes {dimension_semantics = [#tpu.dimension_semantics<arbitrary>], iteration_bounds = array<i64: 5>, scalar_prefetch = 0 : i64, scratch_operands = 0 : i64, tpu.core_type = #tpu.core_type<tc>, window_params = [{transform_indices = @transform_0, window_bounds = array<i64: 2000, 4>}, {transform_indices = @transform_1, window_bounds = array<i64: 2000, 8>}, {transform_indices = @transform_2, window_bounds = array<i64: 2000, 10>}, {pipeline_mode = #tpu.pipeline_mode<synchronous>, transform_indices = @transform_3, window_bounds = array<i64: 4, 100, 10>}, {pipeline_mode = #tpu.pipeline_mode<synchronous>, transform_indices = @transform_4, window_bounds = array<i64: 8, 10>}, {transform_indices = @transform_5, window_bounds = array<i64: 2000, 64>}]} {
    %get3A = arith.constant 0 : index
    %get3A_0 = arith.constant 0 : index
    %get3A_1 = vector.load %arg1[%get3A, %get3A_0] : memref<2000x4xi32, #tpu.memory_space<vmem>>, vector<2000x4xi32>
    %get3A_2 = arith.constant 0 : index
    %get3A_3 = arith.constant 0 : index
    %get3A_4 = vector.load %arg3[%get3A_2, %get3A_3] : memref<2000x10xf32, #tpu.memory_space<vmem>>, vector<2000x10xf32>
    %slice3A = vector.extract_strided_slice %get3A_1 {offsets = [0, 0], sizes = [2000, 1], strides = [1, 1]} : vector<2000x4xi32> to vector<2000x1xi32>
    %iota3A = tpu.iota {dimensions = array<i32: 1>} : vector<2000x100xi32>
    %eq3A = vector.broadcast %slice3A : vector<2000x1xi32> to vector<2000x100xi32>
    %eq3A_5 = arith.cmpi eq, %eq3A, %iota3A : vector<2000x100xi32>
    %convert_element_type3A = arith.extui %eq3A_5 : vector<2000x100xi1> to vector<2000x100xi32>
    %convert_element_type3A_6 = arith.sitofp %convert_element_type3A : vector<2000x100xi32> to vector<2000x100xf32>
    %get3A_7 = arith.constant 0 : index
    %get3A_8 = arith.constant 0 : index
    %get3A_9 = arith.constant 0 : index
    %get3A_10 = vector.load %arg4[%get3A_7, %get3A_8, %get3A_9] : memref<4x100x10xf32, #tpu.memory_space<vmem>>, vector<1x100x10xf32>
    %get3A_11 = vector.shape_cast %get3A_10 : vector<1x100x10xf32> to vector<100x10xf32>
    %dot_general3A = arith.constant dense<0.000000e+00> : vector<2000x10xf32>
    %dot_general3A_12 = tpu.matmul %convert_element_type3A_6, %get3A_11, %dot_general3A {dimension_numbers = #tpu.dot_dimension_numbers<[1], [0], [0], [1], [0, 0, 1, 1], [], []>, transpose_lhs_hint = false} : vector<2000x100xf32>, vector<100x10xf32>, vector<2000x10xf32> -> vector<2000x10xf32>
    %slice3A_13 = vector.extract_strided_slice %get3A_1 {offsets = [0, 1], sizes = [2000, 1], strides = [1, 1]} : vector<2000x4xi32> to vector<2000x1xi32>
    %iota3A_14 = tpu.iota {dimensions = array<i32: 1>} : vector<2000x100xi32>
    %eq3A_15 = vector.broadcast %slice3A_13 : vector<2000x1xi32> to vector<2000x100xi32>
    %eq3A_16 = arith.cmpi eq, %eq3A_15, %iota3A_14 : vector<2000x100xi32>
    %convert_element_type3A_17 = arith.extui %eq3A_16 : vector<2000x100xi1> to vector<2000x100xi32>
    %convert_element_type3A_18 = arith.sitofp %convert_element_type3A_17 : vector<2000x100xi32> to vector<2000x100xf32>
    %get3A_19 = arith.constant 1 : index
    %get3A_20 = arith.constant 0 : index
    %get3A_21 = arith.constant 0 : index
    %get3A_22 = vector.load %arg4[%get3A_19, %get3A_20, %get3A_21] : memref<4x100x10xf32, #tpu.memory_space<vmem>>, vector<1x100x10xf32>
    %get3A_23 = vector.shape_cast %get3A_22 : vector<1x100x10xf32> to vector<100x10xf32>
    %dot_general3A_24 = arith.constant dense<0.000000e+00> : vector<2000x10xf32>
    %dot_general3A_25 = tpu.matmul %convert_element_type3A_18, %get3A_23, %dot_general3A_24 {dimension_numbers = #tpu.dot_dimension_numbers<[1], [0], [0], [1], [0, 0, 1, 1], [], []>, transpose_lhs_hint = false} : vector<2000x100xf32>, vector<100x10xf32>, vector<2000x10xf32> -> vector<2000x10xf32>
    %slice3A_26 = vector.extract_strided_slice %get3A_1 {offsets = [0, 2], sizes = [2000, 1], strides = [1, 1]} : vector<2000x4xi32> to vector<2000x1xi32>
    %iota3A_27 = tpu.iota {dimensions = array<i32: 1>} : vector<2000x100xi32>
    %eq3A_28 = vector.broadcast %slice3A_26 : vector<2000x1xi32> to vector<2000x100xi32>
    %eq3A_29 = arith.cmpi eq, %eq3A_28, %iota3A_27 : vector<2000x100xi32>
    %convert_element_type3A_30 = arith.extui %eq3A_29 : vector<2000x100xi1> to vector<2000x100xi32>
    %convert_element_type3A_31 = arith.sitofp %convert_element_type3A_30 : vector<2000x100xi32> to vector<2000x100xf32>
    %get3A_32 = arith.constant 2 : index
    %get3A_33 = arith.constant 0 : index
    %get3A_34 = arith.constant 0 : index
    %get3A_35 = vector.load %arg4[%get3A_32, %get3A_33, %get3A_34] : memref<4x100x10xf32, #tpu.memory_space<vmem>>, vector<1x100x10xf32>
    %get3A_36 = vector.shape_cast %get3A_35 : vector<1x100x10xf32> to vector<100x10xf32>
    %dot_general3A_37 = arith.constant dense<0.000000e+00> : vector<2000x10xf32>
    %dot_general3A_38 = tpu.matmul %convert_element_type3A_31, %get3A_36, %dot_general3A_37 {dimension_numbers = #tpu.dot_dimension_numbers<[1], [0], [0], [1], [0, 0, 1, 1], [], []>, transpose_lhs_hint = false} : vector<2000x100xf32>, vector<100x10xf32>, vector<2000x10xf32> -> vector<2000x10xf32>
    %slice3A_39 = vector.extract_strided_slice %get3A_1 {offsets = [0, 3], sizes = [2000, 1], strides = [1, 1]} : vector<2000x4xi32> to vector<2000x1xi32>
    %iota3A_40 = tpu.iota {dimensions = array<i32: 1>} : vector<2000x100xi32>
    %eq3A_41 = vector.broadcast %slice3A_39 : vector<2000x1xi32> to vector<2000x100xi32>
    %eq3A_42 = arith.cmpi eq, %eq3A_41, %iota3A_40 : vector<2000x100xi32>
    %convert_element_type3A_43 = arith.extui %eq3A_42 : vector<2000x100xi1> to vector<2000x100xi32>
    %convert_element_type3A_44 = arith.sitofp %convert_element_type3A_43 : vector<2000x100xi32> to vector<2000x100xf32>
    %get3A_45 = arith.constant 3 : index
    %get3A_46 = arith.constant 0 : index
    %get3A_47 = arith.constant 0 : index
    %get3A_48 = vector.load %arg4[%get3A_45, %get3A_46, %get3A_47] : memref<4x100x10xf32, #tpu.memory_space<vmem>>, vector<1x100x10xf32>
    %get3A_49 = vector.shape_cast %get3A_48 : vector<1x100x10xf32> to vector<100x10xf32>
    %dot_general3A_50 = arith.constant dense<0.000000e+00> : vector<2000x10xf32>
    %dot_general3A_51 = tpu.matmul %convert_element_type3A_44, %get3A_49, %dot_general3A_50 {dimension_numbers = #tpu.dot_dimension_numbers<[1], [0], [0], [1], [0, 0, 1, 1], [], []>, transpose_lhs_hint = false} : vector<2000x100xf32>, vector<100x10xf32>, vector<2000x10xf32> -> vector<2000x10xf32>
    %get3A_52 = arith.constant 0 : index
    %get3A_53 = arith.constant 0 : index
    %get3A_54 = vector.load %arg2[%get3A_52, %get3A_53] : memref<2000x8xf32, #tpu.memory_space<vmem>>, vector<2000x8xf32>
    %get3A_55 = arith.constant 0 : index
    %get3A_56 = arith.constant 0 : index
    %get3A_57 = vector.load %arg5[%get3A_55, %get3A_56] : memref<8x10xf32, #tpu.memory_space<vmem>>, vector<8x10xf32>
    %dot_general3A_58 = arith.constant dense<0.000000e+00> : vector<2000x10xf32>
    %dot_general3A_59 = tpu.matmul %get3A_54, %get3A_57, %dot_general3A_58 {dimension_numbers = #tpu.dot_dimension_numbers<[1], [0], [0], [1], [0, 0, 1, 1], [], []>, transpose_lhs_hint = false} : vector<2000x8xf32>, vector<8x10xf32>, vector<2000x10xf32> -> vector<2000x10xf32>
    %broadcast_in_dim3A = arith.constant 0.000000e+00 : f32
    %broadcast_in_dim3A_60 = vector.broadcast %broadcast_in_dim3A : f32 to vector<2000x4xf32>
    %concatenate3A = tpu.concatenate %get3A_4, %dot_general3A_12, %dot_general3A_25, %dot_general3A_38, %dot_general3A_51, %dot_general3A_59, %broadcast_in_dim3A_60 in 1 : vector<2000x10xf32>, vector<2000x10xf32>, vector<2000x10xf32>, vector<2000x10xf32>, vector<2000x10xf32>, vector<2000x10xf32>, vector<2000x4xf32> -> vector<2000x64xf32>
    %swap3A = arith.constant 0 : index
    %swap3A_61 = arith.constant 0 : index
    %swap3A_62 = vector.load %arg6[%swap3A, %swap3A_61] : memref<2000x64xf32, #tpu.memory_space<vmem>>, vector<2000x64xf32>
    tpu.vector_store %arg6[%swap3A, %swap3A_61], %concatenate3A {strides = array<i32>} : memref<2000x64xf32, #tpu.memory_space<vmem>>, vector<2000x64xf32>,
    return
  }
  func.func @transform_0(%arg0: i32) -> (i32, i32) {
    %c0_i32 = arith.constant 0 : i32
    %c0_i32_0 = arith.constant 0 : i32
    return %arg0, %c0_i32 : i32, i32
  }
  func.func @transform_1(%arg0: i32) -> (i32, i32) {
    %c0_i32 = arith.constant 0 : i32
    %c0_i32_0 = arith.constant 0 : i32
    return %arg0, %c0_i32 : i32, i32
  }
  func.func @transform_2(%arg0: i32) -> (i32, i32) {
    %c0_i32 = arith.constant 0 : i32
    %c0_i32_0 = arith.constant 0 : i32
    return %arg0, %c0_i32 : i32, i32
  }
  func.func @transform_3(%arg0: i32) -> (i32, i32, i32) {
    %c0_i32 = arith.constant 0 : i32
    %c0_i32_0 = arith.constant 0 : i32
    %c0_i32_1 = arith.constant 0 : i32
    %c0_i32_2 = arith.constant 0 : i32
    return %c0_i32, %c0_i32_0, %c0_i32_1 : i32, i32, i32
  }
  func.func @transform_4(%arg0: i32) -> (i32, i32) {
    %c0_i32 = arith.constant 0 : i32
    %c0_i32_0 = arith.constant 0 : i32
    %c0_i32_1 = arith.constant 0 : i32
    return %c0_i32, %c0_i32_0 : i32, i32
  }
  func.func @transform_5(%arg0: i32) -> (i32, i32) {
    %c0_i32 = arith.constant 0 : i32
    %c0_i32_0 = arith.constant 0 : i32
    return %arg0, %c0_i32 : i32, i32
  }
}

module attributes {stable_mosaic.version = 14 : i64} {
  func.func @_feat_adm_body(%arg0: memref<2048x4xi32, #tpu.memory_space<vmem>>, %arg1: memref<2048x8xf32, #tpu.memory_space<vmem>>, %arg2: memref<4x100x10xf32, #tpu.memory_space<vmem>>, %arg3: memref<8x10xf32, #tpu.memory_space<vmem>>, %arg4: memref<2048x64xf32, #tpu.memory_space<vmem>>) attributes {dimension_semantics = [], scalar_prefetch = 0 : i64, scratch_operands = 0 : i64, tpu.core_type = #tpu.core_type<tc>} {
    %get3A = arith.constant 0 : index
    %get3A_0 = arith.constant 0 : index
    %get3A_1 = vector.load %arg0[%get3A, %get3A_0] : memref<2048x4xi32, #tpu.memory_space<vmem>>, vector<2048x4xi32>
    %slice3A = vector.extract_strided_slice %get3A_1 {offsets = [0, 0], sizes = [2048, 1], strides = [1, 1]} : vector<2048x4xi32> to vector<2048x1xi32>
    %iota3A = tpu.iota {dimensions = array<i32: 1>} : vector<2048x100xi32>
    %eq3A = vector.broadcast %slice3A : vector<2048x1xi32> to vector<2048x100xi32>
    %eq3A_2 = arith.cmpi eq, %eq3A, %iota3A : vector<2048x100xi32>
    %convert_element_type3A = arith.extui %eq3A_2 : vector<2048x100xi1> to vector<2048x100xi32>
    %convert_element_type3A_3 = arith.sitofp %convert_element_type3A : vector<2048x100xi32> to vector<2048x100xf32>
    %get3A_4 = arith.constant 0 : index
    %get3A_5 = arith.constant 0 : index
    %get3A_6 = arith.constant 0 : index
    %get3A_7 = vector.load %arg2[%get3A_4, %get3A_5, %get3A_6] : memref<4x100x10xf32, #tpu.memory_space<vmem>>, vector<1x100x10xf32>
    %get3A_8 = vector.shape_cast %get3A_7 : vector<1x100x10xf32> to vector<100x10xf32>
    %dot_general3A = arith.constant dense<0.000000e+00> : vector<2048x10xf32>
    %dot_general3A_9 = tpu.matmul %convert_element_type3A_3, %get3A_8, %dot_general3A {dimension_numbers = #tpu.dot_dimension_numbers<[1], [0], [0], [1], [0, 0, 1, 1], [], []>, transpose_lhs_hint = false} : vector<2048x100xf32>, vector<100x10xf32>, vector<2048x10xf32> -> vector<2048x10xf32>
    %slice3A_10 = vector.extract_strided_slice %get3A_1 {offsets = [0, 1], sizes = [2048, 1], strides = [1, 1]} : vector<2048x4xi32> to vector<2048x1xi32>
    %iota3A_11 = tpu.iota {dimensions = array<i32: 1>} : vector<2048x100xi32>
    %eq3A_12 = vector.broadcast %slice3A_10 : vector<2048x1xi32> to vector<2048x100xi32>
    %eq3A_13 = arith.cmpi eq, %eq3A_12, %iota3A_11 : vector<2048x100xi32>
    %convert_element_type3A_14 = arith.extui %eq3A_13 : vector<2048x100xi1> to vector<2048x100xi32>
    %convert_element_type3A_15 = arith.sitofp %convert_element_type3A_14 : vector<2048x100xi32> to vector<2048x100xf32>
    %get3A_16 = arith.constant 1 : index
    %get3A_17 = arith.constant 0 : index
    %get3A_18 = arith.constant 0 : index
    %get3A_19 = vector.load %arg2[%get3A_16, %get3A_17, %get3A_18] : memref<4x100x10xf32, #tpu.memory_space<vmem>>, vector<1x100x10xf32>
    %get3A_20 = vector.shape_cast %get3A_19 : vector<1x100x10xf32> to vector<100x10xf32>
    %dot_general3A_21 = arith.constant dense<0.000000e+00> : vector<2048x10xf32>
    %dot_general3A_22 = tpu.matmul %convert_element_type3A_15, %get3A_20, %dot_general3A_21 {dimension_numbers = #tpu.dot_dimension_numbers<[1], [0], [0], [1], [0, 0, 1, 1], [], []>, transpose_lhs_hint = false} : vector<2048x100xf32>, vector<100x10xf32>, vector<2048x10xf32> -> vector<2048x10xf32>
    %slice3A_23 = vector.extract_strided_slice %get3A_1 {offsets = [0, 2], sizes = [2048, 1], strides = [1, 1]} : vector<2048x4xi32> to vector<2048x1xi32>
    %iota3A_24 = tpu.iota {dimensions = array<i32: 1>} : vector<2048x100xi32>
    %eq3A_25 = vector.broadcast %slice3A_23 : vector<2048x1xi32> to vector<2048x100xi32>
    %eq3A_26 = arith.cmpi eq, %eq3A_25, %iota3A_24 : vector<2048x100xi32>
    %convert_element_type3A_27 = arith.extui %eq3A_26 : vector<2048x100xi1> to vector<2048x100xi32>
    %convert_element_type3A_28 = arith.sitofp %convert_element_type3A_27 : vector<2048x100xi32> to vector<2048x100xf32>
    %get3A_29 = arith.constant 2 : index
    %get3A_30 = arith.constant 0 : index
    %get3A_31 = arith.constant 0 : index
    %get3A_32 = vector.load %arg2[%get3A_29, %get3A_30, %get3A_31] : memref<4x100x10xf32, #tpu.memory_space<vmem>>, vector<1x100x10xf32>
    %get3A_33 = vector.shape_cast %get3A_32 : vector<1x100x10xf32> to vector<100x10xf32>
    %dot_general3A_34 = arith.constant dense<0.000000e+00> : vector<2048x10xf32>
    %dot_general3A_35 = tpu.matmul %convert_element_type3A_28, %get3A_33, %dot_general3A_34 {dimension_numbers = #tpu.dot_dimension_numbers<[1], [0], [0], [1], [0, 0, 1, 1], [], []>, transpose_lhs_hint = false} : vector<2048x100xf32>, vector<100x10xf32>, vector<2048x10xf32> -> vector<2048x10xf32>
    %slice3A_36 = vector.extract_strided_slice %get3A_1 {offsets = [0, 3], sizes = [2048, 1], strides = [1, 1]} : vector<2048x4xi32> to vector<2048x1xi32>
    %iota3A_37 = tpu.iota {dimensions = array<i32: 1>} : vector<2048x100xi32>
    %eq3A_38 = vector.broadcast %slice3A_36 : vector<2048x1xi32> to vector<2048x100xi32>
    %eq3A_39 = arith.cmpi eq, %eq3A_38, %iota3A_37 : vector<2048x100xi32>
    %convert_element_type3A_40 = arith.extui %eq3A_39 : vector<2048x100xi1> to vector<2048x100xi32>
    %convert_element_type3A_41 = arith.sitofp %convert_element_type3A_40 : vector<2048x100xi32> to vector<2048x100xf32>
    %get3A_42 = arith.constant 3 : index
    %get3A_43 = arith.constant 0 : index
    %get3A_44 = arith.constant 0 : index
    %get3A_45 = vector.load %arg2[%get3A_42, %get3A_43, %get3A_44] : memref<4x100x10xf32, #tpu.memory_space<vmem>>, vector<1x100x10xf32>
    %get3A_46 = vector.shape_cast %get3A_45 : vector<1x100x10xf32> to vector<100x10xf32>
    %dot_general3A_47 = arith.constant dense<0.000000e+00> : vector<2048x10xf32>
    %dot_general3A_48 = tpu.matmul %convert_element_type3A_41, %get3A_46, %dot_general3A_47 {dimension_numbers = #tpu.dot_dimension_numbers<[1], [0], [0], [1], [0, 0, 1, 1], [], []>, transpose_lhs_hint = false} : vector<2048x100xf32>, vector<100x10xf32>, vector<2048x10xf32> -> vector<2048x10xf32>
    %get3A_49 = arith.constant 0 : index
    %get3A_50 = arith.constant 0 : index
    %get3A_51 = vector.load %arg1[%get3A_49, %get3A_50] : memref<2048x8xf32, #tpu.memory_space<vmem>>, vector<2048x8xf32>
    %get3A_52 = arith.constant 0 : index
    %get3A_53 = arith.constant 0 : index
    %get3A_54 = vector.load %arg3[%get3A_52, %get3A_53] : memref<8x10xf32, #tpu.memory_space<vmem>>, vector<8x10xf32>
    %dot_general3A_55 = arith.constant dense<0.000000e+00> : vector<2048x10xf32>
    %dot_general3A_56 = tpu.matmul %get3A_51, %get3A_54, %dot_general3A_55 {dimension_numbers = #tpu.dot_dimension_numbers<[1], [0], [0], [1], [0, 0, 1, 1], [], []>, transpose_lhs_hint = false} : vector<2048x8xf32>, vector<8x10xf32>, vector<2048x10xf32> -> vector<2048x10xf32>
    %broadcast_in_dim3A = arith.constant 0.000000e+00 : f32
    %broadcast_in_dim3A_57 = vector.broadcast %broadcast_in_dim3A : f32 to vector<2048x14xf32>
    %concatenate3A = tpu.concatenate %dot_general3A_9, %dot_general3A_22, %dot_general3A_35, %dot_general3A_48, %dot_general3A_56, %broadcast_in_dim3A_57 in 1 : vector<2048x10xf32>, vector<2048x10xf32>, vector<2048x10xf32>, vector<2048x10xf32>, vector<2048x10xf32>, vector<2048x14xf32> -> vector<2048x64xf32>
    %swap3A = arith.constant 0 : index
    %swap3A_58 = arith.constant 0 : index
    %swap3A_59 = vector.load %arg4[%swap3A, %swap3A_58] : memref<2048x64xf32, #tpu.memory_space<vmem>>, vector<2048x64xf32>
    tpu.vector_store %arg4[%swap3A, %swap3A_58], %concatenate3A {strides = array<i32>} : memref<2048x64xf32, #tpu.memory_space<vmem>>, vector<2048x64xf32>,
    return
  }
}

module attributes {stable_mosaic.version = 14 : i64} {
  func.func @_pairtab_body(%arg0: memref<2x100x10xf32, #tpu.memory_space<vmem>>, %arg1: memref<100x100x32xf32, #tpu.memory_space<vmem>>) attributes {dimension_semantics = [], scalar_prefetch = 0 : i64, scratch_operands = 0 : i64, tpu.core_type = #tpu.core_type<tc>} {
    %get3A = arith.constant 0 : index
    %get3A_0 = arith.constant 0 : index
    %get3A_1 = arith.constant 0 : index
    %get3A_2 = vector.load %arg0[%get3A, %get3A_0, %get3A_1] : memref<2x100x10xf32, #tpu.memory_space<vmem>>, vector<1x100x10xf32>
    %get3A_3 = vector.shape_cast %get3A_2 : vector<1x100x10xf32> to vector<100x10xf32>
    %broadcast_in_dim3A = vector.shape_cast %get3A_3 : vector<100x10xf32> to vector<100x1x10xf32>
    %broadcast_in_dim3A_4 = vector.shape_cast %broadcast_in_dim3A : vector<100x1x10xf32> to vector<100x1x10xf32>
    %broadcast_in_dim3A_5 = vector.broadcast %broadcast_in_dim3A_4 : vector<100x1x10xf32> to vector<100x100x10xf32>
    %get3A_6 = arith.constant 1 : index
    %get3A_7 = arith.constant 0 : index
    %get3A_8 = arith.constant 0 : index
    %get3A_9 = vector.load %arg0[%get3A_6, %get3A_7, %get3A_8] : memref<2x100x10xf32, #tpu.memory_space<vmem>>, vector<1x100x10xf32>
    %get3A_10 = vector.shape_cast %get3A_9 : vector<1x100x10xf32> to vector<100x10xf32>
    %broadcast_in_dim3A_11 = vector.shape_cast %get3A_10 : vector<100x10xf32> to vector<1x100x10xf32>
    %broadcast_in_dim3A_12 = vector.shape_cast %broadcast_in_dim3A_11 : vector<1x100x10xf32> to vector<1x100x10xf32>
    %broadcast_in_dim3A_13 = vector.broadcast %broadcast_in_dim3A_12 : vector<1x100x10xf32> to vector<100x100x10xf32>
    %broadcast_in_dim3A_14 = arith.constant 1.000000e+00 : f32
    %broadcast_in_dim3A_15 = vector.broadcast %broadcast_in_dim3A_14 : f32 to vector<100x100x1xf32>
    %broadcast_in_dim3A_16 = arith.constant 0.000000e+00 : f32
    %broadcast_in_dim3A_17 = vector.broadcast %broadcast_in_dim3A_16 : f32 to vector<100x100x11xf32>
    %concatenate3A = tpu.concatenate %broadcast_in_dim3A_5, %broadcast_in_dim3A_13, %broadcast_in_dim3A_15, %broadcast_in_dim3A_17 in 2 : vector<100x100x10xf32>, vector<100x100x10xf32>, vector<100x100x1xf32>, vector<100x100x11xf32> -> vector<100x100x32xf32>
    %swap3A = arith.constant 0 : index
    %swap3A_18 = arith.constant 0 : index
    %swap3A_19 = arith.constant 0 : index
    %swap3A_20 = vector.load %arg1[%swap3A, %swap3A_18, %swap3A_19] : memref<100x100x32xf32, #tpu.memory_space<vmem>>, vector<100x100x32xf32>
    tpu.vector_store %arg1[%swap3A, %swap3A_18, %swap3A_19], %concatenate3A {strides = array<i32>} : memref<100x100x32xf32, #tpu.memory_space<vmem>>, vector<100x100x32xf32>,
    return
  }
}

module attributes {stable_mosaic.version = 14 : i64} {
  func.func @_edgeprep_body(%arg0: i32, %arg1: memref<10240x2xi32, #tpu.memory_space<vmem>>, %arg2: memref<10240x4xf32, #tpu.memory_space<vmem>>, %arg3: memref<80x128xi32, #tpu.memory_space<vmem>>, %arg4: memref<80x4x128xf32, #tpu.memory_space<vmem>>) attributes {dimension_semantics = [#tpu.dimension_semantics<arbitrary>], iteration_bounds = array<i64: 32>, scalar_prefetch = 0 : i64, scratch_operands = 0 : i64, tpu.core_type = #tpu.core_type<tc>, window_params = [{transform_indices = @transform_0, window_bounds = array<i64: 10240, 2>}, {transform_indices = @transform_1, window_bounds = array<i64: 10240, 4>}, {transform_indices = @transform_2, window_bounds = array<i64: 80, 128>}, {transform_indices = @transform_3, window_bounds = array<i64: 80, 4, 128>}]} {
    %get3A = arith.constant 0 : index
    %get3A_0 = arith.constant 0 : index
    %get3A_1 = vector.load %arg1[%get3A, %get3A_0] : memref<10240x2xi32, #tpu.memory_space<vmem>>, vector<10240x2xi32>
    %mul3A = arith.constant 10240 : i32
    %mul3A_2 = arith.muli %arg0, %mul3A : i32
    %iota3A = tpu.iota {dimensions = array<i32: 0>} : vector<10240x1xi32>
    %add3A = vector.broadcast %mul3A_2 : i32 to vector<10240x1xi32>
    %add3A_3 = arith.addi %add3A, %iota3A : vector<10240x1xi32>
    %lt3A = arith.constant 320000 : i32
    %lt3A_4 = vector.broadcast %lt3A : i32 to vector<10240x1xi32>
    %lt3A_5 = arith.cmpi slt, %add3A_3, %lt3A_4 : vector<10240x1xi32>
    %slice3A = vector.extract_strided_slice %get3A_1 {offsets = [0, 0], sizes = [10240, 1], strides = [1, 1]} : vector<10240x2xi32> to vector<10240x1xi32>
    %mul3A_6 = arith.constant 100 : i32
    %mul3A_7 = vector.broadcast %mul3A_6 : i32 to vector<10240x1xi32>
    %mul3A_8 = arith.muli %slice3A, %mul3A_7 : vector<10240x1xi32>
    %slice3A_9 = vector.extract_strided_slice %get3A_1 {offsets = [0, 1], sizes = [10240, 1], strides = [1, 1]} : vector<10240x2xi32> to vector<10240x1xi32>
    %add3A_10 = arith.addi %mul3A_8, %slice3A_9 : vector<10240x1xi32>
    %jit3A = arith.constant 10000 : i32
    %broadcast_in_dim3A = vector.broadcast %jit3A : i32 to vector<10240x1xi32>
    %select_n3A = arith.select %lt3A_5, %add3A_10, %broadcast_in_dim3A : vector<10240x1xi1>, vector<10240x1xi32>
    %reshape3A = vector.shape_cast %select_n3A : vector<10240x1xi32> to vector<80x128xi32>
    %swap3A = arith.constant 0 : index
    %swap3A_11 = arith.constant 0 : index
    %swap3A_12 = vector.load %arg3[%swap3A, %swap3A_11] : memref<80x128xi32, #tpu.memory_space<vmem>>, vector<80x128xi32>
    tpu.vector_store %arg3[%swap3A, %swap3A_11], %reshape3A {strides = array<i32>} : memref<80x128xi32, #tpu.memory_space<vmem>>, vector<80x128xi32>,
    %get3A_13 = arith.constant 0 : index
    %get3A_14 = arith.constant 0 : index
    %get3A_15 = vector.load %arg2[%get3A_13, %get3A_14] : memref<10240x4xf32, #tpu.memory_space<vmem>>, vector<10240x4xf32>
    %jit3A_16 = arith.constant 0.000000e+00 : f32
    %broadcast_in_dim3A_17 = vector.shape_cast %lt3A_5 : vector<10240x1xi1> to vector<10240x1xi1>
    %broadcast_in_dim3A_18 = vector.broadcast %broadcast_in_dim3A_17 : vector<10240x1xi1> to vector<10240x4xi1>
    %broadcast_in_dim3A_19 = vector.broadcast %jit3A_16 : f32 to vector<10240x4xf32>
    %select_n3A_20 = arith.select %broadcast_in_dim3A_18, %get3A_15, %broadcast_in_dim3A_19 : vector<10240x4xi1>, vector<10240x4xf32>
    %reshape3A_21 = vector.shape_cast %select_n3A_20 : vector<10240x4xf32> to vector<80x128x4xf32>
    %transpose3A = tpu.transpose %reshape3A_21, [0, 2, 1] : vector<80x128x4xf32> -> vector<80x4x128xf32>
    %swap3A_22 = arith.constant 0 : index
    %swap3A_23 = arith.constant 0 : index
    %swap3A_24 = arith.constant 0 : index
    %swap3A_25 = vector.load %arg4[%swap3A_22, %swap3A_23, %swap3A_24] : memref<80x4x128xf32, #tpu.memory_space<vmem>>, vector<80x4x128xf32>
    tpu.vector_store %arg4[%swap3A_22, %swap3A_23, %swap3A_24], %transpose3A {strides = array<i32>} : memref<80x4x128xf32, #tpu.memory_space<vmem>>, vector<80x4x128xf32>,
    return
  }
  func.func @transform_0(%arg0: i32) -> (i32, i32) {
    %c0_i32 = arith.constant 0 : i32
    %c0_i32_0 = arith.constant 0 : i32
    return %arg0, %c0_i32 : i32, i32
  }
  func.func @transform_1(%arg0: i32) -> (i32, i32) {
    %c0_i32 = arith.constant 0 : i32
    %c0_i32_0 = arith.constant 0 : i32
    return %arg0, %c0_i32 : i32, i32
  }
  func.func @transform_2(%arg0: i32) -> (i32, i32) {
    %c0_i32 = arith.constant 0 : i32
    %c0_i32_0 = arith.constant 0 : i32
    return %arg0, %c0_i32 : i32, i32
  }
  func.func @transform_3(%arg0: i32) -> (i32, i32, i32) {
    %c0_i32 = arith.constant 0 : i32
    %c0_i32_0 = arith.constant 0 : i32
    %c0_i32_1 = arith.constant 0 : i32
    return %arg0, %c0_i32, %c0_i32_0 : i32, i32, i32
  }
}

module attributes {stable_mosaic.version = 14 : i64} {
  func.func @_combine_body(%arg0: memref<10000x64xf32, #tpu.memory_space<vmem>>, %arg1: memref<10000x32xf32, #tpu.memory_space<vmem>>, %arg2: memref<2048x64xf32, #tpu.memory_space<vmem>>, %arg3: memref<2048x32xf32, #tpu.memory_space<vmem>>, %arg4: memref<10000x64xf32, #tpu.memory_space<vmem>>, %arg5: memref<2048x64xf32, #tpu.memory_space<vmem>>, %arg6: memref<60x128xf32, #tpu.memory_space<vmem>>, %arg7: memref<1x128xf32, #tpu.memory_space<vmem>>, %arg8: memref<50x128xf32, #tpu.memory_space<vmem>>, %arg9: memref<1x128xf32, #tpu.memory_space<vmem>>, %arg10: memref<30x128xf32, #tpu.memory_space<vmem>>, %arg11: memref<1x128xf32, #tpu.memory_space<vmem>>, %arg12: memref<4x10xf32, #tpu.memory_space<vmem>>, %arg13: memref<128x128xf32, #tpu.memory_space<vmem>>, %arg14: memref<128x128xf32, #tpu.memory_space<vmem>>, %arg15: memref<128x128xf32, #tpu.memory_space<vmem>>, %arg16: memref<128x128xf32, #tpu.memory_space<vmem>>, %arg17: memref<10000x128xf32, #tpu.memory_space<vmem>>, %arg18: memref<2048x128xf32, #tpu.memory_space<vmem>>) attributes {dimension_semantics = [], scalar_prefetch = 0 : i64, scratch_operands = 0 : i64, tpu.core_type = #tpu.core_type<tc>} {
    %get3A = arith.constant 0 : index
    %get3A_0 = arith.constant 0 : index
    %get3A_1 = vector.load %arg6[%get3A, %get3A_0] : memref<60x128xf32, #tpu.memory_space<vmem>>, vector<60x128xf32>
    %get3A_2 = arith.constant 0 : index
    %get3A_3 = arith.constant 0 : index
    %get3A_4 = vector.load %arg8[%get3A_2, %get3A_3] : memref<50x128xf32, #tpu.memory_space<vmem>>, vector<50x128xf32>
    %get3A_5 = arith.constant 0 : index
    %get3A_6 = arith.constant 0 : index
    %get3A_7 = vector.load %arg10[%get3A_5, %get3A_6] : memref<30x128xf32, #tpu.memory_space<vmem>>, vector<30x128xf32>
    %get3A_8 = arith.constant 0 : index
    %get3A_9 = arith.constant 0 : index
    %get3A_10 = vector.load %arg7[%get3A_8, %get3A_9] : memref<1x128xf32, #tpu.memory_space<vmem>>, vector<1x128xf32>
    %get3A_11 = arith.constant 0 : index
    %get3A_12 = arith.constant 0 : index
    %get3A_13 = vector.load %arg9[%get3A_11, %get3A_12] : memref<1x128xf32, #tpu.memory_space<vmem>>, vector<1x128xf32>
    %get3A_14 = arith.constant 0 : index
    %get3A_15 = arith.constant 0 : index
    %get3A_16 = vector.load %arg11[%get3A_14, %get3A_15] : memref<1x128xf32, #tpu.memory_space<vmem>>, vector<1x128xf32>
    %slice3A = vector.extract_strided_slice %get3A_7 {offsets = [0, 0], sizes = [20, 128], strides = [1, 1]} : vector<30x128xf32> to vector<20x128xf32>
    %get3A_17 = arith.constant 0 : index
    %get3A_18 = arith.constant 0 : index
    %get3A_19 = vector.load %arg12[%get3A_17, %get3A_18] : memref<4x10xf32, #tpu.memory_space<vmem>>, vector<4x10xf32>
    %slice3A_20 = vector.extract_strided_slice %get3A_7 {offsets = [20, 0], sizes = [10, 128], strides = [1, 1]} : vector<30x128xf32> to vector<10x128xf32>
    %dot_general3A = arith.constant dense<0.000000e+00> : vector<4x128xf32>
    %dot_general3A_21 = tpu.matmul %get3A_19, %slice3A_20, %dot_general3A {dimension_numbers = #tpu.dot_dimension_numbers<[1], [0], [0], [1], [0, 0, 1, 1], [], []>, transpose_lhs_hint = false} : vector<4x10xf32>, vector<10x128xf32>, vector<4x128xf32> -> vector<4x128xf32>
    %get3A_22 = arith.constant 0 : index
    %get3A_23 = arith.constant 0 : index
    %get3A_24 = vector.load %arg4[%get3A_22, %get3A_23] : memref<10000x64xf32, #tpu.memory_space<vmem>>, vector<10000x64xf32>
    %slice3A_25 = vector.extract_strided_slice %get3A_24 {offsets = [0, 0], sizes = [10000, 60], strides = [1, 1]} : vector<10000x64xf32> to vector<10000x60xf32>
    %dot_general3A_26 = arith.constant dense<0.000000e+00> : vector<10000x128xf32>
    %dot_general3A_27 = tpu.matmul %slice3A_25, %get3A_1, %dot_general3A_26 {dimension_numbers = #tpu.dot_dimension_numbers<[1], [0], [0], [1], [0, 0, 1, 1], [], []>, transpose_lhs_hint = false} : vector<10000x60xf32>, vector<60x128xf32>, vector<10000x128xf32> -> vector<10000x128xf32>
    %add3A = vector.broadcast %get3A_10 : vector<1x128xf32> to vector<10000x128xf32>
    %add3A_28 = arith.addf %dot_general3A_27, %add3A : vector<10000x128xf32>
    %get3A_29 = arith.constant 0 : index
    %get3A_30 = arith.constant 0 : index
    %get3A_31 = vector.load %arg5[%get3A_29, %get3A_30] : memref<2048x64xf32, #tpu.memory_space<vmem>>, vector<2048x64xf32>
    %slice3A_32 = vector.extract_strided_slice %get3A_31 {offsets = [0, 0], sizes = [2048, 50], strides = [1, 1]} : vector<2048x64xf32> to vector<2048x50xf32>
    %dot_general3A_33 = arith.constant dense<0.000000e+00> : vector<2048x128xf32>
    %dot_general3A_34 = tpu.matmul %slice3A_32, %get3A_4, %dot_general3A_33 {dimension_numbers = #tpu.dot_dimension_numbers<[1], [0], [0], [1], [0, 0, 1, 1], [], []>, transpose_lhs_hint = false} : vector<2048x50xf32>, vector<50x128xf32>, vector<2048x128xf32> -> vector<2048x128xf32>
    %add3A_35 = vector.broadcast %get3A_13 : vector<1x128xf32> to vector<2048x128xf32>
    %add3A_36 = arith.addf %dot_general3A_34, %add3A_35 : vector<2048x128xf32>
    %get3A_37 = arith.constant 0 : index
    %get3A_38 = arith.constant 0 : index
    %get3A_39 = vector.load %arg1[%get3A_37, %get3A_38] : memref<10000x32xf32, #tpu.memory_space<vmem>>, vector<10000x32xf32>
    %slice3A_40 = vector.extract_strided_slice %get3A_39 {offsets = [0, 20], sizes = [10000, 1], strides = [1, 1]} : vector<10000x32xf32> to vector<10000x1xf32>
    %get3A_41 = arith.constant 0 : index
    %get3A_42 = arith.constant 0 : index
    %get3A_43 = vector.load %arg0[%get3A_41, %get3A_42] : memref<10000x64xf32, #tpu.memory_space<vmem>>, vector<10000x64xf32>
    %slice3A_44 = vector.extract_strided_slice %get3A_43 {offsets = [0, 0], sizes = [10000, 50], strides = [1, 1]} : vector<10000x64xf32> to vector<10000x50xf32>
    %dot_general3A_45 = arith.constant dense<0.000000e+00> : vector<10000x128xf32>
    %dot_general3A_46 = tpu.matmul %slice3A_44, %get3A_4, %dot_general3A_45 {dimension_numbers = #tpu.dot_dimension_numbers<[1], [0], [0], [1], [0, 0, 1, 1], [], []>, transpose_lhs_hint = false} : vector<10000x50xf32>, vector<50x128xf32>, vector<10000x128xf32> -> vector<10000x128xf32>
    %slice3A_47 = vector.extract_strided_slice %get3A_39 {offsets = [0, 0], sizes = [10000, 20], strides = [1, 1]} : vector<10000x32xf32> to vector<10000x20xf32>
    %dot_general3A_48 = arith.constant dense<0.000000e+00> : vector<10000x128xf32>
    %dot_general3A_49 = tpu.matmul %slice3A_47, %slice3A, %dot_general3A_48 {dimension_numbers = #tpu.dot_dimension_numbers<[1], [0], [0], [1], [0, 0, 1, 1], [], []>, transpose_lhs_hint = false} : vector<10000x20xf32>, vector<20x128xf32>, vector<10000x128xf32> -> vector<10000x128xf32>
    %add3A_50 = arith.addf %dot_general3A_46, %dot_general3A_49 : vector<10000x128xf32>
    %slice3A_51 = vector.extract_strided_slice %get3A_39 {offsets = [0, 24], sizes = [10000, 4], strides = [1, 1]} : vector<10000x32xf32> to vector<10000x4xf32>
    %dot_general3A_52 = arith.constant dense<0.000000e+00> : vector<10000x128xf32>
    %dot_general3A_53 = tpu.matmul %slice3A_51, %dot_general3A_21, %dot_general3A_52 {dimension_numbers = #tpu.dot_dimension_numbers<[1], [0], [0], [1], [0, 0, 1, 1], [], []>, transpose_lhs_hint = false} : vector<10000x4xf32>, vector<4x128xf32>, vector<10000x128xf32> -> vector<10000x128xf32>
    %add3A_54 = arith.addf %add3A_50, %dot_general3A_53 : vector<10000x128xf32>
    %add3A_55 = arith.addf %get3A_13, %get3A_16 : vector<1x128xf32>
    %mul3A = vector.broadcast %slice3A_40 : vector<10000x1xf32> to vector<10000x128xf32>
    %mul3A_56 = vector.broadcast %add3A_55 : vector<1x128xf32> to vector<10000x128xf32>
    %mul3A_57 = arith.mulf %mul3A, %mul3A_56 : vector<10000x128xf32>
    %add3A_58 = arith.addf %add3A_54, %mul3A_57 : vector<10000x128xf32>
    %max3A = arith.constant 1.000000e+00 : f32
    %max3A_59 = vector.broadcast %max3A : f32 to vector<10000x1xf32>
    %max3A_60 = arith.maximumf %slice3A_40, %max3A_59 : vector<10000x1xf32>
    %div3A = vector.broadcast %max3A_60 : vector<10000x1xf32> to vector<10000x128xf32>
    %div3A_61 = arith.divf %add3A_58, %div3A : vector<10000x128xf32>
    %get3A_62 = arith.constant 0 : index
    %get3A_63 = arith.constant 0 : index
    %get3A_64 = vector.load %arg13[%get3A_62, %get3A_63] : memref<128x128xf32, #tpu.memory_space<vmem>>, vector<128x128xf32>
    %dot_general3A_65 = arith.constant dense<0.000000e+00> : vector<10000x128xf32>
    %dot_general3A_66 = tpu.matmul %add3A_28, %get3A_64, %dot_general3A_65 {dimension_numbers = #tpu.dot_dimension_numbers<[1], [0], [0], [1], [0, 0, 1, 1], [], []>, transpose_lhs_hint = false} : vector<10000x128xf32>, vector<128x128xf32>, vector<10000x128xf32> -> vector<10000x128xf32>
    %get3A_67 = arith.constant 0 : index
    %get3A_68 = arith.constant 0 : index
    %get3A_69 = vector.load %arg14[%get3A_67, %get3A_68] : memref<128x128xf32, #tpu.memory_space<vmem>>, vector<128x128xf32>
    %dot_general3A_70 = arith.constant dense<0.000000e+00> : vector<10000x128xf32>
    %dot_general3A_71 = tpu.matmul %div3A_61, %get3A_69, %dot_general3A_70 {dimension_numbers = #tpu.dot_dimension_numbers<[1], [0], [0], [1], [0, 0, 1, 1], [], []>, transpose_lhs_hint = false} : vector<10000x128xf32>, vector<128x128xf32>, vector<10000x128xf32> -> vector<10000x128xf32>
    %add3A_72 = arith.addf %dot_general3A_66, %dot_general3A_71 : vector<10000x128xf32>
    %max3A_73 = arith.constant 0.000000e+00 : f32
    %max3A_74 = vector.broadcast %max3A_73 : f32 to vector<10000x128xf32>
    %max3A_75 = arith.maximumf %add3A_72, %max3A_74 : vector<10000x128xf32>
    %swap3A = arith.constant 0 : index
    %swap3A_76 = arith.constant 0 : index
    %swap3A_77 = vector.load %arg17[%swap3A, %swap3A_76] : memref<10000x128xf32, #tpu.memory_space<vmem>>, vector<10000x128xf32>
    tpu.vector_store %arg17[%swap3A, %swap3A_76], %max3A_75 {strides = array<i32>} : memref<10000x128xf32, #tpu.memory_space<vmem>>, vector<10000x128xf32>,
    %get3A_78 = arith.constant 0 : index
    %get3A_79 = arith.constant 0 : index
    %get3A_80 = vector.load %arg3[%get3A_78, %get3A_79] : memref<2048x32xf32, #tpu.memory_space<vmem>>, vector<2048x32xf32>
    %slice3A_81 = vector.extract_strided_slice %get3A_80 {offsets = [0, 20], sizes = [2048, 1], strides = [1, 1]} : vector<2048x32xf32> to vector<2048x1xf32>
    %get3A_82 = arith.constant 0 : index
    %get3A_83 = arith.constant 0 : index
    %get3A_84 = vector.load %arg2[%get3A_82, %get3A_83] : memref<2048x64xf32, #tpu.memory_space<vmem>>, vector<2048x64xf32>
    %slice3A_85 = vector.extract_strided_slice %get3A_84 {offsets = [0, 0], sizes = [2048, 60], strides = [1, 1]} : vector<2048x64xf32> to vector<2048x60xf32>
    %dot_general3A_86 = arith.constant dense<0.000000e+00> : vector<2048x128xf32>
    %dot_general3A_87 = tpu.matmul %slice3A_85, %get3A_1, %dot_general3A_86 {dimension_numbers = #tpu.dot_dimension_numbers<[1], [0], [0], [1], [0, 0, 1, 1], [], []>, transpose_lhs_hint = false} : vector<2048x60xf32>, vector<60x128xf32>, vector<2048x128xf32> -> vector<2048x128xf32>
    %slice3A_88 = vector.extract_strided_slice %get3A_80 {offsets = [0, 0], sizes = [2048, 20], strides = [1, 1]} : vector<2048x32xf32> to vector<2048x20xf32>
    %dot_general3A_89 = arith.constant dense<0.000000e+00> : vector<2048x128xf32>
    %dot_general3A_90 = tpu.matmul %slice3A_88, %slice3A, %dot_general3A_89 {dimension_numbers = #tpu.dot_dimension_numbers<[1], [0], [0], [1], [0, 0, 1, 1], [], []>, transpose_lhs_hint = false} : vector<2048x20xf32>, vector<20x128xf32>, vector<2048x128xf32> -> vector<2048x128xf32>
    %add3A_91 = arith.addf %dot_general3A_87, %dot_general3A_90 : vector<2048x128xf32>
    %slice3A_92 = vector.extract_strided_slice %get3A_80 {offsets = [0, 24], sizes = [2048, 4], strides = [1, 1]} : vector<2048x32xf32> to vector<2048x4xf32>
    %dot_general3A_93 = arith.constant dense<0.000000e+00> : vector<2048x128xf32>
    %dot_general3A_94 = tpu.matmul %slice3A_92, %dot_general3A_21, %dot_general3A_93 {dimension_numbers = #tpu.dot_dimension_numbers<[1], [0], [0], [1], [0, 0, 1, 1], [], []>, transpose_lhs_hint = false} : vector<2048x4xf32>, vector<4x128xf32>, vector<2048x128xf32> -> vector<2048x128xf32>
    %add3A_95 = arith.addf %add3A_91, %dot_general3A_94 : vector<2048x128xf32>
    %add3A_96 = arith.addf %get3A_10, %get3A_16 : vector<1x128xf32>
    %mul3A_97 = vector.broadcast %slice3A_81 : vector<2048x1xf32> to vector<2048x128xf32>
    %mul3A_98 = vector.broadcast %add3A_96 : vector<1x128xf32> to vector<2048x128xf32>
    %mul3A_99 = arith.mulf %mul3A_97, %mul3A_98 : vector<2048x128xf32>
    %add3A_100 = arith.addf %add3A_95, %mul3A_99 : vector<2048x128xf32>
    %max3A_101 = arith.constant 1.000000e+00 : f32
    %max3A_102 = vector.broadcast %max3A_101 : f32 to vector<2048x1xf32>
    %max3A_103 = arith.maximumf %slice3A_81, %max3A_102 : vector<2048x1xf32>
    %div3A_104 = vector.broadcast %max3A_103 : vector<2048x1xf32> to vector<2048x128xf32>
    %div3A_105 = arith.divf %add3A_100, %div3A_104 : vector<2048x128xf32>
    %get3A_106 = arith.constant 0 : index
    %get3A_107 = arith.constant 0 : index
    %get3A_108 = vector.load %arg15[%get3A_106, %get3A_107] : memref<128x128xf32, #tpu.memory_space<vmem>>, vector<128x128xf32>
    %dot_general3A_109 = arith.constant dense<0.000000e+00> : vector<2048x128xf32>
    %dot_general3A_110 = tpu.matmul %add3A_36, %get3A_108, %dot_general3A_109 {dimension_numbers = #tpu.dot_dimension_numbers<[1], [0], [0], [1], [0, 0, 1, 1], [], []>, transpose_lhs_hint = false} : vector<2048x128xf32>, vector<128x128xf32>, vector<2048x128xf32> -> vector<2048x128xf32>
    %get3A_111 = arith.constant 0 : index
    %get3A_112 = arith.constant 0 : index
    %get3A_113 = vector.load %arg16[%get3A_111, %get3A_112] : memref<128x128xf32, #tpu.memory_space<vmem>>, vector<128x128xf32>
    %dot_general3A_114 = arith.constant dense<0.000000e+00> : vector<2048x128xf32>
    %dot_general3A_115 = tpu.matmul %div3A_105, %get3A_113, %dot_general3A_114 {dimension_numbers = #tpu.dot_dimension_numbers<[1], [0], [0], [1], [0, 0, 1, 1], [], []>, transpose_lhs_hint = false} : vector<2048x128xf32>, vector<128x128xf32>, vector<2048x128xf32> -> vector<2048x128xf32>
    %add3A_116 = arith.addf %dot_general3A_110, %dot_general3A_115 : vector<2048x128xf32>
    %max3A_117 = arith.constant 0.000000e+00 : f32
    %max3A_118 = vector.broadcast %max3A_117 : f32 to vector<2048x128xf32>
    %max3A_119 = arith.maximumf %add3A_116, %max3A_118 : vector<2048x128xf32>
    %swap3A_120 = arith.constant 0 : index
    %swap3A_121 = arith.constant 0 : index
    %swap3A_122 = vector.load %arg18[%swap3A_120, %swap3A_121] : memref<2048x128xf32, #tpu.memory_space<vmem>>, vector<2048x128xf32>
    tpu.vector_store %arg18[%swap3A_120, %swap3A_121], %max3A_119 {strides = array<i32>} : memref<2048x128xf32, #tpu.memory_space<vmem>>, vector<2048x128xf32>,
    return
  }
}

module attributes {stable_mosaic.version = 14 : i64} {
  func.func @_dot_body(%arg0: memref<4096x128xf32, #tpu.memory_space<vmem>>, %arg1: memref<4096x128xf32, #tpu.memory_space<vmem>>, %arg2: memref<4096x1xf32, #tpu.memory_space<vmem>>) attributes {dimension_semantics = [], scalar_prefetch = 0 : i64, scratch_operands = 0 : i64, tpu.core_type = #tpu.core_type<tc>} {
    %get3A = arith.constant 0 : index
    %get3A_0 = arith.constant 0 : index
    %get3A_1 = vector.load %arg0[%get3A, %get3A_0] : memref<4096x128xf32, #tpu.memory_space<vmem>>, vector<4096x128xf32>
    %get3A_2 = arith.constant 0 : index
    %get3A_3 = arith.constant 0 : index
    %get3A_4 = vector.load %arg1[%get3A_2, %get3A_3] : memref<4096x128xf32, #tpu.memory_space<vmem>>, vector<4096x128xf32>
    %mul3A = arith.mulf %get3A_1, %get3A_4 : vector<4096x128xf32>
    %reduce_sum3A = arith.constant dense<0.000000e+00> : vector<4096xf32>
    %reduce_sum3A_5 = vector.multi_reduction <add>, %mul3A, %reduce_sum3A [1] : vector<4096x128xf32> to vector<4096xf32>
    %broadcast_in_dim3A = vector.shape_cast %reduce_sum3A_5 : vector<4096xf32> to vector<4096x1xf32>
    %swap3A = arith.constant 0 : index
    %swap3A_6 = arith.constant 0 : index
    %swap3A_7 = vector.load %arg2[%swap3A, %swap3A_6] : memref<4096x1xf32, #tpu.memory_space<vmem>>, vector<4096x1xf32>
    tpu.vector_store %arg2[%swap3A, %swap3A_6], %broadcast_in_dim3A {strides = array<i32>} : memref<4096x1xf32, #tpu.memory_space<vmem>>, vector<4096x1xf32>,
    return
  }
}

</mosaic_0001>

<sc_bundles>
// kernel: kernel.10.cloned.1.call-start
scs
__scs_entry_jumppad:
0x0: {  	(pc) =	sbr.rel $0x88, $3  }
0x1: {  	(tag) =	ssettag $0x0;
	lr =	simm.s32 $0x1  }
0x2: {  	[smem:$0x3F86] =	sst lr;
	_ =	strace $0xD0000000  }
0x3: {  	_ = 	snop  }
0x4: {  	_ = 	snop  }
0x5: {  	_ = 	snop  }
0x6: {  	_ = 	snop  }
0x7: {  	_ = 	snop  }
__scs_overlays_trampoline_lowered:
0x8: {  	[smem:$0x3F95] =	sst s0  }
0x9: {  	[smem:$0x3F96] =	sst s1  }
0xa: {  	[smem:$0x3F97] =	sst s2  }
0xb: {  	[smem:$0x3F98] =	sst s3  }
0xc: {  	[smem:$0x3F99] =	sst s4  }
0xd: {  	[smem:$0x3F9A] =	sst s5  }
0xe: {  	[smem:$0x3F9B] =	sst s6  }
0xf: {  	[smem:$0x3F9C] =	sst s7  }
0x10: {  	[smem:$0x3F9D] =	sst s8  }
0x11: {  	[smem:$0x3F9E] =	sst s9;
	s0 =	simm.s32 @!p0 $0x0  }
0x12: {  	s1 =	sld [smem:$0x3F84];
	s0 =	simm.s32 @p0 $0x1  }
0x13: {  	[smem:$0x3F9F] =	sst s0;
	s0 =	simm.s32 @!p1 $0x0  }
0x14: {  	s2 =	sld [smem:$0x3F83];
	s0 =	simm.s32 @p1 $0x1  }
0x15: {  	[smem:$0x3FA0] =	sst s0;
	s0 =	simm.s32 @!p2 $0x0  }
0x16: {  	s3 =	sld [smem:$0x3FDB];
	s0 =	simm.s32 @p2 $0x1  }
0x17: {  	s4 =	simm.s32 $0x1BF5;
	[smem:$0x3FA2] =	sst s0  }
0x18: {  	s0 =	sld [smem:$0x3F85];
	_ =	swait.ge [sflag:s4], $0x0  }
0x19: {  	s7 =	sld [smem:$0x3F86]  }
0x1a: {  	s8 =	sadd.s32 $0xFFFFE003, lr  }
0x1b: {  	s9 =	sadd.s32 $0xFFFFFEF7, lr;
	s5 =	simm.s32 $0xFFFFFFFF;
	p2 =	slt.u32 s8, $0xFFFFF086  }
0x1c: {  	p1 =	slt.u32 s9, $0xF7A;
	s5 =	simm.s32 @!p2 $0x0  }
0x1d: {  	s5 =	simm.s32 @p1 $0x1;
	p0 =	seq.s32 s7, s2  }
0x1e: {  	s7 =	smul.u32 @!p0 $0xF7A, s2;
	p2 =	seq.s32 @!p0 s5, $0x0  }
0x1f: {  	s9 =	smul.u32 $0xF7A, s1;
	s8 =	simm.s32 @!p0 $0x1BF5;
	p2 =	por !p2, p0  }
0x20: {  	[sflag:s8] =	ssyncset.s32 @!p0 $0xFFFFF086;
	s6 =	sadd.s32 @!p0 s3, s7;
	s7 =	simm.s32 @!p0 $0x108  }
0x21: {  	s3 =	sadd.s32 s3, s9;
	s6 =	sadd.s32 @!p0 $0x88, s6;
	s7 =	simm.s32 @p2 $0x1082  }
0x22: {  	[simem:s7], [sflag:s8] =	dma.local @!p0 [hbm:s6], $0xF7A  }
0x23: {  	s9 =	sor.u32 $0xD0000000, s2;
	s6 =	simm.s32 $0x108;
	_ =	swait.ge @!p0 [sflag:s8], $0x0  }
0x24: {  	s3 =	sadd.s32 $0x88, s3;
	s6 =	simm.s32 @!p1 $0x1082;
	[sflag:s4] =	ssyncset.s32 $0xFFFFF086  }
0x25: {  	[simem:s6], [sflag:s4] =	dma.local [hbm:s3], $0xF7A  }
0x26: {  	[smem:$0x3F86] =	sst s1;
	(tag) =	ssettag s2;
	_ =	strace s9  }
0x27: {  	s1 =	sld [smem:$0x3F96]  }
0x28: {  	s2 =	sld [smem:$0x3F97]  }
0x29: {  	s4 =	sld [smem:$0x3F99]  }
0x2a: {  	p0 =	seq.s32 s5, $0x0;
	s5 =	sld [smem:$0x3F9A]  }
0x2b: {  	s6 =	sld [smem:$0x3F9B]  }
0x2c: {  	s7 =	sld [smem:$0x3F9C]  }
0x2d: {  	s3 =	simm.s32 $0x108;
	s8 =	sld [smem:$0x3F9D]  }
0x2e: {  	s3 =	simm.s32 @!p0 $0x1082;
	s9 =	sld [smem:$0x3F9E]  }
0x2f: {  	lr =	sadd.s32 s0, s3;
	s0 =	sld [smem:$0x3F95]  }
0x30: {  	s3 =	sld [smem:$0x3F98]  }
0x31: {  	[smem:$0x3FA1] =	sst s10  }
0x32: {  	s10 =	sld [smem:$0x3F9F];
	_ =	sdelay $0x3  }
0x33: {  	p0 =	seq.s32 s10, $0x1;
	s10 =	sld [smem:$0x3FA1];
	_ =	sdelay $0x3  }
0x34: {  	[smem:$0x3FA1] =	sst s10  }
0x35: {  	s10 =	sld [smem:$0x3FA0];
	_ =	sdelay $0x3  }
0x36: {  	p1 =	seq.s32 s10, $0x1;
	s10 =	sld [smem:$0x3FA1];
	_ =	sdelay $0x3  }
0x37: {  	[smem:$0x3FA1] =	sst s10  }
0x38: {  	s10 =	sld [smem:$0x3FA2]  }
0x39: {  	_ = 	snop;
	(pc) =	sbr.ind lr, $3  }
0x3a: {  	_ = 	snop  }
0x3b: {  	_ = 	snop  }
0x3c: {  	p2 =	seq.s32 s10, $0x1;
	s10 =	sld [smem:$0x3FA1]  }
0x3d: {  	_ =	shalt  }
0x3e: {  	_ =	shalt  }
0x3f: {  	_ =	shalt  }
0x40: {  	_ =	shalt  }
0x41: {  	_ =	shalt  }
0x42: {  	_ =	shalt  }
0x43: {  	_ =	shalt  }
0x44: {  	_ =	shalt  }
0x45: {  	_ =	shalt  }
0x46: {  	_ =	shalt  }
0x47: {  	_ =	shalt  }
0x48: {  	_ =	shalt  }
0x49: {  	_ =	shalt  }
0x4a: {  	_ =	shalt  }
0x4b: {  	_ =	shalt  }
0x4c: {  	_ =	shalt  }
0x4d: {  	_ =	shalt  }
0x4e: {  	_ =	shalt  }
0x4f: {  	_ =	shalt  }
0x50: {  	_ =	shalt  }
0x51: {  	_ =	shalt  }
0x52: {  	_ =	shalt  }
0x53: {  	_ =	shalt  }
0x54: {  	_ =	shalt  }
0x55: {  	_ =	shalt  }
0x56: {  	_ =	shalt  }
0x57: {  	_ =	shalt  }
0x58: {  	_ =	shalt  }
0x59: {  	_ =	shalt  }
0x5a: {  	_ =	shalt  }
0x5b: {  	_ =	shalt  }
0x5c: {  	_ =	shalt  }
0x5d: {  	_ =	shalt  }
0x5e: {  	_ =	shalt  }
0x5f: {  	_ =	shalt  }
0x60: {  	_ =	shalt  }
0x61: {  	_ =	shalt  }
0x62: {  	_ =	shalt  }
0x63: {  	_ =	shalt  }
0x64: {  	_ =	shalt  }
0x65: {  	_ =	shalt  }
0x66: {  	_ =	shalt  }
0x67: {  	_ =	shalt  }
0x68: {  	_ =	shalt  }
0x69: {  	_ =	shalt  }
0x6a: {  	_ =	shalt  }
0x6b: {  	_ =	shalt  }
0x6c: {  	_ =	shalt  }
0x6d: {  	_ =	shalt  }
0x6e: {  	_ =	shalt  }
0x6f: {  	_ =	shalt  }
0x70: {  	_ =	shalt  }
0x71: {  	_ =	shalt  }
0x72: {  	_ =	shalt  }
0x73: {  	_ =	shalt  }
0x74: {  	_ =	shalt  }
0x75: {  	_ =	shalt  }
0x76: {  	_ =	shalt  }
0x77: {  	_ =	shalt  }
0x78: {  	_ =	shalt  }
0x79: {  	_ =	shalt  }
0x7a: {  	_ =	shalt  }
0x7b: {  	_ =	shalt  }
0x7c: {  	_ =	shalt  }
0x7d: {  	_ =	shalt  }
0x7e: {  	_ =	shalt  }
0x7f: {  	_ =	shalt  }
0x80: {  	_ =	shalt  }
0x81: {  	_ =	shalt  }
0x82: {  	_ =	shalt  }
0x83: {  	_ =	shalt  }
0x84: {  	_ =	shalt  }
0x85: {  	_ =	shalt  }
0x86: {  	_ =	shalt  }
0x87: {  	_ =	shalt  }
.Lfunc_end0:
.L_simem_size_0:
called_computation_lowered:
.L_overlay_start_0:
0x88: {  	s2 =	sld [smem:$0x3FD9]  }
0x89: {  	s3 =	sld [smem:$0x3FFE];
	_ =	sdelay $0x1  }
0x8a: {  	s1 =	srdreg.scid  }
0x8b: {  	s0 =	sand.u32 $0x1, s1  }
0x8c: {  	s17 =	sshll.u32 s0, $0xA;
	s2 =	sadd.s32 s3, s2  }
0x8d: {  	s2 =	sadd.s32 s2, s17  }
0x8e: {  	[smem:$0x3FAD] =	sst s2  }
0x8f: {  	_ = 	snop  }
0x90: {  	s2 =	sld [smem:$0x3FD0];
	(tm) =	ssettm $0x1  }
0x91: {  	s18 =	sld [smem:$0x3FFB];
	_ =	sdelay $0x3  }
0x92: {  	_ =	strace s18  }
0x93: {  	s3 =	sld [smem:$0x3FFC];
	_ =	sdelay $0x3  }
0x94: {  	_ =	strace s3  }
0x95: {  	s3 =	sld [smem:$0x3FFD];
	_ =	sdelay $0x3  }
0x96: {  	_ =	strace s3  }
0x97: {  	_ =	strace $0x8FFFFFFF  }
0x98: {  	s19 =	sld [smem:$0x3FDB];
	_ =	sdelay $0x1  }
0x99: {  	s4 =	simm.s32 $_scs_section_size  }
0x9a: {  	s5 =	simm.s32 $_size__tile_overlayer_lowered;
	s6 =	simm.s32 $_tile_overlayer_lowered  }
0x9b: {  	s22 =	simm.s32 $0x1BFF;
	s21 =	sshll.u32 s6, $0x1;
	s3 =	sadd.s32 s4, s19  }
0x9c: {  	s7 =	simm.s32 $0x0;
	s20 =	sshll.u32 s5, $0x1;
	s5 =	sadd.s32 s21, s3  }
0x9d: {  	[timem:s7], [sflag:s22] =	dma.local [hbm:s5], s20  }
0x9e: {  	_ =	swait.ge [sflag:s22], s20  }
0x9f: {  	s4 =	ssub.s32 $0x0, s20;
	[sflag:s22] =	ssyncset.done $0x0  }
0xa0: {  	[sflag:s22] =	ssyncadd.s32 s4;
	_ =	sdelay $0x1  }
0xa1: {  	s23 =	simm.s32 $0x1B8B  }
0xa2: {  	_ =	swait.ge [sflag:s23], $0x1  }
0xa3: {  	[sflag:s23] =	ssyncset.done $0x0  }
0xa4: {  	s25 =	simm.s32 $0x1B8E;
	s24 =	sld [smem:$0x3FFE];
	[sflag:s23] =	ssyncadd.s32 $0xFFFFFFFF  }
0xa5: {  	s26 =	simm.s32 $execute0_lowered;
	[smem:$0x3FD2] =	sst s25  }
0xa6: {  	s5 =	sshll.u32 s26, $0x1;
	_ =	strace $0x80000046;
	[dreg:$0x1] =	wrdreg $0xFFFFFFFF  }
0xa7: {  	s28 =	simm.s32 $_size_execute0_lowered;
	s3 =	sadd.s32 s3, s5;
	[dreg:$0x0] =	wrdreg $0x0  }
0xa8: {  	s5 =	sshll.u32 s28, $0x1;
	[dreg:$0x2] =	wrdreg s3  }
0xa9: {  	[dreg:$0x3] =	wrdreg s5  }
0xaa: {  	[dreg:$0x4] =	wrdreg $0xC0  }
0xab: {  	_ =	task [dreg:s7], $0x5FFFF  }
0xac: {  	[dreg:$0x1] =	wrdreg $0xFFFFFFFF  }
0xad: {  	[dreg:$0x0] =	wrdreg $0x60  }
0xae: {  	[dreg:$0x2] =	wrdreg s24  }
0xaf: {  	[dreg:$0x3] =	wrdreg s2  }
0xb0: {  	[dreg:$0x4] =	wrdreg $0xCE000  }
0xb1: {  	[dreg:$0x5] =	wrdreg $0x16A600  }
0xb2: {  	[dreg:$0x6] =	wrdreg $0x9  }
0xb3: {  	_ =	task.clear_ibuf [dreg:s7], $0x7FFFF;
	_ =	strace $0x90000046  }
0xb4: {  	s29 =	simm.s32 $0x9;
	_ =	strace $0x80000048  }
0xb5: {  	_ =	swait.ge [sflag:s29], $0x1  }
0xb6: {  	[sflag:s29] =	ssyncadd.s32 $0xFFFFFFFF  }
0xb7: {  	_ =	strace $0x90000048  }
0xb8: {  	_ =	sfence  }
0xb9: {  	s30 =	sld [smem:$0x0];
	_ =	sdelay $0x2  }
0xba: {  	s31 =	sshll.u32 s1, $0xD;
	s1 =	sshrl.u32 s1, $0x2  }
0xbb: {  	s3 =	sand.u32 $0x4000, s31;
	s1 =	sadd.s32 s1, s30  }
0xbc: {  	s0 =	sor.u32 s3, s0;
	s1 =	sshll.u32 s1, $0x11  }
0xbd: {  	s0 =	sor.u32 s1, s0  }
0xbe: {  	s0 =	sadd.s32 $0x8F2B, s0  }
0xbf: {  	[sflag:s0] =	ssyncadd.remote.s32 $0x1  }
0xc0: {  	_ =	sfence.sel $0xFFFF  }
0xc1: {  	[dreg:$0x0] =	wrdreg $0xFFFFFFFF;
	(pc) =	sbr.abs _section_cstart, $3  }
0xc2: {  	[dreg:$0x1] =	wrdreg $0xFFFFFFFF  }
0xc3: {  	_ =	task.clear_ibuf [dreg:s7], $0x2FFFF;
	_ =	strace $0x9FFFFFFF  }
0xc4: {  	(tm) =	ssettm $0x7FFFFFFF  }
0xc5: {  	_ =	shalt  }
tec
execute0_lowered:
.L_overlay_start_1:
0x0: {  	(tag) =	ssettag $0x1  }
0x1: {  	s0 =	rddreg [dreg:$0x0]  }
0x2: {  	s4 =	rddreg [dreg:$0x2]  }
0x3: {  	s16 =	rddreg [dreg:$0x3]  }
0x4: {  	s5 =	simm.s32 $0x0;
	s3 =	stileid.u32;
	s10 =	srdreg.scid  }
0x5: {  	s28 =	simm.s32 $0xB600;
	s29 =	simm.s32 $0x7;
	s1 =	smul.u32 $0xA000, s3  }
0x6: {  	[smem:$0x7FF] =	sst s5;
	s17 =	sadd.s32 $0x42000, s0;
	s2 =	smul.u32 $0x5000, s3  }
0x7: {  	s18 =	sadd.s32 $0x38000, s0;
	s19 =	sadd.s32 $0x6000, s0;
	s6 =	sadd.s32 $0x10000, s0  }
0x8: {  	s9 =	sadd.s32 $0xA04C00, s0;
	s11 =	sshll.u32 s3, $0xA;
	s12 =	sshll.u32 s3, $0x9  }
0x9: {  	s10 =	sand.u32 $0x1, s10;
	p0 =	sne.s32 s3, $0xF;
	p2 =	seq.s32 s3, $0xF  }
0xa: {  	s24 =	sshll.u32 s3, $0xD;
	s25 =	sshll.u32 s3, $0xC;
	s15 =	sshll.u32 s3, $0x6  }
0xb: {  	s26 =	sor.u32 $0x10, s3;
	_ =	strace $0x80000047;
	[dreg:$0xa] =	wrdreg s15  }
0xc: {  	s11 =	sadd.s32 s11, s0;
	s12 =	sadd.s32 s12, s0;
	[dreg:$0x5] =	wrdreg s17  }
0xd: {  	s13 =	ssub.s32 $0x2, s10;
	p1 =	seq.s32 s10, $0x0;
	[dreg:$0x6] =	wrdreg s18  }
0xe: {  	s20 =	sadd.s32 s6, s15;
	s30 =	sshll.u32 s26, $0x4;
	[dreg:$0x7] =	wrdreg s19  }
0xf: {  	s7 =	sshrl.u32 s1, $0x3;
	s8 =	sshrl.u32 s2, $0x3;
	s14 =	sshrl.u32 s13, $0x1  }
0x10: {  	p0 =	por !p1, !p0;
	p1 =	por !p1, !p2;
	s31 =	sadd.s32 s17, s30  }
0x11: {  	p2 =	sne.s32 s10, $0x0;
	s21 =	sadd.s32 s19, s30;
	s22 =	sadd.s32 $0x6B800, s11  }
0x12: {  	s23 =	sadd.s32 $0x69800, s12;
	s1 =	sadd.s32 s1, s4;
	[dreg:$0xb] =	wrdreg s20  }
0x13: {  	s2 =	sadd.s32 s2, s16;
	s11 =	sadd.s32 $0x5EC00, s0;
	[dreg:$0xd] =	wrdreg s31  }
0x14: {  	s7 =	sadd.s32 s7, s0;
	s8 =	sadd.s32 s8, s0;
	[dreg:$0xf] =	wrdreg s21  }
0x15: {  	s13 =	ssub.s32 s13, s14;
	p0 =	por !p0, !p0;
	[dreg:$0x10] =	wrdreg s22  }
0x16: {  	p1 =	por !p1, !p1;
	s14 =	sadd.s32 s24, s4;
	[dreg:$0x11] =	wrdreg s23  }
0x17: {  	s22 =	sadd.s32 $0x9F1200, s0;
	s23 =	sadd.s32 $0xA08E00, s0;
	[dreg:$0x15] =	wrdreg s11  }
0x18: {  	s31 =	smul.u32 $0x14000, s3;
	[dreg:$0x8] =	wrdreg s14;
	s14 =	sadd.s32 s25, s16  }
0x19: {  	p3 =	seq.s32 @!p1 s10, $0x0;
	s24 =	sadd.s32 $0x4C000, s7;
	[dreg:$0x9] =	wrdreg s14  }
0x1a: {  	s25 =	sadd.s32 $0x5FA00, s8;
	s12 =	smax.u32 s13, $0x1;
	[dreg:$0x12] =	wrdreg s24  }
0x1b: {  	s14 =	sshll.u32 s26, $0x6;
	[dreg:$0x13] =	wrdreg s25;
	s26 =	smul.u32 $0x28000, s3  }
0x1c: {  	[dreg:$0x17] =	wrdreg s12;
	p3 =	por p3, p1;
	s6 =	sadd.s32 s6, s14  }
0x1d: {  	s14 =	sadd.s32 s18, s30;
	s30 =	sadd.s32 $0x5800, s0;
	[dreg:$0xc] =	wrdreg s6  }
0x1e: {  	s0 =	sadd.s32 $0x69000, s0;
	[dreg:$0xe] =	wrdreg s14;
	s6 =	smul.u32 $0x280, s3  }
0x1f: {  	[dreg:$0x14] =	wrdreg s30;
	s13 =	sshrl.u32 s26, $0x2;
	s14 =	sshrl.u32 s31, $0x2  }
0x20: {  	[dreg:$0x16] =	wrdreg s0;
	s0 =	sadd.s32 s13, s4;
	s7 =	sadd.s32 s14, s16  }
0x21: {  	s15 =	sadd.s32 $0x80, s6;
	s24 =	sadd.s32 $0x100, s6;
	s26 =	sadd.s32 $0x180, s6  }
0x22: {  	s6 =	sadd.s32 $0x200, s6;
	s0 =	sshrl.u32 @p0 s0, $0x3;
	s21 =	sshll.u32 s15, $0x6  }
0x23: {  	s8 =	sshll.u32 s15, $0x5;
	s25 =	sshll.u32 s24, $0x6;
	s11 =	sshll.u32 s24, $0x5  }
0x24: {  	s30 =	sshll.u32 s26, $0x6;
	s13 =	sshll.u32 s26, $0x5;
	s31 =	sshll.u32 s6, $0x6  }
0x25: {  	s6 =	sshll.u32 s6, $0x5;
	[dreg:$0x18] =	wrdreg s0;
	s0 =	sshrl.u32 @p0 s7, $0x3  }
0x26: {  	s26 =	sadd.s32 $0x96000, s4;
	s7 =	simm.s32 $0x9600;
	s10 =	sadd.s32 s21, s4  }
0x27: {  	s8 =	sadd.s32 s8, s16;
	s12 =	sadd.s32 s25, s4;
	[dreg:$0x19] =	wrdreg s0  }
0x28: {  	s14 =	sadd.s32 s30, s4;
	[smem:$0x7FB] =	sst s26;
	s30 =	sadd.s32 $0x4B000, s16  }
0x29: {  	s15 =	sadd.s32 s31, s4;
	s31 =	sadd.s32 $0xC00, s20;
	[smem:$0x7FC] =	sst s30  }
0x2a: {  	s11 =	sadd.s32 s11, s16;
	s0 =	sshrl.u32 @p0 s10, $0x3;
	[smem:$0x7FD] =	sst s31  }
0x2b: {  	s13 =	sadd.s32 s13, s16;
	[dreg:$0x1a] =	wrdreg s0;
	s0 =	sshrl.u32 @p0 s8, $0x3  }
0x2c: {  	s6 =	sadd.s32 s6, s16;
	[dreg:$0x1b] =	wrdreg s0;
	s0 =	sshrl.u32 @p0 s12, $0x3  }
0x2d: {  	s20 =	simm.s32 $0x80;
	[dreg:$0x1c] =	wrdreg s0;
	s0 =	sshrl.u32 @p0 s11, $0x3  }
0x2e: {  	s26 =	simm.s32 $0x6;
	[dreg:$0x1d] =	wrdreg s0;
	s0 =	sshrl.u32 @p0 s14, $0x3  }
0x2f: {  	s10 =	simm.s32 $0x380;
	[dreg:$0x1e] =	wrdreg s0;
	s0 =	sshrl.u32 @p0 s13, $0x3  }
0x30: {  	s8 =	simm.s32 $0x5;
	[dreg:$0x1f] =	wrdreg s0;
	s0 =	sshrl.u32 @p0 s15, $0x3  }
0x31: {  	v0 =	vlaneseq.u32;
	s13 =	sshll.u32 s3, $0x4;
	[smem:$0x7EE] =	sst s0;
	s0 =	sshrl.u32 @p0 s6, $0x3  }
0x32: {  	v31 =	vmul.u32 $0x20, v0;
	s21 =	sadd.s32 s17, s13;
	[smem:$0x7EF] =	sst s0;
	s0 =	sadd.s32 $0x98000, s4  }
0x33: {  	s12 =	simm.s32 $0x1;
	[smem:$0x7F8] =	sst s21;
	s0 =	sshrl.u32 @p1 s0, $0x3  }
0x34: {  	v0 =	vor.u32 $0x18, v31;
	v1 =	vor.u32 $0x218, v31;
	s24 =	sadd.s32 s18, s13;
	[smem:$0x7F0] =	sst s0;
	s0 =	sadd.s32 $0x4C000, s16  }
0x35: {  	v2 =	vor.u32 $0x418, v31;
	v3 =	vor.u32 $0x618, v31;
	v4 =	vor.u32 $0x818, v31;
	s6 =	sadd.s32 $0x9A000, s4;
	[smem:$0x7F9] =	sst s24;
	s0 =	sshrl.u32 @p1 s0, $0x3  }
0x36: {  	v5 =	vor.u32 $0xA18, v31;
	v6 =	vor.u32 $0xC18, v31;
	v7 =	vor.u32 $0xE18, v31;
	s11 =	simm.s32 $0x3;
	[smem:$0x7F1] =	sst s0;
	s0 =	sshrl.u32 @p1 s6, $0x3  }
0x37: {  	v8 =	vor.u32 $0x19, v31;
	v9 =	vor.u32 $0x219, v31;
	v10 =	vor.u32 $0x419, v31;
	s25 =	sadd.s32 s19, s13;
	[smem:$0x7F2] =	sst s0;
	s0 =	sadd.s32 $0x4D000, s16  }
0x38: {  	v11 =	vor.u32 $0x619, v31;
	v12 =	vor.u32 $0x819, v31;
	v13 =	vor.u32 $0xA19, v31;
	s14 =	simm.s32 $0x8600;
	[smem:$0x7FA] =	sst s25;
	s0 =	sshrl.u32 @p1 s0, $0x3  }
0x39: {  	v14 =	vor.u32 $0xC19, v31;
	v15 =	vor.u32 $0xE19, v31;
	v16 =	vor.u32 $0x1A, v31;
	s19 =	simm.s32 $0x4;
	[smem:$0x7F3] =	sst s0;
	s0 =	sadd.s32 $0x9C000, s4  }
.Ltmp0:
0x3a: {  	v17 =	vor.u32 $0x21A, v31;
	v18 =	vor.u32 $0x41A, v31;
	v19 =	vor.u32 $0x61A, v31;
	s6 =	sadd.s32 $0x4E000, s16;
	s0 =	sshrl.u32 @p1 s0, $0x3;
	(pc) =	sbr.rel .LBB2_1-.Ltmp0, $4  }
0x3b: {  	v20 =	vor.u32 $0x81A, v31;
	v21 =	vor.u32 $0xA1A, v31;
	v22 =	vor.u32 $0xC1A, v31;
	s24 =	simm.s32 $0x8;
	[smem:$0x7F4] =	sst s0;
	s0 =	sshrl.u32 @p1 s6, $0x3  }
0x3c: {  	v23 =	vor.u32 $0xE1A, v31;
	v24 =	vor.u32 $0x1B, v31;
	v25 =	vor.u32 $0x21B, v31;
	s4 =	simm.s32 $0x180;
	[smem:$0x7F5] =	sst s0;
	s0 =	sshrl.u32 @p0 s1, $0x3  }
0x3d: {  	v26 =	vor.u32 $0x41B, v31;
	v27 =	vor.u32 $0x61B, v31;
	v28 =	vor.u32 $0x81B, v31;
	s6 =	simm.s32 $0x2;
	[smem:$0x7F6] =	sst s0;
	s0 =	sshrl.u32 @p0 s2, $0x3  }
0x3e: {  	v29 =	vor.u32 $0xA1B, v31;
	v30 =	vor.u32 $0xC1B, v31;
	v31 =	vor.u32 $0xE1B, v31;
	s1 =	simm.s32 $0xA600;
	s2 =	simm.s32 $0x0;
	[smem:$0x7F7] =	sst s0  }
.LBB2_15:
0x3f: {  	s0 =	simm.s32 $0x9  }
0x40: {  	_ =	swait.ge [sflag:s0], $0x2000  }
0x41: {  	[sflag:s0] =	ssyncset.done $0x0  }
0x42: {  	[sflag:s0] =	ssyncadd.s32 $0xFFFFE000  }
0x43: {  	_ =	swait.ge [sflag:s0], $0x1000  }
0x44: {  	[sflag:s0] =	ssyncset.done $0x0  }
0x45: {  	s25 =	simm.s32 $0xA;
	[sflag:s0] =	ssyncadd.s32 $0xFFFFF000  }
0x46: {  	_ =	swait.ge [sflag:s25], $0x2000  }
0x47: {  	[sflag:s25] =	ssyncset.done $0x0  }
0x48: {  	[sflag:s25] =	ssyncadd.s32 $0xFFFFE000  }
0x49: {  	_ =	swait.ge [sflag:s25], $0x1000  }
0x4a: {  	[sflag:s25] =	ssyncset.done $0x0  }
0x4b: {  	s30 =	simm.s32 $0xB;
	[sflag:s25] =	ssyncadd.s32 $0xFFFFF000  }
0x4c: {  	_ =	swait.ge [sflag:s30], $0x2000  }
0x4d: {  	[sflag:s30] =	ssyncset.done $0x0  }
0x4e: {  	[sflag:s30] =	ssyncadd.s32 $0xFFFFE000  }
0x4f: {  	_ =	swait.ge [sflag:s30], $0x1000  }
0x50: {  	[sflag:s30] =	ssyncset.done $0x0  }
0x51: {  	s31 =	simm.s32 $0xC;
	[sflag:s30] =	ssyncadd.s32 $0xFFFFF000  }
0x52: {  	_ =	swait.ge [sflag:s31], $0x2000  }
0x53: {  	[sflag:s31] =	ssyncset.done $0x0  }
0x54: {  	[sflag:s31] =	ssyncadd.s32 $0xFFFFE000  }
0x55: {  	_ =	swait.ge [sflag:s31], $0x1000  }
0x56: {  	[sflag:s31] =	ssyncset.done $0x0  }
0x57: {  	[sflag:s31] =	ssyncadd.s32 $0xFFFFF000  }
0x58: {  	[bflag:$0x0] =	sbarrier.arrive $0xFFFF  }
0x59: {  	s2 =	sld [smem:$0x7F6]  }
0x5a: {  	s15 =	sld [smem:$0x7EB];
	_ =	sdelay $0x1  }
0x5b: {  	s0 =	rddreg [dreg:$0x12]  }
0x5c: {  	[hbm:s0], [sflag:s15] =	dma.local @p0 [spmem:s2], $0x1400  }
0x5d: {  	s0 =	simm.s32 @p0 $0xD  }
0x5e: {  	_ =	swait.ge @p0 [sflag:s0], $0x1400  }
0x5f: {  	s3 =	sld [smem:$0x7F7]  }
0x60: {  	[sflag:s0] =	ssyncset.done @p0 $0x0  }
0x61: {  	s2 =	rddreg [dreg:$0x13];
	[sflag:s0] =	ssyncadd.s32 @p0 $0xFFFFEC00  }
0x62: {  	[hbm:s2], [sflag:s15] =	dma.local @p0 [spmem:s3], $0xA00  }
0x63: {  	_ =	swait.ge @p0 [sflag:s0], $0xA00  }
0x64: {  	s3 =	sld [smem:$0x7EC]  }
0x65: {  	[sflag:s0] =	ssyncset.done @p0 $0x0  }
0x66: {  	s2 =	rddreg [dreg:$0x15];
	[sflag:s0] =	ssyncadd.s32 @p0 $0xFFFFF600;
	s0 =	simm.s32 @p1 $0x1FCD  }
0x67: {  	[hbm:s2], [sflag:s0] =	dma.local @p1 [spmem:s3], $0xC80  }
0x68: {  	s2 =	simm.s32 @p1 $0xD  }
0x69: {  	_ =	swait.ge @p1 [sflag:s2], $0xC80  }
0x6a: {  	s15 =	sld [smem:$0x7ED]  }
0x6b: {  	[sflag:s2] =	ssyncset.done @p1 $0x0  }
0x6c: {  	s3 =	rddreg [dreg:$0x16];
	[sflag:s2] =	ssyncadd.s32 @p1 $0xFFFFF380  }
0x6d: {  	[hbm:s3], [sflag:s0] =	dma.local @p1 [spmem:s15], $0x640  }
0x6e: {  	_ =	swait.ge @p1 [sflag:s2], $0x640  }
0x6f: {  	[sflag:s2] =	ssyncset.done @p1 $0x0  }
0x70: {  	[sflag:s2] =	ssyncadd.s32 @p1 $0xFFFFF9C0;
	s2 =	sld [smem:$0x7EA]  }
.LBB2_18:
0x71: {  	_ =	sdelay $0x1  }
0x72: {  	s0 =	rddreg [dreg:$0x17];
	s2 =	sadd.s32 $0x1, s2  }
0x73: {  	p4 =	sne.s32 s2, s0  }
.Ltmp1:
0x74: {  	_ = 	snop;
	(pc) =	sbr.rel @!p4 .LBB2_19-.Ltmp1, $1  }
0x75: {  	_ =	sdelay $0x3  }
.LBB2_1:
0x76: {  	[smem:$0x7EA] =	sst s2;
	s2 =	stileid.u32  }
0x77: {  	s16 =	rddreg [dreg:$0x14];
	s0 =	sshll.u32 @p0 s2, $0x6  }
0x78: {  	s17 =	sor.u32 @p0 $0x1C0D, s0;
	s0 =	rddreg [dreg:$0x18]  }
0x79: {  	[spmem:s0], [sflag:s17] =	dma.local @p0 [hbm:s16], $0x400  }
0x7a: {  	s0 =	simm.s32 @p0 $0xD  }
0x7b: {  	_ =	swait.ge @p0 [sflag:s0], $0x400  }
0x7c: {  	[sflag:s0] =	ssyncset.done @p0 $0x0  }
0x7d: {  	s15 =	rddreg [dreg:$0x19];
	[sflag:s0] =	ssyncadd.s32 @p0 $0xFFFFFC00  }
0x7e: {  	s3 =	rddreg [dreg:$0x1]  }
0x7f: {  	[spmem:s15], [sflag:s17] =	dma.local @p0 [hbm:s3], $0x200  }
0x80: {  	_ =	swait.ge @p0 [sflag:s0], $0x200  }
0x81: {  	[sflag:s0] =	ssyncset.done @p0 $0x0  }
0x82: {  	s15 =	rddreg [dreg:$0x1a];
	[sflag:s0] =	ssyncadd.s32 @p0 $0xFFFFFE00  }
0x83: {  	[spmem:s15], [sflag:s17] =	dma.local @p0 [hbm:s16], $0x400  }
0x84: {  	_ =	swait.ge @p0 [sflag:s0], $0x400  }
0x85: {  	[sflag:s0] =	ssyncset.done @p0 $0x0  }
0x86: {  	s15 =	rddreg [dreg:$0x1b];
	[sflag:s0] =	ssyncadd.s32 @p0 $0xFFFFFC00  }
0x87: {  	[spmem:s15], [sflag:s17] =	dma.local @p0 [hbm:s3], $0x200  }
0x88: {  	_ =	swait.ge @p0 [sflag:s0], $0x200  }
0x89: {  	[sflag:s0] =	ssyncset.done @p0 $0x0  }
0x8a: {  	s15 =	rddreg [dreg:$0x1c];
	[sflag:s0] =	ssyncadd.s32 @p0 $0xFFFFFE00  }
0x8b: {  	[spmem:s15], [sflag:s17] =	dma.local @p0 [hbm:s16], $0x400  }
0x8c: {  	_ =	swait.ge @p0 [sflag:s0], $0x400  }
0x8d: {  	[sflag:s0] =	ssyncset.done @p0 $0x0  }
0x8e: {  	s15 =	rddreg [dreg:$0x1d];
	[sflag:s0] =	ssyncadd.s32 @p0 $0xFFFFFC00  }
0x8f: {  	[spmem:s15], [sflag:s17] =	dma.local @p0 [hbm:s3], $0x200  }
0x90: {  	_ =	swait.ge @p0 [sflag:s0], $0x200  }
0x91: {  	[sflag:s0] =	ssyncset.done @p0 $0x0  }
0x92: {  	s15 =	rddreg [dreg:$0x1e];
	[sflag:s0] =	ssyncadd.s32 @p0 $0xFFFFFE00  }
0x93: {  	[spmem:s15], [sflag:s17] =	dma.local @p0 [hbm:s16], $0x400  }
0x94: {  	_ =	swait.ge @p0 [sflag:s0], $0x400  }
0x95: {  	[sflag:s0] =	ssyncset.done @p0 $0x0  }
0x96: {  	s15 =	rddreg [dreg:$0x1f];
	[sflag:s0] =	ssyncadd.s32 @p0 $0xFFFFFC00  }
0x97: {  	[spmem:s15], [sflag:s17] =	dma.local @p0 [hbm:s3], $0x200  }
0x98: {  	_ =	swait.ge @p0 [sflag:s0], $0x200  }
0x99: {  	s15 =	sld [smem:$0x7EE]  }
0x9a: {  	[sflag:s0] =	ssyncset.done @p0 $0x0  }
0x9b: {  	[sflag:s0] =	ssyncadd.s32 @p0 $0xFFFFFE00  }
0x9c: {  	[spmem:s15], [sflag:s17] =	dma.local @p0 [hbm:s16], $0x400  }
0x9d: {  	_ =	swait.ge @p0 [sflag:s0], $0x400  }
0x9e: {  	s15 =	sld [smem:$0x7EF]  }
0x9f: {  	[sflag:s0] =	ssyncset.done @p0 $0x0  }
0xa0: {  	[smem:$0x7EB] =	sst s17;
	[sflag:s0] =	ssyncadd.s32 @p0 $0xFFFFFC00  }
0xa1: {  	[spmem:s15], [sflag:s17] =	dma.local @p0 [hbm:s3], $0x200  }
0xa2: {  	_ =	swait.ge @p0 [sflag:s0], $0x200  }
0xa3: {  	s2 =	sshll.u32 @!p3 s2, $0x6;
	[sflag:s0] =	ssyncset.done @p0 $0x0  }
0xa4: {  	[sflag:s0] =	ssyncadd.s32 @p0 $0xFFFFFE00;
	s0 =	sor.u32 @!p3 $0x1C0D, s2;
	s2 =	rddreg [dreg:$0x8]  }
0xa5: {  	s2 =	sshrl.u32 @!p3 s2, $0x3  }
0xa6: {  	[spmem:s2], [sflag:s0] =	dma.local @!p3 [hbm:s16], $0x400  }
0xa7: {  	s2 =	simm.s32 @!p3 $0xD  }
0xa8: {  	_ =	swait.ge @!p3 [sflag:s2], $0x400  }
0xa9: {  	[sflag:s2] =	ssyncset.done @!p3 $0x0;
	s15 =	rddreg [dreg:$0x9]  }
0xaa: {  	[sflag:s2] =	ssyncadd.s32 @!p3 $0xFFFFFC00;
	s15 =	sshrl.u32 @!p3 s15, $0x3  }
0xab: {  	[spmem:s15], [sflag:s0] =	dma.local @!p3 [hbm:s3], $0x200  }
0xac: {  	_ =	swait.ge @!p3 [sflag:s2], $0x200  }
0xad: {  	s0 =	sld [smem:$0x7FB];
	_ =	sdelay $0x1  }
0xae: {  	[sflag:s2] =	ssyncset.done @!p3 $0x0  }
0xaf: {  	[sflag:s2] =	ssyncadd.s32 @!p3 $0xFFFFFE00;
	s2 =	sshrl.u32 @p1 s0, $0x3  }
0xb0: {  	s0 =	simm.s32 @p1 $0x1FCD;
	[smem:$0x7EC] =	sst s2  }
0xb1: {  	[spmem:s2], [sflag:s0] =	dma.local @p1 [hbm:s16], $0x400  }
0xb2: {  	s2 =	simm.s32 @p1 $0xD  }
0xb3: {  	_ =	swait.ge @p1 [sflag:s2], $0x400  }
0xb4: {  	s15 =	sld [smem:$0x7FC];
	_ =	sdelay $0x2  }
0xb5: {  	[sflag:s2] =	ssyncset.done @p1 $0x0;
	s15 =	sshrl.u32 @p1 s15, $0x3  }
0xb6: {  	[sflag:s2] =	ssyncadd.s32 @p1 $0xFFFFFC00;
	[smem:$0x7ED] =	sst s15  }
0xb7: {  	[spmem:s15], [sflag:s0] =	dma.local @p1 [hbm:s3], $0x200  }
0xb8: {  	_ =	swait.ge @p1 [sflag:s2], $0x200  }
0xb9: {  	s15 =	sld [smem:$0x7F0]  }
0xba: {  	[sflag:s2] =	ssyncset.done @p1 $0x0  }
0xbb: {  	[sflag:s2] =	ssyncadd.s32 @p1 $0xFFFFFE00  }
0xbc: {  	[spmem:s15], [sflag:s0] =	dma.local @p1 [hbm:s16], $0x400  }
0xbd: {  	_ =	swait.ge @p1 [sflag:s2], $0x400  }
0xbe: {  	s15 =	sld [smem:$0x7F1]  }
0xbf: {  	[sflag:s2] =	ssyncset.done @p1 $0x0  }
0xc0: {  	[sflag:s2] =	ssyncadd.s32 @p1 $0xFFFFFC00  }
0xc1: {  	[spmem:s15], [sflag:s0] =	dma.local @p1 [hbm:s3], $0x200  }
0xc2: {  	_ =	swait.ge @p1 [sflag:s2], $0x200  }
0xc3: {  	s15 =	sld [smem:$0x7F2]  }
0xc4: {  	[sflag:s2] =	ssyncset.done @p1 $0x0  }
0xc5: {  	[sflag:s2] =	ssyncadd.s32 @p1 $0xFFFFFE00  }
0xc6: {  	[spmem:s15], [sflag:s0] =	dma.local @p1 [hbm:s16], $0x400  }
0xc7: {  	_ =	swait.ge @p1 [sflag:s2], $0x400  }
0xc8: {  	s15 =	sld [smem:$0x7F3]  }
0xc9: {  	[sflag:s2] =	ssyncset.done @p1 $0x0  }
0xca: {  	[sflag:s2] =	ssyncadd.s32 @p1 $0xFFFFFC00  }
0xcb: {  	[spmem:s15], [sflag:s0] =	dma.local @p1 [hbm:s3], $0x200  }
0xcc: {  	_ =	swait.ge @p1 [sflag:s2], $0x200  }
0xcd: {  	s15 =	sld [smem:$0x7F4]  }
0xce: {  	[sflag:s2] =	ssyncset.done @p1 $0x0  }
0xcf: {  	[sflag:s2] =	ssyncadd.s32 @p1 $0xFFFFFE00  }
0xd0: {  	[spmem:s15], [sflag:s0] =	dma.local @p1 [hbm:s16], $0x80  }
0xd1: {  	_ =	swait.ge @p1 [sflag:s2], $0x80  }
0xd2: {  	s15 =	sld [smem:$0x7F5]  }
0xd3: {  	[sflag:s2] =	ssyncset.done @p1 $0x0  }
0xd4: {  	[sflag:s2] =	ssyncadd.s32 @p1 $0xFFFFFF80  }
0xd5: {  	[spmem:s15], [sflag:s0] =	dma.local @p1 [hbm:s3], $0x40  }
0xd6: {  	_ =	swait.ge @p1 [sflag:s2], $0x40  }
0xd7: {  	[sflag:s2] =	ssyncset.done @p1 $0x0  }
0xd8: {  	[sflag:s2] =	ssyncadd.s32 @p1 $0xFFFFFFC0  }
0xd9: {  	[bflag:$0x0] =	sbarrier.arrive $0xFFFF  }
0xda: {  	s21 =	sld [smem:$0x7F8];
	_ =	sdelay $0x1  }
0xdb: {  	s25 =	sld [smem:$0x7F9]  }
0xdc: {  	[tilespmem:s5], [sflag:$0x1] =	stream.linear.gather [hbm4b:s21+s5], $0x80, $0x38;
	[tilespmem:$0x1B890] =	vst v63  }
0xdd: {  	s30 =	simm.s32 $0x200;
	s31 =	sld [smem:$0x7FA]  }
0xde: {  	[tilespmem:s30], [sflag:$0x1] =	stream.linear.gather [hbm4b:s25+s5], $0x80, $0x38;
	[tilespmem:$0x1B890] =	vst v63  }
0xdf: {  	s3 =	simm.s32 $0x400  }
0xe0: {  	[tilespmem:s3], [sflag:$0x1] =	stream.linear.gather [hbm4b:s31+s5], $0x80, $0x38;
	[tilespmem:$0x1B890] =	vst v63  }
0xe1: {  	s15 =	simm.s32 $0xC600;
	s2 =	rddreg [dreg:$0xb]  }
0xe2: {  	[tilespmem:s15], [sflag:$0x1] =	stream.linear.gather [hbm4b:s2+s5], $0x200, $0x38;
	[tilespmem:$0x1B890] =	vst v63  }
0xe3: {  	s16 =	rddreg [dreg:$0xd]  }
0xe4: {  	[tilespmem:s20], [sflag:$0x2] =	stream.linear.gather [hbm4b:s16+s5], $0x80, $0x38;
	[tilespmem:$0x1B890] =	vst v63  }
0xe5: {  	s18 =	simm.s32 $0x280;
	s17 =	rddreg [dreg:$0xe]  }
0xe6: {  	[tilespmem:s18], [sflag:$0x2] =	stream.linear.gather [hbm4b:s17+s5], $0x80, $0x38;
	[tilespmem:$0x1B890] =	vst v63  }
0xe7: {  	s21 =	rddreg [dreg:$0xf];
	s25 =	simm.s32 $0x480  }
0xe8: {  	[tilespmem:s25], [sflag:$0x2] =	stream.linear.gather [hbm4b:s21+s5], $0x80, $0x38;
	[tilespmem:$0x1B890] =	vst v63  }
0xe9: {  	s30 =	rddreg [dreg:$0xc];
	s31 =	simm.s32 $0xC800  }
0xea: {  	[tilespmem:s31], [sflag:$0x2] =	stream.linear.gather [hbm4b:s30+s5], $0x200, $0x38;
	[tilespmem:$0x1B890] =	vst v63  }
0xeb: {  	_ =	swait.ge [sflag:s12], $0x80  }
0xec: {  	[sflag:s12] =	ssyncset.done $0x0  }
0xed: {  	[sflag:s12] =	ssyncadd.s32 $0xFFFFFF80  }
0xee: {  	_ =	swait.ge [sflag:s12], $0x80  }
0xef: {  	[sflag:s12] =	ssyncset.done $0x0  }
0xf0: {  	[sflag:s12] =	ssyncadd.s32 $0xFFFFFF80  }
0xf1: {  	_ =	swait.ge [sflag:s12], $0x80  }
0xf2: {  	[sflag:s12] =	ssyncset.done $0x0  }
0xf3: {  	[sflag:s12] =	ssyncadd.s32 $0xFFFFFF80  }
0xf4: {  	_ =	swait.ge [sflag:s12], $0x200  }
0xf5: {  	s0 =	simm.s32 @p2 $0x200;
	s15 =	simm.s32 @p2 $0x80;
	[sflag:s12] =	ssyncset.done $0x0  }
0xf6: {  	s2 =	simm.s32 @p2 $0x600;
	s16 =	rddreg [dreg:$0x7];
	[sflag:s12] =	ssyncadd.s32 $0xFFFFFE00  }
0xf7: {  	[tilespmem:s2], [sflag:$0x5] =	stream.indirect.gather @p2 [hbm4b:s22+s15], $0x40, s0, s15, $0xb8;
	[tilespmem:$0x1B890] =	vst v63  }
0xf8: {  	s17 =	sld [smem:$0x7FD];
	s15 =	simm.s32 @!p2 $0x80  }
.Ltmp2:
0xf9: {  	s0 =	simm.s32 @!p2 $0x0;
	s2 =	simm.s32 @!p2 $0x600;
	(pc) =	sbr.rel .LBB2_2-.Ltmp2, $4  }
0xfa: {  	[tilespmem:s2], [sflag:$0x5] =	stream.indirect.gather @!p2 [hbm4b:s9+s15], $0x40, s0, s15, $0xb8;
	[tilespmem:$0x1B890] =	vst v63  }
0xfb: {  	s0 =	rddreg [dreg:$0x5]  }
0xfc: {  	s25 =	simm.s32 $0x27;
	s15 =	rddreg [dreg:$0x6]  }
0xfd: {  	[tilespmem:s14], [sflag:$0x5] =	stream.indirect.gather [hbm4b:s23+s20], $0x20, s3, s20, $0xb8;
	[tilespmem:$0x1B890] =	vst v63  }
.LBB2_13:
.Ltmp3:
0xfe: {  	(pc) =	sbr.rel @p4 .LBB2_15-.Ltmp3, $4  }
0xff: {  	s2 =	rddreg [dreg:$0x2];
	s3 =	simm.s32 $0x380;
	s10 =	simm.s32 $0x6600  }
0x100: {  	[spmem:s2] =	stream.indirect.scatter.add.f32 [tilespmem:s10], [sflag:$0xC], $0x40, s3, s20, $0xb8;
	[tilespmem:$0x1B890] =	vst v63  }
0x101: {  	s31 =	rddreg [dreg:$0x3];
	s10 =	simm.s32 $0x380  }
0x102: {  	[spmem:s31] =	stream.indirect.scatter.add.f32 [tilespmem:s28], [sflag:$0xC], $0x20, s3, s20, $0xb8;
	[tilespmem:$0x1B890] =	vst v63  }
.LBB2_14:
0x103: {  	s25 =	sadd.s32 $0xFFFFFFFF, s25;
	s17 =	sadd.s32 $0x1000, s17  }
0x104: {  	s16 =	sadd.s32 $0x400, s16;
	s15 =	sadd.s32 $0x400, s15;
	s0 =	sadd.s32 $0x400, s0  }
.LBB2_2:
0x105: {  	p4 =	seq.s32 s25, $0x27  }
0x106: {  	s2 =	simm.s32 @!p4 $0xB  }
0x107: {  	_ =	swait.ge @!p4 [sflag:s2], $0x2000  }
0x108: {  	[sflag:s2] =	ssyncset.done @!p4 $0x0  }
0x109: {  	[sflag:s2] =	ssyncadd.s32 @!p4 $0xFFFFE000  }
0x10a: {  	_ =	swait.ge @!p4 [sflag:s2], $0x1000  }
0x10b: {  	s30 =	sadd.s32 s0, s13;
	s3 =	simm.s32 $0x100;
	[sflag:s2] =	ssyncset.done @!p4 $0x0  }
0x10c: {  	s31 =	sadd.s32 s15, s13;
	s21 =	sadd.s32 $0x200, s30;
	[sflag:s2] =	ssyncadd.s32 @!p4 $0xFFFFF000  }
0x10d: {  	[tilespmem:s3], [sflag:$0x3] =	stream.linear.gather [hbm4b:s21+s5], $0x80, $0x38;
	[tilespmem:$0x1B890] =	vst v63  }
0x10e: {  	s18 =	simm.s32 $0x300;
	s2 =	sadd.s32 s16, s13;
	s3 =	sadd.s32 $0x200, s31  }
0x10f: {  	[tilespmem:s18], [sflag:$0x3] =	stream.linear.gather [hbm4b:s3+s5], $0x80, $0x38;
	[tilespmem:$0x1B890] =	vst v63  }
0x110: {  	s21 =	simm.s32 $0x500;
	s18 =	sadd.s32 $0x200, s2  }
0x111: {  	[tilespmem:s21], [sflag:$0x3] =	stream.linear.gather [hbm4b:s18+s5], $0x80, $0x38;
	[tilespmem:$0x1B890] =	vst v63  }
0x112: {  	s3 =	sadd.s32 $0xFFFFFC00, s17;
	s21 =	simm.s32 $0xCA00  }
0x113: {  	[tilespmem:s21], [sflag:$0x3] =	stream.linear.gather [hbm4b:s3+s5], $0x200, $0x38;
	[tilespmem:$0x1B890] =	vst v63  }
0x114: {  	_ =	swait.ge [sflag:s6], $0x80  }
0x115: {  	[sflag:s6] =	ssyncset.done $0x0  }
0x116: {  	[sflag:s6] =	ssyncadd.s32 $0xFFFFFF80  }
0x117: {  	_ =	swait.ge [sflag:s6], $0x80  }
0x118: {  	[sflag:s6] =	ssyncset.done $0x0  }
0x119: {  	[sflag:s6] =	ssyncadd.s32 $0xFFFFFF80  }
0x11a: {  	_ =	swait.ge [sflag:s6], $0x80  }
0x11b: {  	[sflag:s6] =	ssyncset.done $0x0  }
0x11c: {  	[sflag:s6] =	ssyncadd.s32 $0xFFFFFF80  }
0x11d: {  	_ =	swait.ge [sflag:s6], $0x200  }
0x11e: {  	s18 =	simm.s32 @p2 $0x280;
	[sflag:s6] =	ssyncset.done $0x0  }
0x11f: {  	s21 =	simm.s32 @p2 $0x2600;
	s3 =	simm.s32 @p2 $0x80;
	[sflag:s6] =	ssyncadd.s32 $0xFFFFFE00  }
0x120: {  	[tilespmem:s21], [sflag:$0x6] =	stream.indirect.gather @p2 [hbm4b:s22+s3], $0x40, s18, s3, $0xb8;
	[tilespmem:$0x1B890] =	vst v63  }
0x121: {  	s18 =	simm.s32 @!p2 $0x2600;
	s3 =	simm.s32 @!p2 $0x80  }
0x122: {  	[tilespmem:s18], [sflag:$0x6] =	stream.indirect.gather @!p2 [hbm4b:s9+s3], $0x40, s3, s3, $0xb8;
	[tilespmem:$0x1B890] =	vst v63  }
0x123: {  	s21 =	simm.s32 $0x480  }
0x124: {  	[tilespmem:s7], [sflag:$0x6] =	stream.indirect.gather [hbm4b:s23+s20], $0x20, s21, s20, $0xb8;
	[tilespmem:$0x1B890] =	vst v63  }
0x125: {  	_ =	swait.ge [sflag:s8], $0x2000  }
0x126: {  	[sflag:s8] =	ssyncset.done $0x0  }
0x127: {  	[sflag:s8] =	ssyncadd.s32 $0xFFFFE000  }
0x128: {  	_ =	swait.ge [sflag:s8], $0x1000  }
0x129: {  	[sflag:s8] =	ssyncset.done $0x0  }
0x12a: {  	[sflag:s8] =	ssyncadd.s32 $0xFFFFF000  }
0x12b: {  	v32 =	vld [tilespmem:$0xC600];
	_ =	sdelay $0x4  }
0x12c: {  	[tilespmem:v0+s14+$0x0] =	vst.idx.msk $0xffff, v32  }
0x12d: {  	v32 =	vld [tilespmem:$0xC610];
	_ =	sdelay $0x4  }
0x12e: {  	[tilespmem:v1+s14+$0x0] =	vst.idx.msk $0xffff, v32  }
0x12f: {  	v32 =	vld [tilespmem:$0xC620];
	_ =	sdelay $0x4  }
0x130: {  	[tilespmem:v2+s14+$0x0] =	vst.idx.msk $0xffff, v32  }
0x131: {  	v32 =	vld [tilespmem:$0xC630];
	_ =	sdelay $0x4  }
0x132: {  	[tilespmem:v3+s14+$0x0] =	vst.idx.msk $0xffff, v32  }
0x133: {  	v32 =	vld [tilespmem:$0xC640];
	_ =	sdelay $0x4  }
0x134: {  	[tilespmem:v4+s14+$0x0] =	vst.idx.msk $0xffff, v32  }
0x135: {  	v32 =	vld [tilespmem:$0xC650];
	_ =	sdelay $0x4  }
0x136: {  	[tilespmem:v5+s14+$0x0] =	vst.idx.msk $0xffff, v32  }
0x137: {  	v32 =	vld [tilespmem:$0xC660];
	_ =	sdelay $0x4  }
0x138: {  	[tilespmem:v6+s14+$0x0] =	vst.idx.msk $0xffff, v32  }
0x139: {  	v32 =	vld [tilespmem:$0xC670];
	_ =	sdelay $0x4  }
0x13a: {  	[tilespmem:v7+s14+$0x0] =	vst.idx.msk $0xffff, v32  }
0x13b: {  	v32 =	vld [tilespmem:$0xC680];
	_ =	sdelay $0x4  }
0x13c: {  	[tilespmem:v8+s14+$0x0] =	vst.idx.msk $0xffff, v32  }
0x13d: {  	v32 =	vld [tilespmem:$0xC690];
	_ =	sdelay $0x4  }
0x13e: {  	[tilespmem:v9+s14+$0x0] =	vst.idx.msk $0xffff, v32  }
0x13f: {  	v32 =	vld [tilespmem:$0xC6A0];
	_ =	sdelay $0x4  }
0x140: {  	[tilespmem:v10+s14+$0x0] =	vst.idx.msk $0xffff, v32  }
0x141: {  	v32 =	vld [tilespmem:$0xC6B0];
	_ =	sdelay $0x4  }
0x142: {  	[tilespmem:v11+s14+$0x0] =	vst.idx.msk $0xffff, v32  }
0x143: {  	v32 =	vld [tilespmem:$0xC6C0];
	_ =	sdelay $0x4  }
0x144: {  	[tilespmem:v12+s14+$0x0] =	vst.idx.msk $0xffff, v32  }
0x145: {  	v32 =	vld [tilespmem:$0xC6D0];
	_ =	sdelay $0x4  }
0x146: {  	[tilespmem:v13+s14+$0x0] =	vst.idx.msk $0xffff, v32  }
0x147: {  	v32 =	vld [tilespmem:$0xC6E0];
	_ =	sdelay $0x4  }
0x148: {  	[tilespmem:v14+s14+$0x0] =	vst.idx.msk $0xffff, v32  }
0x149: {  	v32 =	vld [tilespmem:$0xC6F0];
	_ =	sdelay $0x4  }
0x14a: {  	[tilespmem:v15+s14+$0x0] =	vst.idx.msk $0xffff, v32  }
0x14b: {  	v32 =	vld [tilespmem:$0xC700];
	_ =	sdelay $0x4  }
0x14c: {  	[tilespmem:v16+s14+$0x0] =	vst.idx.msk $0xffff, v32  }
0x14d: {  	v32 =	vld [tilespmem:$0xC710];
	_ =	sdelay $0x4  }
0x14e: {  	[tilespmem:v17+s14+$0x0] =	vst.idx.msk $0xffff, v32  }
0x14f: {  	v32 =	vld [tilespmem:$0xC720];
	_ =	sdelay $0x4  }
0x150: {  	[tilespmem:v18+s14+$0x0] =	vst.idx.msk $0xffff, v32  }
0x151: {  	v32 =	vld [tilespmem:$0xC730];
	_ =	sdelay $0x4  }
0x152: {  	[tilespmem:v19+s14+$0x0] =	vst.idx.msk $0xffff, v32  }
0x153: {  	v32 =	vld [tilespmem:$0xC740];
	_ =	sdelay $0x4  }
0x154: {  	[tilespmem:v20+s14+$0x0] =	vst.idx.msk $0xffff, v32  }
0x155: {  	v32 =	vld [tilespmem:$0xC750];
	_ =	sdelay $0x4  }
0x156: {  	[tilespmem:v21+s14+$0x0] =	vst.idx.msk $0xffff, v32  }
0x157: {  	v32 =	vld [tilespmem:$0xC760];
	_ =	sdelay $0x4  }
0x158: {  	[tilespmem:v22+s14+$0x0] =	vst.idx.msk $0xffff, v32  }
0x159: {  	v32 =	vld [tilespmem:$0xC770];
	_ =	sdelay $0x4  }
0x15a: {  	[tilespmem:v23+s14+$0x0] =	vst.idx.msk $0xffff, v32  }
0x15b: {  	v32 =	vld [tilespmem:$0xC780];
	_ =	sdelay $0x4  }
0x15c: {  	[tilespmem:v24+s14+$0x0] =	vst.idx.msk $0xffff, v32  }
0x15d: {  	v32 =	vld [tilespmem:$0xC790];
	_ =	sdelay $0x4  }
0x15e: {  	[tilespmem:v25+s14+$0x0] =	vst.idx.msk $0xffff, v32  }
0x15f: {  	v32 =	vld [tilespmem:$0xC7A0];
	_ =	sdelay $0x4  }
0x160: {  	[tilespmem:v26+s14+$0x0] =	vst.idx.msk $0xffff, v32  }
0x161: {  	v32 =	vld [tilespmem:$0xC7B0];
	_ =	sdelay $0x4  }
0x162: {  	[tilespmem:v27+s14+$0x0] =	vst.idx.msk $0xffff, v32  }
0x163: {  	v32 =	vld [tilespmem:$0xC7C0];
	_ =	sdelay $0x4  }
0x164: {  	[tilespmem:v28+s14+$0x0] =	vst.idx.msk $0xffff, v32  }
0x165: {  	v32 =	vld [tilespmem:$0xC7D0];
	_ =	sdelay $0x4  }
0x166: {  	[tilespmem:v29+s14+$0x0] =	vst.idx.msk $0xffff, v32  }
0x167: {  	v32 =	vld [tilespmem:$0xC7E0];
	_ =	sdelay $0x4  }
0x168: {  	[tilespmem:v30+s14+$0x0] =	vst.idx.msk $0xffff, v32  }
0x169: {  	v32 =	vld [tilespmem:$0xC7F0];
	_ =	sdelay $0x4  }
0x16a: {  	s18 =	simm.s32 @p2 $0x600;
	s3 =	rddreg [dreg:$0x2];
	[tilespmem:v31+s14+$0x0] =	vst.idx.msk $0xffff, v32  }
0x16b: {  	[spmem:s3] =	stream.indirect.scatter.add.f32 @p2 [tilespmem:s18], [sflag:$0x9], $0x40, s5, s20, $0xb8;
	[tilespmem:$0x1B890] =	vst v63  }
0x16c: {  	s3 =	rddreg @p2 [dreg:$0x3]  }
0x16d: {  	[spmem:s3] =	stream.indirect.scatter.add.f32 @p2 [tilespmem:s14], [sflag:$0x9], $0x20, s5, s20, $0xb8;
	[tilespmem:$0x1B890] =	vst v63  }
.Ltmp4:
0x16e: {  	_ = 	snop;
	(pc) =	sbr.rel @p4 .LBB2_4-.Ltmp4, $4  }
0x16f: {  	s21 =	simm.s32 @!p2 $0x600;
	s18 =	simm.s32 @!p2 $0x200  }
0x170: {  	[spmem:s3] =	stream.indirect.scatter.add.f32 @!p2 [tilespmem:s21], [sflag:$0x9], $0x40, s18, s20, $0xb8;
	[tilespmem:$0x1B890] =	vst v63  }
0x171: {  	s3 =	rddreg @!p2 [dreg:$0x3]  }
0x172: {  	[spmem:s3] =	stream.indirect.scatter.add.f32 @!p2 [tilespmem:s14], [sflag:$0x9], $0x20, s18, s20, $0xb8;
	[tilespmem:$0x1B890] =	vst v63  }
0x173: {  	s3 =	simm.s32 $0xC  }
0x174: {  	_ =	swait.ge [sflag:s3], $0x2000  }
0x175: {  	[sflag:s3] =	ssyncset.done $0x0  }
0x176: {  	[sflag:s3] =	ssyncadd.s32 $0xFFFFE000  }
0x177: {  	_ =	swait.ge [sflag:s3], $0x1000  }
0x178: {  	[sflag:s3] =	ssyncset.done $0x0  }
0x179: {  	[sflag:s3] =	ssyncadd.s32 $0xFFFFF000  }
.LBB2_4:
0x17a: {  	s18 =	sadd.s32 $0x300, s30  }
0x17b: {  	[tilespmem:s4], [sflag:$0x4] =	stream.linear.gather [hbm4b:s18+s5], $0x80, $0x38;
	[tilespmem:$0x1B890] =	vst v63  }
0x17c: {  	s3 =	sadd.s32 $0x300, s31  }
0x17d: {  	[tilespmem:s10], [sflag:$0x4] =	stream.linear.gather [hbm4b:s3+s5], $0x80, $0x38;
	[tilespmem:$0x1B890] =	vst v63  }
0x17e: {  	s21 =	sadd.s32 $0x300, s2;
	s3 =	simm.s32 $0x580  }
0x17f: {  	[tilespmem:s3], [sflag:$0x4] =	stream.linear.gather [hbm4b:s21+s5], $0x80, $0x38;
	[tilespmem:$0x1B890] =	vst v63  }
0x180: {  	s18 =	simm.s32 $0xCC00  }
0x181: {  	[tilespmem:s18], [sflag:$0x4] =	stream.linear.gather [hbm4b:s17+s5], $0x200, $0x38;
	[tilespmem:$0x1B890] =	vst v63  }
0x182: {  	_ =	swait.ge [sflag:s11], $0x80  }
0x183: {  	[sflag:s11] =	ssyncset.done $0x0  }
0x184: {  	[sflag:s11] =	ssyncadd.s32 $0xFFFFFF80  }
0x185: {  	_ =	swait.ge [sflag:s11], $0x80  }
0x186: {  	[sflag:s11] =	ssyncset.done $0x0  }
0x187: {  	[sflag:s11] =	ssyncadd.s32 $0xFFFFFF80  }
0x188: {  	_ =	swait.ge [sflag:s11], $0x80  }
0x189: {  	[sflag:s11] =	ssyncset.done $0x0  }
0x18a: {  	[sflag:s11] =	ssyncadd.s32 $0xFFFFFF80  }
0x18b: {  	_ =	swait.ge [sflag:s11], $0x200  }
0x18c: {  	s21 =	simm.s32 @p2 $0x300;
	[sflag:s11] =	ssyncset.done $0x0  }
0x18d: {  	s3 =	simm.s32 @p2 $0x4600;
	s18 =	simm.s32 @p2 $0x80;
	[sflag:s11] =	ssyncadd.s32 $0xFFFFFE00  }
0x18e: {  	[tilespmem:s3], [sflag:$0x7] =	stream.indirect.gather @p2 [hbm4b:s22+s18], $0x40, s21, s18, $0xb8;
	[tilespmem:$0x1B890] =	vst v63  }
0x18f: {  	s3 =	simm.s32 @!p2 $0x80;
	s18 =	simm.s32 @!p2 $0x100;
	s21 =	simm.s32 @!p2 $0x4600  }
0x190: {  	[tilespmem:s21], [sflag:$0x7] =	stream.indirect.gather @!p2 [hbm4b:s9+s3], $0x40, s18, s3, $0xb8;
	[tilespmem:$0x1B890] =	vst v63  }
0x191: {  	s21 =	simm.s32 $0x500  }
0x192: {  	[tilespmem:s1], [sflag:$0x7] =	stream.indirect.gather [hbm4b:s23+s20], $0x20, s21, s20, $0xb8;
	[tilespmem:$0x1B890] =	vst v63  }
0x193: {  	_ =	swait.ge [sflag:s26], $0x2000  }
0x194: {  	[sflag:s26] =	ssyncset.done $0x0  }
0x195: {  	[sflag:s26] =	ssyncadd.s32 $0xFFFFE000  }
0x196: {  	_ =	swait.ge [sflag:s26], $0x1000  }
0x197: {  	[sflag:s26] =	ssyncset.done $0x0  }
0x198: {  	[sflag:s26] =	ssyncadd.s32 $0xFFFFF000  }
0x199: {  	v32 =	vld [tilespmem:$0xC800];
	_ =	sdelay $0x4  }
0x19a: {  	[tilespmem:v0+s7+$0x0] =	vst.idx.msk $0xffff, v32  }
0x19b: {  	v32 =	vld [tilespmem:$0xC810];
	_ =	sdelay $0x4  }
0x19c: {  	[tilespmem:v1+s7+$0x0] =	vst.idx.msk $0xffff, v32  }
0x19d: {  	v32 =	vld [tilespmem:$0xC820];
	_ =	sdelay $0x4  }
0x19e: {  	[tilespmem:v2+s7+$0x0] =	vst.idx.msk $0xffff, v32  }
0x19f: {  	v32 =	vld [tilespmem:$0xC830];
	_ =	sdelay $0x4  }
0x1a0: {  	[tilespmem:v3+s7+$0x0] =	vst.idx.msk $0xffff, v32  }
0x1a1: {  	v32 =	vld [tilespmem:$0xC840];
	_ =	sdelay $0x4  }
0x1a2: {  	[tilespmem:v4+s7+$0x0] =	vst.idx.msk $0xffff, v32  }
0x1a3: {  	v32 =	vld [tilespmem:$0xC850];
	_ =	sdelay $0x4  }
0x1a4: {  	[tilespmem:v5+s7+$0x0] =	vst.idx.msk $0xffff, v32  }
0x1a5: {  	v32 =	vld [tilespmem:$0xC860];
	_ =	sdelay $0x4  }
0x1a6: {  	[tilespmem:v6+s7+$0x0] =	vst.idx.msk $0xffff, v32  }
0x1a7: {  	v32 =	vld [tilespmem:$0xC870];
	_ =	sdelay $0x4  }
0x1a8: {  	[tilespmem:v7+s7+$0x0] =	vst.idx.msk $0xffff, v32  }
0x1a9: {  	v32 =	vld [tilespmem:$0xC880];
	_ =	sdelay $0x4  }
0x1aa: {  	[tilespmem:v8+s7+$0x0] =	vst.idx.msk $0xffff, v32  }
0x1ab: {  	v32 =	vld [tilespmem:$0xC890];
	_ =	sdelay $0x4  }
0x1ac: {  	[tilespmem:v9+s7+$0x0] =	vst.idx.msk $0xffff, v32  }
0x1ad: {  	v32 =	vld [tilespmem:$0xC8A0];
	_ =	sdelay $0x4  }
0x1ae: {  	[tilespmem:v10+s7+$0x0] =	vst.idx.msk $0xffff, v32  }
0x1af: {  	v32 =	vld [tilespmem:$0xC8B0];
	_ =	sdelay $0x4  }
0x1b0: {  	[tilespmem:v11+s7+$0x0] =	vst.idx.msk $0xffff, v32  }
0x1b1: {  	v32 =	vld [tilespmem:$0xC8C0];
	_ =	sdelay $0x4  }
0x1b2: {  	[tilespmem:v12+s7+$0x0] =	vst.idx.msk $0xffff, v32  }
0x1b3: {  	v32 =	vld [tilespmem:$0xC8D0];
	_ =	sdelay $0x4  }
0x1b4: {  	[tilespmem:v13+s7+$0x0] =	vst.idx.msk $0xffff, v32  }
0x1b5: {  	v32 =	vld [tilespmem:$0xC8E0];
	_ =	sdelay $0x4  }
0x1b6: {  	[tilespmem:v14+s7+$0x0] =	vst.idx.msk $0xffff, v32  }
0x1b7: {  	v32 =	vld [tilespmem:$0xC8F0];
	_ =	sdelay $0x4  }
0x1b8: {  	[tilespmem:v15+s7+$0x0] =	vst.idx.msk $0xffff, v32  }
0x1b9: {  	v32 =	vld [tilespmem:$0xC900];
	_ =	sdelay $0x4  }
0x1ba: {  	[tilespmem:v16+s7+$0x0] =	vst.idx.msk $0xffff, v32  }
0x1bb: {  	v32 =	vld [tilespmem:$0xC910];
	_ =	sdelay $0x4  }
0x1bc: {  	[tilespmem:v17+s7+$0x0] =	vst.idx.msk $0xffff, v32  }
0x1bd: {  	v32 =	vld [tilespmem:$0xC920];
	_ =	sdelay $0x4  }
0x1be: {  	[tilespmem:v18+s7+$0x0] =	vst.idx.msk $0xffff, v32  }
0x1bf: {  	v32 =	vld [tilespmem:$0xC930];
	_ =	sdelay $0x4  }
0x1c0: {  	[tilespmem:v19+s7+$0x0] =	vst.idx.msk $0xffff, v32  }
0x1c1: {  	v32 =	vld [tilespmem:$0xC940];
	_ =	sdelay $0x4  }
0x1c2: {  	[tilespmem:v20+s7+$0x0] =	vst.idx.msk $0xffff, v32  }
0x1c3: {  	v32 =	vld [tilespmem:$0xC950];
	_ =	sdelay $0x4  }
0x1c4: {  	[tilespmem:v21+s7+$0x0] =	vst.idx.msk $0xffff, v32  }
0x1c5: {  	v32 =	vld [tilespmem:$0xC960];
	_ =	sdelay $0x4  }
0x1c6: {  	[tilespmem:v22+s7+$0x0] =	vst.idx.msk $0xffff, v32  }
0x1c7: {  	v32 =	vld [tilespmem:$0xC970];
	_ =	sdelay $0x4  }
0x1c8: {  	[tilespmem:v23+s7+$0x0] =	vst.idx.msk $0xffff, v32  }
0x1c9: {  	v32 =	vld [tilespmem:$0xC980];
	_ =	sdelay $0x4  }
0x1ca: {  	[tilespmem:v24+s7+$0x0] =	vst.idx.msk $0xffff, v32  }
0x1cb: {  	v32 =	vld [tilespmem:$0xC990];
	_ =	sdelay $0x4  }
0x1cc: {  	[tilespmem:v25+s7+$0x0] =	vst.idx.msk $0xffff, v32  }
0x1cd: {  	v32 =	vld [tilespmem:$0xC9A0];
	_ =	sdelay $0x4  }
0x1ce: {  	[tilespmem:v26+s7+$0x0] =	vst.idx.msk $0xffff, v32  }
0x1cf: {  	v32 =	vld [tilespmem:$0xC9B0];
	_ =	sdelay $0x4  }
0x1d0: {  	[tilespmem:v27+s7+$0x0] =	vst.idx.msk $0xffff, v32  }
0x1d1: {  	v32 =	vld [tilespmem:$0xC9C0];
	_ =	sdelay $0x4  }
0x1d2: {  	[tilespmem:v28+s7+$0x0] =	vst.idx.msk $0xffff, v32  }
0x1d3: {  	v32 =	vld [tilespmem:$0xC9D0];
	_ =	sdelay $0x4  }
0x1d4: {  	[tilespmem:v29+s7+$0x0] =	vst.idx.msk $0xffff, v32  }
0x1d5: {  	v32 =	vld [tilespmem:$0xC9E0];
	_ =	sdelay $0x4  }
0x1d6: {  	[tilespmem:v30+s7+$0x0] =	vst.idx.msk $0xffff, v32  }
0x1d7: {  	v32 =	vld [tilespmem:$0xC9F0]  }
.Ltmp5:
0x1d8: {  	_ = 	snop;
	(pc) =	sbr.rel @p2 .LBB2_7-.Ltmp5, $2  }
0x1d9: {  	_ =	sdelay $0x2  }
0x1da: {  	p4 =	seq.s32 s25, $0x0;
	[tilespmem:v31+s7+$0x0] =	vst.idx.msk $0xffff, v32  }
.Ltmp6:
0x1db: {  	(pc) =	sbr.rel @!p4 .LBB2_9-.Ltmp6, $4  }
0x1dc: {  	s3 =	rddreg [dreg:$0x2];
	s18 =	simm.s32 $0x280;
	s21 =	simm.s32 $0x2600  }
0x1dd: {  	[spmem:s3] =	stream.indirect.scatter.add.f32 [tilespmem:s21], [sflag:$0xA], $0x40, s18, s20, $0xb8;
	[tilespmem:$0x1B890] =	vst v63  }
0x1de: {  	s21 =	rddreg [dreg:$0x3]  }
0x1df: {  	[spmem:s21] =	stream.indirect.scatter.add.f32 [tilespmem:s7], [sflag:$0xA], $0x20, s18, s20, $0xb8;
	[tilespmem:$0x1B890] =	vst v63  }
.Ltmp7:
0x1e0: {  	(pc) =	sbr.rel .LBB2_10-.Ltmp7, $2  }
0x1e1: {  	_ =	sdelay $0x2  }
0x1e2: {  	p5 =	por $0x1, $0x1  }
.LBB2_7:
.Ltmp8:
0x1e3: {  	(pc) =	sbr.rel @p4 .LBB2_8-.Ltmp8, $4  }
0x1e4: {  	s3 =	rddreg [dreg:$0x2];
	s18 =	simm.s32 $0x2600  }
0x1e5: {  	[spmem:s3] =	stream.indirect.scatter.add.f32 [tilespmem:s18], [sflag:$0xA], $0x40, s20, s20, $0xb8;
	[tilespmem:$0x1B890] =	vst v63  }
0x1e6: {  	s21 =	rddreg [dreg:$0x3]  }
0x1e7: {  	[spmem:s21] =	stream.indirect.scatter.add.f32 [tilespmem:s7], [sflag:$0xA], $0x20, s20, s20, $0xb8;
	[tilespmem:$0x1B890] =	vst v63  }
.LBB2_9:
0x1e8: {  	s3 =	simm.s32 $0x9  }
0x1e9: {  	_ =	swait.ge [sflag:s3], $0x2000  }
0x1ea: {  	[sflag:s3] =	ssyncset.done $0x0  }
0x1eb: {  	[sflag:s3] =	ssyncadd.s32 $0xFFFFE000  }
0x1ec: {  	_ =	swait.ge [sflag:s3], $0x1000  }
0x1ed: {  	[sflag:s3] =	ssyncset.done $0x0  }
0x1ee: {  	s18 =	sadd.s32 $0x400, s30;
	[sflag:s3] =	ssyncadd.s32 $0xFFFFF000  }
0x1ef: {  	[tilespmem:s5], [sflag:$0x1] =	stream.linear.gather [hbm4b:s18+s5], $0x80, $0x38;
	[tilespmem:$0x1B890] =	vst v63  }
0x1f0: {  	s21 =	sadd.s32 $0x400, s31;
	s18 =	simm.s32 $0x200  }
0x1f1: {  	[tilespmem:s18], [sflag:$0x1] =	stream.linear.gather [hbm4b:s21+s5], $0x80, $0x38;
	[tilespmem:$0x1B890] =	vst v63  }
.Ltmp9:
0x1f2: {  	_ = 	snop;
	(pc) =	sbr.rel .LBB2_10-.Ltmp9, $4  }
0x1f3: {  	s18 =	sadd.s32 $0x400, s2;
	s21 =	simm.s32 $0x400  }
0x1f4: {  	[tilespmem:s21], [sflag:$0x1] =	stream.linear.gather [hbm4b:s18+s5], $0x80, $0x38;
	[tilespmem:$0x1B890] =	vst v63  }
0x1f5: {  	p5 =	por $0x0, $0x0;
	s18 =	sadd.s32 $0x400, s17;
	s21 =	simm.s32 $0xC600  }
0x1f6: {  	[tilespmem:s21], [sflag:$0x1] =	stream.linear.gather [hbm4b:s18+s5], $0x200, $0x38;
	[tilespmem:$0x1B890] =	vst v63  }
.LBB2_8:
0x1f7: {  	p5 =	por $0x1, $0x1  }
.LBB2_10:
0x1f8: {  	_ =	swait.ge [sflag:s19], $0x80  }
0x1f9: {  	[sflag:s19] =	ssyncset.done $0x0  }
0x1fa: {  	[sflag:s19] =	ssyncadd.s32 $0xFFFFFF80  }
0x1fb: {  	_ =	swait.ge [sflag:s19], $0x80  }
0x1fc: {  	[sflag:s19] =	ssyncset.done $0x0  }
0x1fd: {  	[sflag:s19] =	ssyncadd.s32 $0xFFFFFF80  }
0x1fe: {  	_ =	swait.ge [sflag:s19], $0x80  }
0x1ff: {  	[sflag:s19] =	ssyncset.done $0x0  }
0x200: {  	[sflag:s19] =	ssyncadd.s32 $0xFFFFFF80  }
0x201: {  	_ =	swait.ge [sflag:s19], $0x200  }
0x202: {  	s3 =	simm.s32 @p2 $0x80;
	[sflag:s19] =	ssyncset.done $0x0  }
0x203: {  	s18 =	simm.s32 @p2 $0x380;
	s21 =	simm.s32 @p2 $0x6600;
	[sflag:s19] =	ssyncadd.s32 $0xFFFFFE00  }
0x204: {  	[tilespmem:s21], [sflag:$0x8] =	stream.indirect.gather @p2 [hbm4b:s22+s3], $0x40, s18, s3, $0xb8;
	[tilespmem:$0x1B890] =	vst v63  }
0x205: {  	s3 =	simm.s32 @!p2 $0x80;
	s18 =	simm.s32 @!p2 $0x180;
	s21 =	simm.s32 @!p2 $0x6600  }
0x206: {  	[tilespmem:s21], [sflag:$0x8] =	stream.indirect.gather @!p2 [hbm4b:s9+s3], $0x40, s18, s3, $0xb8;
	[tilespmem:$0x1B890] =	vst v63  }
0x207: {  	s18 =	simm.s32 $0x580  }
0x208: {  	[tilespmem:s28], [sflag:$0x8] =	stream.indirect.gather [hbm4b:s23+s20], $0x20, s18, s20, $0xb8;
	[tilespmem:$0x1B890] =	vst v63  }
0x209: {  	_ =	swait.ge [sflag:s29], $0x2000  }
0x20a: {  	[sflag:s29] =	ssyncset.done $0x0  }
0x20b: {  	[sflag:s29] =	ssyncadd.s32 $0xFFFFE000  }
0x20c: {  	_ =	swait.ge [sflag:s29], $0x1000  }
0x20d: {  	[sflag:s29] =	ssyncset.done $0x0  }
0x20e: {  	[sflag:s29] =	ssyncadd.s32 $0xFFFFF000  }
0x20f: {  	v32 =	vld [tilespmem:$0xCA00];
	_ =	sdelay $0x4  }
0x210: {  	[tilespmem:v0+s1+$0x0] =	vst.idx.msk $0xffff, v32  }
0x211: {  	v32 =	vld [tilespmem:$0xCA10];
	_ =	sdelay $0x4  }
0x212: {  	[tilespmem:v1+s1+$0x0] =	vst.idx.msk $0xffff, v32  }
0x213: {  	v32 =	vld [tilespmem:$0xCA20];
	_ =	sdelay $0x4  }
0x214: {  	[tilespmem:v2+s1+$0x0] =	vst.idx.msk $0xffff, v32  }
0x215: {  	v32 =	vld [tilespmem:$0xCA30];
	_ =	sdelay $0x4  }
0x216: {  	[tilespmem:v3+s1+$0x0] =	vst.idx.msk $0xffff, v32  }
0x217: {  	v32 =	vld [tilespmem:$0xCA40];
	_ =	sdelay $0x4  }
0x218: {  	[tilespmem:v4+s1+$0x0] =	vst.idx.msk $0xffff, v32  }
0x219: {  	v32 =	vld [tilespmem:$0xCA50];
	_ =	sdelay $0x4  }
0x21a: {  	[tilespmem:v5+s1+$0x0] =	vst.idx.msk $0xffff, v32  }
0x21b: {  	v32 =	vld [tilespmem:$0xCA60];
	_ =	sdelay $0x4  }
0x21c: {  	[tilespmem:v6+s1+$0x0] =	vst.idx.msk $0xffff, v32  }
0x21d: {  	v32 =	vld [tilespmem:$0xCA70];
	_ =	sdelay $0x4  }
0x21e: {  	[tilespmem:v7+s1+$0x0] =	vst.idx.msk $0xffff, v32  }
0x21f: {  	v32 =	vld [tilespmem:$0xCA80];
	_ =	sdelay $0x4  }
0x220: {  	[tilespmem:v8+s1+$0x0] =	vst.idx.msk $0xffff, v32  }
0x221: {  	v32 =	vld [tilespmem:$0xCA90];
	_ =	sdelay $0x4  }
0x222: {  	[tilespmem:v9+s1+$0x0] =	vst.idx.msk $0xffff, v32  }
0x223: {  	v32 =	vld [tilespmem:$0xCAA0];
	_ =	sdelay $0x4  }
0x224: {  	[tilespmem:v10+s1+$0x0] =	vst.idx.msk $0xffff, v32  }
0x225: {  	v32 =	vld [tilespmem:$0xCAB0];
	_ =	sdelay $0x4  }
0x226: {  	[tilespmem:v11+s1+$0x0] =	vst.idx.msk $0xffff, v32  }
0x227: {  	v32 =	vld [tilespmem:$0xCAC0];
	_ =	sdelay $0x4  }
0x228: {  	[tilespmem:v12+s1+$0x0] =	vst.idx.msk $0xffff, v32  }
0x229: {  	v32 =	vld [tilespmem:$0xCAD0];
	_ =	sdelay $0x4  }
0x22a: {  	[tilespmem:v13+s1+$0x0] =	vst.idx.msk $0xffff, v32  }
0x22b: {  	v32 =	vld [tilespmem:$0xCAE0];
	_ =	sdelay $0x4  }
0x22c: {  	[tilespmem:v14+s1+$0x0] =	vst.idx.msk $0xffff, v32  }
0x22d: {  	v32 =	vld [tilespmem:$0xCAF0];
	_ =	sdelay $0x4  }
0x22e: {  	[tilespmem:v15+s1+$0x0] =	vst.idx.msk $0xffff, v32  }
0x22f: {  	v32 =	vld [tilespmem:$0xCB00];
	_ =	sdelay $0x4  }
0x230: {  	[tilespmem:v16+s1+$0x0] =	vst.idx.msk $0xffff, v32  }
0x231: {  	v32 =	vld [tilespmem:$0xCB10];
	_ =	sdelay $0x4  }
0x232: {  	[tilespmem:v17+s1+$0x0] =	vst.idx.msk $0xffff, v32  }
0x233: {  	v32 =	vld [tilespmem:$0xCB20];
	_ =	sdelay $0x4  }
0x234: {  	[tilespmem:v18+s1+$0x0] =	vst.idx.msk $0xffff, v32  }
0x235: {  	v32 =	vld [tilespmem:$0xCB30];
	_ =	sdelay $0x4  }
0x236: {  	[tilespmem:v19+s1+$0x0] =	vst.idx.msk $0xffff, v32  }
0x237: {  	v32 =	vld [tilespmem:$0xCB40];
	_ =	sdelay $0x4  }
0x238: {  	[tilespmem:v20+s1+$0x0] =	vst.idx.msk $0xffff, v32  }
0x239: {  	v32 =	vld [tilespmem:$0xCB50];
	_ =	sdelay $0x4  }
0x23a: {  	[tilespmem:v21+s1+$0x0] =	vst.idx.msk $0xffff, v32  }
0x23b: {  	v32 =	vld [tilespmem:$0xCB60];
	_ =	sdelay $0x4  }
0x23c: {  	[tilespmem:v22+s1+$0x0] =	vst.idx.msk $0xffff, v32  }
0x23d: {  	v32 =	vld [tilespmem:$0xCB70];
	_ =	sdelay $0x4  }
0x23e: {  	[tilespmem:v23+s1+$0x0] =	vst.idx.msk $0xffff, v32  }
0x23f: {  	v32 =	vld [tilespmem:$0xCB80];
	_ =	sdelay $0x4  }
0x240: {  	[tilespmem:v24+s1+$0x0] =	vst.idx.msk $0xffff, v32  }
0x241: {  	v32 =	vld [tilespmem:$0xCB90];
	_ =	sdelay $0x4  }
0x242: {  	[tilespmem:v25+s1+$0x0] =	vst.idx.msk $0xffff, v32  }
0x243: {  	v32 =	vld [tilespmem:$0xCBA0];
	_ =	sdelay $0x4  }
0x244: {  	[tilespmem:v26+s1+$0x0] =	vst.idx.msk $0xffff, v32  }
0x245: {  	v32 =	vld [tilespmem:$0xCBB0];
	_ =	sdelay $0x4  }
0x246: {  	[tilespmem:v27+s1+$0x0] =	vst.idx.msk $0xffff, v32  }
0x247: {  	v32 =	vld [tilespmem:$0xCBC0];
	_ =	sdelay $0x4  }
0x248: {  	[tilespmem:v28+s1+$0x0] =	vst.idx.msk $0xffff, v32  }
0x249: {  	v32 =	vld [tilespmem:$0xCBD0];
	_ =	sdelay $0x4  }
0x24a: {  	[tilespmem:v29+s1+$0x0] =	vst.idx.msk $0xffff, v32  }
0x24b: {  	v32 =	vld [tilespmem:$0xCBE0];
	_ =	sdelay $0x4  }
0x24c: {  	[tilespmem:v30+s1+$0x0] =	vst.idx.msk $0xffff, v32  }
0x24d: {  	v32 =	vld [tilespmem:$0xCBF0];
	_ =	sdelay $0x3  }
.Ltmp10:
0x24e: {  	s18 =	simm.s32 @p2 $0x100;
	(pc) =	sbr.rel @p5 .LBB2_12-.Ltmp10, $4  }
0x24f: {  	s21 =	simm.s32 $0x4600;
	s18 =	simm.s32 @!p2 $0x300;
	s3 =	rddreg [dreg:$0x2];
	[tilespmem:v31+s1+$0x0] =	vst.idx.msk $0xffff, v32  }
0x250: {  	[spmem:s3] =	stream.indirect.scatter.add.f32 [tilespmem:s21], [sflag:$0xB], $0x40, s18, s20, $0xb8;
	[tilespmem:$0x1B890] =	vst v63  }
0x251: {  	s21 =	rddreg [dreg:$0x3]  }
0x252: {  	[spmem:s21] =	stream.indirect.scatter.add.f32 [tilespmem:s1], [sflag:$0xB], $0x20, s18, s20, $0xb8;
	[tilespmem:$0x1B890] =	vst v63  }
0x253: {  	s3 =	simm.s32 $0xA  }
0x254: {  	_ =	swait.ge [sflag:s3], $0x2000  }
0x255: {  	[sflag:s3] =	ssyncset.done $0x0  }
0x256: {  	[sflag:s3] =	ssyncadd.s32 $0xFFFFE000  }
0x257: {  	_ =	swait.ge [sflag:s3], $0x1000  }
0x258: {  	[sflag:s3] =	ssyncset.done $0x0  }
0x259: {  	s30 =	sadd.s32 $0x500, s30;
	[sflag:s3] =	ssyncadd.s32 $0xFFFFF000  }
0x25a: {  	[tilespmem:s20], [sflag:$0x2] =	stream.linear.gather [hbm4b:s30+s5], $0x80, $0x38;
	[tilespmem:$0x1B890] =	vst v63  }
0x25b: {  	s31 =	sadd.s32 $0x500, s31;
	s18 =	simm.s32 $0x280  }
0x25c: {  	[tilespmem:s18], [sflag:$0x2] =	stream.linear.gather [hbm4b:s31+s5], $0x80, $0x38;
	[tilespmem:$0x1B890] =	vst v63  }
0x25d: {  	s2 =	sadd.s32 $0x500, s2;
	s18 =	simm.s32 $0x480  }
0x25e: {  	[tilespmem:s18], [sflag:$0x2] =	stream.linear.gather [hbm4b:s2+s5], $0x80, $0x38;
	[tilespmem:$0x1B890] =	vst v63  }
0x25f: {  	s21 =	sadd.s32 $0x800, s17;
	s30 =	simm.s32 $0xC800  }
0x260: {  	[tilespmem:s30], [sflag:$0x2] =	stream.linear.gather [hbm4b:s21+s5], $0x200, $0x38;
	[tilespmem:$0x1B890] =	vst v63  }
0x261: {  	_ =	swait.ge [sflag:s12], $0x80  }
0x262: {  	[sflag:s12] =	ssyncset.done $0x0  }
0x263: {  	[sflag:s12] =	ssyncadd.s32 $0xFFFFFF80  }
0x264: {  	_ =	swait.ge [sflag:s12], $0x80  }
0x265: {  	[sflag:s12] =	ssyncset.done $0x0  }
0x266: {  	[sflag:s12] =	ssyncadd.s32 $0xFFFFFF80  }
0x267: {  	_ =	swait.ge [sflag:s12], $0x80  }
0x268: {  	[sflag:s12] =	ssyncset.done $0x0  }
0x269: {  	[sflag:s12] =	ssyncadd.s32 $0xFFFFFF80  }
0x26a: {  	_ =	swait.ge [sflag:s12], $0x200  }
0x26b: {  	s3 =	simm.s32 @p2 $0x200;
	[sflag:s12] =	ssyncset.done $0x0  }
0x26c: {  	s2 =	simm.s32 @p2 $0x80;
	s18 =	simm.s32 @p2 $0x600;
	[sflag:s12] =	ssyncadd.s32 $0xFFFFFE00  }
0x26d: {  	[tilespmem:s18], [sflag:$0x5] =	stream.indirect.gather @p2 [hbm4b:s22+s2], $0x40, s3, s2, $0xb8;
	[tilespmem:$0x1B890] =	vst v63  }
0x26e: {  	s2 =	simm.s32 @!p2 $0x80;
	s3 =	simm.s32 @!p2 $0x0;
	s18 =	simm.s32 @!p2 $0x600  }
0x26f: {  	[tilespmem:s18], [sflag:$0x5] =	stream.indirect.gather @!p2 [hbm4b:s9+s2], $0x40, s3, s2, $0xb8;
	[tilespmem:$0x1B890] =	vst v63  }
0x270: {  	s31 =	simm.s32 $0x400  }
0x271: {  	[tilespmem:s14], [sflag:$0x5] =	stream.indirect.gather [hbm4b:s23+s20], $0x20, s31, s20, $0xb8;
	[tilespmem:$0x1B890] =	vst v63  }
.LBB2_12:
0x272: {  	_ =	swait.ge [sflag:s24], $0x2000  }
0x273: {  	[sflag:s24] =	ssyncset.done $0x0  }
0x274: {  	[sflag:s24] =	ssyncadd.s32 $0xFFFFE000  }
0x275: {  	_ =	swait.ge [sflag:s24], $0x1000  }
0x276: {  	[sflag:s24] =	ssyncset.done $0x0  }
0x277: {  	[sflag:s24] =	ssyncadd.s32 $0xFFFFF000  }
0x278: {  	v32 =	vld [tilespmem:$0xCC00];
	_ =	sdelay $0x4  }
0x279: {  	[tilespmem:v0+s28+$0x0] =	vst.idx.msk $0xffff, v32  }
0x27a: {  	v32 =	vld [tilespmem:$0xCC10];
	_ =	sdelay $0x4  }
0x27b: {  	[tilespmem:v1+s28+$0x0] =	vst.idx.msk $0xffff, v32  }
0x27c: {  	v32 =	vld [tilespmem:$0xCC20];
	_ =	sdelay $0x4  }
0x27d: {  	[tilespmem:v2+s28+$0x0] =	vst.idx.msk $0xffff, v32  }
0x27e: {  	v32 =	vld [tilespmem:$0xCC30];
	_ =	sdelay $0x4  }
0x27f: {  	[tilespmem:v3+s28+$0x0] =	vst.idx.msk $0xffff, v32  }
0x280: {  	v32 =	vld [tilespmem:$0xCC40];
	_ =	sdelay $0x4  }
0x281: {  	[tilespmem:v4+s28+$0x0] =	vst.idx.msk $0xffff, v32  }
0x282: {  	v32 =	vld [tilespmem:$0xCC50];
	_ =	sdelay $0x4  }
0x283: {  	[tilespmem:v5+s28+$0x0] =	vst.idx.msk $0xffff, v32  }
0x284: {  	v32 =	vld [tilespmem:$0xCC60];
	_ =	sdelay $0x4  }
0x285: {  	[tilespmem:v6+s28+$0x0] =	vst.idx.msk $0xffff, v32  }
0x286: {  	v32 =	vld [tilespmem:$0xCC70];
	_ =	sdelay $0x4  }
0x287: {  	[tilespmem:v7+s28+$0x0] =	vst.idx.msk $0xffff, v32  }
0x288: {  	v32 =	vld [tilespmem:$0xCC80];
	_ =	sdelay $0x4  }
0x289: {  	[tilespmem:v8+s28+$0x0] =	vst.idx.msk $0xffff, v32  }
0x28a: {  	v32 =	vld [tilespmem:$0xCC90];
	_ =	sdelay $0x4  }
0x28b: {  	[tilespmem:v9+s28+$0x0] =	vst.idx.msk $0xffff, v32  }
0x28c: {  	v32 =	vld [tilespmem:$0xCCA0];
	_ =	sdelay $0x4  }
0x28d: {  	[tilespmem:v10+s28+$0x0] =	vst.idx.msk $0xffff, v32  }
0x28e: {  	v32 =	vld [tilespmem:$0xCCB0];
	_ =	sdelay $0x4  }
0x28f: {  	[tilespmem:v11+s28+$0x0] =	vst.idx.msk $0xffff, v32  }
0x290: {  	v32 =	vld [tilespmem:$0xCCC0];
	_ =	sdelay $0x4  }
0x291: {  	[tilespmem:v12+s28+$0x0] =	vst.idx.msk $0xffff, v32  }
0x292: {  	v32 =	vld [tilespmem:$0xCCD0];
	_ =	sdelay $0x4  }
0x293: {  	[tilespmem:v13+s28+$0x0] =	vst.idx.msk $0xffff, v32  }
0x294: {  	v32 =	vld [tilespmem:$0xCCE0];
	_ =	sdelay $0x4  }
0x295: {  	[tilespmem:v14+s28+$0x0] =	vst.idx.msk $0xffff, v32  }
0x296: {  	v32 =	vld [tilespmem:$0xCCF0];
	_ =	sdelay $0x4  }
0x297: {  	[tilespmem:v15+s28+$0x0] =	vst.idx.msk $0xffff, v32  }
0x298: {  	v32 =	vld [tilespmem:$0xCD00];
	_ =	sdelay $0x4  }
0x299: {  	[tilespmem:v16+s28+$0x0] =	vst.idx.msk $0xffff, v32  }
0x29a: {  	v32 =	vld [tilespmem:$0xCD10];
	_ =	sdelay $0x4  }
0x29b: {  	[tilespmem:v17+s28+$0x0] =	vst.idx.msk $0xffff, v32  }
0x29c: {  	v32 =	vld [tilespmem:$0xCD20];
	_ =	sdelay $0x4  }
0x29d: {  	[tilespmem:v18+s28+$0x0] =	vst.idx.msk $0xffff, v32  }
0x29e: {  	v32 =	vld [tilespmem:$0xCD30];
	_ =	sdelay $0x4  }
0x29f: {  	[tilespmem:v19+s28+$0x0] =	vst.idx.msk $0xffff, v32  }
0x2a0: {  	v32 =	vld [tilespmem:$0xCD40];
	_ =	sdelay $0x4  }
0x2a1: {  	[tilespmem:v20+s28+$0x0] =	vst.idx.msk $0xffff, v32  }
0x2a2: {  	v32 =	vld [tilespmem:$0xCD50];
	_ =	sdelay $0x4  }
0x2a3: {  	[tilespmem:v21+s28+$0x0] =	vst.idx.msk $0xffff, v32  }
0x2a4: {  	v32 =	vld [tilespmem:$0xCD60];
	_ =	sdelay $0x4  }
0x2a5: {  	[tilespmem:v22+s28+$0x0] =	vst.idx.msk $0xffff, v32  }
0x2a6: {  	v32 =	vld [tilespmem:$0xCD70];
	_ =	sdelay $0x4  }
0x2a7: {  	[tilespmem:v23+s28+$0x0] =	vst.idx.msk $0xffff, v32  }
0x2a8: {  	v32 =	vld [tilespmem:$0xCD80];
	_ =	sdelay $0x4  }
0x2a9: {  	[tilespmem:v24+s28+$0x0] =	vst.idx.msk $0xffff, v32  }
0x2aa: {  	v32 =	vld [tilespmem:$0xCD90];
	_ =	sdelay $0x4  }
0x2ab: {  	[tilespmem:v25+s28+$0x0] =	vst.idx.msk $0xffff, v32  }
0x2ac: {  	v32 =	vld [tilespmem:$0xCDA0];
	_ =	sdelay $0x4  }
0x2ad: {  	[tilespmem:v26+s28+$0x0] =	vst.idx.msk $0xffff, v32  }
0x2ae: {  	v32 =	vld [tilespmem:$0xCDB0];
	_ =	sdelay $0x4  }
0x2af: {  	[tilespmem:v27+s28+$0x0] =	vst.idx.msk $0xffff, v32  }
0x2b0: {  	v32 =	vld [tilespmem:$0xCDC0];
	_ =	sdelay $0x4  }
0x2b1: {  	[tilespmem:v28+s28+$0x0] =	vst.idx.msk $0xffff, v32  }
0x2b2: {  	v32 =	vld [tilespmem:$0xCDD0];
	_ =	sdelay $0x4  }
0x2b3: {  	[tilespmem:v29+s28+$0x0] =	vst.idx.msk $0xffff, v32  }
0x2b4: {  	v32 =	vld [tilespmem:$0xCDE0];
	_ =	sdelay $0x4  }
0x2b5: {  	[tilespmem:v30+s28+$0x0] =	vst.idx.msk $0xffff, v32  }
0x2b6: {  	v32 =	vld [tilespmem:$0xCDF0]  }
.Ltmp11:
0x2b7: {  	_ = 	snop;
	(pc) =	sbr.rel @!p2 .LBB2_13-.Ltmp11, $2  }
0x2b8: {  	_ =	sdelay $0x2  }
0x2b9: {  	[tilespmem:v31+s28+$0x0] =	vst.idx.msk $0xffff, v32  }
.Ltmp12:
0x2ba: {  	(pc) =	sbr.rel @!p4 .LBB2_14-.Ltmp12, $4  }
0x2bb: {  	s2 =	rddreg [dreg:$0x2];
	s3 =	simm.s32 $0x180;
	s4 =	simm.s32 $0x6600  }
0x2bc: {  	[spmem:s2] =	stream.indirect.scatter.add.f32 [tilespmem:s4], [sflag:$0xC], $0x40, s3, s20, $0xb8;
	[tilespmem:$0x1B890] =	vst v63  }
0x2bd: {  	s31 =	rddreg [dreg:$0x3];
	s4 =	simm.s32 $0x180  }
0x2be: {  	[spmem:s31] =	stream.indirect.scatter.add.f32 [tilespmem:s28], [sflag:$0xC], $0x20, s3, s20, $0xb8;
	[tilespmem:$0x1B890] =	vst v63  }
0x2bf: {  	s0 =	simm.s32 $0x9  }
0x2c0: {  	_ =	swait.ge [sflag:s0], $0x2000  }
0x2c1: {  	[sflag:s0] =	ssyncset.done $0x0  }
0x2c2: {  	[sflag:s0] =	ssyncadd.s32 $0xFFFFE000  }
0x2c3: {  	_ =	swait.ge [sflag:s0], $0x1000  }
0x2c4: {  	[sflag:s0] =	ssyncset.done $0x0  }
0x2c5: {  	s17 =	simm.s32 $0xA;
	[sflag:s0] =	ssyncadd.s32 $0xFFFFF000  }
0x2c6: {  	_ =	swait.ge [sflag:s17], $0x2000  }
0x2c7: {  	[sflag:s17] =	ssyncset.done $0x0  }
0x2c8: {  	[sflag:s17] =	ssyncadd.s32 $0xFFFFE000  }
0x2c9: {  	_ =	swait.ge [sflag:s17], $0x1000  }
0x2ca: {  	[sflag:s17] =	ssyncset.done $0x0  }
0x2cb: {  	s18 =	simm.s32 $0xB;
	[sflag:s17] =	ssyncadd.s32 $0xFFFFF000  }
0x2cc: {  	_ =	swait.ge [sflag:s18], $0x2000  }
0x2cd: {  	[sflag:s18] =	ssyncset.done $0x0  }
0x2ce: {  	[sflag:s18] =	ssyncadd.s32 $0xFFFFE000  }
0x2cf: {  	_ =	swait.ge [sflag:s18], $0x1000  }
0x2d0: {  	[sflag:s18] =	ssyncset.done $0x0  }
0x2d1: {  	s21 =	simm.s32 $0xC;
	[sflag:s18] =	ssyncadd.s32 $0xFFFFF000  }
0x2d2: {  	_ =	swait.ge [sflag:s21], $0x2000  }
0x2d3: {  	[sflag:s21] =	ssyncset.done $0x0  }
0x2d4: {  	[sflag:s21] =	ssyncadd.s32 $0xFFFFE000  }
0x2d5: {  	_ =	swait.ge [sflag:s21], $0x1000  }
0x2d6: {  	[sflag:s21] =	ssyncset.done $0x0  }
0x2d7: {  	[sflag:s21] =	ssyncadd.s32 $0xFFFFF000  }
0x2d8: {  	[bflag:$0x0] =	sbarrier.arrive $0xFFFF  }
0x2d9: {  	s25 =	rddreg [dreg:$0xa]  }
0x2da: {  	s15 =	simm.s32 $0xD;
	s2 =	rddreg [dreg:$0x8]  }
0x2db: {  	s3 =	rddreg [dreg:$0x10];
	s0 =	sor.u32 $0x1C0D, s25;
	s2 =	sshrl.u32 s2, $0x3  }
0x2dc: {  	[hbm:s3], [sflag:s0] =	dma.local [spmem:s2], $0x400  }
0x2dd: {  	_ =	swait.ge [sflag:s15], $0x400  }
0x2de: {  	s30 =	rddreg [dreg:$0x9]  }
0x2df: {  	[sflag:s15] =	ssyncset.done $0x0;
	s31 =	rddreg [dreg:$0x11]  }
.Ltmp13:
0x2e0: {  	[sflag:s15] =	ssyncadd.s32 $0xFFFFFC00;
	s2 =	sshrl.u32 s30, $0x3;
	(pc) =	sbr.rel .LBB2_18-.Ltmp13, $4  }
0x2e1: {  	[hbm:s31], [sflag:s0] =	dma.local [spmem:s2], $0x200  }
0x2e2: {  	_ =	swait.ge [sflag:s15], $0x200  }
0x2e3: {  	[sflag:s15] =	ssyncset.done $0x0  }
0x2e4: {  	s2 =	sld [smem:$0x7EA];
	[sflag:s15] =	ssyncadd.s32 $0xFFFFFE00  }
.LBB2_19:
0x2e5: {  	_ =	sfence.sel $0x180000  }
0x2e6: {  	[bflag:$0x0] =	sbarrier.arrive $0xFFFF  }
0x2e7: {  	_ =	strace $0x90000047  }
0x2e8: {  	s0 =	stileid.u32;
	[bflag:$0x2] =	sbarrier.arrive $0xFFFF  }
0x2e9: {  	p0 =	sne.s32 s0, $0x0;
	s0 =	rddreg [dreg:$0x4]  }
0x2ea: {  	s0 =	sadd.s32 @!p0 $0x100000, s0  }
0x2eb: {  	[sflag:s0] =	ssyncadd.tile.s32 @!p0 $0x1;
	_ =	shalt  }
.Lfunc_end2:
_tile_overlayer_lowered:
.L_overlay_start_2:
0x2ec: {  	(tag) =	ssettag $0x2  }
0x2ed: {  	s0 =	rddreg [dreg:$0x0];
	s2 =	stileid.u32  }
0x2ee: {  	s1 =	rddreg [dreg:$0x1];
	p0 =	sne.s32 s2, $0x0  }
0x2ef: {  	s3 =	rddreg [dreg:$0x2];
	[bflag:$0x3] =	sbarrier.arrive $0xFFFF;
	s2 =	simm.s32 @!p0 $0x1C0D  }
0x2f0: {  	[timem:s3], [sflag:s2] =	dma.local @!p0 [hbm:s0], s1  }
0x2f1: {  	s0 =	simm.s32 @!p0 $0xD  }
0x2f2: {  	_ =	swait.ge @!p0 [sflag:s0], s1  }
0x2f3: {  	s1 =	ssub.s32 @!p0 $0x0, s1;
	[sflag:s0] =	ssyncset.done @!p0 $0x0  }
0x2f4: {  	[sflag:s0] =	ssyncadd.s32 @!p0 s1  }
0x2f5: {  	[bflag:$0x3] =	sbarrier.arrive $0xFFFF  }
0x2f6: {  	_ =	shalt  }

// kernel: kernel.13.cloned.1.call-start
scs
__scs_entry_jumppad:
0x0: {  	(pc) =	sbr.rel $0x88, $3  }
0x1: {  	(tag) =	ssettag $0x0;
	lr =	simm.s32 $0x1  }
0x2: {  	[smem:$0x3F86] =	sst lr;
	_ =	strace $0xD0000000  }
0x3: {  	_ = 	snop  }
0x4: {  	_ = 	snop  }
0x5: {  	_ = 	snop  }
0x6: {  	_ = 	snop  }
0x7: {  	_ = 	snop  }
__scs_overlays_trampoline_lowered:
0x8: {  	[smem:$0x3F95] =	sst s0  }
0x9: {  	[smem:$0x3F96] =	sst s1  }
0xa: {  	[smem:$0x3F97] =	sst s2  }
0xb: {  	[smem:$0x3F98] =	sst s3  }
0xc: {  	[smem:$0x3F99] =	sst s4  }
0xd: {  	[smem:$0x3F9A] =	sst s5  }
0xe: {  	[smem:$0x3F9B] =	sst s6  }
0xf: {  	[smem:$0x3F9C] =	sst s7  }
0x10: {  	[smem:$0x3F9D] =	sst s8  }
0x11: {  	[smem:$0x3F9E] =	sst s9;
	s0 =	simm.s32 @!p0 $0x0  }
0x12: {  	s1 =	sld [smem:$0x3F84];
	s0 =	simm.s32 @p0 $0x1  }
0x13: {  	[smem:$0x3F9F] =	sst s0;
	s0 =	simm.s32 @!p1 $0x0  }
0x14: {  	s2 =	sld [smem:$0x3F83];
	s0 =	simm.s32 @p1 $0x1  }
0x15: {  	[smem:$0x3FA0] =	sst s0;
	s0 =	simm.s32 @!p2 $0x0  }
0x16: {  	s3 =	sld [smem:$0x3FDB];
	s0 =	simm.s32 @p2 $0x1  }
0x17: {  	s4 =	simm.s32 $0x1BF5;
	[smem:$0x3FA2] =	sst s0  }
0x18: {  	s0 =	sld [smem:$0x3F85];
	_ =	swait.ge [sflag:s4], $0x0  }
0x19: {  	s7 =	sld [smem:$0x3F86]  }
0x1a: {  	s8 =	sadd.s32 $0xFFFFE003, lr  }
0x1b: {  	s9 =	sadd.s32 $0xFFFFFEF7, lr;
	s5 =	simm.s32 $0xFFFFFFFF;
	p2 =	slt.u32 s8, $0xFFFFF086  }
0x1c: {  	p1 =	slt.u32 s9, $0xF7A;
	s5 =	simm.s32 @!p2 $0x0  }
0x1d: {  	s5 =	simm.s32 @p1 $0x1;
	p0 =	seq.s32 s7, s2  }
0x1e: {  	s7 =	smul.u32 @!p0 $0xF7A, s2;
	p2 =	seq.s32 @!p0 s5, $0x0  }
0x1f: {  	s9 =	smul.u32 $0xF7A, s1;
	s8 =	simm.s32 @!p0 $0x1BF5;
	p2 =	por !p2, p0  }
0x20: {  	[sflag:s8] =	ssyncset.s32 @!p0 $0xFFFFF086;
	s6 =	sadd.s32 @!p0 s3, s7;
	s7 =	simm.s32 @!p0 $0x108  }
0x21: {  	s3 =	sadd.s32 s3, s9;
	s6 =	sadd.s32 @!p0 $0x88, s6;
	s7 =	simm.s32 @p2 $0x1082  }
0x22: {  	[simem:s7], [sflag:s8] =	dma.local @!p0 [hbm:s6], $0xF7A  }
0x23: {  	s9 =	sor.u32 $0xD0000000, s2;
	s6 =	simm.s32 $0x108;
	_ =	swait.ge @!p0 [sflag:s8], $0x0  }
0x24: {  	s3 =	sadd.s32 $0x88, s3;
	s6 =	simm.s32 @!p1 $0x1082;
	[sflag:s4] =	ssyncset.s32 $0xFFFFF086  }
0x25: {  	[simem:s6], [sflag:s4] =	dma.local [hbm:s3], $0xF7A  }
0x26: {  	[smem:$0x3F86] =	sst s1;
	(tag) =	ssettag s2;
	_ =	strace s9  }
0x27: {  	s1 =	sld [smem:$0x3F96]  }
0x28: {  	s2 =	sld [smem:$0x3F97]  }
0x29: {  	s4 =	sld [smem:$0x3F99]  }
0x2a: {  	p0 =	seq.s32 s5, $0x0;
	s5 =	sld [smem:$0x3F9A]  }
0x2b: {  	s6 =	sld [smem:$0x3F9B]  }
0x2c: {  	s7 =	sld [smem:$0x3F9C]  }
0x2d: {  	s3 =	simm.s32 $0x108;
	s8 =	sld [smem:$0x3F9D]  }
0x2e: {  	s3 =	simm.s32 @!p0 $0x1082;
	s9 =	sld [smem:$0x3F9E]  }
0x2f: {  	lr =	sadd.s32 s0, s3;
	s0 =	sld [smem:$0x3F95]  }
0x30: {  	s3 =	sld [smem:$0x3F98]  }
0x31: {  	[smem:$0x3FA1] =	sst s10  }
0x32: {  	s10 =	sld [smem:$0x3F9F];
	_ =	sdelay $0x3  }
0x33: {  	p0 =	seq.s32 s10, $0x1;
	s10 =	sld [smem:$0x3FA1];
	_ =	sdelay $0x3  }
0x34: {  	[smem:$0x3FA1] =	sst s10  }
0x35: {  	s10 =	sld [smem:$0x3FA0];
	_ =	sdelay $0x3  }
0x36: {  	p1 =	seq.s32 s10, $0x1;
	s10 =	sld [smem:$0x3FA1];
	_ =	sdelay $0x3  }
0x37: {  	[smem:$0x3FA1] =	sst s10  }
0x38: {  	s10 =	sld [smem:$0x3FA2]  }
0x39: {  	_ = 	snop;
	(pc) =	sbr.ind lr, $3  }
0x3a: {  	_ = 	snop  }
0x3b: {  	_ = 	snop  }
0x3c: {  	p2 =	seq.s32 s10, $0x1;
	s10 =	sld [smem:$0x3FA1]  }
0x3d: {  	_ =	shalt  }
0x3e: {  	_ =	shalt  }
0x3f: {  	_ =	shalt  }
0x40: {  	_ =	shalt  }
0x41: {  	_ =	shalt  }
0x42: {  	_ =	shalt  }
0x43: {  	_ =	shalt  }
0x44: {  	_ =	shalt  }
0x45: {  	_ =	shalt  }
0x46: {  	_ =	shalt  }
0x47: {  	_ =	shalt  }
0x48: {  	_ =	shalt  }
0x49: {  	_ =	shalt  }
0x4a: {  	_ =	shalt  }
0x4b: {  	_ =	shalt  }
0x4c: {  	_ =	shalt  }
0x4d: {  	_ =	shalt  }
0x4e: {  	_ =	shalt  }
0x4f: {  	_ =	shalt  }
0x50: {  	_ =	shalt  }
0x51: {  	_ =	shalt  }
0x52: {  	_ =	shalt  }
0x53: {  	_ =	shalt  }
0x54: {  	_ =	shalt  }
0x55: {  	_ =	shalt  }
0x56: {  	_ =	shalt  }
0x57: {  	_ =	shalt  }
0x58: {  	_ =	shalt  }
0x59: {  	_ =	shalt  }
0x5a: {  	_ =	shalt  }
0x5b: {  	_ =	shalt  }
0x5c: {  	_ =	shalt  }
0x5d: {  	_ =	shalt  }
0x5e: {  	_ =	shalt  }
0x5f: {  	_ =	shalt  }
0x60: {  	_ =	shalt  }
0x61: {  	_ =	shalt  }
0x62: {  	_ =	shalt  }
0x63: {  	_ =	shalt  }
0x64: {  	_ =	shalt  }
0x65: {  	_ =	shalt  }
0x66: {  	_ =	shalt  }
0x67: {  	_ =	shalt  }
0x68: {  	_ =	shalt  }
0x69: {  	_ =	shalt  }
0x6a: {  	_ =	shalt  }
0x6b: {  	_ =	shalt  }
0x6c: {  	_ =	shalt  }
0x6d: {  	_ =	shalt  }
0x6e: {  	_ =	shalt  }
0x6f: {  	_ =	shalt  }
0x70: {  	_ =	shalt  }
0x71: {  	_ =	shalt  }
0x72: {  	_ =	shalt  }
0x73: {  	_ =	shalt  }
0x74: {  	_ =	shalt  }
0x75: {  	_ =	shalt  }
0x76: {  	_ =	shalt  }
0x77: {  	_ =	shalt  }
0x78: {  	_ =	shalt  }
0x79: {  	_ =	shalt  }
0x7a: {  	_ =	shalt  }
0x7b: {  	_ =	shalt  }
0x7c: {  	_ =	shalt  }
0x7d: {  	_ =	shalt  }
0x7e: {  	_ =	shalt  }
0x7f: {  	_ =	shalt  }
0x80: {  	_ =	shalt  }
0x81: {  	_ =	shalt  }
0x82: {  	_ =	shalt  }
0x83: {  	_ =	shalt  }
0x84: {  	_ =	shalt  }
0x85: {  	_ =	shalt  }
0x86: {  	_ =	shalt  }
0x87: {  	_ =	shalt  }
.Lfunc_end0:
.L_simem_size_0:
called_computation.1_lowered:
.L_overlay_start_0:
0x88: {  	s2 =	sld [smem:$0x3FD9]  }
0x89: {  	s3 =	sld [smem:$0x3FFE];
	_ =	sdelay $0x1  }
0x8a: {  	s1 =	srdreg.scid  }
0x8b: {  	s0 =	sand.u32 $0x1, s1  }
0x8c: {  	s17 =	sshll.u32 s0, $0xA;
	s2 =	sadd.s32 s3, s2  }
0x8d: {  	s2 =	sadd.s32 s2, s17  }
0x8e: {  	[smem:$0x3FAD] =	sst s2  }
0x8f: {  	_ = 	snop  }
0x90: {  	s2 =	sld [smem:$0x3FC1]  }
0x91: {  	s18 =	sld [smem:$0x3FC0];
	(tm) =	ssettm $0x1  }
0x92: {  	s4 =	sld [smem:$0x3FFB];
	_ =	sdelay $0x3  }
0x93: {  	_ =	strace s4  }
0x94: {  	s4 =	sld [smem:$0x3FFC];
	_ =	sdelay $0x3  }
0x95: {  	_ =	strace s4  }
0x96: {  	s4 =	sld [smem:$0x3FFD];
	_ =	sdelay $0x3  }
0x97: {  	_ =	strace s4  }
0x98: {  	_ =	strace $0x8FFFFFFF  }
0x99: {  	s19 =	sld [smem:$0x3FDB];
	_ =	sdelay $0x1  }
0x9a: {  	s5 =	simm.s32 $_scs_section_size  }
0x9b: {  	s6 =	simm.s32 $_size__tile_overlayer_lowered;
	s7 =	simm.s32 $_tile_overlayer_lowered  }
0x9c: {  	s22 =	simm.s32 $0x1BFF;
	s21 =	sshll.u32 s7, $0x1;
	s4 =	sadd.s32 s5, s19  }
0x9d: {  	s8 =	simm.s32 $0x0;
	s20 =	sshll.u32 s6, $0x1;
	s6 =	sadd.s32 s21, s4  }
0x9e: {  	[timem:s8], [sflag:s22] =	dma.local [hbm:s6], s20  }
0x9f: {  	_ =	swait.ge [sflag:s22], s20  }
0xa0: {  	s5 =	ssub.s32 $0x0, s20;
	[sflag:s22] =	ssyncset.done $0x0  }
0xa1: {  	[sflag:s22] =	ssyncadd.s32 s5;
	_ =	sdelay $0x1  }
0xa2: {  	s23 =	simm.s32 $0x1B8B  }
0xa3: {  	_ =	swait.ge [sflag:s23], $0x1  }
0xa4: {  	[sflag:s23] =	ssyncset.done $0x0  }
0xa5: {  	s25 =	simm.s32 $0x1B8E;
	s24 =	sld [smem:$0x3FFE];
	[sflag:s23] =	ssyncadd.s32 $0xFFFFFFFF  }
0xa6: {  	s26 =	simm.s32 $execute0_lowered;
	[smem:$0x3FD2] =	sst s25  }
0xa7: {  	s6 =	sshll.u32 s26, $0x1;
	_ =	strace $0x80000049;
	[dreg:$0x1] =	wrdreg $0xFFFFFFFF  }
0xa8: {  	s28 =	simm.s32 $_size_execute0_lowered;
	s4 =	sadd.s32 s4, s6;
	[dreg:$0x0] =	wrdreg $0x0  }
0xa9: {  	s6 =	sshll.u32 s28, $0x1;
	[dreg:$0x2] =	wrdreg s4  }
0xaa: {  	[dreg:$0x3] =	wrdreg s6  }
0xab: {  	[dreg:$0x4] =	wrdreg $0xC0  }
0xac: {  	_ =	task [dreg:s8], $0x5FFFF  }
0xad: {  	[dreg:$0x1] =	wrdreg $0xFFFFFFFF  }
0xae: {  	[dreg:$0x0] =	wrdreg $0x60  }
0xaf: {  	[dreg:$0x2] =	wrdreg s2  }
0xb0: {  	[dreg:$0x3] =	wrdreg s18  }
0xb1: {  	[dreg:$0x4] =	wrdreg s24  }
0xb2: {  	[dreg:$0x5] =	wrdreg $0x9  }
0xb3: {  	_ =	task.clear_ibuf [dreg:s8], $0x6FFFF;
	_ =	strace $0x90000049  }
0xb4: {  	s29 =	simm.s32 $0x9;
	_ =	strace $0x8000004B  }
0xb5: {  	_ =	swait.ge [sflag:s29], $0x1  }
0xb6: {  	[sflag:s29] =	ssyncadd.s32 $0xFFFFFFFF  }
0xb7: {  	_ =	strace $0x9000004B  }
0xb8: {  	_ =	sfence  }
0xb9: {  	s30 =	sld [smem:$0x0];
	_ =	sdelay $0x2  }
0xba: {  	s31 =	sshll.u32 s1, $0xD;
	s1 =	sshrl.u32 s1, $0x2  }
0xbb: {  	s3 =	sand.u32 $0x4000, s31;
	s1 =	sadd.s32 s1, s30  }
0xbc: {  	s0 =	sor.u32 s3, s0;
	s1 =	sshll.u32 s1, $0x11  }
0xbd: {  	s0 =	sor.u32 s1, s0  }
0xbe: {  	s0 =	sadd.s32 $0x8F2B, s0  }
0xbf: {  	[sflag:s0] =	ssyncadd.remote.s32 $0x1  }
0xc0: {  	_ =	sfence.sel $0xFFFF  }
0xc1: {  	[dreg:$0x0] =	wrdreg $0xFFFFFFFF;
	(pc) =	sbr.abs _section_cstart, $3  }
0xc2: {  	[dreg:$0x1] =	wrdreg $0xFFFFFFFF  }
0xc3: {  	_ =	task.clear_ibuf [dreg:s8], $0x2FFFF;
	_ =	strace $0x9FFFFFFF  }
0xc4: {  	(tm) =	ssettm $0x7FFFFFFF  }
0xc5: {  	_ =	shalt  }
tec
execute0_lowered:
.L_overlay_start_1:
0x0: {  	(tag) =	ssettag $0x1  }
0x1: {  	s3 =	rddreg [dreg:$0x0];
	s1 =	srdreg.scid  }
0x2: {  	s8 =	rddreg [dreg:$0x1];
	s0 =	stileid.u32;
	s10 =	sand.u32 $0x1, s1  }
0x3: {  	s9 =	rddreg [dreg:$0x2];
	s4 =	sshll.u32 s0, $0x8;
	s5 =	sshll.u32 s10, $0x7  }
0x4: {  	s2 =	simm.s32 $0x0;
	s1 =	rddreg [dreg:$0x3];
	s7 =	sor.u32 s5, s4  }
0x5: {  	[smem:$0x7FF] =	sst s2;
	s11 =	sshrl.u32 s7, $0x3  }
0x6: {  	_ =	strace $0x8000004A;
	s4 =	sadd.s32 s3, s11;
	s3 =	simm.s32 $0x1  }
0x7: {  	[tilespmem:s2], [sflag:$0x1] =	stream.linear.gather [hbm4b:s4+s2], $0x80, $0x38;
	[tilespmem:$0x4080] =	vst v63  }
0x8: {  	_ =	swait.ge [sflag:s3], $0x80  }
0x9: {  	[sflag:s3] =	ssyncset.done $0x0  }
0xa: {  	s6 =	simm.s32 $0x80;
	s5 =	sadd.s32 $0x2CA00, s9;
	[sflag:s3] =	ssyncadd.s32 $0xFFFFFF80  }
0xb: {  	[tilespmem:s6], [sflag:$0x1] =	stream.indirect.gather [hbm4b:s5+s6], $0x80, s2, s6, $0xb8;
	[tilespmem:$0x4080] =	vst v63  }
0xc: {  	s7 =	sshll.u32 s7, $0x4;
	_ =	swait.ge [sflag:s3], $0x4000  }
0xd: {  	s12 =	sadd.s32 s7, s9;
	[sflag:s3] =	ssyncset.done $0x0  }
0xe: {  	s7 =	sadd.s32 $0x34A00, s12;
	[sflag:s3] =	ssyncadd.s32 $0xFFFFC000  }
0xf: {  	[hbm4b:s7+s2] =	stream.linear.scatter [tilespmem:s6], [sflag:$0x1], $0x4000, $0x38;
	[tilespmem:$0x4080] =	vst v63  }
0x10: {  	_ =	swait.ge [sflag:s3], $0x4000  }
0x11: {  	[sflag:s3] =	ssyncset.done $0x0  }
0x12: {  	s10 =	ssub.s32 $0x2, s10;
	s8 =	sadd.s32 s8, s11;
	[sflag:s3] =	ssyncadd.s32 $0xFFFFC000  }
0x13: {  	[tilespmem:s2], [sflag:$0x1] =	stream.linear.gather [hbm4b:s8+s2], $0x80, $0x38;
	[tilespmem:$0x4080] =	vst v63  }
0x14: {  	s31 =	sshrl.u32 s10, $0x1;
	_ =	swait.ge [sflag:s3], $0x80  }
0x15: {  	s11 =	ssub.s32 s10, s31;
	[sflag:s3] =	ssyncset.done $0x0  }
0x16: {  	s9 =	sadd.s32 $0x5800, s9;
	s11 =	smax.u32 s11, $0x1;
	[sflag:s3] =	ssyncadd.s32 $0xFFFFFF80  }
0x17: {  	[tilespmem:s6], [sflag:$0x1] =	stream.indirect.gather [hbm4b:s9+s6], $0x80, s2, s6, $0xb8;
	[tilespmem:$0x4080] =	vst v63  }
0x18: {  	p0 =	sne.s32 s11, $0x1;
	_ =	swait.ge [sflag:s3], $0x4000  }
.Ltmp0:
0x19: {  	[sflag:s3] =	ssyncset.done $0x0;
	(pc) =	sbr.rel @!p0 .LBB2_2-.Ltmp0, $4  }
0x1a: {  	s10 =	sadd.s32 $0x44A00, s12;
	[sflag:s3] =	ssyncadd.s32 $0xFFFFC000  }
0x1b: {  	[hbm4b:s10+s2] =	stream.linear.scatter [tilespmem:s6], [sflag:$0x1], $0x4000, $0x38;
	[tilespmem:$0x4080] =	vst v63  }
0x1c: {  	_ =	swait.ge [sflag:s3], $0x4000  }
0x1d: {  	s11 =	sadd.s32 $0xFFFFFFFF, s11;
	[sflag:s3] =	ssyncset.done $0x0  }
.LBB2_1:
0x1e: {  	p0 =	sne.s32 s11, $0x1;
	s11 =	sadd.s32 $0xFFFFFFFF, s11;
	[sflag:s3] =	ssyncadd.s32 $0xFFFFC000  }
0x1f: {  	[tilespmem:s2], [sflag:$0x1] =	stream.linear.gather [hbm4b:s4+s2], $0x80, $0x38;
	[tilespmem:$0x4080] =	vst v63  }
0x20: {  	_ =	swait.ge [sflag:s3], $0x80  }
0x21: {  	[sflag:s3] =	ssyncset.done $0x0  }
0x22: {  	[sflag:s3] =	ssyncadd.s32 $0xFFFFFF80  }
0x23: {  	[tilespmem:s6], [sflag:$0x1] =	stream.indirect.gather [hbm4b:s5+s6], $0x80, s2, s6, $0xb8;
	[tilespmem:$0x4080] =	vst v63  }
0x24: {  	_ =	swait.ge [sflag:s3], $0x4000  }
0x25: {  	[sflag:s3] =	ssyncset.done $0x0  }
0x26: {  	[sflag:s3] =	ssyncadd.s32 $0xFFFFC000  }
0x27: {  	[hbm4b:s7+s2] =	stream.linear.scatter [tilespmem:s6], [sflag:$0x1], $0x4000, $0x38;
	[tilespmem:$0x4080] =	vst v63  }
0x28: {  	_ =	swait.ge [sflag:s3], $0x4000  }
0x29: {  	[sflag:s3] =	ssyncset.done $0x0  }
0x2a: {  	[sflag:s3] =	ssyncadd.s32 $0xFFFFC000  }
0x2b: {  	[tilespmem:s2], [sflag:$0x1] =	stream.linear.gather [hbm4b:s8+s2], $0x80, $0x38;
	[tilespmem:$0x4080] =	vst v63  }
0x2c: {  	_ =	swait.ge [sflag:s3], $0x80  }
0x2d: {  	[sflag:s3] =	ssyncset.done $0x0  }
0x2e: {  	[sflag:s3] =	ssyncadd.s32 $0xFFFFFF80  }
0x2f: {  	[tilespmem:s6], [sflag:$0x1] =	stream.indirect.gather [hbm4b:s9+s6], $0x80, s2, s6, $0xb8;
	[tilespmem:$0x4080] =	vst v63  }
0x30: {  	_ =	swait.ge [sflag:s3], $0x4000  }
.Ltmp1:
0x31: {  	[sflag:s3] =	ssyncset.done $0x0;
	(pc) =	sbr.rel @p0 .LBB2_1-.Ltmp1, $4  }
0x32: {  	[sflag:s3] =	ssyncadd.s32 $0xFFFFC000  }
0x33: {  	[hbm4b:s10+s2] =	stream.linear.scatter [tilespmem:s6], [sflag:$0x1], $0x4000, $0x38;
	[tilespmem:$0x4080] =	vst v63  }
0x34: {  	_ =	swait.ge [sflag:s3], $0x4000  }
0x35: {  	[sflag:s3] =	ssyncset.done $0x0  }
.LBB2_2:
0x36: {  	[sflag:s3] =	ssyncadd.s32 $0xFFFFC000  }
0x37: {  	_ =	sfence.sel $0x180000  }
0x38: {  	[bflag:$0x0] =	sbarrier.arrive $0xFFFF  }
0x39: {  	p0 =	sne.s32 s0, $0x0;
	_ =	strace $0x9000004A  }
0x3a: {  	s0 =	sadd.s32 @!p0 $0x100000, s1;
	[bflag:$0x2] =	sbarrier.arrive $0xFFFF  }
0x3b: {  	[sflag:s0] =	ssyncadd.tile.s32 @!p0 $0x1;
	_ =	shalt  }
.Lfunc_end2:
_tile_overlayer_lowered:
.L_overlay_start_2:
0x3c: {  	(tag) =	ssettag $0x2  }
0x3d: {  	s0 =	rddreg [dreg:$0x0];
	s2 =	stileid.u32  }
0x3e: {  	s1 =	rddreg [dreg:$0x1];
	p0 =	sne.s32 s2, $0x0  }
0x3f: {  	s3 =	rddreg [dreg:$0x2];
	[bflag:$0x3] =	sbarrier.arrive $0xFFFF;
	s2 =	simm.s32 @!p0 $0x1C01  }
0x40: {  	[timem:s3], [sflag:s2] =	dma.local @!p0 [hbm:s0], s1  }
0x41: {  	s0 =	simm.s32 @!p0 $0x1  }
0x42: {  	_ =	swait.ge @!p0 [sflag:s0], s1  }
0x43: {  	s1 =	ssub.s32 @!p0 $0x0, s1;
	[sflag:s0] =	ssyncset.done @!p0 $0x0  }
0x44: {  	[sflag:s0] =	ssyncadd.s32 @!p0 s1  }
0x45: {  	[bflag:$0x3] =	sbarrier.arrive $0xFFFF  }
0x46: {  	_ =	shalt  }

</sc_bundles>
